<compile_context>
chip_gen: v7x
topology: tpu7x:2x2x1
jax: 0.10.2.dev20260603
libtpu: 0.0.44.dev20260713+nightly
codegen_flags: <defaults>
</compile_context>

<pallas_src>
import jax
import jax.numpy as jnp
from jax import lax
from jax.experimental import pallas as pl
from jax.experimental.pallas import tpu as pltpu
from jax.experimental.pallas import tpu_sc as plsc

_B = 16384
_D = 32
_V = 1_000_000
_NC = 2
_NS = 16
_NW = _NC * _NS
_BPW = _B // _NW
_JT = 7812
_VFULL = _JT * 128
_NTILE = 4 * _JT
_TPW = _NTILE // 16
_FLEN = _NTILE * 1024


def _flat_tiles(table):
    t3 = table.T.reshape(4, 8, _V)
    return (t3[:, :, :_VFULL].reshape(4, 8, _JT, 128)
            .transpose(0, 2, 1, 3).reshape(_FLEN))


def _gather_body(uidx_hbm, iidx_hbm, uf, if_, ut_tail, it_tail, ue2, ie2,
                 uidx_v, iidx_v, eidx_u, eidx_i, urows_v, irows_v,
                 utail_v, itail_v, sem_u, sem_i):
    wid = lax.axis_index("s") * _NC + lax.axis_index("c")
    base = wid * _BPW
    pltpu.sync_copy(uidx_hbm.at[pl.ds(base, _BPW)], uidx_v)
    pltpu.sync_copy(iidx_hbm.at[pl.ds(base, _BPW)], iidx_v)
    pltpu.sync_copy(ut_tail, utail_v)
    pltpu.sync_copy(it_tail, itail_v)

    def chunk(j):
        for idx_v, eidx_v in ((uidx_v, eidx_u), (iidx_v, eidx_i)):
            r = idx_v[pl.ds(j * 16, 16)]
            rc = jnp.minimum(r, _VFULL - 1)
            hi = (rc >> 7) << 10
            lo = rc & 127
            for d in range(_D):
                i, k = d // 8, d % 8
                eidx_v[d, pl.ds(j * 16, 16)] = (
                    hi + (i * (_JT * 1024) + k * 128) + lo)

    pl.loop(0, _BPW // 16)(chunk)

    copies = []
    for d in range(_D):
        copies.append(pltpu.async_copy(
            uf.at[eidx_u.at[d]], urows_v.at[d], sem_u))
        copies.append(pltpu.async_copy(
            if_.at[eidx_i.at[d]], irows_v.at[d], sem_i))
    for c in copies:
        c.wait()

    def selchunk(j):
        for idx_v, rows, tail_v in ((uidx_v, urows_v, utail_v),
                                    (iidx_v, irows_v, itail_v)):
            r = idx_v[pl.ds(j * 16, 16)]
            m = r >= _VFULL
            rt = jnp.clip(r - _VFULL, 0, 63)
            for d in range(_D):
                tl = plsc.load_gather(tail_v, [rt + d * 64])
                main = rows[d, pl.ds(j * 16, 16)]
                rows[d, pl.ds(j * 16, 16)] = jnp.where(m, tl, main)

    pl.loop(0, _BPW // 16)(selchunk)

    pltpu.sync_copy(urows_v, ue2.at[:, pl.ds(base, _BPW)])
    pltpu.sync_copy(irows_v, ie2.at[:, pl.ds(base, _BPW)])


def _build_gather():
    return pl.kernel(
        _gather_body,
        out_type=(jax.ShapeDtypeStruct((_D, _B), jnp.float32),
                  jax.ShapeDtypeStruct((_D, _B), jnp.float32)),
        mesh=plsc.VectorSubcoreMesh(core_axis_name="c", subcore_axis_name="s",
                                    num_cores=_NC, num_subcores=_NS),
        scratch_types=[
            pltpu.VMEM((_BPW,), jnp.int32),
            pltpu.VMEM((_BPW,), jnp.int32),
            pltpu.VMEM((_D, _BPW), jnp.int32),
            pltpu.VMEM((_D, _BPW), jnp.int32),
            pltpu.VMEM((_D, _BPW), jnp.float32),
            pltpu.VMEM((_D, _BPW), jnp.float32),
            pltpu.VMEM((_D * 64,), jnp.float32),
            pltpu.VMEM((_D * 64,), jnp.float32),
            pltpu.SemaphoreType.DMA,
            pltpu.SemaphoreType.DMA,
        ],
        compiler_params=pltpu.CompilerParams(use_tc_tiling_on_sc=False,
                                             needs_layout_passes=False),
    )


_BLK = 2048


def _mlp_body(ue_ref, ie_ref, w1u_ref, w1i_ref, b1_ref, w2_ref, out_ref):
    dn = (((0,), (0,)), ((), ()))
    h = lax.dot_general(w1u_ref[...], ue_ref[...], dn,
                        preferred_element_type=jnp.float32)
    h = h + lax.dot_general(w1i_ref[...], ie_ref[...], dn,
                            preferred_element_type=jnp.float32)
    h = jnp.maximum(h + b1_ref[...], 0.0)
    out_ref[...] = lax.dot_general(w2_ref[...], h, dn,
                                   preferred_element_type=jnp.float32)


def _build_mlp():
    return pl.pallas_call(
        _mlp_body,
        grid=(_B // _BLK,),
        in_specs=[
            pl.BlockSpec((_D, _BLK), lambda i: (0, i)),
            pl.BlockSpec((_D, _BLK), lambda i: (0, i)),
            pl.BlockSpec((_D, _D), lambda i: (0, 0)),
            pl.BlockSpec((_D, _D), lambda i: (0, 0)),
            pl.BlockSpec((_D, 1), lambda i: (0, 0)),
            pl.BlockSpec((_D, 1), lambda i: (0, 0)),
        ],
        out_specs=pl.BlockSpec((1, _BLK), lambda i: (0, i)),
        out_shape=jax.ShapeDtypeStruct((1, _B), jnp.float32),
    )


def kernel(x, user_table, item_table, W1, b1, W2):
    uidx = x[:, 0].astype(jnp.int32)
    iidx = x[:, 1].astype(jnp.int32)
    uf = _flat_tiles(user_table)
    if_ = _flat_tiles(item_table)
    ut_tail = user_table[_VFULL:].T.reshape(_D * 64)
    it_tail = item_table[_VFULL:].T.reshape(_D * 64)
    ue2, ie2 = _build_gather()(uidx, iidx, uf, if_, ut_tail, it_tail)
    out_t = _build_mlp()(ue2, ie2, W1[:_D], W1[_D:], b1.reshape(_D, 1), W2)
    return (out_t.T, ue2.T, ie2.T)

# --- scband reference (transcript-rebuilt; emitter-appended) ---
"""Pipeline reference for scband-ncf-4440996184584 (READ-ONLY COPY).

The authoritative reference and input builder live on the scoring server;
editing this copy changes nothing except your own understanding.
"""

import jax, jax.numpy as jnp
import numpy as np

B = 16384
NUM_USERS = 1000000
NUM_ITEMS = 1000000
D = 32


def setup_inputs(seed: int = 0) -> dict:
    key = jax.random.key(seed)
    ks = jax.random.split(key, 6)
    x = jax.random.randint(ks[0], (B, 2), 0, NUM_USERS)
    user_table = jax.random.normal(ks[1], (NUM_USERS, D), dtype=jnp.float32) * 0.01
    item_table = jax.random.normal(ks[2], (NUM_ITEMS, D), dtype=jnp.float32) * 0.01
    W1 = jax.random.normal(ks[3], (2 * D, D), dtype=jnp.float32) * (1.0 / np.sqrt(2 * D))
    b1 = jnp.zeros((D,), dtype=jnp.float32)
    W2 = jax.random.normal(ks[4], (D, 1), dtype=jnp.float32) * (1.0 / np.sqrt(D))
    return {"x": x, "user_table": user_table, "item_table": item_table, "W1": W1, "b1": b1, "W2": W2}


def reference(x, user_table, item_table, W1, b1, W2):
    user_idx = x[:, 0]
    item_idx = x[:, 1]
    user_embed = jnp.take(user_table, user_idx, axis=0)
    item_embed = jnp.take(item_table, item_idx, axis=0)
    z_embed = jnp.concatenate([user_embed, item_embed], axis=1)
    h = jax.nn.relu(z_embed @ W1 + b1)
    out = h @ W2
    return (out, user_embed, item_embed)

if __name__ == "__main__":
    import jax
    _d = setup_inputs()
    print(jax.jit(kernel)(*tuple(_d.values())))

</pallas_src>

<mosaic_0001>
#map = affine_map<(d0, d1) -> (0)>
#map1 = affine_map<(d0, d1) -> (0, 0)>
module attributes {stable_mosaic.version = 14 : i64} {
  func.func @_gather_body(%arg0: i32, %arg1: i32, %arg2: memref<16384xi32, #tpu.memory_space<hbm>>, %arg3: memref<16384xi32, #tpu.memory_space<hbm>>, %arg4: memref<31997952xf32, #tpu.memory_space<hbm>>, %arg5: memref<31997952xf32, #tpu.memory_space<hbm>>, %arg6: memref<2048xf32, #tpu.memory_space<hbm>>, %arg7: memref<2048xf32, #tpu.memory_space<hbm>>, %arg8: memref<32x16384xf32, #tpu.memory_space<hbm>>, %arg9: memref<32x16384xf32, #tpu.memory_space<hbm>>, %arg10: memref<512xi32, #tpu.memory_space<vmem>>, %arg11: memref<512xi32, #tpu.memory_space<vmem>>, %arg12: memref<32x512xi32, #tpu.memory_space<vmem>>, %arg13: memref<32x512xi32, #tpu.memory_space<vmem>>, %arg14: memref<32x512xf32, #tpu.memory_space<vmem>>, %arg15: memref<32x512xf32, #tpu.memory_space<vmem>>, %arg16: memref<2048xf32, #tpu.memory_space<vmem>>, %arg17: memref<2048xf32, #tpu.memory_space<vmem>>, %arg18: memref<!tpu.dma_semaphore, #tpu.memory_space<semaphore_mem>>, %arg19: memref<!tpu.dma_semaphore, #tpu.memory_space<semaphore_mem>>) attributes {dimension_semantics = [#tpu.dimension_semantics<core_parallel>, #tpu.dimension_semantics<subcore_parallel>], iteration_bounds = array<i64: 2, 16>, scalar_prefetch = 0 : i64, scratch_operands = 10 : i64, tpu.core_type = #tpu.core_type<sc_vector_subcore>, window_params = [{transform_indices = #map}, {transform_indices = #map}, {transform_indices = #map}, {transform_indices = #map}, {transform_indices = #map}, {transform_indices = #map}, {transform_indices = #map1}, {transform_indices = #map1}]} {
    %mul3A = arith.constant 2 : i32
    %mul3A_0 = arith.muli %arg1, %mul3A : i32
    %add3A = arith.addi %mul3A_0, %arg0 : i32
    %mul3A_1 = arith.constant 512 : i32
    %mul3A_2 = arith.muli %add3A, %mul3A_1 : i32
    "tpu.region"() ({
      %run_scoped3A = tpu.sem_alloc : memref<!tpu.dma_semaphore, #tpu.memory_space<semaphore_mem>>
      %dma_start3A_1290 = tpu.memref_slice %arg2[%mul3A_2] : memref<16384xi32, #tpu.memory_space<hbm>> -> memref<512xi32, #tpu.memory_space<hbm>>
      %dma_start3A_1291 = tpu.memref_slice %arg2[%mul3A_2] : memref<16384xi32, #tpu.memory_space<hbm>> -> memref<512xi32, #tpu.memory_space<hbm>>
      tpu.enqueue_dma source(%dma_start3A_1291 : memref<512xi32, #tpu.memory_space<hbm>>) target(%arg10 : memref<512xi32, #tpu.memory_space<vmem>>) target_semaphore(%run_scoped3A : memref<!tpu.dma_semaphore, #tpu.memory_space<semaphore_mem>>)
      %dma_wait3A_1292 = tpu.memref_slice %arg2[%mul3A_2] : memref<16384xi32, #tpu.memory_space<hbm>> -> memref<512xi32, #tpu.memory_space<hbm>>
      %dma_wait3A_1293 = tpu.memref_slice %arg2[%mul3A_2] : memref<16384xi32, #tpu.memory_space<hbm>> -> memref<512xi32, #tpu.memory_space<hbm>>
      tpu.wait_dma2 semaphore(%run_scoped3A : memref<!tpu.dma_semaphore, #tpu.memory_space<semaphore_mem>>) src(%dma_wait3A_1293 : memref<512xi32, #tpu.memory_space<hbm>>) dst(%arg10 : memref<512xi32, #tpu.memory_space<vmem>>)
      tpu.yield
    }) : () -> ()
    "tpu.region"() ({
      %run_scoped3A = tpu.sem_alloc : memref<!tpu.dma_semaphore, #tpu.memory_space<semaphore_mem>>
      %dma_start3A_1290 = tpu.memref_slice %arg3[%mul3A_2] : memref<16384xi32, #tpu.memory_space<hbm>> -> memref<512xi32, #tpu.memory_space<hbm>>
      %dma_start3A_1291 = tpu.memref_slice %arg3[%mul3A_2] : memref<16384xi32, #tpu.memory_space<hbm>> -> memref<512xi32, #tpu.memory_space<hbm>>
      tpu.enqueue_dma source(%dma_start3A_1291 : memref<512xi32, #tpu.memory_space<hbm>>) target(%arg11 : memref<512xi32, #tpu.memory_space<vmem>>) target_semaphore(%run_scoped3A : memref<!tpu.dma_semaphore, #tpu.memory_space<semaphore_mem>>)
      %dma_wait3A_1292 = tpu.memref_slice %arg3[%mul3A_2] : memref<16384xi32, #tpu.memory_space<hbm>> -> memref<512xi32, #tpu.memory_space<hbm>>
      %dma_wait3A_1293 = tpu.memref_slice %arg3[%mul3A_2] : memref<16384xi32, #tpu.memory_space<hbm>> -> memref<512xi32, #tpu.memory_space<hbm>>
      tpu.wait_dma2 semaphore(%run_scoped3A : memref<!tpu.dma_semaphore, #tpu.memory_space<semaphore_mem>>) src(%dma_wait3A_1293 : memref<512xi32, #tpu.memory_space<hbm>>) dst(%arg11 : memref<512xi32, #tpu.memory_space<vmem>>)
      tpu.yield
    }) : () -> ()
    "tpu.region"() ({
      %run_scoped3A = tpu.sem_alloc : memref<!tpu.dma_semaphore, #tpu.memory_space<semaphore_mem>>
      tpu.enqueue_dma source(%arg6 : memref<2048xf32, #tpu.memory_space<hbm>>) target(%arg16 : memref<2048xf32, #tpu.memory_space<vmem>>) target_semaphore(%run_scoped3A : memref<!tpu.dma_semaphore, #tpu.memory_space<semaphore_mem>>)
      tpu.wait_dma2 semaphore(%run_scoped3A : memref<!tpu.dma_semaphore, #tpu.memory_space<semaphore_mem>>) src(%arg6 : memref<2048xf32, #tpu.memory_space<hbm>>) dst(%arg16 : memref<2048xf32, #tpu.memory_space<vmem>>)
      tpu.yield
    }) : () -> ()
    "tpu.region"() ({
      %run_scoped3A = tpu.sem_alloc : memref<!tpu.dma_semaphore, #tpu.memory_space<semaphore_mem>>
      tpu.enqueue_dma source(%arg7 : memref<2048xf32, #tpu.memory_space<hbm>>) target(%arg17 : memref<2048xf32, #tpu.memory_space<vmem>>) target_semaphore(%run_scoped3A : memref<!tpu.dma_semaphore, #tpu.memory_space<semaphore_mem>>)
      tpu.wait_dma2 semaphore(%run_scoped3A : memref<!tpu.dma_semaphore, #tpu.memory_space<semaphore_mem>>) src(%arg7 : memref<2048xf32, #tpu.memory_space<hbm>>) dst(%arg17 : memref<2048xf32, #tpu.memory_space<vmem>>)
      tpu.yield
    }) : () -> ()
    %scan3A = arith.constant 0 : i32
    %scan3A_3 = arith.constant 32 : i32
    %scan3A_4 = arith.addi %scan3A, %scan3A_3 : i32
    %scan3A_5 = arith.constant 1 : i32
    scf.for %scan3A_1290 = %scan3A to %scan3A_4 step %scan3A_5  : i32 {
      %mul3A_1291 = arith.constant 1 : i32
      %mul3A_1292 = arith.muli %scan3A_1290, %mul3A_1291 : i32
      %add3A_1293 = arith.constant 0 : i32
      %add3A_1294 = arith.addi %add3A_1293, %mul3A_1292 : i32
      %mul3A_1295 = arith.constant 16 : i32
      %mul3A_1296 = arith.muli %add3A_1294, %mul3A_1295 : i32
      %get3A = arith.index_cast %mul3A_1296 : i32 to index
      %get3A_1297 = tpu.vector_load %arg10[%get3A] {strides = array<i32>} : memref<512xi32, #tpu.memory_space<vmem>>, vector<16xi32>,
      %min3A = arith.constant 999935 : i32
      %min3A_1298 = vector.broadcast %min3A : i32 to vector<16xi32>
      %min3A_1299 = arith.minsi %get3A_1297, %min3A_1298 : vector<16xi32>
      %shift_right_arithmetic3A = arith.constant 7 : i32
      %shift_right_arithmetic3A_1300 = vector.broadcast %shift_right_arithmetic3A : i32 to vector<16xi32>
      %shift_right_arithmetic3A_1301 = arith.shrsi %min3A_1299, %shift_right_arithmetic3A_1300 : vector<16xi32>
      %shift_left3A = arith.constant 10 : i32
      %shift_left3A_1302 = vector.broadcast %shift_left3A : i32 to vector<16xi32>
      %shift_left3A_1303 = arith.shli %shift_right_arithmetic3A_1301, %shift_left3A_1302 : vector<16xi32>
      %and3A = arith.constant 127 : i32
      %and3A_1304 = vector.broadcast %and3A : i32 to vector<16xi32>
      %and3A_1305 = arith.andi %min3A_1299, %and3A_1304 : vector<16xi32>
      %add3A_1306 = arith.constant 0 : i32
      %add3A_1307 = vector.broadcast %add3A_1306 : i32 to vector<16xi32>
      %add3A_1308 = arith.addi %shift_left3A_1303, %add3A_1307 : vector<16xi32>
      %add3A_1309 = arith.addi %add3A_1308, %and3A_1305 : vector<16xi32>
      %mul3A_1310 = arith.constant 16 : i32
      %mul3A_1311 = arith.muli %add3A_1294, %mul3A_1310 : i32
      %swap3A = arith.constant 0 : i32
      %swap3A_1312 = arith.index_cast %swap3A : i32 to index
      %swap3A_1313 = arith.index_cast %mul3A_1311 : i32 to index
      %swap3A_1314 = tpu.vector_load %arg12[%swap3A_1312, %swap3A_1313] {strides = array<i32>} : memref<32x512xi32, #tpu.memory_space<vmem>>, vector<16xi32>,
      tpu.vector_store %arg12[%swap3A_1312, %swap3A_1313], %add3A_1309 {strides = array<i32>} : memref<32x512xi32, #tpu.memory_space<vmem>>, vector<16xi32>,
      %add3A_1315 = arith.constant 128 : i32
      %add3A_1316 = vector.broadcast %add3A_1315 : i32 to vector<16xi32>
      %add3A_1317 = arith.addi %shift_left3A_1303, %add3A_1316 : vector<16xi32>
      %add3A_1318 = arith.addi %add3A_1317, %and3A_1305 : vector<16xi32>
      %mul3A_1319 = arith.constant 16 : i32
      %mul3A_1320 = arith.muli %add3A_1294, %mul3A_1319 : i32
      %swap3A_1321 = arith.constant 1 : i32
      %swap3A_1322 = arith.index_cast %swap3A_1321 : i32 to index
      %swap3A_1323 = arith.index_cast %mul3A_1320 : i32 to index
      %swap3A_1324 = tpu.vector_load %arg12[%swap3A_1322, %swap3A_1323] {strides = array<i32>} : memref<32x512xi32, #tpu.memory_space<vmem>>, vector<16xi32>,
      tpu.vector_store %arg12[%swap3A_1322, %swap3A_1323], %add3A_1318 {strides = array<i32>} : memref<32x512xi32, #tpu.memory_space<vmem>>, vector<16xi32>,
      %add3A_1325 = arith.constant 256 : i32
      %add3A_1326 = vector.broadcast %add3A_1325 : i32 to vector<16xi32>
      %add3A_1327 = arith.addi %shift_left3A_1303, %add3A_1326 : vector<16xi32>
      %add3A_1328 = arith.addi %add3A_1327, %and3A_1305 : vector<16xi32>
      %mul3A_1329 = arith.constant 16 : i32
      %mul3A_1330 = arith.muli %add3A_1294, %mul3A_1329 : i32
      %swap3A_1331 = arith.constant 2 : i32
      %swap3A_1332 = arith.index_cast %swap3A_1331 : i32 to index
      %swap3A_1333 = arith.index_cast %mul3A_1330 : i32 to index
      %swap3A_1334 = tpu.vector_load %arg12[%swap3A_1332, %swap3A_1333] {strides = array<i32>} : memref<32x512xi32, #tpu.memory_space<vmem>>, vector<16xi32>,
      tpu.vector_store %arg12[%swap3A_1332, %swap3A_1333], %add3A_1328 {strides = array<i32>} : memref<32x512xi32, #tpu.memory_space<vmem>>, vector<16xi32>,
      %add3A_1335 = arith.constant 384 : i32
      %add3A_1336 = vector.broadcast %add3A_1335 : i32 to vector<16xi32>
      %add3A_1337 = arith.addi %shift_left3A_1303, %add3A_1336 : vector<16xi32>
      %add3A_1338 = arith.addi %add3A_1337, %and3A_1305 : vector<16xi32>
      %mul3A_1339 = arith.constant 16 : i32
      %mul3A_1340 = arith.muli %add3A_1294, %mul3A_1339 : i32
      %swap3A_1341 = arith.constant 3 : i32
      %swap3A_1342 = arith.index_cast %swap3A_1341 : i32 to index
      %swap3A_1343 = arith.index_cast %mul3A_1340 : i32 to index
      %swap3A_1344 = tpu.vector_load %arg12[%swap3A_1342, %swap3A_1343] {strides = array<i32>} : memref<32x512xi32, #tpu.memory_space<vmem>>, vector<16xi32>,
      tpu.vector_store %arg12[%swap3A_1342, %swap3A_1343], %add3A_1338 {strides = array<i32>} : memref<32x512xi32, #tpu.memory_space<vmem>>, vector<16xi32>,
      %add3A_1345 = arith.constant 512 : i32
      %add3A_1346 = vector.broadcast %add3A_1345 : i32 to vector<16xi32>
      %add3A_1347 = arith.addi %shift_left3A_1303, %add3A_1346 : vector<16xi32>
      %add3A_1348 = arith.addi %add3A_1347, %and3A_1305 : vector<16xi32>
      %mul3A_1349 = arith.constant 16 : i32
      %mul3A_1350 = arith.muli %add3A_1294, %mul3A_1349 : i32
      %swap3A_1351 = arith.constant 4 : i32
      %swap3A_1352 = arith.index_cast %swap3A_1351 : i32 to index
      %swap3A_1353 = arith.index_cast %mul3A_1350 : i32 to index
      %swap3A_1354 = tpu.vector_load %arg12[%swap3A_1352, %swap3A_1353] {strides = array<i32>} : memref<32x512xi32, #tpu.memory_space<vmem>>, vector<16xi32>,
      tpu.vector_store %arg12[%swap3A_1352, %swap3A_1353], %add3A_1348 {strides = array<i32>} : memref<32x512xi32, #tpu.memory_space<vmem>>, vector<16xi32>,
      %add3A_1355 = arith.constant 640 : i32
      %add3A_1356 = vector.broadcast %add3A_1355 : i32 to vector<16xi32>
      %add3A_1357 = arith.addi %shift_left3A_1303, %add3A_1356 : vector<16xi32>
      %add3A_1358 = arith.addi %add3A_1357, %and3A_1305 : vector<16xi32>
      %mul3A_1359 = arith.constant 16 : i32
      %mul3A_1360 = arith.muli %add3A_1294, %mul3A_1359 : i32
      %swap3A_1361 = arith.constant 5 : i32
      %swap3A_1362 = arith.index_cast %swap3A_1361 : i32 to index
      %swap3A_1363 = arith.index_cast %mul3A_1360 : i32 to index
      %swap3A_1364 = tpu.vector_load %arg12[%swap3A_1362, %swap3A_1363] {strides = array<i32>} : memref<32x512xi32, #tpu.memory_space<vmem>>, vector<16xi32>,
      tpu.vector_store %arg12[%swap3A_1362, %swap3A_1363], %add3A_1358 {strides = array<i32>} : memref<32x512xi32, #tpu.memory_space<vmem>>, vector<16xi32>,
      %add3A_1365 = arith.constant 768 : i32
      %add3A_1366 = vector.broadcast %add3A_1365 : i32 to vector<16xi32>
      %add3A_1367 = arith.addi %shift_left3A_1303, %add3A_1366 : vector<16xi32>
      %add3A_1368 = arith.addi %add3A_1367, %and3A_1305 : vector<16xi32>
      %mul3A_1369 = arith.constant 16 : i32
      %mul3A_1370 = arith.muli %add3A_1294, %mul3A_1369 : i32
      %swap3A_1371 = arith.constant 6 : i32
      %swap3A_1372 = arith.index_cast %swap3A_1371 : i32 to index
      %swap3A_1373 = arith.index_cast %mul3A_1370 : i32 to index
      %swap3A_1374 = tpu.vector_load %arg12[%swap3A_1372, %swap3A_1373] {strides = array<i32>} : memref<32x512xi32, #tpu.memory_space<vmem>>, vector<16xi32>,
      tpu.vector_store %arg12[%swap3A_1372, %swap3A_1373], %add3A_1368 {strides = array<i32>} : memref<32x512xi32, #tpu.memory_space<vmem>>, vector<16xi32>,
      %add3A_1375 = arith.constant 896 : i32
      %add3A_1376 = vector.broadcast %add3A_1375 : i32 to vector<16xi32>
      %add3A_1377 = arith.addi %shift_left3A_1303, %add3A_1376 : vector<16xi32>
      %add3A_1378 = arith.addi %add3A_1377, %and3A_1305 : vector<16xi32>
      %mul3A_1379 = arith.constant 16 : i32
      %mul3A_1380 = arith.muli %add3A_1294, %mul3A_1379 : i32
      %swap3A_1381 = arith.constant 7 : i32
      %swap3A_1382 = arith.index_cast %swap3A_1381 : i32 to index
      %swap3A_1383 = arith.index_cast %mul3A_1380 : i32 to index
      %swap3A_1384 = tpu.vector_load %arg12[%swap3A_1382, %swap3A_1383] {strides = array<i32>} : memref<32x512xi32, #tpu.memory_space<vmem>>, vector<16xi32>,
      tpu.vector_store %arg12[%swap3A_1382, %swap3A_1383], %add3A_1378 {strides = array<i32>} : memref<32x512xi32, #tpu.memory_space<vmem>>, vector<16xi32>,
      %add3A_1385 = arith.constant 7999488 : i32
      %add3A_1386 = vector.broadcast %add3A_1385 : i32 to vector<16xi32>
      %add3A_1387 = arith.addi %shift_left3A_1303, %add3A_1386 : vector<16xi32>
      %add3A_1388 = arith.addi %add3A_1387, %and3A_1305 : vector<16xi32>
      %mul3A_1389 = arith.constant 16 : i32
      %mul3A_1390 = arith.muli %add3A_1294, %mul3A_1389 : i32
      %swap3A_1391 = arith.constant 8 : i32
      %swap3A_1392 = arith.index_cast %swap3A_1391 : i32 to index
      %swap3A_1393 = arith.index_cast %mul3A_1390 : i32 to index
      %swap3A_1394 = tpu.vector_load %arg12[%swap3A_1392, %swap3A_1393] {strides = array<i32>} : memref<32x512xi32, #tpu.memory_space<vmem>>, vector<16xi32>,
      tpu.vector_store %arg12[%swap3A_1392, %swap3A_1393], %add3A_1388 {strides = array<i32>} : memref<32x512xi32, #tpu.memory_space<vmem>>, vector<16xi32>,
      %add3A_1395 = arith.constant 7999616 : i32
      %add3A_1396 = vector.broadcast %add3A_1395 : i32 to vector<16xi32>
      %add3A_1397 = arith.addi %shift_left3A_1303, %add3A_1396 : vector<16xi32>
      %add3A_1398 = arith.addi %add3A_1397, %and3A_1305 : vector<16xi32>
      %mul3A_1399 = arith.constant 16 : i32
      %mul3A_1400 = arith.muli %add3A_1294, %mul3A_1399 : i32
      %swap3A_1401 = arith.constant 9 : i32
      %swap3A_1402 = arith.index_cast %swap3A_1401 : i32 to index
      %swap3A_1403 = arith.index_cast %mul3A_1400 : i32 to index
      %swap3A_1404 = tpu.vector_load %arg12[%swap3A_1402, %swap3A_1403] {strides = array<i32>} : memref<32x512xi32, #tpu.memory_space<vmem>>, vector<16xi32>,
      tpu.vector_store %arg12[%swap3A_1402, %swap3A_1403], %add3A_1398 {strides = array<i32>} : memref<32x512xi32, #tpu.memory_space<vmem>>, vector<16xi32>,
      %add3A_1405 = arith.constant 7999744 : i32
      %add3A_1406 = vector.broadcast %add3A_1405 : i32 to vector<16xi32>
      %add3A_1407 = arith.addi %shift_left3A_1303, %add3A_1406 : vector<16xi32>
      %add3A_1408 = arith.addi %add3A_1407, %and3A_1305 : vector<16xi32>
      %mul3A_1409 = arith.constant 16 : i32
      %mul3A_1410 = arith.muli %add3A_1294, %mul3A_1409 : i32
      %swap3A_1411 = arith.constant 10 : i32
      %swap3A_1412 = arith.index_cast %swap3A_1411 : i32 to index
      %swap3A_1413 = arith.index_cast %mul3A_1410 : i32 to index
      %swap3A_1414 = tpu.vector_load %arg12[%swap3A_1412, %swap3A_1413] {strides = array<i32>} : memref<32x512xi32, #tpu.memory_space<vmem>>, vector<16xi32>,
      tpu.vector_store %arg12[%swap3A_1412, %swap3A_1413], %add3A_1408 {strides = array<i32>} : memref<32x512xi32, #tpu.memory_space<vmem>>, vector<16xi32>,
      %add3A_1415 = arith.constant 7999872 : i32
      %add3A_1416 = vector.broadcast %add3A_1415 : i32 to vector<16xi32>
      %add3A_1417 = arith.addi %shift_left3A_1303, %add3A_1416 : vector<16xi32>
      %add3A_1418 = arith.addi %add3A_1417, %and3A_1305 : vector<16xi32>
      %mul3A_1419 = arith.constant 16 : i32
      %mul3A_1420 = arith.muli %add3A_1294, %mul3A_1419 : i32
      %swap3A_1421 = arith.constant 11 : i32
      %swap3A_1422 = arith.index_cast %swap3A_1421 : i32 to index
      %swap3A_1423 = arith.index_cast %mul3A_1420 : i32 to index
      %swap3A_1424 = tpu.vector_load %arg12[%swap3A_1422, %swap3A_1423] {strides = array<i32>} : memref<32x512xi32, #tpu.memory_space<vmem>>, vector<16xi32>,
      tpu.vector_store %arg12[%swap3A_1422, %swap3A_1423], %add3A_1418 {strides = array<i32>} : memref<32x512xi32, #tpu.memory_space<vmem>>, vector<16xi32>,
      %add3A_1425 = arith.constant 8000000 : i32
      %add3A_1426 = vector.broadcast %add3A_1425 : i32 to vector<16xi32>
      %add3A_1427 = arith.addi %shift_left3A_1303, %add3A_1426 : vector<16xi32>
      %add3A_1428 = arith.addi %add3A_1427, %and3A_1305 : vector<16xi32>
      %mul3A_1429 = arith.constant 16 : i32
      %mul3A_1430 = arith.muli %add3A_1294, %mul3A_1429 : i32
      %swap3A_1431 = arith.constant 12 : i32
      %swap3A_1432 = arith.index_cast %swap3A_1431 : i32 to index
      %swap3A_1433 = arith.index_cast %mul3A_1430 : i32 to index
      %swap3A_1434 = tpu.vector_load %arg12[%swap3A_1432, %swap3A_1433] {strides = array<i32>} : memref<32x512xi32, #tpu.memory_space<vmem>>, vector<16xi32>,
      tpu.vector_store %arg12[%swap3A_1432, %swap3A_1433], %add3A_1428 {strides = array<i32>} : memref<32x512xi32, #tpu.memory_space<vmem>>, vector<16xi32>,
      %add3A_1435 = arith.constant 8000128 : i32
      %add3A_1436 = vector.broadcast %add3A_1435 : i32 to vector<16xi32>
      %add3A_1437 = arith.addi %shift_left3A_1303, %add3A_1436 : vector<16xi32>
      %add3A_1438 = arith.addi %add3A_1437, %and3A_1305 : vector<16xi32>
      %mul3A_1439 = arith.constant 16 : i32
      %mul3A_1440 = arith.muli %add3A_1294, %mul3A_1439 : i32
      %swap3A_1441 = arith.constant 13 : i32
      %swap3A_1442 = arith.index_cast %swap3A_1441 : i32 to index
      %swap3A_1443 = arith.index_cast %mul3A_1440 : i32 to index
      %swap3A_1444 = tpu.vector_load %arg12[%swap3A_1442, %swap3A_1443] {strides = array<i32>} : memref<32x512xi32, #tpu.memory_space<vmem>>, vector<16xi32>,
      tpu.vector_store %arg12[%swap3A_1442, %swap3A_1443], %add3A_1438 {strides = array<i32>} : memref<32x512xi32, #tpu.memory_space<vmem>>, vector<16xi32>,
      %add3A_1445 = arith.constant 8000256 : i32
      %add3A_1446 = vector.broadcast %add3A_1445 : i32 to vector<16xi32>
      %add3A_1447 = arith.addi %shift_left3A_1303, %add3A_1446 : vector<16xi32>
      %add3A_1448 = arith.addi %add3A_1447, %and3A_1305 : vector<16xi32>
      %mul3A_1449 = arith.constant 16 : i32
      %mul3A_1450 = arith.muli %add3A_1294, %mul3A_1449 : i32
      %swap3A_1451 = arith.constant 14 : i32
      %swap3A_1452 = arith.index_cast %swap3A_1451 : i32 to index
      %swap3A_1453 = arith.index_cast %mul3A_1450 : i32 to index
      %swap3A_1454 = tpu.vector_load %arg12[%swap3A_1452, %swap3A_1453] {strides = array<i32>} : memref<32x512xi32, #tpu.memory_space<vmem>>, vector<16xi32>,
      tpu.vector_store %arg12[%swap3A_1452, %swap3A_1453], %add3A_1448 {strides = array<i32>} : memref<32x512xi32, #tpu.memory_space<vmem>>, vector<16xi32>,
      %add3A_1455 = arith.constant 8000384 : i32
      %add3A_1456 = vector.broadcast %add3A_1455 : i32 to vector<16xi32>
      %add3A_1457 = arith.addi %shift_left3A_1303, %add3A_1456 : vector<16xi32>
      %add3A_1458 = arith.addi %add3A_1457, %and3A_1305 : vector<16xi32>
      %mul3A_1459 = arith.constant 16 : i32
      %mul3A_1460 = arith.muli %add3A_1294, %mul3A_1459 : i32
      %swap3A_1461 = arith.constant 15 : i32
      %swap3A_1462 = arith.index_cast %swap3A_1461 : i32 to index
      %swap3A_1463 = arith.index_cast %mul3A_1460 : i32 to index
      %swap3A_1464 = tpu.vector_load %arg12[%swap3A_1462, %swap3A_1463] {strides = array<i32>} : memref<32x512xi32, #tpu.memory_space<vmem>>, vector<16xi32>,
      tpu.vector_store %arg12[%swap3A_1462, %swap3A_1463], %add3A_1458 {strides = array<i32>} : memref<32x512xi32, #tpu.memory_space<vmem>>, vector<16xi32>,
      %add3A_1465 = arith.constant 15998976 : i32
      %add3A_1466 = vector.broadcast %add3A_1465 : i32 to vector<16xi32>
      %add3A_1467 = arith.addi %shift_left3A_1303, %add3A_1466 : vector<16xi32>
      %add3A_1468 = arith.addi %add3A_1467, %and3A_1305 : vector<16xi32>
      %mul3A_1469 = arith.constant 16 : i32
      %mul3A_1470 = arith.muli %add3A_1294, %mul3A_1469 : i32
      %swap3A_1471 = arith.constant 16 : i32
      %swap3A_1472 = arith.index_cast %swap3A_1471 : i32 to index
      %swap3A_1473 = arith.index_cast %mul3A_1470 : i32 to index
      %swap3A_1474 = tpu.vector_load %arg12[%swap3A_1472, %swap3A_1473] {strides = array<i32>} : memref<32x512xi32, #tpu.memory_space<vmem>>, vector<16xi32>,
      tpu.vector_store %arg12[%swap3A_1472, %swap3A_1473], %add3A_1468 {strides = array<i32>} : memref<32x512xi32, #tpu.memory_space<vmem>>, vector<16xi32>,
      %add3A_1475 = arith.constant 15999104 : i32
      %add3A_1476 = vector.broadcast %add3A_1475 : i32 to vector<16xi32>
      %add3A_1477 = arith.addi %shift_left3A_1303, %add3A_1476 : vector<16xi32>
      %add3A_1478 = arith.addi %add3A_1477, %and3A_1305 : vector<16xi32>
      %mul3A_1479 = arith.constant 16 : i32
      %mul3A_1480 = arith.muli %add3A_1294, %mul3A_1479 : i32
      %swap3A_1481 = arith.constant 17 : i32
      %swap3A_1482 = arith.index_cast %swap3A_1481 : i32 to index
      %swap3A_1483 = arith.index_cast %mul3A_1480 : i32 to index
      %swap3A_1484 = tpu.vector_load %arg12[%swap3A_1482, %swap3A_1483] {strides = array<i32>} : memref<32x512xi32, #tpu.memory_space<vmem>>, vector<16xi32>,
      tpu.vector_store %arg12[%swap3A_1482, %swap3A_1483], %add3A_1478 {strides = array<i32>} : memref<32x512xi32, #tpu.memory_space<vmem>>, vector<16xi32>,
      %add3A_1485 = arith.constant 15999232 : i32
      %add3A_1486 = vector.broadcast %add3A_1485 : i32 to vector<16xi32>
      %add3A_1487 = arith.addi %shift_left3A_1303, %add3A_1486 : vector<16xi32>
      %add3A_1488 = arith.addi %add3A_1487, %and3A_1305 : vector<16xi32>
      %mul3A_1489 = arith.constant 16 : i32
      %mul3A_1490 = arith.muli %add3A_1294, %mul3A_1489 : i32
      %swap3A_1491 = arith.constant 18 : i32
      %swap3A_1492 = arith.index_cast %swap3A_1491 : i32 to index
      %swap3A_1493 = arith.index_cast %mul3A_1490 : i32 to index
      %swap3A_1494 = tpu.vector_load %arg12[%swap3A_1492, %swap3A_1493] {strides = array<i32>} : memref<32x512xi32, #tpu.memory_space<vmem>>, vector<16xi32>,
      tpu.vector_store %arg12[%swap3A_1492, %swap3A_1493], %add3A_1488 {strides = array<i32>} : memref<32x512xi32, #tpu.memory_space<vmem>>, vector<16xi32>,
      %add3A_1495 = arith.constant 15999360 : i32
      %add3A_1496 = vector.broadcast %add3A_1495 : i32 to vector<16xi32>
      %add3A_1497 = arith.addi %shift_left3A_1303, %add3A_1496 : vector<16xi32>
      %add3A_1498 = arith.addi %add3A_1497, %and3A_1305 : vector<16xi32>
      %mul3A_1499 = arith.constant 16 : i32
      %mul3A_1500 = arith.muli %add3A_1294, %mul3A_1499 : i32
      %swap3A_1501 = arith.constant 19 : i32
      %swap3A_1502 = arith.index_cast %swap3A_1501 : i32 to index
      %swap3A_1503 = arith.index_cast %mul3A_1500 : i32 to index
      %swap3A_1504 = tpu.vector_load %arg12[%swap3A_1502, %swap3A_1503] {strides = array<i32>} : memref<32x512xi32, #tpu.memory_space<vmem>>, vector<16xi32>,
      tpu.vector_store %arg12[%swap3A_1502, %swap3A_1503], %add3A_1498 {strides = array<i32>} : memref<32x512xi32, #tpu.memory_space<vmem>>, vector<16xi32>,
      %add3A_1505 = arith.constant 15999488 : i32
      %add3A_1506 = vector.broadcast %add3A_1505 : i32 to vector<16xi32>
      %add3A_1507 = arith.addi %shift_left3A_1303, %add3A_1506 : vector<16xi32>
      %add3A_1508 = arith.addi %add3A_1507, %and3A_1305 : vector<16xi32>
      %mul3A_1509 = arith.constant 16 : i32
      %mul3A_1510 = arith.muli %add3A_1294, %mul3A_1509 : i32
      %swap3A_1511 = arith.constant 20 : i32
      %swap3A_1512 = arith.index_cast %swap3A_1511 : i32 to index
      %swap3A_1513 = arith.index_cast %mul3A_1510 : i32 to index
      %swap3A_1514 = tpu.vector_load %arg12[%swap3A_1512, %swap3A_1513] {strides = array<i32>} : memref<32x512xi32, #tpu.memory_space<vmem>>, vector<16xi32>,
      tpu.vector_store %arg12[%swap3A_1512, %swap3A_1513], %add3A_1508 {strides = array<i32>} : memref<32x512xi32, #tpu.memory_space<vmem>>, vector<16xi32>,
      %add3A_1515 = arith.constant 15999616 : i32
      %add3A_1516 = vector.broadcast %add3A_1515 : i32 to vector<16xi32>
      %add3A_1517 = arith.addi %shift_left3A_1303, %add3A_1516 : vector<16xi32>
      %add3A_1518 = arith.addi %add3A_1517, %and3A_1305 : vector<16xi32>
      %mul3A_1519 = arith.constant 16 : i32
      %mul3A_1520 = arith.muli %add3A_1294, %mul3A_1519 : i32
      %swap3A_1521 = arith.constant 21 : i32
      %swap3A_1522 = arith.index_cast %swap3A_1521 : i32 to index
      %swap3A_1523 = arith.index_cast %mul3A_1520 : i32 to index
      %swap3A_1524 = tpu.vector_load %arg12[%swap3A_1522, %swap3A_1523] {strides = array<i32>} : memref<32x512xi32, #tpu.memory_space<vmem>>, vector<16xi32>,
      tpu.vector_store %arg12[%swap3A_1522, %swap3A_1523], %add3A_1518 {strides = array<i32>} : memref<32x512xi32, #tpu.memory_space<vmem>>, vector<16xi32>,
      %add3A_1525 = arith.constant 15999744 : i32
      %add3A_1526 = vector.broadcast %add3A_1525 : i32 to vector<16xi32>
      %add3A_1527 = arith.addi %shift_left3A_1303, %add3A_1526 : vector<16xi32>
      %add3A_1528 = arith.addi %add3A_1527, %and3A_1305 : vector<16xi32>
      %mul3A_1529 = arith.constant 16 : i32
      %mul3A_1530 = arith.muli %add3A_1294, %mul3A_1529 : i32
      %swap3A_1531 = arith.constant 22 : i32
      %swap3A_1532 = arith.index_cast %swap3A_1531 : i32 to index
      %swap3A_1533 = arith.index_cast %mul3A_1530 : i32 to index
      %swap3A_1534 = tpu.vector_load %arg12[%swap3A_1532, %swap3A_1533] {strides = array<i32>} : memref<32x512xi32, #tpu.memory_space<vmem>>, vector<16xi32>,
      tpu.vector_store %arg12[%swap3A_1532, %swap3A_1533], %add3A_1528 {strides = array<i32>} : memref<32x512xi32, #tpu.memory_space<vmem>>, vector<16xi32>,
      %add3A_1535 = arith.constant 15999872 : i32
      %add3A_1536 = vector.broadcast %add3A_1535 : i32 to vector<16xi32>
      %add3A_1537 = arith.addi %shift_left3A_1303, %add3A_1536 : vector<16xi32>
      %add3A_1538 = arith.addi %add3A_1537, %and3A_1305 : vector<16xi32>
      %mul3A_1539 = arith.constant 16 : i32
      %mul3A_1540 = arith.muli %add3A_1294, %mul3A_1539 : i32
      %swap3A_1541 = arith.constant 23 : i32
      %swap3A_1542 = arith.index_cast %swap3A_1541 : i32 to index
      %swap3A_1543 = arith.index_cast %mul3A_1540 : i32 to index
      %swap3A_1544 = tpu.vector_load %arg12[%swap3A_1542, %swap3A_1543] {strides = array<i32>} : memref<32x512xi32, #tpu.memory_space<vmem>>, vector<16xi32>,
      tpu.vector_store %arg12[%swap3A_1542, %swap3A_1543], %add3A_1538 {strides = array<i32>} : memref<32x512xi32, #tpu.memory_space<vmem>>, vector<16xi32>,
      %add3A_1545 = arith.constant 23998464 : i32
      %add3A_1546 = vector.broadcast %add3A_1545 : i32 to vector<16xi32>
      %add3A_1547 = arith.addi %shift_left3A_1303, %add3A_1546 : vector<16xi32>
      %add3A_1548 = arith.addi %add3A_1547, %and3A_1305 : vector<16xi32>
      %mul3A_1549 = arith.constant 16 : i32
      %mul3A_1550 = arith.muli %add3A_1294, %mul3A_1549 : i32
      %swap3A_1551 = arith.constant 24 : i32
      %swap3A_1552 = arith.index_cast %swap3A_1551 : i32 to index
      %swap3A_1553 = arith.index_cast %mul3A_1550 : i32 to index
      %swap3A_1554 = tpu.vector_load %arg12[%swap3A_1552, %swap3A_1553] {strides = array<i32>} : memref<32x512xi32, #tpu.memory_space<vmem>>, vector<16xi32>,
      tpu.vector_store %arg12[%swap3A_1552, %swap3A_1553], %add3A_1548 {strides = array<i32>} : memref<32x512xi32, #tpu.memory_space<vmem>>, vector<16xi32>,
      %add3A_1555 = arith.constant 23998592 : i32
      %add3A_1556 = vector.broadcast %add3A_1555 : i32 to vector<16xi32>
      %add3A_1557 = arith.addi %shift_left3A_1303, %add3A_1556 : vector<16xi32>
      %add3A_1558 = arith.addi %add3A_1557, %and3A_1305 : vector<16xi32>
      %mul3A_1559 = arith.constant 16 : i32
      %mul3A_1560 = arith.muli %add3A_1294, %mul3A_1559 : i32
      %swap3A_1561 = arith.constant 25 : i32
      %swap3A_1562 = arith.index_cast %swap3A_1561 : i32 to index
      %swap3A_1563 = arith.index_cast %mul3A_1560 : i32 to index
      %swap3A_1564 = tpu.vector_load %arg12[%swap3A_1562, %swap3A_1563] {strides = array<i32>} : memref<32x512xi32, #tpu.memory_space<vmem>>, vector<16xi32>,
      tpu.vector_store %arg12[%swap3A_1562, %swap3A_1563], %add3A_1558 {strides = array<i32>} : memref<32x512xi32, #tpu.memory_space<vmem>>, vector<16xi32>,
      %add3A_1565 = arith.constant 23998720 : i32
      %add3A_1566 = vector.broadcast %add3A_1565 : i32 to vector<16xi32>
      %add3A_1567 = arith.addi %shift_left3A_1303, %add3A_1566 : vector<16xi32>
      %add3A_1568 = arith.addi %add3A_1567, %and3A_1305 : vector<16xi32>
      %mul3A_1569 = arith.constant 16 : i32
      %mul3A_1570 = arith.muli %add3A_1294, %mul3A_1569 : i32
      %swap3A_1571 = arith.constant 26 : i32
      %swap3A_1572 = arith.index_cast %swap3A_1571 : i32 to index
      %swap3A_1573 = arith.index_cast %mul3A_1570 : i32 to index
      %swap3A_1574 = tpu.vector_load %arg12[%swap3A_1572, %swap3A_1573] {strides = array<i32>} : memref<32x512xi32, #tpu.memory_space<vmem>>, vector<16xi32>,
      tpu.vector_store %arg12[%swap3A_1572, %swap3A_1573], %add3A_1568 {strides = array<i32>} : memref<32x512xi32, #tpu.memory_space<vmem>>, vector<16xi32>,
      %add3A_1575 = arith.constant 23998848 : i32
      %add3A_1576 = vector.broadcast %add3A_1575 : i32 to vector<16xi32>
      %add3A_1577 = arith.addi %shift_left3A_1303, %add3A_1576 : vector<16xi32>
      %add3A_1578 = arith.addi %add3A_1577, %and3A_1305 : vector<16xi32>
      %mul3A_1579 = arith.constant 16 : i32
      %mul3A_1580 = arith.muli %add3A_1294, %mul3A_1579 : i32
      %swap3A_1581 = arith.constant 27 : i32
      %swap3A_1582 = arith.index_cast %swap3A_1581 : i32 to index
      %swap3A_1583 = arith.index_cast %mul3A_1580 : i32 to index
      %swap3A_1584 = tpu.vector_load %arg12[%swap3A_1582, %swap3A_1583] {strides = array<i32>} : memref<32x512xi32, #tpu.memory_space<vmem>>, vector<16xi32>,
      tpu.vector_store %arg12[%swap3A_1582, %swap3A_1583], %add3A_1578 {strides = array<i32>} : memref<32x512xi32, #tpu.memory_space<vmem>>, vector<16xi32>,
      %add3A_1585 = arith.constant 23998976 : i32
      %add3A_1586 = vector.broadcast %add3A_1585 : i32 to vector<16xi32>
      %add3A_1587 = arith.addi %shift_left3A_1303, %add3A_1586 : vector<16xi32>
      %add3A_1588 = arith.addi %add3A_1587, %and3A_1305 : vector<16xi32>
      %mul3A_1589 = arith.constant 16 : i32
      %mul3A_1590 = arith.muli %add3A_1294, %mul3A_1589 : i32
      %swap3A_1591 = arith.constant 28 : i32
      %swap3A_1592 = arith.index_cast %swap3A_1591 : i32 to index
      %swap3A_1593 = arith.index_cast %mul3A_1590 : i32 to index
      %swap3A_1594 = tpu.vector_load %arg12[%swap3A_1592, %swap3A_1593] {strides = array<i32>} : memref<32x512xi32, #tpu.memory_space<vmem>>, vector<16xi32>,
      tpu.vector_store %arg12[%swap3A_1592, %swap3A_1593], %add3A_1588 {strides = array<i32>} : memref<32x512xi32, #tpu.memory_space<vmem>>, vector<16xi32>,
      %add3A_1595 = arith.constant 23999104 : i32
      %add3A_1596 = vector.broadcast %add3A_1595 : i32 to vector<16xi32>
      %add3A_1597 = arith.addi %shift_left3A_1303, %add3A_1596 : vector<16xi32>
      %add3A_1598 = arith.addi %add3A_1597, %and3A_1305 : vector<16xi32>
      %mul3A_1599 = arith.constant 16 : i32
      %mul3A_1600 = arith.muli %add3A_1294, %mul3A_1599 : i32
      %swap3A_1601 = arith.constant 29 : i32
      %swap3A_1602 = arith.index_cast %swap3A_1601 : i32 to index
      %swap3A_1603 = arith.index_cast %mul3A_1600 : i32 to index
      %swap3A_1604 = tpu.vector_load %arg12[%swap3A_1602, %swap3A_1603] {strides = array<i32>} : memref<32x512xi32, #tpu.memory_space<vmem>>, vector<16xi32>,
      tpu.vector_store %arg12[%swap3A_1602, %swap3A_1603], %add3A_1598 {strides = array<i32>} : memref<32x512xi32, #tpu.memory_space<vmem>>, vector<16xi32>,
      %add3A_1605 = arith.constant 23999232 : i32
      %add3A_1606 = vector.broadcast %add3A_1605 : i32 to vector<16xi32>
      %add3A_1607 = arith.addi %shift_left3A_1303, %add3A_1606 : vector<16xi32>
      %add3A_1608 = arith.addi %add3A_1607, %and3A_1305 : vector<16xi32>
      %mul3A_1609 = arith.constant 16 : i32
      %mul3A_1610 = arith.muli %add3A_1294, %mul3A_1609 : i32
      %swap3A_1611 = arith.constant 30 : i32
      %swap3A_1612 = arith.index_cast %swap3A_1611 : i32 to index
      %swap3A_1613 = arith.index_cast %mul3A_1610 : i32 to index
      %swap3A_1614 = tpu.vector_load %arg12[%swap3A_1612, %swap3A_1613] {strides = array<i32>} : memref<32x512xi32, #tpu.memory_space<vmem>>, vector<16xi32>,
      tpu.vector_store %arg12[%swap3A_1612, %swap3A_1613], %add3A_1608 {strides = array<i32>} : memref<32x512xi32, #tpu.memory_space<vmem>>, vector<16xi32>,
      %add3A_1615 = arith.constant 23999360 : i32
      %add3A_1616 = vector.broadcast %add3A_1615 : i32 to vector<16xi32>
      %add3A_1617 = arith.addi %shift_left3A_1303, %add3A_1616 : vector<16xi32>
      %add3A_1618 = arith.addi %add3A_1617, %and3A_1305 : vector<16xi32>
      %mul3A_1619 = arith.constant 16 : i32
      %mul3A_1620 = arith.muli %add3A_1294, %mul3A_1619 : i32
      %swap3A_1621 = arith.constant 31 : i32
      %swap3A_1622 = arith.index_cast %swap3A_1621 : i32 to index
      %swap3A_1623 = arith.index_cast %mul3A_1620 : i32 to index
      %swap3A_1624 = tpu.vector_load %arg12[%swap3A_1622, %swap3A_1623] {strides = array<i32>} : memref<32x512xi32, #tpu.memory_space<vmem>>, vector<16xi32>,
      tpu.vector_store %arg12[%swap3A_1622, %swap3A_1623], %add3A_1618 {strides = array<i32>} : memref<32x512xi32, #tpu.memory_space<vmem>>, vector<16xi32>,
      %mul3A_1625 = arith.constant 16 : i32
      %mul3A_1626 = arith.muli %add3A_1294, %mul3A_1625 : i32
      %get3A_1627 = arith.index_cast %mul3A_1626 : i32 to index
      %get3A_1628 = tpu.vector_load %arg11[%get3A_1627] {strides = array<i32>} : memref<512xi32, #tpu.memory_space<vmem>>, vector<16xi32>,
      %min3A_1629 = arith.constant 999935 : i32
      %min3A_1630 = vector.broadcast %min3A_1629 : i32 to vector<16xi32>
      %min3A_1631 = arith.minsi %get3A_1628, %min3A_1630 : vector<16xi32>
      %shift_right_arithmetic3A_1632 = arith.constant 7 : i32
      %shift_right_arithmetic3A_1633 = vector.broadcast %shift_right_arithmetic3A_1632 : i32 to vector<16xi32>
      %shift_right_arithmetic3A_1634 = arith.shrsi %min3A_1631, %shift_right_arithmetic3A_1633 : vector<16xi32>
      %shift_left3A_1635 = arith.constant 10 : i32
      %shift_left3A_1636 = vector.broadcast %shift_left3A_1635 : i32 to vector<16xi32>
      %shift_left3A_1637 = arith.shli %shift_right_arithmetic3A_1634, %shift_left3A_1636 : vector<16xi32>
      %and3A_1638 = arith.constant 127 : i32
      %and3A_1639 = vector.broadcast %and3A_1638 : i32 to vector<16xi32>
      %and3A_1640 = arith.andi %min3A_1631, %and3A_1639 : vector<16xi32>
      %add3A_1641 = arith.constant 0 : i32
      %add3A_1642 = vector.broadcast %add3A_1641 : i32 to vector<16xi32>
      %add3A_1643 = arith.addi %shift_left3A_1637, %add3A_1642 : vector<16xi32>
      %add3A_1644 = arith.addi %add3A_1643, %and3A_1640 : vector<16xi32>
      %mul3A_1645 = arith.constant 16 : i32
      %mul3A_1646 = arith.muli %add3A_1294, %mul3A_1645 : i32
      %swap3A_1647 = arith.constant 0 : i32
      %swap3A_1648 = arith.index_cast %swap3A_1647 : i32 to index
      %swap3A_1649 = arith.index_cast %mul3A_1646 : i32 to index
      %swap3A_1650 = tpu.vector_load %arg13[%swap3A_1648, %swap3A_1649] {strides = array<i32>} : memref<32x512xi32, #tpu.memory_space<vmem>>, vector<16xi32>,
      tpu.vector_store %arg13[%swap3A_1648, %swap3A_1649], %add3A_1644 {strides = array<i32>} : memref<32x512xi32, #tpu.memory_space<vmem>>, vector<16xi32>,
      %add3A_1651 = arith.constant 128 : i32
      %add3A_1652 = vector.broadcast %add3A_1651 : i32 to vector<16xi32>
      %add3A_1653 = arith.addi %shift_left3A_1637, %add3A_1652 : vector<16xi32>
      %add3A_1654 = arith.addi %add3A_1653, %and3A_1640 : vector<16xi32>
      %mul3A_1655 = arith.constant 16 : i32
      %mul3A_1656 = arith.muli %add3A_1294, %mul3A_1655 : i32
      %swap3A_1657 = arith.constant 1 : i32
      %swap3A_1658 = arith.index_cast %swap3A_1657 : i32 to index
      %swap3A_1659 = arith.index_cast %mul3A_1656 : i32 to index
      %swap3A_1660 = tpu.vector_load %arg13[%swap3A_1658, %swap3A_1659] {strides = array<i32>} : memref<32x512xi32, #tpu.memory_space<vmem>>, vector<16xi32>,
      tpu.vector_store %arg13[%swap3A_1658, %swap3A_1659], %add3A_1654 {strides = array<i32>} : memref<32x512xi32, #tpu.memory_space<vmem>>, vector<16xi32>,
      %add3A_1661 = arith.constant 256 : i32
      %add3A_1662 = vector.broadcast %add3A_1661 : i32 to vector<16xi32>
      %add3A_1663 = arith.addi %shift_left3A_1637, %add3A_1662 : vector<16xi32>
      %add3A_1664 = arith.addi %add3A_1663, %and3A_1640 : vector<16xi32>
      %mul3A_1665 = arith.constant 16 : i32
      %mul3A_1666 = arith.muli %add3A_1294, %mul3A_1665 : i32
      %swap3A_1667 = arith.constant 2 : i32
      %swap3A_1668 = arith.index_cast %swap3A_1667 : i32 to index
      %swap3A_1669 = arith.index_cast %mul3A_1666 : i32 to index
      %swap3A_1670 = tpu.vector_load %arg13[%swap3A_1668, %swap3A_1669] {strides = array<i32>} : memref<32x512xi32, #tpu.memory_space<vmem>>, vector<16xi32>,
      tpu.vector_store %arg13[%swap3A_1668, %swap3A_1669], %add3A_1664 {strides = array<i32>} : memref<32x512xi32, #tpu.memory_space<vmem>>, vector<16xi32>,
      %add3A_1671 = arith.constant 384 : i32
      %add3A_1672 = vector.broadcast %add3A_1671 : i32 to vector<16xi32>
      %add3A_1673 = arith.addi %shift_left3A_1637, %add3A_1672 : vector<16xi32>
      %add3A_1674 = arith.addi %add3A_1673, %and3A_1640 : vector<16xi32>
      %mul3A_1675 = arith.constant 16 : i32
      %mul3A_1676 = arith.muli %add3A_1294, %mul3A_1675 : i32
      %swap3A_1677 = arith.constant 3 : i32
      %swap3A_1678 = arith.index_cast %swap3A_1677 : i32 to index
      %swap3A_1679 = arith.index_cast %mul3A_1676 : i32 to index
      %swap3A_1680 = tpu.vector_load %arg13[%swap3A_1678, %swap3A_1679] {strides = array<i32>} : memref<32x512xi32, #tpu.memory_space<vmem>>, vector<16xi32>,
      tpu.vector_store %arg13[%swap3A_1678, %swap3A_1679], %add3A_1674 {strides = array<i32>} : memref<32x512xi32, #tpu.memory_space<vmem>>, vector<16xi32>,
      %add3A_1681 = arith.constant 512 : i32
      %add3A_1682 = vector.broadcast %add3A_1681 : i32 to vector<16xi32>
      %add3A_1683 = arith.addi %shift_left3A_1637, %add3A_1682 : vector<16xi32>
      %add3A_1684 = arith.addi %add3A_1683, %and3A_1640 : vector<16xi32>
      %mul3A_1685 = arith.constant 16 : i32
      %mul3A_1686 = arith.muli %add3A_1294, %mul3A_1685 : i32
      %swap3A_1687 = arith.constant 4 : i32
      %swap3A_1688 = arith.index_cast %swap3A_1687 : i32 to index
      %swap3A_1689 = arith.index_cast %mul3A_1686 : i32 to index
      %swap3A_1690 = tpu.vector_load %arg13[%swap3A_1688, %swap3A_1689] {strides = array<i32>} : memref<32x512xi32, #tpu.memory_space<vmem>>, vector<16xi32>,
      tpu.vector_store %arg13[%swap3A_1688, %swap3A_1689], %add3A_1684 {strides = array<i32>} : memref<32x512xi32, #tpu.memory_space<vmem>>, vector<16xi32>,
      %add3A_1691 = arith.constant 640 : i32
      %add3A_1692 = vector.broadcast %add3A_1691 : i32 to vector<16xi32>
      %add3A_1693 = arith.addi %shift_left3A_1637, %add3A_1692 : vector<16xi32>
      %add3A_1694 = arith.addi %add3A_1693, %and3A_1640 : vector<16xi32>
      %mul3A_1695 = arith.constant 16 : i32
      %mul3A_1696 = arith.muli %add3A_1294, %mul3A_1695 : i32
      %swap3A_1697 = arith.constant 5 : i32
      %swap3A_1698 = arith.index_cast %swap3A_1697 : i32 to index
      %swap3A_1699 = arith.index_cast %mul3A_1696 : i32 to index
      %swap3A_1700 = tpu.vector_load %arg13[%swap3A_1698, %swap3A_1699] {strides = array<i32>} : memref<32x512xi32, #tpu.memory_space<vmem>>, vector<16xi32>,
      tpu.vector_store %arg13[%swap3A_1698, %swap3A_1699], %add3A_1694 {strides = array<i32>} : memref<32x512xi32, #tpu.memory_space<vmem>>, vector<16xi32>,
      %add3A_1701 = arith.constant 768 : i32
      %add3A_1702 = vector.broadcast %add3A_1701 : i32 to vector<16xi32>
      %add3A_1703 = arith.addi %shift_left3A_1637, %add3A_1702 : vector<16xi32>
      %add3A_1704 = arith.addi %add3A_1703, %and3A_1640 : vector<16xi32>
      %mul3A_1705 = arith.constant 16 : i32
      %mul3A_1706 = arith.muli %add3A_1294, %mul3A_1705 : i32
      %swap3A_1707 = arith.constant 6 : i32
      %swap3A_1708 = arith.index_cast %swap3A_1707 : i32 to index
      %swap3A_1709 = arith.index_cast %mul3A_1706 : i32 to index
      %swap3A_1710 = tpu.vector_load %arg13[%swap3A_1708, %swap3A_1709] {strides = array<i32>} : memref<32x512xi32, #tpu.memory_space<vmem>>, vector<16xi32>,
      tpu.vector_store %arg13[%swap3A_1708, %swap3A_1709], %add3A_1704 {strides = array<i32>} : memref<32x512xi32, #tpu.memory_space<vmem>>, vector<16xi32>,
      %add3A_1711 = arith.constant 896 : i32
      %add3A_1712 = vector.broadcast %add3A_1711 : i32 to vector<16xi32>
      %add3A_1713 = arith.addi %shift_left3A_1637, %add3A_1712 : vector<16xi32>
      %add3A_1714 = arith.addi %add3A_1713, %and3A_1640 : vector<16xi32>
      %mul3A_1715 = arith.constant 16 : i32
      %mul3A_1716 = arith.muli %add3A_1294, %mul3A_1715 : i32
      %swap3A_1717 = arith.constant 7 : i32
      %swap3A_1718 = arith.index_cast %swap3A_1717 : i32 to index
      %swap3A_1719 = arith.index_cast %mul3A_1716 : i32 to index
      %swap3A_1720 = tpu.vector_load %arg13[%swap3A_1718, %swap3A_1719] {strides = array<i32>} : memref<32x512xi32, #tpu.memory_space<vmem>>, vector<16xi32>,
      tpu.vector_store %arg13[%swap3A_1718, %swap3A_1719], %add3A_1714 {strides = array<i32>} : memref<32x512xi32, #tpu.memory_space<vmem>>, vector<16xi32>,
      %add3A_1721 = arith.constant 7999488 : i32
      %add3A_1722 = vector.broadcast %add3A_1721 : i32 to vector<16xi32>
      %add3A_1723 = arith.addi %shift_left3A_1637, %add3A_1722 : vector<16xi32>
      %add3A_1724 = arith.addi %add3A_1723, %and3A_1640 : vector<16xi32>
      %mul3A_1725 = arith.constant 16 : i32
      %mul3A_1726 = arith.muli %add3A_1294, %mul3A_1725 : i32
      %swap3A_1727 = arith.constant 8 : i32
      %swap3A_1728 = arith.index_cast %swap3A_1727 : i32 to index
      %swap3A_1729 = arith.index_cast %mul3A_1726 : i32 to index
      %swap3A_1730 = tpu.vector_load %arg13[%swap3A_1728, %swap3A_1729] {strides = array<i32>} : memref<32x512xi32, #tpu.memory_space<vmem>>, vector<16xi32>,
      tpu.vector_store %arg13[%swap3A_1728, %swap3A_1729], %add3A_1724 {strides = array<i32>} : memref<32x512xi32, #tpu.memory_space<vmem>>, vector<16xi32>,
      %add3A_1731 = arith.constant 7999616 : i32
      %add3A_1732 = vector.broadcast %add3A_1731 : i32 to vector<16xi32>
      %add3A_1733 = arith.addi %shift_left3A_1637, %add3A_1732 : vector<16xi32>
      %add3A_1734 = arith.addi %add3A_1733, %and3A_1640 : vector<16xi32>
      %mul3A_1735 = arith.constant 16 : i32
      %mul3A_1736 = arith.muli %add3A_1294, %mul3A_1735 : i32
      %swap3A_1737 = arith.constant 9 : i32
      %swap3A_1738 = arith.index_cast %swap3A_1737 : i32 to index
      %swap3A_1739 = arith.index_cast %mul3A_1736 : i32 to index
      %swap3A_1740 = tpu.vector_load %arg13[%swap3A_1738, %swap3A_1739] {strides = array<i32>} : memref<32x512xi32, #tpu.memory_space<vmem>>, vector<16xi32>,
      tpu.vector_store %arg13[%swap3A_1738, %swap3A_1739], %add3A_1734 {strides = array<i32>} : memref<32x512xi32, #tpu.memory_space<vmem>>, vector<16xi32>,
      %add3A_1741 = arith.constant 7999744 : i32
      %add3A_1742 = vector.broadcast %add3A_1741 : i32 to vector<16xi32>
      %add3A_1743 = arith.addi %shift_left3A_1637, %add3A_1742 : vector<16xi32>
      %add3A_1744 = arith.addi %add3A_1743, %and3A_1640 : vector<16xi32>
      %mul3A_1745 = arith.constant 16 : i32
      %mul3A_1746 = arith.muli %add3A_1294, %mul3A_1745 : i32
      %swap3A_1747 = arith.constant 10 : i32
      %swap3A_1748 = arith.index_cast %swap3A_1747 : i32 to index
      %swap3A_1749 = arith.index_cast %mul3A_1746 : i32 to index
      %swap3A_1750 = tpu.vector_load %arg13[%swap3A_1748, %swap3A_1749] {strides = array<i32>} : memref<32x512xi32, #tpu.memory_space<vmem>>, vector<16xi32>,
      tpu.vector_store %arg13[%swap3A_1748, %swap3A_1749], %add3A_1744 {strides = array<i32>} : memref<32x512xi32, #tpu.memory_space<vmem>>, vector<16xi32>,
      %add3A_1751 = arith.constant 7999872 : i32
      %add3A_1752 = vector.broadcast %add3A_1751 : i32 to vector<16xi32>
      %add3A_1753 = arith.addi %shift_left3A_1637, %add3A_1752 : vector<16xi32>
      %add3A_1754 = arith.addi %add3A_1753, %and3A_1640 : vector<16xi32>
      %mul3A_1755 = arith.constant 16 : i32
      %mul3A_1756 = arith.muli %add3A_1294, %mul3A_1755 : i32
      %swap3A_1757 = arith.constant 11 : i32
      %swap3A_1758 = arith.index_cast %swap3A_1757 : i32 to index
      %swap3A_1759 = arith.index_cast %mul3A_1756 : i32 to index
      %swap3A_1760 = tpu.vector_load %arg13[%swap3A_1758, %swap3A_1759] {strides = array<i32>} : memref<32x512xi32, #tpu.memory_space<vmem>>, vector<16xi32>,
      tpu.vector_store %arg13[%swap3A_1758, %swap3A_1759], %add3A_1754 {strides = array<i32>} : memref<32x512xi32, #tpu.memory_space<vmem>>, vector<16xi32>,
      %add3A_1761 = arith.constant 8000000 : i32
      %add3A_1762 = vector.broadcast %add3A_1761 : i32 to vector<16xi32>
      %add3A_1763 = arith.addi %shift_left3A_1637, %add3A_1762 : vector<16xi32>
      %add3A_1764 = arith.addi %add3A_1763, %and3A_1640 : vector<16xi32>
      %mul3A_1765 = arith.constant 16 : i32
      %mul3A_1766 = arith.muli %add3A_1294, %mul3A_1765 : i32
      %swap3A_1767 = arith.constant 12 : i32
      %swap3A_1768 = arith.index_cast %swap3A_1767 : i32 to index
      %swap3A_1769 = arith.index_cast %mul3A_1766 : i32 to index
      %swap3A_1770 = tpu.vector_load %arg13[%swap3A_1768, %swap3A_1769] {strides = array<i32>} : memref<32x512xi32, #tpu.memory_space<vmem>>, vector<16xi32>,
      tpu.vector_store %arg13[%swap3A_1768, %swap3A_1769], %add3A_1764 {strides = array<i32>} : memref<32x512xi32, #tpu.memory_space<vmem>>, vector<16xi32>,
      %add3A_1771 = arith.constant 8000128 : i32
      %add3A_1772 = vector.broadcast %add3A_1771 : i32 to vector<16xi32>
      %add3A_1773 = arith.addi %shift_left3A_1637, %add3A_1772 : vector<16xi32>
      %add3A_1774 = arith.addi %add3A_1773, %and3A_1640 : vector<16xi32>
      %mul3A_1775 = arith.constant 16 : i32
      %mul3A_1776 = arith.muli %add3A_1294, %mul3A_1775 : i32
      %swap3A_1777 = arith.constant 13 : i32
      %swap3A_1778 = arith.index_cast %swap3A_1777 : i32 to index
      %swap3A_1779 = arith.index_cast %mul3A_1776 : i32 to index
      %swap3A_1780 = tpu.vector_load %arg13[%swap3A_1778, %swap3A_1779] {strides = array<i32>} : memref<32x512xi32, #tpu.memory_space<vmem>>, vector<16xi32>,
      tpu.vector_store %arg13[%swap3A_1778, %swap3A_1779], %add3A_1774 {strides = array<i32>} : memref<32x512xi32, #tpu.memory_space<vmem>>, vector<16xi32>,
      %add3A_1781 = arith.constant 8000256 : i32
      %add3A_1782 = vector.broadcast %add3A_1781 : i32 to vector<16xi32>
      %add3A_1783 = arith.addi %shift_left3A_1637, %add3A_1782 : vector<16xi32>
      %add3A_1784 = arith.addi %add3A_1783, %and3A_1640 : vector<16xi32>
      %mul3A_1785 = arith.constant 16 : i32
      %mul3A_1786 = arith.muli %add3A_1294, %mul3A_1785 : i32
      %swap3A_1787 = arith.constant 14 : i32
      %swap3A_1788 = arith.index_cast %swap3A_1787 : i32 to index
      %swap3A_1789 = arith.index_cast %mul3A_1786 : i32 to index
      %swap3A_1790 = tpu.vector_load %arg13[%swap3A_1788, %swap3A_1789] {strides = array<i32>} : memref<32x512xi32, #tpu.memory_space<vmem>>, vector<16xi32>,
      tpu.vector_store %arg13[%swap3A_1788, %swap3A_1789], %add3A_1784 {strides = array<i32>} : memref<32x512xi32, #tpu.memory_space<vmem>>, vector<16xi32>,
      %add3A_1791 = arith.constant 8000384 : i32
      %add3A_1792 = vector.broadcast %add3A_1791 : i32 to vector<16xi32>
      %add3A_1793 = arith.addi %shift_left3A_1637, %add3A_1792 : vector<16xi32>
      %add3A_1794 = arith.addi %add3A_1793, %and3A_1640 : vector<16xi32>
      %mul3A_1795 = arith.constant 16 : i32
      %mul3A_1796 = arith.muli %add3A_1294, %mul3A_1795 : i32
      %swap3A_1797 = arith.constant 15 : i32
      %swap3A_1798 = arith.index_cast %swap3A_1797 : i32 to index
      %swap3A_1799 = arith.index_cast %mul3A_1796 : i32 to index
      %swap3A_1800 = tpu.vector_load %arg13[%swap3A_1798, %swap3A_1799] {strides = array<i32>} : memref<32x512xi32, #tpu.memory_space<vmem>>, vector<16xi32>,
      tpu.vector_store %arg13[%swap3A_1798, %swap3A_1799], %add3A_1794 {strides = array<i32>} : memref<32x512xi32, #tpu.memory_space<vmem>>, vector<16xi32>,
      %add3A_1801 = arith.constant 15998976 : i32
      %add3A_1802 = vector.broadcast %add3A_1801 : i32 to vector<16xi32>
      %add3A_1803 = arith.addi %shift_left3A_1637, %add3A_1802 : vector<16xi32>
      %add3A_1804 = arith.addi %add3A_1803, %and3A_1640 : vector<16xi32>
      %mul3A_1805 = arith.constant 16 : i32
      %mul3A_1806 = arith.muli %add3A_1294, %mul3A_1805 : i32
      %swap3A_1807 = arith.constant 16 : i32
      %swap3A_1808 = arith.index_cast %swap3A_1807 : i32 to index
      %swap3A_1809 = arith.index_cast %mul3A_1806 : i32 to index
      %swap3A_1810 = tpu.vector_load %arg13[%swap3A_1808, %swap3A_1809] {strides = array<i32>} : memref<32x512xi32, #tpu.memory_space<vmem>>, vector<16xi32>,
      tpu.vector_store %arg13[%swap3A_1808, %swap3A_1809], %add3A_1804 {strides = array<i32>} : memref<32x512xi32, #tpu.memory_space<vmem>>, vector<16xi32>,
      %add3A_1811 = arith.constant 15999104 : i32
      %add3A_1812 = vector.broadcast %add3A_1811 : i32 to vector<16xi32>
      %add3A_1813 = arith.addi %shift_left3A_1637, %add3A_1812 : vector<16xi32>
      %add3A_1814 = arith.addi %add3A_1813, %and3A_1640 : vector<16xi32>
      %mul3A_1815 = arith.constant 16 : i32
      %mul3A_1816 = arith.muli %add3A_1294, %mul3A_1815 : i32
      %swap3A_1817 = arith.constant 17 : i32
      %swap3A_1818 = arith.index_cast %swap3A_1817 : i32 to index
      %swap3A_1819 = arith.index_cast %mul3A_1816 : i32 to index
      %swap3A_1820 = tpu.vector_load %arg13[%swap3A_1818, %swap3A_1819] {strides = array<i32>} : memref<32x512xi32, #tpu.memory_space<vmem>>, vector<16xi32>,
      tpu.vector_store %arg13[%swap3A_1818, %swap3A_1819], %add3A_1814 {strides = array<i32>} : memref<32x512xi32, #tpu.memory_space<vmem>>, vector<16xi32>,
      %add3A_1821 = arith.constant 15999232 : i32
      %add3A_1822 = vector.broadcast %add3A_1821 : i32 to vector<16xi32>
      %add3A_1823 = arith.addi %shift_left3A_1637, %add3A_1822 : vector<16xi32>
      %add3A_1824 = arith.addi %add3A_1823, %and3A_1640 : vector<16xi32>
      %mul3A_1825 = arith.constant 16 : i32
      %mul3A_1826 = arith.muli %add3A_1294, %mul3A_1825 : i32
      %swap3A_1827 = arith.constant 18 : i32
      %swap3A_1828 = arith.index_cast %swap3A_1827 : i32 to index
      %swap3A_1829 = arith.index_cast %mul3A_1826 : i32 to index
      %swap3A_1830 = tpu.vector_load %arg13[%swap3A_1828, %swap3A_1829] {strides = array<i32>} : memref<32x512xi32, #tpu.memory_space<vmem>>, vector<16xi32>,
      tpu.vector_store %arg13[%swap3A_1828, %swap3A_1829], %add3A_1824 {strides = array<i32>} : memref<32x512xi32, #tpu.memory_space<vmem>>, vector<16xi32>,
      %add3A_1831 = arith.constant 15999360 : i32
      %add3A_1832 = vector.broadcast %add3A_1831 : i32 to vector<16xi32>
      %add3A_1833 = arith.addi %shift_left3A_1637, %add3A_1832 : vector<16xi32>
      %add3A_1834 = arith.addi %add3A_1833, %and3A_1640 : vector<16xi32>
      %mul3A_1835 = arith.constant 16 : i32
      %mul3A_1836 = arith.muli %add3A_1294, %mul3A_1835 : i32
      %swap3A_1837 = arith.constant 19 : i32
      %swap3A_1838 = arith.index_cast %swap3A_1837 : i32 to index
      %swap3A_1839 = arith.index_cast %mul3A_1836 : i32 to index
      %swap3A_1840 = tpu.vector_load %arg13[%swap3A_1838, %swap3A_1839] {strides = array<i32>} : memref<32x512xi32, #tpu.memory_space<vmem>>, vector<16xi32>,
      tpu.vector_store %arg13[%swap3A_1838, %swap3A_1839], %add3A_1834 {strides = array<i32>} : memref<32x512xi32, #tpu.memory_space<vmem>>, vector<16xi32>,
      %add3A_1841 = arith.constant 15999488 : i32
      %add3A_1842 = vector.broadcast %add3A_1841 : i32 to vector<16xi32>
      %add3A_1843 = arith.addi %shift_left3A_1637, %add3A_1842 : vector<16xi32>
      %add3A_1844 = arith.addi %add3A_1843, %and3A_1640 : vector<16xi32>
      %mul3A_1845 = arith.constant 16 : i32
      %mul3A_1846 = arith.muli %add3A_1294, %mul3A_1845 : i32
      %swap3A_1847 = arith.constant 20 : i32
      %swap3A_1848 = arith.index_cast %swap3A_1847 : i32 to index
      %swap3A_1849 = arith.index_cast %mul3A_1846 : i32 to index
      %swap3A_1850 = tpu.vector_load %arg13[%swap3A_1848, %swap3A_1849] {strides = array<i32>} : memref<32x512xi32, #tpu.memory_space<vmem>>, vector<16xi32>,
      tpu.vector_store %arg13[%swap3A_1848, %swap3A_1849], %add3A_1844 {strides = array<i32>} : memref<32x512xi32, #tpu.memory_space<vmem>>, vector<16xi32>,
      %add3A_1851 = arith.constant 15999616 : i32
      %add3A_1852 = vector.broadcast %add3A_1851 : i32 to vector<16xi32>
      %add3A_1853 = arith.addi %shift_left3A_1637, %add3A_1852 : vector<16xi32>
      %add3A_1854 = arith.addi %add3A_1853, %and3A_1640 : vector<16xi32>
      %mul3A_1855 = arith.constant 16 : i32
      %mul3A_1856 = arith.muli %add3A_1294, %mul3A_1855 : i32
      %swap3A_1857 = arith.constant 21 : i32
      %swap3A_1858 = arith.index_cast %swap3A_1857 : i32 to index
      %swap3A_1859 = arith.index_cast %mul3A_1856 : i32 to index
      %swap3A_1860 = tpu.vector_load %arg13[%swap3A_1858, %swap3A_1859] {strides = array<i32>} : memref<32x512xi32, #tpu.memory_space<vmem>>, vector<16xi32>,
      tpu.vector_store %arg13[%swap3A_1858, %swap3A_1859], %add3A_1854 {strides = array<i32>} : memref<32x512xi32, #tpu.memory_space<vmem>>, vector<16xi32>,
      %add3A_1861 = arith.constant 15999744 : i32
      %add3A_1862 = vector.broadcast %add3A_1861 : i32 to vector<16xi32>
      %add3A_1863 = arith.addi %shift_left3A_1637, %add3A_1862 : vector<16xi32>
      %add3A_1864 = arith.addi %add3A_1863, %and3A_1640 : vector<16xi32>
      %mul3A_1865 = arith.constant 16 : i32
      %mul3A_1866 = arith.muli %add3A_1294, %mul3A_1865 : i32
      %swap3A_1867 = arith.constant 22 : i32
      %swap3A_1868 = arith.index_cast %swap3A_1867 : i32 to index
      %swap3A_1869 = arith.index_cast %mul3A_1866 : i32 to index
      %swap3A_1870 = tpu.vector_load %arg13[%swap3A_1868, %swap3A_1869] {strides = array<i32>} : memref<32x512xi32, #tpu.memory_space<vmem>>, vector<16xi32>,
      tpu.vector_store %arg13[%swap3A_1868, %swap3A_1869], %add3A_1864 {strides = array<i32>} : memref<32x512xi32, #tpu.memory_space<vmem>>, vector<16xi32>,
      %add3A_1871 = arith.constant 15999872 : i32
      %add3A_1872 = vector.broadcast %add3A_1871 : i32 to vector<16xi32>
      %add3A_1873 = arith.addi %shift_left3A_1637, %add3A_1872 : vector<16xi32>
      %add3A_1874 = arith.addi %add3A_1873, %and3A_1640 : vector<16xi32>
      %mul3A_1875 = arith.constant 16 : i32
      %mul3A_1876 = arith.muli %add3A_1294, %mul3A_1875 : i32
      %swap3A_1877 = arith.constant 23 : i32
      %swap3A_1878 = arith.index_cast %swap3A_1877 : i32 to index
      %swap3A_1879 = arith.index_cast %mul3A_1876 : i32 to index
      %swap3A_1880 = tpu.vector_load %arg13[%swap3A_1878, %swap3A_1879] {strides = array<i32>} : memref<32x512xi32, #tpu.memory_space<vmem>>, vector<16xi32>,
      tpu.vector_store %arg13[%swap3A_1878, %swap3A_1879], %add3A_1874 {strides = array<i32>} : memref<32x512xi32, #tpu.memory_space<vmem>>, vector<16xi32>,
      %add3A_1881 = arith.constant 23998464 : i32
      %add3A_1882 = vector.broadcast %add3A_1881 : i32 to vector<16xi32>
      %add3A_1883 = arith.addi %shift_left3A_1637, %add3A_1882 : vector<16xi32>
      %add3A_1884 = arith.addi %add3A_1883, %and3A_1640 : vector<16xi32>
      %mul3A_1885 = arith.constant 16 : i32
      %mul3A_1886 = arith.muli %add3A_1294, %mul3A_1885 : i32
      %swap3A_1887 = arith.constant 24 : i32
      %swap3A_1888 = arith.index_cast %swap3A_1887 : i32 to index
      %swap3A_1889 = arith.index_cast %mul3A_1886 : i32 to index
      %swap3A_1890 = tpu.vector_load %arg13[%swap3A_1888, %swap3A_1889] {strides = array<i32>} : memref<32x512xi32, #tpu.memory_space<vmem>>, vector<16xi32>,
      tpu.vector_store %arg13[%swap3A_1888, %swap3A_1889], %add3A_1884 {strides = array<i32>} : memref<32x512xi32, #tpu.memory_space<vmem>>, vector<16xi32>,
      %add3A_1891 = arith.constant 23998592 : i32
      %add3A_1892 = vector.broadcast %add3A_1891 : i32 to vector<16xi32>
      %add3A_1893 = arith.addi %shift_left3A_1637, %add3A_1892 : vector<16xi32>
      %add3A_1894 = arith.addi %add3A_1893, %and3A_1640 : vector<16xi32>
      %mul3A_1895 = arith.constant 16 : i32
      %mul3A_1896 = arith.muli %add3A_1294, %mul3A_1895 : i32
      %swap3A_1897 = arith.constant 25 : i32
      %swap3A_1898 = arith.index_cast %swap3A_1897 : i32 to index
      %swap3A_1899 = arith.index_cast %mul3A_1896 : i32 to index
      %swap3A_1900 = tpu.vector_load %arg13[%swap3A_1898, %swap3A_1899] {strides = array<i32>} : memref<32x512xi32, #tpu.memory_space<vmem>>, vector<16xi32>,
      tpu.vector_store %arg13[%swap3A_1898, %swap3A_1899], %add3A_1894 {strides = array<i32>} : memref<32x512xi32, #tpu.memory_space<vmem>>, vector<16xi32>,
      %add3A_1901 = arith.constant 23998720 : i32
      %add3A_1902 = vector.broadcast %add3A_1901 : i32 to vector<16xi32>
      %add3A_1903 = arith.addi %shift_left3A_1637, %add3A_1902 : vector<16xi32>
      %add3A_1904 = arith.addi %add3A_1903, %and3A_1640 : vector<16xi32>
      %mul3A_1905 = arith.constant 16 : i32
      %mul3A_1906 = arith.muli %add3A_1294, %mul3A_1905 : i32
      %swap3A_1907 = arith.constant 26 : i32
      %swap3A_1908 = arith.index_cast %swap3A_1907 : i32 to index
      %swap3A_1909 = arith.index_cast %mul3A_1906 : i32 to index
      %swap3A_1910 = tpu.vector_load %arg13[%swap3A_1908, %swap3A_1909] {strides = array<i32>} : memref<32x512xi32, #tpu.memory_space<vmem>>, vector<16xi32>,
      tpu.vector_store %arg13[%swap3A_1908, %swap3A_1909], %add3A_1904 {strides = array<i32>} : memref<32x512xi32, #tpu.memory_space<vmem>>, vector<16xi32>,
      %add3A_1911 = arith.constant 23998848 : i32
      %add3A_1912 = vector.broadcast %add3A_1911 : i32 to vector<16xi32>
      %add3A_1913 = arith.addi %shift_left3A_1637, %add3A_1912 : vector<16xi32>
      %add3A_1914 = arith.addi %add3A_1913, %and3A_1640 : vector<16xi32>
      %mul3A_1915 = arith.constant 16 : i32
      %mul3A_1916 = arith.muli %add3A_1294, %mul3A_1915 : i32
      %swap3A_1917 = arith.constant 27 : i32
      %swap3A_1918 = arith.index_cast %swap3A_1917 : i32 to index
      %swap3A_1919 = arith.index_cast %mul3A_1916 : i32 to index
      %swap3A_1920 = tpu.vector_load %arg13[%swap3A_1918, %swap3A_1919] {strides = array<i32>} : memref<32x512xi32, #tpu.memory_space<vmem>>, vector<16xi32>,
      tpu.vector_store %arg13[%swap3A_1918, %swap3A_1919], %add3A_1914 {strides = array<i32>} : memref<32x512xi32, #tpu.memory_space<vmem>>, vector<16xi32>,
      %add3A_1921 = arith.constant 23998976 : i32
      %add3A_1922 = vector.broadcast %add3A_1921 : i32 to vector<16xi32>
      %add3A_1923 = arith.addi %shift_left3A_1637, %add3A_1922 : vector<16xi32>
      %add3A_1924 = arith.addi %add3A_1923, %and3A_1640 : vector<16xi32>
      %mul3A_1925 = arith.constant 16 : i32
      %mul3A_1926 = arith.muli %add3A_1294, %mul3A_1925 : i32
      %swap3A_1927 = arith.constant 28 : i32
      %swap3A_1928 = arith.index_cast %swap3A_1927 : i32 to index
      %swap3A_1929 = arith.index_cast %mul3A_1926 : i32 to index
      %swap3A_1930 = tpu.vector_load %arg13[%swap3A_1928, %swap3A_1929] {strides = array<i32>} : memref<32x512xi32, #tpu.memory_space<vmem>>, vector<16xi32>,
      tpu.vector_store %arg13[%swap3A_1928, %swap3A_1929], %add3A_1924 {strides = array<i32>} : memref<32x512xi32, #tpu.memory_space<vmem>>, vector<16xi32>,
      %add3A_1931 = arith.constant 23999104 : i32
      %add3A_1932 = vector.broadcast %add3A_1931 : i32 to vector<16xi32>
      %add3A_1933 = arith.addi %shift_left3A_1637, %add3A_1932 : vector<16xi32>
      %add3A_1934 = arith.addi %add3A_1933, %and3A_1640 : vector<16xi32>
      %mul3A_1935 = arith.constant 16 : i32
      %mul3A_1936 = arith.muli %add3A_1294, %mul3A_1935 : i32
      %swap3A_1937 = arith.constant 29 : i32
      %swap3A_1938 = arith.index_cast %swap3A_1937 : i32 to index
      %swap3A_1939 = arith.index_cast %mul3A_1936 : i32 to index
      %swap3A_1940 = tpu.vector_load %arg13[%swap3A_1938, %swap3A_1939] {strides = array<i32>} : memref<32x512xi32, #tpu.memory_space<vmem>>, vector<16xi32>,
      tpu.vector_store %arg13[%swap3A_1938, %swap3A_1939], %add3A_1934 {strides = array<i32>} : memref<32x512xi32, #tpu.memory_space<vmem>>, vector<16xi32>,
      %add3A_1941 = arith.constant 23999232 : i32
      %add3A_1942 = vector.broadcast %add3A_1941 : i32 to vector<16xi32>
      %add3A_1943 = arith.addi %shift_left3A_1637, %add3A_1942 : vector<16xi32>
      %add3A_1944 = arith.addi %add3A_1943, %and3A_1640 : vector<16xi32>
      %mul3A_1945 = arith.constant 16 : i32
      %mul3A_1946 = arith.muli %add3A_1294, %mul3A_1945 : i32
      %swap3A_1947 = arith.constant 30 : i32
      %swap3A_1948 = arith.index_cast %swap3A_1947 : i32 to index
      %swap3A_1949 = arith.index_cast %mul3A_1946 : i32 to index
      %swap3A_1950 = tpu.vector_load %arg13[%swap3A_1948, %swap3A_1949] {strides = array<i32>} : memref<32x512xi32, #tpu.memory_space<vmem>>, vector<16xi32>,
      tpu.vector_store %arg13[%swap3A_1948, %swap3A_1949], %add3A_1944 {strides = array<i32>} : memref<32x512xi32, #tpu.memory_space<vmem>>, vector<16xi32>,
      %add3A_1951 = arith.constant 23999360 : i32
      %add3A_1952 = vector.broadcast %add3A_1951 : i32 to vector<16xi32>
      %add3A_1953 = arith.addi %shift_left3A_1637, %add3A_1952 : vector<16xi32>
      %add3A_1954 = arith.addi %add3A_1953, %and3A_1640 : vector<16xi32>
      %mul3A_1955 = arith.constant 16 : i32
      %mul3A_1956 = arith.muli %add3A_1294, %mul3A_1955 : i32
      %swap3A_1957 = arith.constant 31 : i32
      %swap3A_1958 = arith.index_cast %swap3A_1957 : i32 to index
      %swap3A_1959 = arith.index_cast %mul3A_1956 : i32 to index
      %swap3A_1960 = tpu.vector_load %arg13[%swap3A_1958, %swap3A_1959] {strides = array<i32>} : memref<32x512xi32, #tpu.memory_space<vmem>>, vector<16xi32>,
      tpu.vector_store %arg13[%swap3A_1958, %swap3A_1959], %add3A_1954 {strides = array<i32>} : memref<32x512xi32, #tpu.memory_space<vmem>>, vector<16xi32>,
    }
    %scan3A_6 = arith.constant 32 : i32
    %dma_start3A = arith.constant 0 : i32
    %dma_start3A_7 = arith.constant 0 : i32
    %dma_start3A_8 = arith.constant 0 : i32
    %dma_start3A_9 = tpu.memref_slice %arg14[%dma_start3A_7, %dma_start3A_8] : memref<32x512xf32, #tpu.memory_space<vmem>> -> memref<1x512xf32, #tpu.memory_space<vmem>>
    %dma_start3A_10 = tpu.memref_squeeze %dma_start3A_9 : memref<1x512xf32, #tpu.memory_space<vmem>> -> memref<512xf32, #tpu.memory_space<vmem>>
    %dma_start3A_11 = arith.constant 0 : i32
    %dma_start3A_12 = tpu.memref_slice %arg12[%dma_start3A, %dma_start3A_11] : memref<32x512xi32, #tpu.memory_space<vmem>> -> memref<1x512xi32, #tpu.memory_space<vmem>>
    %dma_start3A_13 = tpu.memref_squeeze %dma_start3A_12 : memref<1x512xi32, #tpu.memory_space<vmem>> -> memref<512xi32, #tpu.memory_space<vmem>>
    %dma_start3A_14 = arith.constant 0 : i32
    %dma_start3A_15 = tpu.memref_slice %arg4[%dma_start3A_14] : memref<31997952xf32, #tpu.memory_space<hbm>> -> memref<31997952xf32, #tpu.memory_space<hbm>>
    tpu.enqueue_indirect_dma source(%dma_start3A_15 : memref<31997952xf32, #tpu.memory_space<hbm>>) target(%dma_start3A_10 : memref<512xf32, #tpu.memory_space<vmem>>) offsets(%dma_start3A_13 : memref<512xi32, #tpu.memory_space<vmem>>) semaphore(%arg18 : memref<!tpu.dma_semaphore, #tpu.memory_space<semaphore_mem>>)
    %dma_start3A_16 = arith.constant 0 : i32
    %dma_start3A_17 = arith.constant 0 : i32
    %dma_start3A_18 = arith.constant 0 : i32
    %dma_start3A_19 = tpu.memref_slice %arg15[%dma_start3A_17, %dma_start3A_18] : memref<32x512xf32, #tpu.memory_space<vmem>> -> memref<1x512xf32, #tpu.memory_space<vmem>>
    %dma_start3A_20 = tpu.memref_squeeze %dma_start3A_19 : memref<1x512xf32, #tpu.memory_space<vmem>> -> memref<512xf32, #tpu.memory_space<vmem>>
    %dma_start3A_21 = arith.constant 0 : i32
    %dma_start3A_22 = tpu.memref_slice %arg13[%dma_start3A_16, %dma_start3A_21] : memref<32x512xi32, #tpu.memory_space<vmem>> -> memref<1x512xi32, #tpu.memory_space<vmem>>
    %dma_start3A_23 = tpu.memref_squeeze %dma_start3A_22 : memref<1x512xi32, #tpu.memory_space<vmem>> -> memref<512xi32, #tpu.memory_space<vmem>>
    %dma_start3A_24 = arith.constant 0 : i32
    %dma_start3A_25 = tpu.memref_slice %arg5[%dma_start3A_24] : memref<31997952xf32, #tpu.memory_space<hbm>> -> memref<31997952xf32, #tpu.memory_space<hbm>>
    tpu.enqueue_indirect_dma source(%dma_start3A_25 : memref<31997952xf32, #tpu.memory_space<hbm>>) target(%dma_start3A_20 : memref<512xf32, #tpu.memory_space<vmem>>) offsets(%dma_start3A_23 : memref<512xi32, #tpu.memory_space<vmem>>) semaphore(%arg19 : memref<!tpu.dma_semaphore, #tpu.memory_space<semaphore_mem>>)
    %dma_start3A_26 = arith.constant 1 : i32
    %dma_start3A_27 = arith.constant 1 : i32
    %dma_start3A_28 = arith.constant 0 : i32
    %dma_start3A_29 = tpu.memref_slice %arg14[%dma_start3A_27, %dma_start3A_28] : memref<32x512xf32, #tpu.memory_space<vmem>> -> memref<1x512xf32, #tpu.memory_space<vmem>>
    %dma_start3A_30 = tpu.memref_squeeze %dma_start3A_29 : memref<1x512xf32, #tpu.memory_space<vmem>> -> memref<512xf32, #tpu.memory_space<vmem>>
    %dma_start3A_31 = arith.constant 0 : i32
    %dma_start3A_32 = tpu.memref_slice %arg12[%dma_start3A_26, %dma_start3A_31] : memref<32x512xi32, #tpu.memory_space<vmem>> -> memref<1x512xi32, #tpu.memory_space<vmem>>
    %dma_start3A_33 = tpu.memref_squeeze %dma_start3A_32 : memref<1x512xi32, #tpu.memory_space<vmem>> -> memref<512xi32, #tpu.memory_space<vmem>>
    %dma_start3A_34 = arith.constant 0 : i32
    %dma_start3A_35 = tpu.memref_slice %arg4[%dma_start3A_34] : memref<31997952xf32, #tpu.memory_space<hbm>> -> memref<31997952xf32, #tpu.memory_space<hbm>>
    tpu.enqueue_indirect_dma source(%dma_start3A_35 : memref<31997952xf32, #tpu.memory_space<hbm>>) target(%dma_start3A_30 : memref<512xf32, #tpu.memory_space<vmem>>) offsets(%dma_start3A_33 : memref<512xi32, #tpu.memory_space<vmem>>) semaphore(%arg18 : memref<!tpu.dma_semaphore, #tpu.memory_space<semaphore_mem>>)
    %dma_start3A_36 = arith.constant 1 : i32
    %dma_start3A_37 = arith.constant 1 : i32
    %dma_start3A_38 = arith.constant 0 : i32
    %dma_start3A_39 = tpu.memref_slice %arg15[%dma_start3A_37, %dma_start3A_38] : memref<32x512xf32, #tpu.memory_space<vmem>> -> memref<1x512xf32, #tpu.memory_space<vmem>>
    %dma_start3A_40 = tpu.memref_squeeze %dma_start3A_39 : memref<1x512xf32, #tpu.memory_space<vmem>> -> memref<512xf32, #tpu.memory_space<vmem>>
    %dma_start3A_41 = arith.constant 0 : i32
    %dma_start3A_42 = tpu.memref_slice %arg13[%dma_start3A_36, %dma_start3A_41] : memref<32x512xi32, #tpu.memory_space<vmem>> -> memref<1x512xi32, #tpu.memory_space<vmem>>
    %dma_start3A_43 = tpu.memref_squeeze %dma_start3A_42 : memref<1x512xi32, #tpu.memory_space<vmem>> -> memref<512xi32, #tpu.memory_space<vmem>>
    %dma_start3A_44 = arith.constant 0 : i32
    %dma_start3A_45 = tpu.memref_slice %arg5[%dma_start3A_44] : memref<31997952xf32, #tpu.memory_space<hbm>> -> memref<31997952xf32, #tpu.memory_space<hbm>>
    tpu.enqueue_indirect_dma source(%dma_start3A_45 : memref<31997952xf32, #tpu.memory_space<hbm>>) target(%dma_start3A_40 : memref<512xf32, #tpu.memory_space<vmem>>) offsets(%dma_start3A_43 : memref<512xi32, #tpu.memory_space<vmem>>) semaphore(%arg19 : memref<!tpu.dma_semaphore, #tpu.memory_space<semaphore_mem>>)
    %dma_start3A_46 = arith.constant 2 : i32
    %dma_start3A_47 = arith.constant 2 : i32
    %dma_start3A_48 = arith.constant 0 : i32
    %dma_start3A_49 = tpu.memref_slice %arg14[%dma_start3A_47, %dma_start3A_48] : memref<32x512xf32, #tpu.memory_space<vmem>> -> memref<1x512xf32, #tpu.memory_space<vmem>>
    %dma_start3A_50 = tpu.memref_squeeze %dma_start3A_49 : memref<1x512xf32, #tpu.memory_space<vmem>> -> memref<512xf32, #tpu.memory_space<vmem>>
    %dma_start3A_51 = arith.constant 0 : i32
    %dma_start3A_52 = tpu.memref_slice %arg12[%dma_start3A_46, %dma_start3A_51] : memref<32x512xi32, #tpu.memory_space<vmem>> -> memref<1x512xi32, #tpu.memory_space<vmem>>
    %dma_start3A_53 = tpu.memref_squeeze %dma_start3A_52 : memref<1x512xi32, #tpu.memory_space<vmem>> -> memref<512xi32, #tpu.memory_space<vmem>>
    %dma_start3A_54 = arith.constant 0 : i32
    %dma_start3A_55 = tpu.memref_slice %arg4[%dma_start3A_54] : memref<31997952xf32, #tpu.memory_space<hbm>> -> memref<31997952xf32, #tpu.memory_space<hbm>>
    tpu.enqueue_indirect_dma source(%dma_start3A_55 : memref<31997952xf32, #tpu.memory_space<hbm>>) target(%dma_start3A_50 : memref<512xf32, #tpu.memory_space<vmem>>) offsets(%dma_start3A_53 : memref<512xi32, #tpu.memory_space<vmem>>) semaphore(%arg18 : memref<!tpu.dma_semaphore, #tpu.memory_space<semaphore_mem>>)
    %dma_start3A_56 = arith.constant 2 : i32
    %dma_start3A_57 = arith.constant 2 : i32
    %dma_start3A_58 = arith.constant 0 : i32
    %dma_start3A_59 = tpu.memref_slice %arg15[%dma_start3A_57, %dma_start3A_58] : memref<32x512xf32, #tpu.memory_space<vmem>> -> memref<1x512xf32, #tpu.memory_space<vmem>>
    %dma_start3A_60 = tpu.memref_squeeze %dma_start3A_59 : memref<1x512xf32, #tpu.memory_space<vmem>> -> memref<512xf32, #tpu.memory_space<vmem>>
    %dma_start3A_61 = arith.constant 0 : i32
    %dma_start3A_62 = tpu.memref_slice %arg13[%dma_start3A_56, %dma_start3A_61] : memref<32x512xi32, #tpu.memory_space<vmem>> -> memref<1x512xi32, #tpu.memory_space<vmem>>
    %dma_start3A_63 = tpu.memref_squeeze %dma_start3A_62 : memref<1x512xi32, #tpu.memory_space<vmem>> -> memref<512xi32, #tpu.memory_space<vmem>>
    %dma_start3A_64 = arith.constant 0 : i32
    %dma_start3A_65 = tpu.memref_slice %arg5[%dma_start3A_64] : memref<31997952xf32, #tpu.memory_space<hbm>> -> memref<31997952xf32, #tpu.memory_space<hbm>>
    tpu.enqueue_indirect_dma source(%dma_start3A_65 : memref<31997952xf32, #tpu.memory_space<hbm>>) target(%dma_start3A_60 : memref<512xf32, #tpu.memory_space<vmem>>) offsets(%dma_start3A_63 : memref<512xi32, #tpu.memory_space<vmem>>) semaphore(%arg19 : memref<!tpu.dma_semaphore, #tpu.memory_space<semaphore_mem>>)
    %dma_start3A_66 = arith.constant 3 : i32
    %dma_start3A_67 = arith.constant 3 : i32
    %dma_start3A_68 = arith.constant 0 : i32
    %dma_start3A_69 = tpu.memref_slice %arg14[%dma_start3A_67, %dma_start3A_68] : memref<32x512xf32, #tpu.memory_space<vmem>> -> memref<1x512xf32, #tpu.memory_space<vmem>>
    %dma_start3A_70 = tpu.memref_squeeze %dma_start3A_69 : memref<1x512xf32, #tpu.memory_space<vmem>> -> memref<512xf32, #tpu.memory_space<vmem>>
    %dma_start3A_71 = arith.constant 0 : i32
    %dma_start3A_72 = tpu.memref_slice %arg12[%dma_start3A_66, %dma_start3A_71] : memref<32x512xi32, #tpu.memory_space<vmem>> -> memref<1x512xi32, #tpu.memory_space<vmem>>
    %dma_start3A_73 = tpu.memref_squeeze %dma_start3A_72 : memref<1x512xi32, #tpu.memory_space<vmem>> -> memref<512xi32, #tpu.memory_space<vmem>>
    %dma_start3A_74 = arith.constant 0 : i32
    %dma_start3A_75 = tpu.memref_slice %arg4[%dma_start3A_74] : memref<31997952xf32, #tpu.memory_space<hbm>> -> memref<31997952xf32, #tpu.memory_space<hbm>>
    tpu.enqueue_indirect_dma source(%dma_start3A_75 : memref<31997952xf32, #tpu.memory_space<hbm>>) target(%dma_start3A_70 : memref<512xf32, #tpu.memory_space<vmem>>) offsets(%dma_start3A_73 : memref<512xi32, #tpu.memory_space<vmem>>) semaphore(%arg18 : memref<!tpu.dma_semaphore, #tpu.memory_space<semaphore_mem>>)
    %dma_start3A_76 = arith.constant 3 : i32
    %dma_start3A_77 = arith.constant 3 : i32
    %dma_start3A_78 = arith.constant 0 : i32
    %dma_start3A_79 = tpu.memref_slice %arg15[%dma_start3A_77, %dma_start3A_78] : memref<32x512xf32, #tpu.memory_space<vmem>> -> memref<1x512xf32, #tpu.memory_space<vmem>>
    %dma_start3A_80 = tpu.memref_squeeze %dma_start3A_79 : memref<1x512xf32, #tpu.memory_space<vmem>> -> memref<512xf32, #tpu.memory_space<vmem>>
    %dma_start3A_81 = arith.constant 0 : i32
    %dma_start3A_82 = tpu.memref_slice %arg13[%dma_start3A_76, %dma_start3A_81] : memref<32x512xi32, #tpu.memory_space<vmem>> -> memref<1x512xi32, #tpu.memory_space<vmem>>
    %dma_start3A_83 = tpu.memref_squeeze %dma_start3A_82 : memref<1x512xi32, #tpu.memory_space<vmem>> -> memref<512xi32, #tpu.memory_space<vmem>>
    %dma_start3A_84 = arith.constant 0 : i32
    %dma_start3A_85 = tpu.memref_slice %arg5[%dma_start3A_84] : memref<31997952xf32, #tpu.memory_space<hbm>> -> memref<31997952xf32, #tpu.memory_space<hbm>>
    tpu.enqueue_indirect_dma source(%dma_start3A_85 : memref<31997952xf32, #tpu.memory_space<hbm>>) target(%dma_start3A_80 : memref<512xf32, #tpu.memory_space<vmem>>) offsets(%dma_start3A_83 : memref<512xi32, #tpu.memory_space<vmem>>) semaphore(%arg19 : memref<!tpu.dma_semaphore, #tpu.memory_space<semaphore_mem>>)
    %dma_start3A_86 = arith.constant 4 : i32
    %dma_start3A_87 = arith.constant 4 : i32
    %dma_start3A_88 = arith.constant 0 : i32
    %dma_start3A_89 = tpu.memref_slice %arg14[%dma_start3A_87, %dma_start3A_88] : memref<32x512xf32, #tpu.memory_space<vmem>> -> memref<1x512xf32, #tpu.memory_space<vmem>>
    %dma_start3A_90 = tpu.memref_squeeze %dma_start3A_89 : memref<1x512xf32, #tpu.memory_space<vmem>> -> memref<512xf32, #tpu.memory_space<vmem>>
    %dma_start3A_91 = arith.constant 0 : i32
    %dma_start3A_92 = tpu.memref_slice %arg12[%dma_start3A_86, %dma_start3A_91] : memref<32x512xi32, #tpu.memory_space<vmem>> -> memref<1x512xi32, #tpu.memory_space<vmem>>
    %dma_start3A_93 = tpu.memref_squeeze %dma_start3A_92 : memref<1x512xi32, #tpu.memory_space<vmem>> -> memref<512xi32, #tpu.memory_space<vmem>>
    %dma_start3A_94 = arith.constant 0 : i32
    %dma_start3A_95 = tpu.memref_slice %arg4[%dma_start3A_94] : memref<31997952xf32, #tpu.memory_space<hbm>> -> memref<31997952xf32, #tpu.memory_space<hbm>>
    tpu.enqueue_indirect_dma source(%dma_start3A_95 : memref<31997952xf32, #tpu.memory_space<hbm>>) target(%dma_start3A_90 : memref<512xf32, #tpu.memory_space<vmem>>) offsets(%dma_start3A_93 : memref<512xi32, #tpu.memory_space<vmem>>) semaphore(%arg18 : memref<!tpu.dma_semaphore, #tpu.memory_space<semaphore_mem>>)
    %dma_start3A_96 = arith.constant 4 : i32
    %dma_start3A_97 = arith.constant 4 : i32
    %dma_start3A_98 = arith.constant 0 : i32
    %dma_start3A_99 = tpu.memref_slice %arg15[%dma_start3A_97, %dma_start3A_98] : memref<32x512xf32, #tpu.memory_space<vmem>> -> memref<1x512xf32, #tpu.memory_space<vmem>>
    %dma_start3A_100 = tpu.memref_squeeze %dma_start3A_99 : memref<1x512xf32, #tpu.memory_space<vmem>> -> memref<512xf32, #tpu.memory_space<vmem>>
    %dma_start3A_101 = arith.constant 0 : i32
    %dma_start3A_102 = tpu.memref_slice %arg13[%dma_start3A_96, %dma_start3A_101] : memref<32x512xi32, #tpu.memory_space<vmem>> -> memref<1x512xi32, #tpu.memory_space<vmem>>
    %dma_start3A_103 = tpu.memref_squeeze %dma_start3A_102 : memref<1x512xi32, #tpu.memory_space<vmem>> -> memref<512xi32, #tpu.memory_space<vmem>>
    %dma_start3A_104 = arith.constant 0 : i32
    %dma_start3A_105 = tpu.memref_slice %arg5[%dma_start3A_104] : memref<31997952xf32, #tpu.memory_space<hbm>> -> memref<31997952xf32, #tpu.memory_space<hbm>>
    tpu.enqueue_indirect_dma source(%dma_start3A_105 : memref<31997952xf32, #tpu.memory_space<hbm>>) target(%dma_start3A_100 : memref<512xf32, #tpu.memory_space<vmem>>) offsets(%dma_start3A_103 : memref<512xi32, #tpu.memory_space<vmem>>) semaphore(%arg19 : memref<!tpu.dma_semaphore, #tpu.memory_space<semaphore_mem>>)
    %dma_start3A_106 = arith.constant 5 : i32
    %dma_start3A_107 = arith.constant 5 : i32
    %dma_start3A_108 = arith.constant 0 : i32
    %dma_start3A_109 = tpu.memref_slice %arg14[%dma_start3A_107, %dma_start3A_108] : memref<32x512xf32, #tpu.memory_space<vmem>> -> memref<1x512xf32, #tpu.memory_space<vmem>>
    %dma_start3A_110 = tpu.memref_squeeze %dma_start3A_109 : memref<1x512xf32, #tpu.memory_space<vmem>> -> memref<512xf32, #tpu.memory_space<vmem>>
    %dma_start3A_111 = arith.constant 0 : i32
    %dma_start3A_112 = tpu.memref_slice %arg12[%dma_start3A_106, %dma_start3A_111] : memref<32x512xi32, #tpu.memory_space<vmem>> -> memref<1x512xi32, #tpu.memory_space<vmem>>
    %dma_start3A_113 = tpu.memref_squeeze %dma_start3A_112 : memref<1x512xi32, #tpu.memory_space<vmem>> -> memref<512xi32, #tpu.memory_space<vmem>>
    %dma_start3A_114 = arith.constant 0 : i32
    %dma_start3A_115 = tpu.memref_slice %arg4[%dma_start3A_114] : memref<31997952xf32, #tpu.memory_space<hbm>> -> memref<31997952xf32, #tpu.memory_space<hbm>>
    tpu.enqueue_indirect_dma source(%dma_start3A_115 : memref<31997952xf32, #tpu.memory_space<hbm>>) target(%dma_start3A_110 : memref<512xf32, #tpu.memory_space<vmem>>) offsets(%dma_start3A_113 : memref<512xi32, #tpu.memory_space<vmem>>) semaphore(%arg18 : memref<!tpu.dma_semaphore, #tpu.memory_space<semaphore_mem>>)
    %dma_start3A_116 = arith.constant 5 : i32
    %dma_start3A_117 = arith.constant 5 : i32
    %dma_start3A_118 = arith.constant 0 : i32
    %dma_start3A_119 = tpu.memref_slice %arg15[%dma_start3A_117, %dma_start3A_118] : memref<32x512xf32, #tpu.memory_space<vmem>> -> memref<1x512xf32, #tpu.memory_space<vmem>>
    %dma_start3A_120 = tpu.memref_squeeze %dma_start3A_119 : memref<1x512xf32, #tpu.memory_space<vmem>> -> memref<512xf32, #tpu.memory_space<vmem>>
    %dma_start3A_121 = arith.constant 0 : i32
    %dma_start3A_122 = tpu.memref_slice %arg13[%dma_start3A_116, %dma_start3A_121] : memref<32x512xi32, #tpu.memory_space<vmem>> -> memref<1x512xi32, #tpu.memory_space<vmem>>
    %dma_start3A_123 = tpu.memref_squeeze %dma_start3A_122 : memref<1x512xi32, #tpu.memory_space<vmem>> -> memref<512xi32, #tpu.memory_space<vmem>>
    %dma_start3A_124 = arith.constant 0 : i32
    %dma_start3A_125 = tpu.memref_slice %arg5[%dma_start3A_124] : memref<31997952xf32, #tpu.memory_space<hbm>> -> memref<31997952xf32, #tpu.memory_space<hbm>>
    tpu.enqueue_indirect_dma source(%dma_start3A_125 : memref<31997952xf32, #tpu.memory_space<hbm>>) target(%dma_start3A_120 : memref<512xf32, #tpu.memory_space<vmem>>) offsets(%dma_start3A_123 : memref<512xi32, #tpu.memory_space<vmem>>) semaphore(%arg19 : memref<!tpu.dma_semaphore, #tpu.memory_space<semaphore_mem>>)
    %dma_start3A_126 = arith.constant 6 : i32
    %dma_start3A_127 = arith.constant 6 : i32
    %dma_start3A_128 = arith.constant 0 : i32
    %dma_start3A_129 = tpu.memref_slice %arg14[%dma_start3A_127, %dma_start3A_128] : memref<32x512xf32, #tpu.memory_space<vmem>> -> memref<1x512xf32, #tpu.memory_space<vmem>>
    %dma_start3A_130 = tpu.memref_squeeze %dma_start3A_129 : memref<1x512xf32, #tpu.memory_space<vmem>> -> memref<512xf32, #tpu.memory_space<vmem>>
    %dma_start3A_131 = arith.constant 0 : i32
    %dma_start3A_132 = tpu.memref_slice %arg12[%dma_start3A_126, %dma_start3A_131] : memref<32x512xi32, #tpu.memory_space<vmem>> -> memref<1x512xi32, #tpu.memory_space<vmem>>
    %dma_start3A_133 = tpu.memref_squeeze %dma_start3A_132 : memref<1x512xi32, #tpu.memory_space<vmem>> -> memref<512xi32, #tpu.memory_space<vmem>>
    %dma_start3A_134 = arith.constant 0 : i32
    %dma_start3A_135 = tpu.memref_slice %arg4[%dma_start3A_134] : memref<31997952xf32, #tpu.memory_space<hbm>> -> memref<31997952xf32, #tpu.memory_space<hbm>>
    tpu.enqueue_indirect_dma source(%dma_start3A_135 : memref<31997952xf32, #tpu.memory_space<hbm>>) target(%dma_start3A_130 : memref<512xf32, #tpu.memory_space<vmem>>) offsets(%dma_start3A_133 : memref<512xi32, #tpu.memory_space<vmem>>) semaphore(%arg18 : memref<!tpu.dma_semaphore, #tpu.memory_space<semaphore_mem>>)
    %dma_start3A_136 = arith.constant 6 : i32
    %dma_start3A_137 = arith.constant 6 : i32
    %dma_start3A_138 = arith.constant 0 : i32
    %dma_start3A_139 = tpu.memref_slice %arg15[%dma_start3A_137, %dma_start3A_138] : memref<32x512xf32, #tpu.memory_space<vmem>> -> memref<1x512xf32, #tpu.memory_space<vmem>>
    %dma_start3A_140 = tpu.memref_squeeze %dma_start3A_139 : memref<1x512xf32, #tpu.memory_space<vmem>> -> memref<512xf32, #tpu.memory_space<vmem>>
    %dma_start3A_141 = arith.constant 0 : i32
    %dma_start3A_142 = tpu.memref_slice %arg13[%dma_start3A_136, %dma_start3A_141] : memref<32x512xi32, #tpu.memory_space<vmem>> -> memref<1x512xi32, #tpu.memory_space<vmem>>
    %dma_start3A_143 = tpu.memref_squeeze %dma_start3A_142 : memref<1x512xi32, #tpu.memory_space<vmem>> -> memref<512xi32, #tpu.memory_space<vmem>>
    %dma_start3A_144 = arith.constant 0 : i32
    %dma_start3A_145 = tpu.memref_slice %arg5[%dma_start3A_144] : memref<31997952xf32, #tpu.memory_space<hbm>> -> memref<31997952xf32, #tpu.memory_space<hbm>>
    tpu.enqueue_indirect_dma source(%dma_start3A_145 : memref<31997952xf32, #tpu.memory_space<hbm>>) target(%dma_start3A_140 : memref<512xf32, #tpu.memory_space<vmem>>) offsets(%dma_start3A_143 : memref<512xi32, #tpu.memory_space<vmem>>) semaphore(%arg19 : memref<!tpu.dma_semaphore, #tpu.memory_space<semaphore_mem>>)
    %dma_start3A_146 = arith.constant 7 : i32
    %dma_start3A_147 = arith.constant 7 : i32
    %dma_start3A_148 = arith.constant 0 : i32
    %dma_start3A_149 = tpu.memref_slice %arg14[%dma_start3A_147, %dma_start3A_148] : memref<32x512xf32, #tpu.memory_space<vmem>> -> memref<1x512xf32, #tpu.memory_space<vmem>>
    %dma_start3A_150 = tpu.memref_squeeze %dma_start3A_149 : memref<1x512xf32, #tpu.memory_space<vmem>> -> memref<512xf32, #tpu.memory_space<vmem>>
    %dma_start3A_151 = arith.constant 0 : i32
    %dma_start3A_152 = tpu.memref_slice %arg12[%dma_start3A_146, %dma_start3A_151] : memref<32x512xi32, #tpu.memory_space<vmem>> -> memref<1x512xi32, #tpu.memory_space<vmem>>
    %dma_start3A_153 = tpu.memref_squeeze %dma_start3A_152 : memref<1x512xi32, #tpu.memory_space<vmem>> -> memref<512xi32, #tpu.memory_space<vmem>>
    %dma_start3A_154 = arith.constant 0 : i32
    %dma_start3A_155 = tpu.memref_slice %arg4[%dma_start3A_154] : memref<31997952xf32, #tpu.memory_space<hbm>> -> memref<31997952xf32, #tpu.memory_space<hbm>>
    tpu.enqueue_indirect_dma source(%dma_start3A_155 : memref<31997952xf32, #tpu.memory_space<hbm>>) target(%dma_start3A_150 : memref<512xf32, #tpu.memory_space<vmem>>) offsets(%dma_start3A_153 : memref<512xi32, #tpu.memory_space<vmem>>) semaphore(%arg18 : memref<!tpu.dma_semaphore, #tpu.memory_space<semaphore_mem>>)
    %dma_start3A_156 = arith.constant 7 : i32
    %dma_start3A_157 = arith.constant 7 : i32
    %dma_start3A_158 = arith.constant 0 : i32
    %dma_start3A_159 = tpu.memref_slice %arg15[%dma_start3A_157, %dma_start3A_158] : memref<32x512xf32, #tpu.memory_space<vmem>> -> memref<1x512xf32, #tpu.memory_space<vmem>>
    %dma_start3A_160 = tpu.memref_squeeze %dma_start3A_159 : memref<1x512xf32, #tpu.memory_space<vmem>> -> memref<512xf32, #tpu.memory_space<vmem>>
    %dma_start3A_161 = arith.constant 0 : i32
    %dma_start3A_162 = tpu.memref_slice %arg13[%dma_start3A_156, %dma_start3A_161] : memref<32x512xi32, #tpu.memory_space<vmem>> -> memref<1x512xi32, #tpu.memory_space<vmem>>
    %dma_start3A_163 = tpu.memref_squeeze %dma_start3A_162 : memref<1x512xi32, #tpu.memory_space<vmem>> -> memref<512xi32, #tpu.memory_space<vmem>>
    %dma_start3A_164 = arith.constant 0 : i32
    %dma_start3A_165 = tpu.memref_slice %arg5[%dma_start3A_164] : memref<31997952xf32, #tpu.memory_space<hbm>> -> memref<31997952xf32, #tpu.memory_space<hbm>>
    tpu.enqueue_indirect_dma source(%dma_start3A_165 : memref<31997952xf32, #tpu.memory_space<hbm>>) target(%dma_start3A_160 : memref<512xf32, #tpu.memory_space<vmem>>) offsets(%dma_start3A_163 : memref<512xi32, #tpu.memory_space<vmem>>) semaphore(%arg19 : memref<!tpu.dma_semaphore, #tpu.memory_space<semaphore_mem>>)
    %dma_start3A_166 = arith.constant 8 : i32
    %dma_start3A_167 = arith.constant 8 : i32
    %dma_start3A_168 = arith.constant 0 : i32
    %dma_start3A_169 = tpu.memref_slice %arg14[%dma_start3A_167, %dma_start3A_168] : memref<32x512xf32, #tpu.memory_space<vmem>> -> memref<1x512xf32, #tpu.memory_space<vmem>>
    %dma_start3A_170 = tpu.memref_squeeze %dma_start3A_169 : memref<1x512xf32, #tpu.memory_space<vmem>> -> memref<512xf32, #tpu.memory_space<vmem>>
    %dma_start3A_171 = arith.constant 0 : i32
    %dma_start3A_172 = tpu.memref_slice %arg12[%dma_start3A_166, %dma_start3A_171] : memref<32x512xi32, #tpu.memory_space<vmem>> -> memref<1x512xi32, #tpu.memory_space<vmem>>
    %dma_start3A_173 = tpu.memref_squeeze %dma_start3A_172 : memref<1x512xi32, #tpu.memory_space<vmem>> -> memref<512xi32, #tpu.memory_space<vmem>>
    %dma_start3A_174 = arith.constant 0 : i32
    %dma_start3A_175 = tpu.memref_slice %arg4[%dma_start3A_174] : memref<31997952xf32, #tpu.memory_space<hbm>> -> memref<31997952xf32, #tpu.memory_space<hbm>>
    tpu.enqueue_indirect_dma source(%dma_start3A_175 : memref<31997952xf32, #tpu.memory_space<hbm>>) target(%dma_start3A_170 : memref<512xf32, #tpu.memory_space<vmem>>) offsets(%dma_start3A_173 : memref<512xi32, #tpu.memory_space<vmem>>) semaphore(%arg18 : memref<!tpu.dma_semaphore, #tpu.memory_space<semaphore_mem>>)
    %dma_start3A_176 = arith.constant 8 : i32
    %dma_start3A_177 = arith.constant 8 : i32
    %dma_start3A_178 = arith.constant 0 : i32
    %dma_start3A_179 = tpu.memref_slice %arg15[%dma_start3A_177, %dma_start3A_178] : memref<32x512xf32, #tpu.memory_space<vmem>> -> memref<1x512xf32, #tpu.memory_space<vmem>>
    %dma_start3A_180 = tpu.memref_squeeze %dma_start3A_179 : memref<1x512xf32, #tpu.memory_space<vmem>> -> memref<512xf32, #tpu.memory_space<vmem>>
    %dma_start3A_181 = arith.constant 0 : i32
    %dma_start3A_182 = tpu.memref_slice %arg13[%dma_start3A_176, %dma_start3A_181] : memref<32x512xi32, #tpu.memory_space<vmem>> -> memref<1x512xi32, #tpu.memory_space<vmem>>
    %dma_start3A_183 = tpu.memref_squeeze %dma_start3A_182 : memref<1x512xi32, #tpu.memory_space<vmem>> -> memref<512xi32, #tpu.memory_space<vmem>>
    %dma_start3A_184 = arith.constant 0 : i32
    %dma_start3A_185 = tpu.memref_slice %arg5[%dma_start3A_184] : memref<31997952xf32, #tpu.memory_space<hbm>> -> memref<31997952xf32, #tpu.memory_space<hbm>>
    tpu.enqueue_indirect_dma source(%dma_start3A_185 : memref<31997952xf32, #tpu.memory_space<hbm>>) target(%dma_start3A_180 : memref<512xf32, #tpu.memory_space<vmem>>) offsets(%dma_start3A_183 : memref<512xi32, #tpu.memory_space<vmem>>) semaphore(%arg19 : memref<!tpu.dma_semaphore, #tpu.memory_space<semaphore_mem>>)
    %dma_start3A_186 = arith.constant 9 : i32
    %dma_start3A_187 = arith.constant 9 : i32
    %dma_start3A_188 = arith.constant 0 : i32
    %dma_start3A_189 = tpu.memref_slice %arg14[%dma_start3A_187, %dma_start3A_188] : memref<32x512xf32, #tpu.memory_space<vmem>> -> memref<1x512xf32, #tpu.memory_space<vmem>>
    %dma_start3A_190 = tpu.memref_squeeze %dma_start3A_189 : memref<1x512xf32, #tpu.memory_space<vmem>> -> memref<512xf32, #tpu.memory_space<vmem>>
    %dma_start3A_191 = arith.constant 0 : i32
    %dma_start3A_192 = tpu.memref_slice %arg12[%dma_start3A_186, %dma_start3A_191] : memref<32x512xi32, #tpu.memory_space<vmem>> -> memref<1x512xi32, #tpu.memory_space<vmem>>
    %dma_start3A_193 = tpu.memref_squeeze %dma_start3A_192 : memref<1x512xi32, #tpu.memory_space<vmem>> -> memref<512xi32, #tpu.memory_space<vmem>>
    %dma_start3A_194 = arith.constant 0 : i32
    %dma_start3A_195 = tpu.memref_slice %arg4[%dma_start3A_194] : memref<31997952xf32, #tpu.memory_space<hbm>> -> memref<31997952xf32, #tpu.memory_space<hbm>>
    tpu.enqueue_indirect_dma source(%dma_start3A_195 : memref<31997952xf32, #tpu.memory_space<hbm>>) target(%dma_start3A_190 : memref<512xf32, #tpu.memory_space<vmem>>) offsets(%dma_start3A_193 : memref<512xi32, #tpu.memory_space<vmem>>) semaphore(%arg18 : memref<!tpu.dma_semaphore, #tpu.memory_space<semaphore_mem>>)
    %dma_start3A_196 = arith.constant 9 : i32
    %dma_start3A_197 = arith.constant 9 : i32
    %dma_start3A_198 = arith.constant 0 : i32
    %dma_start3A_199 = tpu.memref_slice %arg15[%dma_start3A_197, %dma_start3A_198] : memref<32x512xf32, #tpu.memory_space<vmem>> -> memref<1x512xf32, #tpu.memory_space<vmem>>
    %dma_start3A_200 = tpu.memref_squeeze %dma_start3A_199 : memref<1x512xf32, #tpu.memory_space<vmem>> -> memref<512xf32, #tpu.memory_space<vmem>>
    %dma_start3A_201 = arith.constant 0 : i32
    %dma_start3A_202 = tpu.memref_slice %arg13[%dma_start3A_196, %dma_start3A_201] : memref<32x512xi32, #tpu.memory_space<vmem>> -> memref<1x512xi32, #tpu.memory_space<vmem>>
    %dma_start3A_203 = tpu.memref_squeeze %dma_start3A_202 : memref<1x512xi32, #tpu.memory_space<vmem>> -> memref<512xi32, #tpu.memory_space<vmem>>
    %dma_start3A_204 = arith.constant 0 : i32
    %dma_start3A_205 = tpu.memref_slice %arg5[%dma_start3A_204] : memref<31997952xf32, #tpu.memory_space<hbm>> -> memref<31997952xf32, #tpu.memory_space<hbm>>
    tpu.enqueue_indirect_dma source(%dma_start3A_205 : memref<31997952xf32, #tpu.memory_space<hbm>>) target(%dma_start3A_200 : memref<512xf32, #tpu.memory_space<vmem>>) offsets(%dma_start3A_203 : memref<512xi32, #tpu.memory_space<vmem>>) semaphore(%arg19 : memref<!tpu.dma_semaphore, #tpu.memory_space<semaphore_mem>>)
    %dma_start3A_206 = arith.constant 10 : i32
    %dma_start3A_207 = arith.constant 10 : i32
    %dma_start3A_208 = arith.constant 0 : i32
    %dma_start3A_209 = tpu.memref_slice %arg14[%dma_start3A_207, %dma_start3A_208] : memref<32x512xf32, #tpu.memory_space<vmem>> -> memref<1x512xf32, #tpu.memory_space<vmem>>
    %dma_start3A_210 = tpu.memref_squeeze %dma_start3A_209 : memref<1x512xf32, #tpu.memory_space<vmem>> -> memref<512xf32, #tpu.memory_space<vmem>>
    %dma_start3A_211 = arith.constant 0 : i32
    %dma_start3A_212 = tpu.memref_slice %arg12[%dma_start3A_206, %dma_start3A_211] : memref<32x512xi32, #tpu.memory_space<vmem>> -> memref<1x512xi32, #tpu.memory_space<vmem>>
    %dma_start3A_213 = tpu.memref_squeeze %dma_start3A_212 : memref<1x512xi32, #tpu.memory_space<vmem>> -> memref<512xi32, #tpu.memory_space<vmem>>
    %dma_start3A_214 = arith.constant 0 : i32
    %dma_start3A_215 = tpu.memref_slice %arg4[%dma_start3A_214] : memref<31997952xf32, #tpu.memory_space<hbm>> -> memref<31997952xf32, #tpu.memory_space<hbm>>
    tpu.enqueue_indirect_dma source(%dma_start3A_215 : memref<31997952xf32, #tpu.memory_space<hbm>>) target(%dma_start3A_210 : memref<512xf32, #tpu.memory_space<vmem>>) offsets(%dma_start3A_213 : memref<512xi32, #tpu.memory_space<vmem>>) semaphore(%arg18 : memref<!tpu.dma_semaphore, #tpu.memory_space<semaphore_mem>>)
    %dma_start3A_216 = arith.constant 10 : i32
    %dma_start3A_217 = arith.constant 10 : i32
    %dma_start3A_218 = arith.constant 0 : i32
    %dma_start3A_219 = tpu.memref_slice %arg15[%dma_start3A_217, %dma_start3A_218] : memref<32x512xf32, #tpu.memory_space<vmem>> -> memref<1x512xf32, #tpu.memory_space<vmem>>
    %dma_start3A_220 = tpu.memref_squeeze %dma_start3A_219 : memref<1x512xf32, #tpu.memory_space<vmem>> -> memref<512xf32, #tpu.memory_space<vmem>>
    %dma_start3A_221 = arith.constant 0 : i32
    %dma_start3A_222 = tpu.memref_slice %arg13[%dma_start3A_216, %dma_start3A_221] : memref<32x512xi32, #tpu.memory_space<vmem>> -> memref<1x512xi32, #tpu.memory_space<vmem>>
    %dma_start3A_223 = tpu.memref_squeeze %dma_start3A_222 : memref<1x512xi32, #tpu.memory_space<vmem>> -> memref<512xi32, #tpu.memory_space<vmem>>
    %dma_start3A_224 = arith.constant 0 : i32
    %dma_start3A_225 = tpu.memref_slice %arg5[%dma_start3A_224] : memref<31997952xf32, #tpu.memory_space<hbm>> -> memref<31997952xf32, #tpu.memory_space<hbm>>
    tpu.enqueue_indirect_dma source(%dma_start3A_225 : memref<31997952xf32, #tpu.memory_space<hbm>>) target(%dma_start3A_220 : memref<512xf32, #tpu.memory_space<vmem>>) offsets(%dma_start3A_223 : memref<512xi32, #tpu.memory_space<vmem>>) semaphore(%arg19 : memref<!tpu.dma_semaphore, #tpu.memory_space<semaphore_mem>>)
    %dma_start3A_226 = arith.constant 11 : i32
    %dma_start3A_227 = arith.constant 11 : i32
    %dma_start3A_228 = arith.constant 0 : i32
    %dma_start3A_229 = tpu.memref_slice %arg14[%dma_start3A_227, %dma_start3A_228] : memref<32x512xf32, #tpu.memory_space<vmem>> -> memref<1x512xf32, #tpu.memory_space<vmem>>
    %dma_start3A_230 = tpu.memref_squeeze %dma_start3A_229 : memref<1x512xf32, #tpu.memory_space<vmem>> -> memref<512xf32, #tpu.memory_space<vmem>>
    %dma_start3A_231 = arith.constant 0 : i32
    %dma_start3A_232 = tpu.memref_slice %arg12[%dma_start3A_226, %dma_start3A_231] : memref<32x512xi32, #tpu.memory_space<vmem>> -> memref<1x512xi32, #tpu.memory_space<vmem>>
    %dma_start3A_233 = tpu.memref_squeeze %dma_start3A_232 : memref<1x512xi32, #tpu.memory_space<vmem>> -> memref<512xi32, #tpu.memory_space<vmem>>
    %dma_start3A_234 = arith.constant 0 : i32
    %dma_start3A_235 = tpu.memref_slice %arg4[%dma_start3A_234] : memref<31997952xf32, #tpu.memory_space<hbm>> -> memref<31997952xf32, #tpu.memory_space<hbm>>
    tpu.enqueue_indirect_dma source(%dma_start3A_235 : memref<31997952xf32, #tpu.memory_space<hbm>>) target(%dma_start3A_230 : memref<512xf32, #tpu.memory_space<vmem>>) offsets(%dma_start3A_233 : memref<512xi32, #tpu.memory_space<vmem>>) semaphore(%arg18 : memref<!tpu.dma_semaphore, #tpu.memory_space<semaphore_mem>>)
    %dma_start3A_236 = arith.constant 11 : i32
    %dma_start3A_237 = arith.constant 11 : i32
    %dma_start3A_238 = arith.constant 0 : i32
    %dma_start3A_239 = tpu.memref_slice %arg15[%dma_start3A_237, %dma_start3A_238] : memref<32x512xf32, #tpu.memory_space<vmem>> -> memref<1x512xf32, #tpu.memory_space<vmem>>
    %dma_start3A_240 = tpu.memref_squeeze %dma_start3A_239 : memref<1x512xf32, #tpu.memory_space<vmem>> -> memref<512xf32, #tpu.memory_space<vmem>>
    %dma_start3A_241 = arith.constant 0 : i32
    %dma_start3A_242 = tpu.memref_slice %arg13[%dma_start3A_236, %dma_start3A_241] : memref<32x512xi32, #tpu.memory_space<vmem>> -> memref<1x512xi32, #tpu.memory_space<vmem>>
    %dma_start3A_243 = tpu.memref_squeeze %dma_start3A_242 : memref<1x512xi32, #tpu.memory_space<vmem>> -> memref<512xi32, #tpu.memory_space<vmem>>
    %dma_start3A_244 = arith.constant 0 : i32
    %dma_start3A_245 = tpu.memref_slice %arg5[%dma_start3A_244] : memref<31997952xf32, #tpu.memory_space<hbm>> -> memref<31997952xf32, #tpu.memory_space<hbm>>
    tpu.enqueue_indirect_dma source(%dma_start3A_245 : memref<31997952xf32, #tpu.memory_space<hbm>>) target(%dma_start3A_240 : memref<512xf32, #tpu.memory_space<vmem>>) offsets(%dma_start3A_243 : memref<512xi32, #tpu.memory_space<vmem>>) semaphore(%arg19 : memref<!tpu.dma_semaphore, #tpu.memory_space<semaphore_mem>>)
    %dma_start3A_246 = arith.constant 12 : i32
    %dma_start3A_247 = arith.constant 12 : i32
    %dma_start3A_248 = arith.constant 0 : i32
    %dma_start3A_249 = tpu.memref_slice %arg14[%dma_start3A_247, %dma_start3A_248] : memref<32x512xf32, #tpu.memory_space<vmem>> -> memref<1x512xf32, #tpu.memory_space<vmem>>
    %dma_start3A_250 = tpu.memref_squeeze %dma_start3A_249 : memref<1x512xf32, #tpu.memory_space<vmem>> -> memref<512xf32, #tpu.memory_space<vmem>>
    %dma_start3A_251 = arith.constant 0 : i32
    %dma_start3A_252 = tpu.memref_slice %arg12[%dma_start3A_246, %dma_start3A_251] : memref<32x512xi32, #tpu.memory_space<vmem>> -> memref<1x512xi32, #tpu.memory_space<vmem>>
    %dma_start3A_253 = tpu.memref_squeeze %dma_start3A_252 : memref<1x512xi32, #tpu.memory_space<vmem>> -> memref<512xi32, #tpu.memory_space<vmem>>
    %dma_start3A_254 = arith.constant 0 : i32
    %dma_start3A_255 = tpu.memref_slice %arg4[%dma_start3A_254] : memref<31997952xf32, #tpu.memory_space<hbm>> -> memref<31997952xf32, #tpu.memory_space<hbm>>
    tpu.enqueue_indirect_dma source(%dma_start3A_255 : memref<31997952xf32, #tpu.memory_space<hbm>>) target(%dma_start3A_250 : memref<512xf32, #tpu.memory_space<vmem>>) offsets(%dma_start3A_253 : memref<512xi32, #tpu.memory_space<vmem>>) semaphore(%arg18 : memref<!tpu.dma_semaphore, #tpu.memory_space<semaphore_mem>>)
    %dma_start3A_256 = arith.constant 12 : i32
    %dma_start3A_257 = arith.constant 12 : i32
    %dma_start3A_258 = arith.constant 0 : i32
    %dma_start3A_259 = tpu.memref_slice %arg15[%dma_start3A_257, %dma_start3A_258] : memref<32x512xf32, #tpu.memory_space<vmem>> -> memref<1x512xf32, #tpu.memory_space<vmem>>
    %dma_start3A_260 = tpu.memref_squeeze %dma_start3A_259 : memref<1x512xf32, #tpu.memory_space<vmem>> -> memref<512xf32, #tpu.memory_space<vmem>>
    %dma_start3A_261 = arith.constant 0 : i32
    %dma_start3A_262 = tpu.memref_slice %arg13[%dma_start3A_256, %dma_start3A_261] : memref<32x512xi32, #tpu.memory_space<vmem>> -> memref<1x512xi32, #tpu.memory_space<vmem>>
    %dma_start3A_263 = tpu.memref_squeeze %dma_start3A_262 : memref<1x512xi32, #tpu.memory_space<vmem>> -> memref<512xi32, #tpu.memory_space<vmem>>
    %dma_start3A_264 = arith.constant 0 : i32
    %dma_start3A_265 = tpu.memref_slice %arg5[%dma_start3A_264] : memref<31997952xf32, #tpu.memory_space<hbm>> -> memref<31997952xf32, #tpu.memory_space<hbm>>
    tpu.enqueue_indirect_dma source(%dma_start3A_265 : memref<31997952xf32, #tpu.memory_space<hbm>>) target(%dma_start3A_260 : memref<512xf32, #tpu.memory_space<vmem>>) offsets(%dma_start3A_263 : memref<512xi32, #tpu.memory_space<vmem>>) semaphore(%arg19 : memref<!tpu.dma_semaphore, #tpu.memory_space<semaphore_mem>>)
    %dma_start3A_266 = arith.constant 13 : i32
    %dma_start3A_267 = arith.constant 13 : i32
    %dma_start3A_268 = arith.constant 0 : i32
    %dma_start3A_269 = tpu.memref_slice %arg14[%dma_start3A_267, %dma_start3A_268] : memref<32x512xf32, #tpu.memory_space<vmem>> -> memref<1x512xf32, #tpu.memory_space<vmem>>
    %dma_start3A_270 = tpu.memref_squeeze %dma_start3A_269 : memref<1x512xf32, #tpu.memory_space<vmem>> -> memref<512xf32, #tpu.memory_space<vmem>>
    %dma_start3A_271 = arith.constant 0 : i32
    %dma_start3A_272 = tpu.memref_slice %arg12[%dma_start3A_266, %dma_start3A_271] : memref<32x512xi32, #tpu.memory_space<vmem>> -> memref<1x512xi32, #tpu.memory_space<vmem>>
    %dma_start3A_273 = tpu.memref_squeeze %dma_start3A_272 : memref<1x512xi32, #tpu.memory_space<vmem>> -> memref<512xi32, #tpu.memory_space<vmem>>
    %dma_start3A_274 = arith.constant 0 : i32
    %dma_start3A_275 = tpu.memref_slice %arg4[%dma_start3A_274] : memref<31997952xf32, #tpu.memory_space<hbm>> -> memref<31997952xf32, #tpu.memory_space<hbm>>
    tpu.enqueue_indirect_dma source(%dma_start3A_275 : memref<31997952xf32, #tpu.memory_space<hbm>>) target(%dma_start3A_270 : memref<512xf32, #tpu.memory_space<vmem>>) offsets(%dma_start3A_273 : memref<512xi32, #tpu.memory_space<vmem>>) semaphore(%arg18 : memref<!tpu.dma_semaphore, #tpu.memory_space<semaphore_mem>>)
    %dma_start3A_276 = arith.constant 13 : i32
    %dma_start3A_277 = arith.constant 13 : i32
    %dma_start3A_278 = arith.constant 0 : i32
    %dma_start3A_279 = tpu.memref_slice %arg15[%dma_start3A_277, %dma_start3A_278] : memref<32x512xf32, #tpu.memory_space<vmem>> -> memref<1x512xf32, #tpu.memory_space<vmem>>
    %dma_start3A_280 = tpu.memref_squeeze %dma_start3A_279 : memref<1x512xf32, #tpu.memory_space<vmem>> -> memref<512xf32, #tpu.memory_space<vmem>>
    %dma_start3A_281 = arith.constant 0 : i32
    %dma_start3A_282 = tpu.memref_slice %arg13[%dma_start3A_276, %dma_start3A_281] : memref<32x512xi32, #tpu.memory_space<vmem>> -> memref<1x512xi32, #tpu.memory_space<vmem>>
    %dma_start3A_283 = tpu.memref_squeeze %dma_start3A_282 : memref<1x512xi32, #tpu.memory_space<vmem>> -> memref<512xi32, #tpu.memory_space<vmem>>
    %dma_start3A_284 = arith.constant 0 : i32
    %dma_start3A_285 = tpu.memref_slice %arg5[%dma_start3A_284] : memref<31997952xf32, #tpu.memory_space<hbm>> -> memref<31997952xf32, #tpu.memory_space<hbm>>
    tpu.enqueue_indirect_dma source(%dma_start3A_285 : memref<31997952xf32, #tpu.memory_space<hbm>>) target(%dma_start3A_280 : memref<512xf32, #tpu.memory_space<vmem>>) offsets(%dma_start3A_283 : memref<512xi32, #tpu.memory_space<vmem>>) semaphore(%arg19 : memref<!tpu.dma_semaphore, #tpu.memory_space<semaphore_mem>>)
    %dma_start3A_286 = arith.constant 14 : i32
    %dma_start3A_287 = arith.constant 14 : i32
    %dma_start3A_288 = arith.constant 0 : i32
    %dma_start3A_289 = tpu.memref_slice %arg14[%dma_start3A_287, %dma_start3A_288] : memref<32x512xf32, #tpu.memory_space<vmem>> -> memref<1x512xf32, #tpu.memory_space<vmem>>
    %dma_start3A_290 = tpu.memref_squeeze %dma_start3A_289 : memref<1x512xf32, #tpu.memory_space<vmem>> -> memref<512xf32, #tpu.memory_space<vmem>>
    %dma_start3A_291 = arith.constant 0 : i32
    %dma_start3A_292 = tpu.memref_slice %arg12[%dma_start3A_286, %dma_start3A_291] : memref<32x512xi32, #tpu.memory_space<vmem>> -> memref<1x512xi32, #tpu.memory_space<vmem>>
    %dma_start3A_293 = tpu.memref_squeeze %dma_start3A_292 : memref<1x512xi32, #tpu.memory_space<vmem>> -> memref<512xi32, #tpu.memory_space<vmem>>
    %dma_start3A_294 = arith.constant 0 : i32
    %dma_start3A_295 = tpu.memref_slice %arg4[%dma_start3A_294] : memref<31997952xf32, #tpu.memory_space<hbm>> -> memref<31997952xf32, #tpu.memory_space<hbm>>
    tpu.enqueue_indirect_dma source(%dma_start3A_295 : memref<31997952xf32, #tpu.memory_space<hbm>>) target(%dma_start3A_290 : memref<512xf32, #tpu.memory_space<vmem>>) offsets(%dma_start3A_293 : memref<512xi32, #tpu.memory_space<vmem>>) semaphore(%arg18 : memref<!tpu.dma_semaphore, #tpu.memory_space<semaphore_mem>>)
    %dma_start3A_296 = arith.constant 14 : i32
    %dma_start3A_297 = arith.constant 14 : i32
    %dma_start3A_298 = arith.constant 0 : i32
    %dma_start3A_299 = tpu.memref_slice %arg15[%dma_start3A_297, %dma_start3A_298] : memref<32x512xf32, #tpu.memory_space<vmem>> -> memref<1x512xf32, #tpu.memory_space<vmem>>
    %dma_start3A_300 = tpu.memref_squeeze %dma_start3A_299 : memref<1x512xf32, #tpu.memory_space<vmem>> -> memref<512xf32, #tpu.memory_space<vmem>>
    %dma_start3A_301 = arith.constant 0 : i32
    %dma_start3A_302 = tpu.memref_slice %arg13[%dma_start3A_296, %dma_start3A_301] : memref<32x512xi32, #tpu.memory_space<vmem>> -> memref<1x512xi32, #tpu.memory_space<vmem>>
    %dma_start3A_303 = tpu.memref_squeeze %dma_start3A_302 : memref<1x512xi32, #tpu.memory_space<vmem>> -> memref<512xi32, #tpu.memory_space<vmem>>
    %dma_start3A_304 = arith.constant 0 : i32
    %dma_start3A_305 = tpu.memref_slice %arg5[%dma_start3A_304] : memref<31997952xf32, #tpu.memory_space<hbm>> -> memref<31997952xf32, #tpu.memory_space<hbm>>
    tpu.enqueue_indirect_dma source(%dma_start3A_305 : memref<31997952xf32, #tpu.memory_space<hbm>>) target(%dma_start3A_300 : memref<512xf32, #tpu.memory_space<vmem>>) offsets(%dma_start3A_303 : memref<512xi32, #tpu.memory_space<vmem>>) semaphore(%arg19 : memref<!tpu.dma_semaphore, #tpu.memory_space<semaphore_mem>>)
    %dma_start3A_306 = arith.constant 15 : i32
    %dma_start3A_307 = arith.constant 15 : i32
    %dma_start3A_308 = arith.constant 0 : i32
    %dma_start3A_309 = tpu.memref_slice %arg14[%dma_start3A_307, %dma_start3A_308] : memref<32x512xf32, #tpu.memory_space<vmem>> -> memref<1x512xf32, #tpu.memory_space<vmem>>
    %dma_start3A_310 = tpu.memref_squeeze %dma_start3A_309 : memref<1x512xf32, #tpu.memory_space<vmem>> -> memref<512xf32, #tpu.memory_space<vmem>>
    %dma_start3A_311 = arith.constant 0 : i32
    %dma_start3A_312 = tpu.memref_slice %arg12[%dma_start3A_306, %dma_start3A_311] : memref<32x512xi32, #tpu.memory_space<vmem>> -> memref<1x512xi32, #tpu.memory_space<vmem>>
    %dma_start3A_313 = tpu.memref_squeeze %dma_start3A_312 : memref<1x512xi32, #tpu.memory_space<vmem>> -> memref<512xi32, #tpu.memory_space<vmem>>
    %dma_start3A_314 = arith.constant 0 : i32
    %dma_start3A_315 = tpu.memref_slice %arg4[%dma_start3A_314] : memref<31997952xf32, #tpu.memory_space<hbm>> -> memref<31997952xf32, #tpu.memory_space<hbm>>
    tpu.enqueue_indirect_dma source(%dma_start3A_315 : memref<31997952xf32, #tpu.memory_space<hbm>>) target(%dma_start3A_310 : memref<512xf32, #tpu.memory_space<vmem>>) offsets(%dma_start3A_313 : memref<512xi32, #tpu.memory_space<vmem>>) semaphore(%arg18 : memref<!tpu.dma_semaphore, #tpu.memory_space<semaphore_mem>>)
    %dma_start3A_316 = arith.constant 15 : i32
    %dma_start3A_317 = arith.constant 15 : i32
    %dma_start3A_318 = arith.constant 0 : i32
    %dma_start3A_319 = tpu.memref_slice %arg15[%dma_start3A_317, %dma_start3A_318] : memref<32x512xf32, #tpu.memory_space<vmem>> -> memref<1x512xf32, #tpu.memory_space<vmem>>
    %dma_start3A_320 = tpu.memref_squeeze %dma_start3A_319 : memref<1x512xf32, #tpu.memory_space<vmem>> -> memref<512xf32, #tpu.memory_space<vmem>>
    %dma_start3A_321 = arith.constant 0 : i32
    %dma_start3A_322 = tpu.memref_slice %arg13[%dma_start3A_316, %dma_start3A_321] : memref<32x512xi32, #tpu.memory_space<vmem>> -> memref<1x512xi32, #tpu.memory_space<vmem>>
    %dma_start3A_323 = tpu.memref_squeeze %dma_start3A_322 : memref<1x512xi32, #tpu.memory_space<vmem>> -> memref<512xi32, #tpu.memory_space<vmem>>
    %dma_start3A_324 = arith.constant 0 : i32
    %dma_start3A_325 = tpu.memref_slice %arg5[%dma_start3A_324] : memref<31997952xf32, #tpu.memory_space<hbm>> -> memref<31997952xf32, #tpu.memory_space<hbm>>
    tpu.enqueue_indirect_dma source(%dma_start3A_325 : memref<31997952xf32, #tpu.memory_space<hbm>>) target(%dma_start3A_320 : memref<512xf32, #tpu.memory_space<vmem>>) offsets(%dma_start3A_323 : memref<512xi32, #tpu.memory_space<vmem>>) semaphore(%arg19 : memref<!tpu.dma_semaphore, #tpu.memory_space<semaphore_mem>>)
    %dma_start3A_326 = arith.constant 16 : i32
    %dma_start3A_327 = arith.constant 16 : i32
    %dma_start3A_328 = arith.constant 0 : i32
    %dma_start3A_329 = tpu.memref_slice %arg14[%dma_start3A_327, %dma_start3A_328] : memref<32x512xf32, #tpu.memory_space<vmem>> -> memref<1x512xf32, #tpu.memory_space<vmem>>
    %dma_start3A_330 = tpu.memref_squeeze %dma_start3A_329 : memref<1x512xf32, #tpu.memory_space<vmem>> -> memref<512xf32, #tpu.memory_space<vmem>>
    %dma_start3A_331 = arith.constant 0 : i32
    %dma_start3A_332 = tpu.memref_slice %arg12[%dma_start3A_326, %dma_start3A_331] : memref<32x512xi32, #tpu.memory_space<vmem>> -> memref<1x512xi32, #tpu.memory_space<vmem>>
    %dma_start3A_333 = tpu.memref_squeeze %dma_start3A_332 : memref<1x512xi32, #tpu.memory_space<vmem>> -> memref<512xi32, #tpu.memory_space<vmem>>
    %dma_start3A_334 = arith.constant 0 : i32
    %dma_start3A_335 = tpu.memref_slice %arg4[%dma_start3A_334] : memref<31997952xf32, #tpu.memory_space<hbm>> -> memref<31997952xf32, #tpu.memory_space<hbm>>
    tpu.enqueue_indirect_dma source(%dma_start3A_335 : memref<31997952xf32, #tpu.memory_space<hbm>>) target(%dma_start3A_330 : memref<512xf32, #tpu.memory_space<vmem>>) offsets(%dma_start3A_333 : memref<512xi32, #tpu.memory_space<vmem>>) semaphore(%arg18 : memref<!tpu.dma_semaphore, #tpu.memory_space<semaphore_mem>>)
    %dma_start3A_336 = arith.constant 16 : i32
    %dma_start3A_337 = arith.constant 16 : i32
    %dma_start3A_338 = arith.constant 0 : i32
    %dma_start3A_339 = tpu.memref_slice %arg15[%dma_start3A_337, %dma_start3A_338] : memref<32x512xf32, #tpu.memory_space<vmem>> -> memref<1x512xf32, #tpu.memory_space<vmem>>
    %dma_start3A_340 = tpu.memref_squeeze %dma_start3A_339 : memref<1x512xf32, #tpu.memory_space<vmem>> -> memref<512xf32, #tpu.memory_space<vmem>>
    %dma_start3A_341 = arith.constant 0 : i32
    %dma_start3A_342 = tpu.memref_slice %arg13[%dma_start3A_336, %dma_start3A_341] : memref<32x512xi32, #tpu.memory_space<vmem>> -> memref<1x512xi32, #tpu.memory_space<vmem>>
    %dma_start3A_343 = tpu.memref_squeeze %dma_start3A_342 : memref<1x512xi32, #tpu.memory_space<vmem>> -> memref<512xi32, #tpu.memory_space<vmem>>
    %dma_start3A_344 = arith.constant 0 : i32
    %dma_start3A_345 = tpu.memref_slice %arg5[%dma_start3A_344] : memref<31997952xf32, #tpu.memory_space<hbm>> -> memref<31997952xf32, #tpu.memory_space<hbm>>
    tpu.enqueue_indirect_dma source(%dma_start3A_345 : memref<31997952xf32, #tpu.memory_space<hbm>>) target(%dma_start3A_340 : memref<512xf32, #tpu.memory_space<vmem>>) offsets(%dma_start3A_343 : memref<512xi32, #tpu.memory_space<vmem>>) semaphore(%arg19 : memref<!tpu.dma_semaphore, #tpu.memory_space<semaphore_mem>>)
    %dma_start3A_346 = arith.constant 17 : i32
    %dma_start3A_347 = arith.constant 17 : i32
    %dma_start3A_348 = arith.constant 0 : i32
    %dma_start3A_349 = tpu.memref_slice %arg14[%dma_start3A_347, %dma_start3A_348] : memref<32x512xf32, #tpu.memory_space<vmem>> -> memref<1x512xf32, #tpu.memory_space<vmem>>
    %dma_start3A_350 = tpu.memref_squeeze %dma_start3A_349 : memref<1x512xf32, #tpu.memory_space<vmem>> -> memref<512xf32, #tpu.memory_space<vmem>>
    %dma_start3A_351 = arith.constant 0 : i32
    %dma_start3A_352 = tpu.memref_slice %arg12[%dma_start3A_346, %dma_start3A_351] : memref<32x512xi32, #tpu.memory_space<vmem>> -> memref<1x512xi32, #tpu.memory_space<vmem>>
    %dma_start3A_353 = tpu.memref_squeeze %dma_start3A_352 : memref<1x512xi32, #tpu.memory_space<vmem>> -> memref<512xi32, #tpu.memory_space<vmem>>
    %dma_start3A_354 = arith.constant 0 : i32
    %dma_start3A_355 = tpu.memref_slice %arg4[%dma_start3A_354] : memref<31997952xf32, #tpu.memory_space<hbm>> -> memref<31997952xf32, #tpu.memory_space<hbm>>
    tpu.enqueue_indirect_dma source(%dma_start3A_355 : memref<31997952xf32, #tpu.memory_space<hbm>>) target(%dma_start3A_350 : memref<512xf32, #tpu.memory_space<vmem>>) offsets(%dma_start3A_353 : memref<512xi32, #tpu.memory_space<vmem>>) semaphore(%arg18 : memref<!tpu.dma_semaphore, #tpu.memory_space<semaphore_mem>>)
    %dma_start3A_356 = arith.constant 17 : i32
    %dma_start3A_357 = arith.constant 17 : i32
    %dma_start3A_358 = arith.constant 0 : i32
    %dma_start3A_359 = tpu.memref_slice %arg15[%dma_start3A_357, %dma_start3A_358] : memref<32x512xf32, #tpu.memory_space<vmem>> -> memref<1x512xf32, #tpu.memory_space<vmem>>
    %dma_start3A_360 = tpu.memref_squeeze %dma_start3A_359 : memref<1x512xf32, #tpu.memory_space<vmem>> -> memref<512xf32, #tpu.memory_space<vmem>>
    %dma_start3A_361 = arith.constant 0 : i32
    %dma_start3A_362 = tpu.memref_slice %arg13[%dma_start3A_356, %dma_start3A_361] : memref<32x512xi32, #tpu.memory_space<vmem>> -> memref<1x512xi32, #tpu.memory_space<vmem>>
    %dma_start3A_363 = tpu.memref_squeeze %dma_start3A_362 : memref<1x512xi32, #tpu.memory_space<vmem>> -> memref<512xi32, #tpu.memory_space<vmem>>
    %dma_start3A_364 = arith.constant 0 : i32
    %dma_start3A_365 = tpu.memref_slice %arg5[%dma_start3A_364] : memref<31997952xf32, #tpu.memory_space<hbm>> -> memref<31997952xf32, #tpu.memory_space<hbm>>
    tpu.enqueue_indirect_dma source(%dma_start3A_365 : memref<31997952xf32, #tpu.memory_space<hbm>>) target(%dma_start3A_360 : memref<512xf32, #tpu.memory_space<vmem>>) offsets(%dma_start3A_363 : memref<512xi32, #tpu.memory_space<vmem>>) semaphore(%arg19 : memref<!tpu.dma_semaphore, #tpu.memory_space<semaphore_mem>>)
    %dma_start3A_366 = arith.constant 18 : i32
    %dma_start3A_367 = arith.constant 18 : i32
    %dma_start3A_368 = arith.constant 0 : i32
    %dma_start3A_369 = tpu.memref_slice %arg14[%dma_start3A_367, %dma_start3A_368] : memref<32x512xf32, #tpu.memory_space<vmem>> -> memref<1x512xf32, #tpu.memory_space<vmem>>
    %dma_start3A_370 = tpu.memref_squeeze %dma_start3A_369 : memref<1x512xf32, #tpu.memory_space<vmem>> -> memref<512xf32, #tpu.memory_space<vmem>>
    %dma_start3A_371 = arith.constant 0 : i32
    %dma_start3A_372 = tpu.memref_slice %arg12[%dma_start3A_366, %dma_start3A_371] : memref<32x512xi32, #tpu.memory_space<vmem>> -> memref<1x512xi32, #tpu.memory_space<vmem>>
    %dma_start3A_373 = tpu.memref_squeeze %dma_start3A_372 : memref<1x512xi32, #tpu.memory_space<vmem>> -> memref<512xi32, #tpu.memory_space<vmem>>
    %dma_start3A_374 = arith.constant 0 : i32
    %dma_start3A_375 = tpu.memref_slice %arg4[%dma_start3A_374] : memref<31997952xf32, #tpu.memory_space<hbm>> -> memref<31997952xf32, #tpu.memory_space<hbm>>
    tpu.enqueue_indirect_dma source(%dma_start3A_375 : memref<31997952xf32, #tpu.memory_space<hbm>>) target(%dma_start3A_370 : memref<512xf32, #tpu.memory_space<vmem>>) offsets(%dma_start3A_373 : memref<512xi32, #tpu.memory_space<vmem>>) semaphore(%arg18 : memref<!tpu.dma_semaphore, #tpu.memory_space<semaphore_mem>>)
    %dma_start3A_376 = arith.constant 18 : i32
    %dma_start3A_377 = arith.constant 18 : i32
    %dma_start3A_378 = arith.constant 0 : i32
    %dma_start3A_379 = tpu.memref_slice %arg15[%dma_start3A_377, %dma_start3A_378] : memref<32x512xf32, #tpu.memory_space<vmem>> -> memref<1x512xf32, #tpu.memory_space<vmem>>
    %dma_start3A_380 = tpu.memref_squeeze %dma_start3A_379 : memref<1x512xf32, #tpu.memory_space<vmem>> -> memref<512xf32, #tpu.memory_space<vmem>>
    %dma_start3A_381 = arith.constant 0 : i32
    %dma_start3A_382 = tpu.memref_slice %arg13[%dma_start3A_376, %dma_start3A_381] : memref<32x512xi32, #tpu.memory_space<vmem>> -> memref<1x512xi32, #tpu.memory_space<vmem>>
    %dma_start3A_383 = tpu.memref_squeeze %dma_start3A_382 : memref<1x512xi32, #tpu.memory_space<vmem>> -> memref<512xi32, #tpu.memory_space<vmem>>
    %dma_start3A_384 = arith.constant 0 : i32
    %dma_start3A_385 = tpu.memref_slice %arg5[%dma_start3A_384] : memref<31997952xf32, #tpu.memory_space<hbm>> -> memref<31997952xf32, #tpu.memory_space<hbm>>
    tpu.enqueue_indirect_dma source(%dma_start3A_385 : memref<31997952xf32, #tpu.memory_space<hbm>>) target(%dma_start3A_380 : memref<512xf32, #tpu.memory_space<vmem>>) offsets(%dma_start3A_383 : memref<512xi32, #tpu.memory_space<vmem>>) semaphore(%arg19 : memref<!tpu.dma_semaphore, #tpu.memory_space<semaphore_mem>>)
    %dma_start3A_386 = arith.constant 19 : i32
    %dma_start3A_387 = arith.constant 19 : i32
    %dma_start3A_388 = arith.constant 0 : i32
    %dma_start3A_389 = tpu.memref_slice %arg14[%dma_start3A_387, %dma_start3A_388] : memref<32x512xf32, #tpu.memory_space<vmem>> -> memref<1x512xf32, #tpu.memory_space<vmem>>
    %dma_start3A_390 = tpu.memref_squeeze %dma_start3A_389 : memref<1x512xf32, #tpu.memory_space<vmem>> -> memref<512xf32, #tpu.memory_space<vmem>>
    %dma_start3A_391 = arith.constant 0 : i32
    %dma_start3A_392 = tpu.memref_slice %arg12[%dma_start3A_386, %dma_start3A_391] : memref<32x512xi32, #tpu.memory_space<vmem>> -> memref<1x512xi32, #tpu.memory_space<vmem>>
    %dma_start3A_393 = tpu.memref_squeeze %dma_start3A_392 : memref<1x512xi32, #tpu.memory_space<vmem>> -> memref<512xi32, #tpu.memory_space<vmem>>
    %dma_start3A_394 = arith.constant 0 : i32
    %dma_start3A_395 = tpu.memref_slice %arg4[%dma_start3A_394] : memref<31997952xf32, #tpu.memory_space<hbm>> -> memref<31997952xf32, #tpu.memory_space<hbm>>
    tpu.enqueue_indirect_dma source(%dma_start3A_395 : memref<31997952xf32, #tpu.memory_space<hbm>>) target(%dma_start3A_390 : memref<512xf32, #tpu.memory_space<vmem>>) offsets(%dma_start3A_393 : memref<512xi32, #tpu.memory_space<vmem>>) semaphore(%arg18 : memref<!tpu.dma_semaphore, #tpu.memory_space<semaphore_mem>>)
    %dma_start3A_396 = arith.constant 19 : i32
    %dma_start3A_397 = arith.constant 19 : i32
    %dma_start3A_398 = arith.constant 0 : i32
    %dma_start3A_399 = tpu.memref_slice %arg15[%dma_start3A_397, %dma_start3A_398] : memref<32x512xf32, #tpu.memory_space<vmem>> -> memref<1x512xf32, #tpu.memory_space<vmem>>
    %dma_start3A_400 = tpu.memref_squeeze %dma_start3A_399 : memref<1x512xf32, #tpu.memory_space<vmem>> -> memref<512xf32, #tpu.memory_space<vmem>>
    %dma_start3A_401 = arith.constant 0 : i32
    %dma_start3A_402 = tpu.memref_slice %arg13[%dma_start3A_396, %dma_start3A_401] : memref<32x512xi32, #tpu.memory_space<vmem>> -> memref<1x512xi32, #tpu.memory_space<vmem>>
    %dma_start3A_403 = tpu.memref_squeeze %dma_start3A_402 : memref<1x512xi32, #tpu.memory_space<vmem>> -> memref<512xi32, #tpu.memory_space<vmem>>
    %dma_start3A_404 = arith.constant 0 : i32
    %dma_start3A_405 = tpu.memref_slice %arg5[%dma_start3A_404] : memref<31997952xf32, #tpu.memory_space<hbm>> -> memref<31997952xf32, #tpu.memory_space<hbm>>
    tpu.enqueue_indirect_dma source(%dma_start3A_405 : memref<31997952xf32, #tpu.memory_space<hbm>>) target(%dma_start3A_400 : memref<512xf32, #tpu.memory_space<vmem>>) offsets(%dma_start3A_403 : memref<512xi32, #tpu.memory_space<vmem>>) semaphore(%arg19 : memref<!tpu.dma_semaphore, #tpu.memory_space<semaphore_mem>>)
    %dma_start3A_406 = arith.constant 20 : i32
    %dma_start3A_407 = arith.constant 20 : i32
    %dma_start3A_408 = arith.constant 0 : i32
    %dma_start3A_409 = tpu.memref_slice %arg14[%dma_start3A_407, %dma_start3A_408] : memref<32x512xf32, #tpu.memory_space<vmem>> -> memref<1x512xf32, #tpu.memory_space<vmem>>
    %dma_start3A_410 = tpu.memref_squeeze %dma_start3A_409 : memref<1x512xf32, #tpu.memory_space<vmem>> -> memref<512xf32, #tpu.memory_space<vmem>>
    %dma_start3A_411 = arith.constant 0 : i32
    %dma_start3A_412 = tpu.memref_slice %arg12[%dma_start3A_406, %dma_start3A_411] : memref<32x512xi32, #tpu.memory_space<vmem>> -> memref<1x512xi32, #tpu.memory_space<vmem>>
    %dma_start3A_413 = tpu.memref_squeeze %dma_start3A_412 : memref<1x512xi32, #tpu.memory_space<vmem>> -> memref<512xi32, #tpu.memory_space<vmem>>
    %dma_start3A_414 = arith.constant 0 : i32
    %dma_start3A_415 = tpu.memref_slice %arg4[%dma_start3A_414] : memref<31997952xf32, #tpu.memory_space<hbm>> -> memref<31997952xf32, #tpu.memory_space<hbm>>
    tpu.enqueue_indirect_dma source(%dma_start3A_415 : memref<31997952xf32, #tpu.memory_space<hbm>>) target(%dma_start3A_410 : memref<512xf32, #tpu.memory_space<vmem>>) offsets(%dma_start3A_413 : memref<512xi32, #tpu.memory_space<vmem>>) semaphore(%arg18 : memref<!tpu.dma_semaphore, #tpu.memory_space<semaphore_mem>>)
    %dma_start3A_416 = arith.constant 20 : i32
    %dma_start3A_417 = arith.constant 20 : i32
    %dma_start3A_418 = arith.constant 0 : i32
    %dma_start3A_419 = tpu.memref_slice %arg15[%dma_start3A_417, %dma_start3A_418] : memref<32x512xf32, #tpu.memory_space<vmem>> -> memref<1x512xf32, #tpu.memory_space<vmem>>
    %dma_start3A_420 = tpu.memref_squeeze %dma_start3A_419 : memref<1x512xf32, #tpu.memory_space<vmem>> -> memref<512xf32, #tpu.memory_space<vmem>>
    %dma_start3A_421 = arith.constant 0 : i32
    %dma_start3A_422 = tpu.memref_slice %arg13[%dma_start3A_416, %dma_start3A_421] : memref<32x512xi32, #tpu.memory_space<vmem>> -> memref<1x512xi32, #tpu.memory_space<vmem>>
    %dma_start3A_423 = tpu.memref_squeeze %dma_start3A_422 : memref<1x512xi32, #tpu.memory_space<vmem>> -> memref<512xi32, #tpu.memory_space<vmem>>
    %dma_start3A_424 = arith.constant 0 : i32
    %dma_start3A_425 = tpu.memref_slice %arg5[%dma_start3A_424] : memref<31997952xf32, #tpu.memory_space<hbm>> -> memref<31997952xf32, #tpu.memory_space<hbm>>
    tpu.enqueue_indirect_dma source(%dma_start3A_425 : memref<31997952xf32, #tpu.memory_space<hbm>>) target(%dma_start3A_420 : memref<512xf32, #tpu.memory_space<vmem>>) offsets(%dma_start3A_423 : memref<512xi32, #tpu.memory_space<vmem>>) semaphore(%arg19 : memref<!tpu.dma_semaphore, #tpu.memory_space<semaphore_mem>>)
    %dma_start3A_426 = arith.constant 21 : i32
    %dma_start3A_427 = arith.constant 21 : i32
    %dma_start3A_428 = arith.constant 0 : i32
    %dma_start3A_429 = tpu.memref_slice %arg14[%dma_start3A_427, %dma_start3A_428] : memref<32x512xf32, #tpu.memory_space<vmem>> -> memref<1x512xf32, #tpu.memory_space<vmem>>
    %dma_start3A_430 = tpu.memref_squeeze %dma_start3A_429 : memref<1x512xf32, #tpu.memory_space<vmem>> -> memref<512xf32, #tpu.memory_space<vmem>>
    %dma_start3A_431 = arith.constant 0 : i32
    %dma_start3A_432 = tpu.memref_slice %arg12[%dma_start3A_426, %dma_start3A_431] : memref<32x512xi32, #tpu.memory_space<vmem>> -> memref<1x512xi32, #tpu.memory_space<vmem>>
    %dma_start3A_433 = tpu.memref_squeeze %dma_start3A_432 : memref<1x512xi32, #tpu.memory_space<vmem>> -> memref<512xi32, #tpu.memory_space<vmem>>
    %dma_start3A_434 = arith.constant 0 : i32
    %dma_start3A_435 = tpu.memref_slice %arg4[%dma_start3A_434] : memref<31997952xf32, #tpu.memory_space<hbm>> -> memref<31997952xf32, #tpu.memory_space<hbm>>
    tpu.enqueue_indirect_dma source(%dma_start3A_435 : memref<31997952xf32, #tpu.memory_space<hbm>>) target(%dma_start3A_430 : memref<512xf32, #tpu.memory_space<vmem>>) offsets(%dma_start3A_433 : memref<512xi32, #tpu.memory_space<vmem>>) semaphore(%arg18 : memref<!tpu.dma_semaphore, #tpu.memory_space<semaphore_mem>>)
    %dma_start3A_436 = arith.constant 21 : i32
    %dma_start3A_437 = arith.constant 21 : i32
    %dma_start3A_438 = arith.constant 0 : i32
    %dma_start3A_439 = tpu.memref_slice %arg15[%dma_start3A_437, %dma_start3A_438] : memref<32x512xf32, #tpu.memory_space<vmem>> -> memref<1x512xf32, #tpu.memory_space<vmem>>
    %dma_start3A_440 = tpu.memref_squeeze %dma_start3A_439 : memref<1x512xf32, #tpu.memory_space<vmem>> -> memref<512xf32, #tpu.memory_space<vmem>>
    %dma_start3A_441 = arith.constant 0 : i32
    %dma_start3A_442 = tpu.memref_slice %arg13[%dma_start3A_436, %dma_start3A_441] : memref<32x512xi32, #tpu.memory_space<vmem>> -> memref<1x512xi32, #tpu.memory_space<vmem>>
    %dma_start3A_443 = tpu.memref_squeeze %dma_start3A_442 : memref<1x512xi32, #tpu.memory_space<vmem>> -> memref<512xi32, #tpu.memory_space<vmem>>
    %dma_start3A_444 = arith.constant 0 : i32
    %dma_start3A_445 = tpu.memref_slice %arg5[%dma_start3A_444] : memref<31997952xf32, #tpu.memory_space<hbm>> -> memref<31997952xf32, #tpu.memory_space<hbm>>
    tpu.enqueue_indirect_dma source(%dma_start3A_445 : memref<31997952xf32, #tpu.memory_space<hbm>>) target(%dma_start3A_440 : memref<512xf32, #tpu.memory_space<vmem>>) offsets(%dma_start3A_443 : memref<512xi32, #tpu.memory_space<vmem>>) semaphore(%arg19 : memref<!tpu.dma_semaphore, #tpu.memory_space<semaphore_mem>>)
    %dma_start3A_446 = arith.constant 22 : i32
    %dma_start3A_447 = arith.constant 22 : i32
    %dma_start3A_448 = arith.constant 0 : i32
    %dma_start3A_449 = tpu.memref_slice %arg14[%dma_start3A_447, %dma_start3A_448] : memref<32x512xf32, #tpu.memory_space<vmem>> -> memref<1x512xf32, #tpu.memory_space<vmem>>
    %dma_start3A_450 = tpu.memref_squeeze %dma_start3A_449 : memref<1x512xf32, #tpu.memory_space<vmem>> -> memref<512xf32, #tpu.memory_space<vmem>>
    %dma_start3A_451 = arith.constant 0 : i32
    %dma_start3A_452 = tpu.memref_slice %arg12[%dma_start3A_446, %dma_start3A_451] : memref<32x512xi32, #tpu.memory_space<vmem>> -> memref<1x512xi32, #tpu.memory_space<vmem>>
    %dma_start3A_453 = tpu.memref_squeeze %dma_start3A_452 : memref<1x512xi32, #tpu.memory_space<vmem>> -> memref<512xi32, #tpu.memory_space<vmem>>
    %dma_start3A_454 = arith.constant 0 : i32
    %dma_start3A_455 = tpu.memref_slice %arg4[%dma_start3A_454] : memref<31997952xf32, #tpu.memory_space<hbm>> -> memref<31997952xf32, #tpu.memory_space<hbm>>
    tpu.enqueue_indirect_dma source(%dma_start3A_455 : memref<31997952xf32, #tpu.memory_space<hbm>>) target(%dma_start3A_450 : memref<512xf32, #tpu.memory_space<vmem>>) offsets(%dma_start3A_453 : memref<512xi32, #tpu.memory_space<vmem>>) semaphore(%arg18 : memref<!tpu.dma_semaphore, #tpu.memory_space<semaphore_mem>>)
    %dma_start3A_456 = arith.constant 22 : i32
    %dma_start3A_457 = arith.constant 22 : i32
    %dma_start3A_458 = arith.constant 0 : i32
    %dma_start3A_459 = tpu.memref_slice %arg15[%dma_start3A_457, %dma_start3A_458] : memref<32x512xf32, #tpu.memory_space<vmem>> -> memref<1x512xf32, #tpu.memory_space<vmem>>
    %dma_start3A_460 = tpu.memref_squeeze %dma_start3A_459 : memref<1x512xf32, #tpu.memory_space<vmem>> -> memref<512xf32, #tpu.memory_space<vmem>>
    %dma_start3A_461 = arith.constant 0 : i32
    %dma_start3A_462 = tpu.memref_slice %arg13[%dma_start3A_456, %dma_start3A_461] : memref<32x512xi32, #tpu.memory_space<vmem>> -> memref<1x512xi32, #tpu.memory_space<vmem>>
    %dma_start3A_463 = tpu.memref_squeeze %dma_start3A_462 : memref<1x512xi32, #tpu.memory_space<vmem>> -> memref<512xi32, #tpu.memory_space<vmem>>
    %dma_start3A_464 = arith.constant 0 : i32
    %dma_start3A_465 = tpu.memref_slice %arg5[%dma_start3A_464] : memref<31997952xf32, #tpu.memory_space<hbm>> -> memref<31997952xf32, #tpu.memory_space<hbm>>
    tpu.enqueue_indirect_dma source(%dma_start3A_465 : memref<31997952xf32, #tpu.memory_space<hbm>>) target(%dma_start3A_460 : memref<512xf32, #tpu.memory_space<vmem>>) offsets(%dma_start3A_463 : memref<512xi32, #tpu.memory_space<vmem>>) semaphore(%arg19 : memref<!tpu.dma_semaphore, #tpu.memory_space<semaphore_mem>>)
    %dma_start3A_466 = arith.constant 23 : i32
    %dma_start3A_467 = arith.constant 23 : i32
    %dma_start3A_468 = arith.constant 0 : i32
    %dma_start3A_469 = tpu.memref_slice %arg14[%dma_start3A_467, %dma_start3A_468] : memref<32x512xf32, #tpu.memory_space<vmem>> -> memref<1x512xf32, #tpu.memory_space<vmem>>
    %dma_start3A_470 = tpu.memref_squeeze %dma_start3A_469 : memref<1x512xf32, #tpu.memory_space<vmem>> -> memref<512xf32, #tpu.memory_space<vmem>>
    %dma_start3A_471 = arith.constant 0 : i32
    %dma_start3A_472 = tpu.memref_slice %arg12[%dma_start3A_466, %dma_start3A_471] : memref<32x512xi32, #tpu.memory_space<vmem>> -> memref<1x512xi32, #tpu.memory_space<vmem>>
    %dma_start3A_473 = tpu.memref_squeeze %dma_start3A_472 : memref<1x512xi32, #tpu.memory_space<vmem>> -> memref<512xi32, #tpu.memory_space<vmem>>
    %dma_start3A_474 = arith.constant 0 : i32
    %dma_start3A_475 = tpu.memref_slice %arg4[%dma_start3A_474] : memref<31997952xf32, #tpu.memory_space<hbm>> -> memref<31997952xf32, #tpu.memory_space<hbm>>
    tpu.enqueue_indirect_dma source(%dma_start3A_475 : memref<31997952xf32, #tpu.memory_space<hbm>>) target(%dma_start3A_470 : memref<512xf32, #tpu.memory_space<vmem>>) offsets(%dma_start3A_473 : memref<512xi32, #tpu.memory_space<vmem>>) semaphore(%arg18 : memref<!tpu.dma_semaphore, #tpu.memory_space<semaphore_mem>>)
    %dma_start3A_476 = arith.constant 23 : i32
    %dma_start3A_477 = arith.constant 23 : i32
    %dma_start3A_478 = arith.constant 0 : i32
    %dma_start3A_479 = tpu.memref_slice %arg15[%dma_start3A_477, %dma_start3A_478] : memref<32x512xf32, #tpu.memory_space<vmem>> -> memref<1x512xf32, #tpu.memory_space<vmem>>
    %dma_start3A_480 = tpu.memref_squeeze %dma_start3A_479 : memref<1x512xf32, #tpu.memory_space<vmem>> -> memref<512xf32, #tpu.memory_space<vmem>>
    %dma_start3A_481 = arith.constant 0 : i32
    %dma_start3A_482 = tpu.memref_slice %arg13[%dma_start3A_476, %dma_start3A_481] : memref<32x512xi32, #tpu.memory_space<vmem>> -> memref<1x512xi32, #tpu.memory_space<vmem>>
    %dma_start3A_483 = tpu.memref_squeeze %dma_start3A_482 : memref<1x512xi32, #tpu.memory_space<vmem>> -> memref<512xi32, #tpu.memory_space<vmem>>
    %dma_start3A_484 = arith.constant 0 : i32
    %dma_start3A_485 = tpu.memref_slice %arg5[%dma_start3A_484] : memref<31997952xf32, #tpu.memory_space<hbm>> -> memref<31997952xf32, #tpu.memory_space<hbm>>
    tpu.enqueue_indirect_dma source(%dma_start3A_485 : memref<31997952xf32, #tpu.memory_space<hbm>>) target(%dma_start3A_480 : memref<512xf32, #tpu.memory_space<vmem>>) offsets(%dma_start3A_483 : memref<512xi32, #tpu.memory_space<vmem>>) semaphore(%arg19 : memref<!tpu.dma_semaphore, #tpu.memory_space<semaphore_mem>>)
    %dma_start3A_486 = arith.constant 24 : i32
    %dma_start3A_487 = arith.constant 24 : i32
    %dma_start3A_488 = arith.constant 0 : i32
    %dma_start3A_489 = tpu.memref_slice %arg14[%dma_start3A_487, %dma_start3A_488] : memref<32x512xf32, #tpu.memory_space<vmem>> -> memref<1x512xf32, #tpu.memory_space<vmem>>
    %dma_start3A_490 = tpu.memref_squeeze %dma_start3A_489 : memref<1x512xf32, #tpu.memory_space<vmem>> -> memref<512xf32, #tpu.memory_space<vmem>>
    %dma_start3A_491 = arith.constant 0 : i32
    %dma_start3A_492 = tpu.memref_slice %arg12[%dma_start3A_486, %dma_start3A_491] : memref<32x512xi32, #tpu.memory_space<vmem>> -> memref<1x512xi32, #tpu.memory_space<vmem>>
    %dma_start3A_493 = tpu.memref_squeeze %dma_start3A_492 : memref<1x512xi32, #tpu.memory_space<vmem>> -> memref<512xi32, #tpu.memory_space<vmem>>
    %dma_start3A_494 = arith.constant 0 : i32
    %dma_start3A_495 = tpu.memref_slice %arg4[%dma_start3A_494] : memref<31997952xf32, #tpu.memory_space<hbm>> -> memref<31997952xf32, #tpu.memory_space<hbm>>
    tpu.enqueue_indirect_dma source(%dma_start3A_495 : memref<31997952xf32, #tpu.memory_space<hbm>>) target(%dma_start3A_490 : memref<512xf32, #tpu.memory_space<vmem>>) offsets(%dma_start3A_493 : memref<512xi32, #tpu.memory_space<vmem>>) semaphore(%arg18 : memref<!tpu.dma_semaphore, #tpu.memory_space<semaphore_mem>>)
    %dma_start3A_496 = arith.constant 24 : i32
    %dma_start3A_497 = arith.constant 24 : i32
    %dma_start3A_498 = arith.constant 0 : i32
    %dma_start3A_499 = tpu.memref_slice %arg15[%dma_start3A_497, %dma_start3A_498] : memref<32x512xf32, #tpu.memory_space<vmem>> -> memref<1x512xf32, #tpu.memory_space<vmem>>
    %dma_start3A_500 = tpu.memref_squeeze %dma_start3A_499 : memref<1x512xf32, #tpu.memory_space<vmem>> -> memref<512xf32, #tpu.memory_space<vmem>>
    %dma_start3A_501 = arith.constant 0 : i32
    %dma_start3A_502 = tpu.memref_slice %arg13[%dma_start3A_496, %dma_start3A_501] : memref<32x512xi32, #tpu.memory_space<vmem>> -> memref<1x512xi32, #tpu.memory_space<vmem>>
    %dma_start3A_503 = tpu.memref_squeeze %dma_start3A_502 : memref<1x512xi32, #tpu.memory_space<vmem>> -> memref<512xi32, #tpu.memory_space<vmem>>
    %dma_start3A_504 = arith.constant 0 : i32
    %dma_start3A_505 = tpu.memref_slice %arg5[%dma_start3A_504] : memref<31997952xf32, #tpu.memory_space<hbm>> -> memref<31997952xf32, #tpu.memory_space<hbm>>
    tpu.enqueue_indirect_dma source(%dma_start3A_505 : memref<31997952xf32, #tpu.memory_space<hbm>>) target(%dma_start3A_500 : memref<512xf32, #tpu.memory_space<vmem>>) offsets(%dma_start3A_503 : memref<512xi32, #tpu.memory_space<vmem>>) semaphore(%arg19 : memref<!tpu.dma_semaphore, #tpu.memory_space<semaphore_mem>>)
    %dma_start3A_506 = arith.constant 25 : i32
    %dma_start3A_507 = arith.constant 25 : i32
    %dma_start3A_508 = arith.constant 0 : i32
    %dma_start3A_509 = tpu.memref_slice %arg14[%dma_start3A_507, %dma_start3A_508] : memref<32x512xf32, #tpu.memory_space<vmem>> -> memref<1x512xf32, #tpu.memory_space<vmem>>
    %dma_start3A_510 = tpu.memref_squeeze %dma_start3A_509 : memref<1x512xf32, #tpu.memory_space<vmem>> -> memref<512xf32, #tpu.memory_space<vmem>>
    %dma_start3A_511 = arith.constant 0 : i32
    %dma_start3A_512 = tpu.memref_slice %arg12[%dma_start3A_506, %dma_start3A_511] : memref<32x512xi32, #tpu.memory_space<vmem>> -> memref<1x512xi32, #tpu.memory_space<vmem>>
    %dma_start3A_513 = tpu.memref_squeeze %dma_start3A_512 : memref<1x512xi32, #tpu.memory_space<vmem>> -> memref<512xi32, #tpu.memory_space<vmem>>
    %dma_start3A_514 = arith.constant 0 : i32
    %dma_start3A_515 = tpu.memref_slice %arg4[%dma_start3A_514] : memref<31997952xf32, #tpu.memory_space<hbm>> -> memref<31997952xf32, #tpu.memory_space<hbm>>
    tpu.enqueue_indirect_dma source(%dma_start3A_515 : memref<31997952xf32, #tpu.memory_space<hbm>>) target(%dma_start3A_510 : memref<512xf32, #tpu.memory_space<vmem>>) offsets(%dma_start3A_513 : memref<512xi32, #tpu.memory_space<vmem>>) semaphore(%arg18 : memref<!tpu.dma_semaphore, #tpu.memory_space<semaphore_mem>>)
    %dma_start3A_516 = arith.constant 25 : i32
    %dma_start3A_517 = arith.constant 25 : i32
    %dma_start3A_518 = arith.constant 0 : i32
    %dma_start3A_519 = tpu.memref_slice %arg15[%dma_start3A_517, %dma_start3A_518] : memref<32x512xf32, #tpu.memory_space<vmem>> -> memref<1x512xf32, #tpu.memory_space<vmem>>
    %dma_start3A_520 = tpu.memref_squeeze %dma_start3A_519 : memref<1x512xf32, #tpu.memory_space<vmem>> -> memref<512xf32, #tpu.memory_space<vmem>>
    %dma_start3A_521 = arith.constant 0 : i32
    %dma_start3A_522 = tpu.memref_slice %arg13[%dma_start3A_516, %dma_start3A_521] : memref<32x512xi32, #tpu.memory_space<vmem>> -> memref<1x512xi32, #tpu.memory_space<vmem>>
    %dma_start3A_523 = tpu.memref_squeeze %dma_start3A_522 : memref<1x512xi32, #tpu.memory_space<vmem>> -> memref<512xi32, #tpu.memory_space<vmem>>
    %dma_start3A_524 = arith.constant 0 : i32
    %dma_start3A_525 = tpu.memref_slice %arg5[%dma_start3A_524] : memref<31997952xf32, #tpu.memory_space<hbm>> -> memref<31997952xf32, #tpu.memory_space<hbm>>
    tpu.enqueue_indirect_dma source(%dma_start3A_525 : memref<31997952xf32, #tpu.memory_space<hbm>>) target(%dma_start3A_520 : memref<512xf32, #tpu.memory_space<vmem>>) offsets(%dma_start3A_523 : memref<512xi32, #tpu.memory_space<vmem>>) semaphore(%arg19 : memref<!tpu.dma_semaphore, #tpu.memory_space<semaphore_mem>>)
    %dma_start3A_526 = arith.constant 26 : i32
    %dma_start3A_527 = arith.constant 26 : i32
    %dma_start3A_528 = arith.constant 0 : i32
    %dma_start3A_529 = tpu.memref_slice %arg14[%dma_start3A_527, %dma_start3A_528] : memref<32x512xf32, #tpu.memory_space<vmem>> -> memref<1x512xf32, #tpu.memory_space<vmem>>
    %dma_start3A_530 = tpu.memref_squeeze %dma_start3A_529 : memref<1x512xf32, #tpu.memory_space<vmem>> -> memref<512xf32, #tpu.memory_space<vmem>>
    %dma_start3A_531 = arith.constant 0 : i32
    %dma_start3A_532 = tpu.memref_slice %arg12[%dma_start3A_526, %dma_start3A_531] : memref<32x512xi32, #tpu.memory_space<vmem>> -> memref<1x512xi32, #tpu.memory_space<vmem>>
    %dma_start3A_533 = tpu.memref_squeeze %dma_start3A_532 : memref<1x512xi32, #tpu.memory_space<vmem>> -> memref<512xi32, #tpu.memory_space<vmem>>
    %dma_start3A_534 = arith.constant 0 : i32
    %dma_start3A_535 = tpu.memref_slice %arg4[%dma_start3A_534] : memref<31997952xf32, #tpu.memory_space<hbm>> -> memref<31997952xf32, #tpu.memory_space<hbm>>
    tpu.enqueue_indirect_dma source(%dma_start3A_535 : memref<31997952xf32, #tpu.memory_space<hbm>>) target(%dma_start3A_530 : memref<512xf32, #tpu.memory_space<vmem>>) offsets(%dma_start3A_533 : memref<512xi32, #tpu.memory_space<vmem>>) semaphore(%arg18 : memref<!tpu.dma_semaphore, #tpu.memory_space<semaphore_mem>>)
    %dma_start3A_536 = arith.constant 26 : i32
    %dma_start3A_537 = arith.constant 26 : i32
    %dma_start3A_538 = arith.constant 0 : i32
    %dma_start3A_539 = tpu.memref_slice %arg15[%dma_start3A_537, %dma_start3A_538] : memref<32x512xf32, #tpu.memory_space<vmem>> -> memref<1x512xf32, #tpu.memory_space<vmem>>
    %dma_start3A_540 = tpu.memref_squeeze %dma_start3A_539 : memref<1x512xf32, #tpu.memory_space<vmem>> -> memref<512xf32, #tpu.memory_space<vmem>>
    %dma_start3A_541 = arith.constant 0 : i32
    %dma_start3A_542 = tpu.memref_slice %arg13[%dma_start3A_536, %dma_start3A_541] : memref<32x512xi32, #tpu.memory_space<vmem>> -> memref<1x512xi32, #tpu.memory_space<vmem>>
    %dma_start3A_543 = tpu.memref_squeeze %dma_start3A_542 : memref<1x512xi32, #tpu.memory_space<vmem>> -> memref<512xi32, #tpu.memory_space<vmem>>
    %dma_start3A_544 = arith.constant 0 : i32
    %dma_start3A_545 = tpu.memref_slice %arg5[%dma_start3A_544] : memref<31997952xf32, #tpu.memory_space<hbm>> -> memref<31997952xf32, #tpu.memory_space<hbm>>
    tpu.enqueue_indirect_dma source(%dma_start3A_545 : memref<31997952xf32, #tpu.memory_space<hbm>>) target(%dma_start3A_540 : memref<512xf32, #tpu.memory_space<vmem>>) offsets(%dma_start3A_543 : memref<512xi32, #tpu.memory_space<vmem>>) semaphore(%arg19 : memref<!tpu.dma_semaphore, #tpu.memory_space<semaphore_mem>>)
    %dma_start3A_546 = arith.constant 27 : i32
    %dma_start3A_547 = arith.constant 27 : i32
    %dma_start3A_548 = arith.constant 0 : i32
    %dma_start3A_549 = tpu.memref_slice %arg14[%dma_start3A_547, %dma_start3A_548] : memref<32x512xf32, #tpu.memory_space<vmem>> -> memref<1x512xf32, #tpu.memory_space<vmem>>
    %dma_start3A_550 = tpu.memref_squeeze %dma_start3A_549 : memref<1x512xf32, #tpu.memory_space<vmem>> -> memref<512xf32, #tpu.memory_space<vmem>>
    %dma_start3A_551 = arith.constant 0 : i32
    %dma_start3A_552 = tpu.memref_slice %arg12[%dma_start3A_546, %dma_start3A_551] : memref<32x512xi32, #tpu.memory_space<vmem>> -> memref<1x512xi32, #tpu.memory_space<vmem>>
    %dma_start3A_553 = tpu.memref_squeeze %dma_start3A_552 : memref<1x512xi32, #tpu.memory_space<vmem>> -> memref<512xi32, #tpu.memory_space<vmem>>
    %dma_start3A_554 = arith.constant 0 : i32
    %dma_start3A_555 = tpu.memref_slice %arg4[%dma_start3A_554] : memref<31997952xf32, #tpu.memory_space<hbm>> -> memref<31997952xf32, #tpu.memory_space<hbm>>
    tpu.enqueue_indirect_dma source(%dma_start3A_555 : memref<31997952xf32, #tpu.memory_space<hbm>>) target(%dma_start3A_550 : memref<512xf32, #tpu.memory_space<vmem>>) offsets(%dma_start3A_553 : memref<512xi32, #tpu.memory_space<vmem>>) semaphore(%arg18 : memref<!tpu.dma_semaphore, #tpu.memory_space<semaphore_mem>>)
    %dma_start3A_556 = arith.constant 27 : i32
    %dma_start3A_557 = arith.constant 27 : i32
    %dma_start3A_558 = arith.constant 0 : i32
    %dma_start3A_559 = tpu.memref_slice %arg15[%dma_start3A_557, %dma_start3A_558] : memref<32x512xf32, #tpu.memory_space<vmem>> -> memref<1x512xf32, #tpu.memory_space<vmem>>
    %dma_start3A_560 = tpu.memref_squeeze %dma_start3A_559 : memref<1x512xf32, #tpu.memory_space<vmem>> -> memref<512xf32, #tpu.memory_space<vmem>>
    %dma_start3A_561 = arith.constant 0 : i32
    %dma_start3A_562 = tpu.memref_slice %arg13[%dma_start3A_556, %dma_start3A_561] : memref<32x512xi32, #tpu.memory_space<vmem>> -> memref<1x512xi32, #tpu.memory_space<vmem>>
    %dma_start3A_563 = tpu.memref_squeeze %dma_start3A_562 : memref<1x512xi32, #tpu.memory_space<vmem>> -> memref<512xi32, #tpu.memory_space<vmem>>
    %dma_start3A_564 = arith.constant 0 : i32
    %dma_start3A_565 = tpu.memref_slice %arg5[%dma_start3A_564] : memref<31997952xf32, #tpu.memory_space<hbm>> -> memref<31997952xf32, #tpu.memory_space<hbm>>
    tpu.enqueue_indirect_dma source(%dma_start3A_565 : memref<31997952xf32, #tpu.memory_space<hbm>>) target(%dma_start3A_560 : memref<512xf32, #tpu.memory_space<vmem>>) offsets(%dma_start3A_563 : memref<512xi32, #tpu.memory_space<vmem>>) semaphore(%arg19 : memref<!tpu.dma_semaphore, #tpu.memory_space<semaphore_mem>>)
    %dma_start3A_566 = arith.constant 28 : i32
    %dma_start3A_567 = arith.constant 28 : i32
    %dma_start3A_568 = arith.constant 0 : i32
    %dma_start3A_569 = tpu.memref_slice %arg14[%dma_start3A_567, %dma_start3A_568] : memref<32x512xf32, #tpu.memory_space<vmem>> -> memref<1x512xf32, #tpu.memory_space<vmem>>
    %dma_start3A_570 = tpu.memref_squeeze %dma_start3A_569 : memref<1x512xf32, #tpu.memory_space<vmem>> -> memref<512xf32, #tpu.memory_space<vmem>>
    %dma_start3A_571 = arith.constant 0 : i32
    %dma_start3A_572 = tpu.memref_slice %arg12[%dma_start3A_566, %dma_start3A_571] : memref<32x512xi32, #tpu.memory_space<vmem>> -> memref<1x512xi32, #tpu.memory_space<vmem>>
    %dma_start3A_573 = tpu.memref_squeeze %dma_start3A_572 : memref<1x512xi32, #tpu.memory_space<vmem>> -> memref<512xi32, #tpu.memory_space<vmem>>
    %dma_start3A_574 = arith.constant 0 : i32
    %dma_start3A_575 = tpu.memref_slice %arg4[%dma_start3A_574] : memref<31997952xf32, #tpu.memory_space<hbm>> -> memref<31997952xf32, #tpu.memory_space<hbm>>
    tpu.enqueue_indirect_dma source(%dma_start3A_575 : memref<31997952xf32, #tpu.memory_space<hbm>>) target(%dma_start3A_570 : memref<512xf32, #tpu.memory_space<vmem>>) offsets(%dma_start3A_573 : memref<512xi32, #tpu.memory_space<vmem>>) semaphore(%arg18 : memref<!tpu.dma_semaphore, #tpu.memory_space<semaphore_mem>>)
    %dma_start3A_576 = arith.constant 28 : i32
    %dma_start3A_577 = arith.constant 28 : i32
    %dma_start3A_578 = arith.constant 0 : i32
    %dma_start3A_579 = tpu.memref_slice %arg15[%dma_start3A_577, %dma_start3A_578] : memref<32x512xf32, #tpu.memory_space<vmem>> -> memref<1x512xf32, #tpu.memory_space<vmem>>
    %dma_start3A_580 = tpu.memref_squeeze %dma_start3A_579 : memref<1x512xf32, #tpu.memory_space<vmem>> -> memref<512xf32, #tpu.memory_space<vmem>>
    %dma_start3A_581 = arith.constant 0 : i32
    %dma_start3A_582 = tpu.memref_slice %arg13[%dma_start3A_576, %dma_start3A_581] : memref<32x512xi32, #tpu.memory_space<vmem>> -> memref<1x512xi32, #tpu.memory_space<vmem>>
    %dma_start3A_583 = tpu.memref_squeeze %dma_start3A_582 : memref<1x512xi32, #tpu.memory_space<vmem>> -> memref<512xi32, #tpu.memory_space<vmem>>
    %dma_start3A_584 = arith.constant 0 : i32
    %dma_start3A_585 = tpu.memref_slice %arg5[%dma_start3A_584] : memref<31997952xf32, #tpu.memory_space<hbm>> -> memref<31997952xf32, #tpu.memory_space<hbm>>
    tpu.enqueue_indirect_dma source(%dma_start3A_585 : memref<31997952xf32, #tpu.memory_space<hbm>>) target(%dma_start3A_580 : memref<512xf32, #tpu.memory_space<vmem>>) offsets(%dma_start3A_583 : memref<512xi32, #tpu.memory_space<vmem>>) semaphore(%arg19 : memref<!tpu.dma_semaphore, #tpu.memory_space<semaphore_mem>>)
    %dma_start3A_586 = arith.constant 29 : i32
    %dma_start3A_587 = arith.constant 29 : i32
    %dma_start3A_588 = arith.constant 0 : i32
    %dma_start3A_589 = tpu.memref_slice %arg14[%dma_start3A_587, %dma_start3A_588] : memref<32x512xf32, #tpu.memory_space<vmem>> -> memref<1x512xf32, #tpu.memory_space<vmem>>
    %dma_start3A_590 = tpu.memref_squeeze %dma_start3A_589 : memref<1x512xf32, #tpu.memory_space<vmem>> -> memref<512xf32, #tpu.memory_space<vmem>>
    %dma_start3A_591 = arith.constant 0 : i32
    %dma_start3A_592 = tpu.memref_slice %arg12[%dma_start3A_586, %dma_start3A_591] : memref<32x512xi32, #tpu.memory_space<vmem>> -> memref<1x512xi32, #tpu.memory_space<vmem>>
    %dma_start3A_593 = tpu.memref_squeeze %dma_start3A_592 : memref<1x512xi32, #tpu.memory_space<vmem>> -> memref<512xi32, #tpu.memory_space<vmem>>
    %dma_start3A_594 = arith.constant 0 : i32
    %dma_start3A_595 = tpu.memref_slice %arg4[%dma_start3A_594] : memref<31997952xf32, #tpu.memory_space<hbm>> -> memref<31997952xf32, #tpu.memory_space<hbm>>
    tpu.enqueue_indirect_dma source(%dma_start3A_595 : memref<31997952xf32, #tpu.memory_space<hbm>>) target(%dma_start3A_590 : memref<512xf32, #tpu.memory_space<vmem>>) offsets(%dma_start3A_593 : memref<512xi32, #tpu.memory_space<vmem>>) semaphore(%arg18 : memref<!tpu.dma_semaphore, #tpu.memory_space<semaphore_mem>>)
    %dma_start3A_596 = arith.constant 29 : i32
    %dma_start3A_597 = arith.constant 29 : i32
    %dma_start3A_598 = arith.constant 0 : i32
    %dma_start3A_599 = tpu.memref_slice %arg15[%dma_start3A_597, %dma_start3A_598] : memref<32x512xf32, #tpu.memory_space<vmem>> -> memref<1x512xf32, #tpu.memory_space<vmem>>
    %dma_start3A_600 = tpu.memref_squeeze %dma_start3A_599 : memref<1x512xf32, #tpu.memory_space<vmem>> -> memref<512xf32, #tpu.memory_space<vmem>>
    %dma_start3A_601 = arith.constant 0 : i32
    %dma_start3A_602 = tpu.memref_slice %arg13[%dma_start3A_596, %dma_start3A_601] : memref<32x512xi32, #tpu.memory_space<vmem>> -> memref<1x512xi32, #tpu.memory_space<vmem>>
    %dma_start3A_603 = tpu.memref_squeeze %dma_start3A_602 : memref<1x512xi32, #tpu.memory_space<vmem>> -> memref<512xi32, #tpu.memory_space<vmem>>
    %dma_start3A_604 = arith.constant 0 : i32
    %dma_start3A_605 = tpu.memref_slice %arg5[%dma_start3A_604] : memref<31997952xf32, #tpu.memory_space<hbm>> -> memref<31997952xf32, #tpu.memory_space<hbm>>
    tpu.enqueue_indirect_dma source(%dma_start3A_605 : memref<31997952xf32, #tpu.memory_space<hbm>>) target(%dma_start3A_600 : memref<512xf32, #tpu.memory_space<vmem>>) offsets(%dma_start3A_603 : memref<512xi32, #tpu.memory_space<vmem>>) semaphore(%arg19 : memref<!tpu.dma_semaphore, #tpu.memory_space<semaphore_mem>>)
    %dma_start3A_606 = arith.constant 30 : i32
    %dma_start3A_607 = arith.constant 30 : i32
    %dma_start3A_608 = arith.constant 0 : i32
    %dma_start3A_609 = tpu.memref_slice %arg14[%dma_start3A_607, %dma_start3A_608] : memref<32x512xf32, #tpu.memory_space<vmem>> -> memref<1x512xf32, #tpu.memory_space<vmem>>
    %dma_start3A_610 = tpu.memref_squeeze %dma_start3A_609 : memref<1x512xf32, #tpu.memory_space<vmem>> -> memref<512xf32, #tpu.memory_space<vmem>>
    %dma_start3A_611 = arith.constant 0 : i32
    %dma_start3A_612 = tpu.memref_slice %arg12[%dma_start3A_606, %dma_start3A_611] : memref<32x512xi32, #tpu.memory_space<vmem>> -> memref<1x512xi32, #tpu.memory_space<vmem>>
    %dma_start3A_613 = tpu.memref_squeeze %dma_start3A_612 : memref<1x512xi32, #tpu.memory_space<vmem>> -> memref<512xi32, #tpu.memory_space<vmem>>
    %dma_start3A_614 = arith.constant 0 : i32
    %dma_start3A_615 = tpu.memref_slice %arg4[%dma_start3A_614] : memref<31997952xf32, #tpu.memory_space<hbm>> -> memref<31997952xf32, #tpu.memory_space<hbm>>
    tpu.enqueue_indirect_dma source(%dma_start3A_615 : memref<31997952xf32, #tpu.memory_space<hbm>>) target(%dma_start3A_610 : memref<512xf32, #tpu.memory_space<vmem>>) offsets(%dma_start3A_613 : memref<512xi32, #tpu.memory_space<vmem>>) semaphore(%arg18 : memref<!tpu.dma_semaphore, #tpu.memory_space<semaphore_mem>>)
    %dma_start3A_616 = arith.constant 30 : i32
    %dma_start3A_617 = arith.constant 30 : i32
    %dma_start3A_618 = arith.constant 0 : i32
    %dma_start3A_619 = tpu.memref_slice %arg15[%dma_start3A_617, %dma_start3A_618] : memref<32x512xf32, #tpu.memory_space<vmem>> -> memref<1x512xf32, #tpu.memory_space<vmem>>
    %dma_start3A_620 = tpu.memref_squeeze %dma_start3A_619 : memref<1x512xf32, #tpu.memory_space<vmem>> -> memref<512xf32, #tpu.memory_space<vmem>>
    %dma_start3A_621 = arith.constant 0 : i32
    %dma_start3A_622 = tpu.memref_slice %arg13[%dma_start3A_616, %dma_start3A_621] : memref<32x512xi32, #tpu.memory_space<vmem>> -> memref<1x512xi32, #tpu.memory_space<vmem>>
    %dma_start3A_623 = tpu.memref_squeeze %dma_start3A_622 : memref<1x512xi32, #tpu.memory_space<vmem>> -> memref<512xi32, #tpu.memory_space<vmem>>
    %dma_start3A_624 = arith.constant 0 : i32
    %dma_start3A_625 = tpu.memref_slice %arg5[%dma_start3A_624] : memref<31997952xf32, #tpu.memory_space<hbm>> -> memref<31997952xf32, #tpu.memory_space<hbm>>
    tpu.enqueue_indirect_dma source(%dma_start3A_625 : memref<31997952xf32, #tpu.memory_space<hbm>>) target(%dma_start3A_620 : memref<512xf32, #tpu.memory_space<vmem>>) offsets(%dma_start3A_623 : memref<512xi32, #tpu.memory_space<vmem>>) semaphore(%arg19 : memref<!tpu.dma_semaphore, #tpu.memory_space<semaphore_mem>>)
    %dma_start3A_626 = arith.constant 31 : i32
    %dma_start3A_627 = arith.constant 31 : i32
    %dma_start3A_628 = arith.constant 0 : i32
    %dma_start3A_629 = tpu.memref_slice %arg14[%dma_start3A_627, %dma_start3A_628] : memref<32x512xf32, #tpu.memory_space<vmem>> -> memref<1x512xf32, #tpu.memory_space<vmem>>
    %dma_start3A_630 = tpu.memref_squeeze %dma_start3A_629 : memref<1x512xf32, #tpu.memory_space<vmem>> -> memref<512xf32, #tpu.memory_space<vmem>>
    %dma_start3A_631 = arith.constant 0 : i32
    %dma_start3A_632 = tpu.memref_slice %arg12[%dma_start3A_626, %dma_start3A_631] : memref<32x512xi32, #tpu.memory_space<vmem>> -> memref<1x512xi32, #tpu.memory_space<vmem>>
    %dma_start3A_633 = tpu.memref_squeeze %dma_start3A_632 : memref<1x512xi32, #tpu.memory_space<vmem>> -> memref<512xi32, #tpu.memory_space<vmem>>
    %dma_start3A_634 = arith.constant 0 : i32
    %dma_start3A_635 = tpu.memref_slice %arg4[%dma_start3A_634] : memref<31997952xf32, #tpu.memory_space<hbm>> -> memref<31997952xf32, #tpu.memory_space<hbm>>
    tpu.enqueue_indirect_dma source(%dma_start3A_635 : memref<31997952xf32, #tpu.memory_space<hbm>>) target(%dma_start3A_630 : memref<512xf32, #tpu.memory_space<vmem>>) offsets(%dma_start3A_633 : memref<512xi32, #tpu.memory_space<vmem>>) semaphore(%arg18 : memref<!tpu.dma_semaphore, #tpu.memory_space<semaphore_mem>>)
    %dma_start3A_636 = arith.constant 31 : i32
    %dma_start3A_637 = arith.constant 31 : i32
    %dma_start3A_638 = arith.constant 0 : i32
    %dma_start3A_639 = tpu.memref_slice %arg15[%dma_start3A_637, %dma_start3A_638] : memref<32x512xf32, #tpu.memory_space<vmem>> -> memref<1x512xf32, #tpu.memory_space<vmem>>
    %dma_start3A_640 = tpu.memref_squeeze %dma_start3A_639 : memref<1x512xf32, #tpu.memory_space<vmem>> -> memref<512xf32, #tpu.memory_space<vmem>>
    %dma_start3A_641 = arith.constant 0 : i32
    %dma_start3A_642 = tpu.memref_slice %arg13[%dma_start3A_636, %dma_start3A_641] : memref<32x512xi32, #tpu.memory_space<vmem>> -> memref<1x512xi32, #tpu.memory_space<vmem>>
    %dma_start3A_643 = tpu.memref_squeeze %dma_start3A_642 : memref<1x512xi32, #tpu.memory_space<vmem>> -> memref<512xi32, #tpu.memory_space<vmem>>
    %dma_start3A_644 = arith.constant 0 : i32
    %dma_start3A_645 = tpu.memref_slice %arg5[%dma_start3A_644] : memref<31997952xf32, #tpu.memory_space<hbm>> -> memref<31997952xf32, #tpu.memory_space<hbm>>
    tpu.enqueue_indirect_dma source(%dma_start3A_645 : memref<31997952xf32, #tpu.memory_space<hbm>>) target(%dma_start3A_640 : memref<512xf32, #tpu.memory_space<vmem>>) offsets(%dma_start3A_643 : memref<512xi32, #tpu.memory_space<vmem>>) semaphore(%arg19 : memref<!tpu.dma_semaphore, #tpu.memory_space<semaphore_mem>>)
    %dma_wait3A = arith.constant 0 : i32
    %dma_wait3A_646 = arith.constant 0 : i32
    %dma_wait3A_647 = arith.constant 0 : i32
    %dma_wait3A_648 = tpu.memref_slice %arg14[%dma_wait3A_646, %dma_wait3A_647] : memref<32x512xf32, #tpu.memory_space<vmem>> -> memref<1x512xf32, #tpu.memory_space<vmem>>
    %dma_wait3A_649 = tpu.memref_squeeze %dma_wait3A_648 : memref<1x512xf32, #tpu.memory_space<vmem>> -> memref<512xf32, #tpu.memory_space<vmem>>
    %dma_wait3A_650 = arith.constant 0 : i32
    %dma_wait3A_651 = tpu.memref_slice %arg12[%dma_wait3A, %dma_wait3A_650] : memref<32x512xi32, #tpu.memory_space<vmem>> -> memref<1x512xi32, #tpu.memory_space<vmem>>
    %dma_wait3A_652 = tpu.memref_squeeze %dma_wait3A_651 : memref<1x512xi32, #tpu.memory_space<vmem>> -> memref<512xi32, #tpu.memory_space<vmem>>
    %dma_wait3A_653 = arith.constant 0 : i32
    %dma_wait3A_654 = tpu.memref_slice %arg4[%dma_wait3A_653] : memref<31997952xf32, #tpu.memory_space<hbm>> -> memref<31997952xf32, #tpu.memory_space<hbm>>
    tpu.wait_indirect_dma semaphore(%arg18 : memref<!tpu.dma_semaphore, #tpu.memory_space<semaphore_mem>>) src(%dma_wait3A_654 : memref<31997952xf32, #tpu.memory_space<hbm>>) dst(%dma_wait3A_649 : memref<512xf32, #tpu.memory_space<vmem>>)
    %dma_wait3A_655 = arith.constant 0 : i32
    %dma_wait3A_656 = arith.constant 0 : i32
    %dma_wait3A_657 = arith.constant 0 : i32
    %dma_wait3A_658 = tpu.memref_slice %arg15[%dma_wait3A_656, %dma_wait3A_657] : memref<32x512xf32, #tpu.memory_space<vmem>> -> memref<1x512xf32, #tpu.memory_space<vmem>>
    %dma_wait3A_659 = tpu.memref_squeeze %dma_wait3A_658 : memref<1x512xf32, #tpu.memory_space<vmem>> -> memref<512xf32, #tpu.memory_space<vmem>>
    %dma_wait3A_660 = arith.constant 0 : i32
    %dma_wait3A_661 = tpu.memref_slice %arg13[%dma_wait3A_655, %dma_wait3A_660] : memref<32x512xi32, #tpu.memory_space<vmem>> -> memref<1x512xi32, #tpu.memory_space<vmem>>
    %dma_wait3A_662 = tpu.memref_squeeze %dma_wait3A_661 : memref<1x512xi32, #tpu.memory_space<vmem>> -> memref<512xi32, #tpu.memory_space<vmem>>
    %dma_wait3A_663 = arith.constant 0 : i32
    %dma_wait3A_664 = tpu.memref_slice %arg5[%dma_wait3A_663] : memref<31997952xf32, #tpu.memory_space<hbm>> -> memref<31997952xf32, #tpu.memory_space<hbm>>
    tpu.wait_indirect_dma semaphore(%arg19 : memref<!tpu.dma_semaphore, #tpu.memory_space<semaphore_mem>>) src(%dma_wait3A_664 : memref<31997952xf32, #tpu.memory_space<hbm>>) dst(%dma_wait3A_659 : memref<512xf32, #tpu.memory_space<vmem>>)
    %dma_wait3A_665 = arith.constant 1 : i32
    %dma_wait3A_666 = arith.constant 1 : i32
    %dma_wait3A_667 = arith.constant 0 : i32
    %dma_wait3A_668 = tpu.memref_slice %arg14[%dma_wait3A_666, %dma_wait3A_667] : memref<32x512xf32, #tpu.memory_space<vmem>> -> memref<1x512xf32, #tpu.memory_space<vmem>>
    %dma_wait3A_669 = tpu.memref_squeeze %dma_wait3A_668 : memref<1x512xf32, #tpu.memory_space<vmem>> -> memref<512xf32, #tpu.memory_space<vmem>>
    %dma_wait3A_670 = arith.constant 0 : i32
    %dma_wait3A_671 = tpu.memref_slice %arg12[%dma_wait3A_665, %dma_wait3A_670] : memref<32x512xi32, #tpu.memory_space<vmem>> -> memref<1x512xi32, #tpu.memory_space<vmem>>
    %dma_wait3A_672 = tpu.memref_squeeze %dma_wait3A_671 : memref<1x512xi32, #tpu.memory_space<vmem>> -> memref<512xi32, #tpu.memory_space<vmem>>
    %dma_wait3A_673 = arith.constant 0 : i32
    %dma_wait3A_674 = tpu.memref_slice %arg4[%dma_wait3A_673] : memref<31997952xf32, #tpu.memory_space<hbm>> -> memref<31997952xf32, #tpu.memory_space<hbm>>
    tpu.wait_indirect_dma semaphore(%arg18 : memref<!tpu.dma_semaphore, #tpu.memory_space<semaphore_mem>>) src(%dma_wait3A_674 : memref<31997952xf32, #tpu.memory_space<hbm>>) dst(%dma_wait3A_669 : memref<512xf32, #tpu.memory_space<vmem>>)
    %dma_wait3A_675 = arith.constant 1 : i32
    %dma_wait3A_676 = arith.constant 1 : i32
    %dma_wait3A_677 = arith.constant 0 : i32
    %dma_wait3A_678 = tpu.memref_slice %arg15[%dma_wait3A_676, %dma_wait3A_677] : memref<32x512xf32, #tpu.memory_space<vmem>> -> memref<1x512xf32, #tpu.memory_space<vmem>>
    %dma_wait3A_679 = tpu.memref_squeeze %dma_wait3A_678 : memref<1x512xf32, #tpu.memory_space<vmem>> -> memref<512xf32, #tpu.memory_space<vmem>>
    %dma_wait3A_680 = arith.constant 0 : i32
    %dma_wait3A_681 = tpu.memref_slice %arg13[%dma_wait3A_675, %dma_wait3A_680] : memref<32x512xi32, #tpu.memory_space<vmem>> -> memref<1x512xi32, #tpu.memory_space<vmem>>
    %dma_wait3A_682 = tpu.memref_squeeze %dma_wait3A_681 : memref<1x512xi32, #tpu.memory_space<vmem>> -> memref<512xi32, #tpu.memory_space<vmem>>
    %dma_wait3A_683 = arith.constant 0 : i32
    %dma_wait3A_684 = tpu.memref_slice %arg5[%dma_wait3A_683] : memref<31997952xf32, #tpu.memory_space<hbm>> -> memref<31997952xf32, #tpu.memory_space<hbm>>
    tpu.wait_indirect_dma semaphore(%arg19 : memref<!tpu.dma_semaphore, #tpu.memory_space<semaphore_mem>>) src(%dma_wait3A_684 : memref<31997952xf32, #tpu.memory_space<hbm>>) dst(%dma_wait3A_679 : memref<512xf32, #tpu.memory_space<vmem>>)
    %dma_wait3A_685 = arith.constant 2 : i32
    %dma_wait3A_686 = arith.constant 2 : i32
    %dma_wait3A_687 = arith.constant 0 : i32
    %dma_wait3A_688 = tpu.memref_slice %arg14[%dma_wait3A_686, %dma_wait3A_687] : memref<32x512xf32, #tpu.memory_space<vmem>> -> memref<1x512xf32, #tpu.memory_space<vmem>>
    %dma_wait3A_689 = tpu.memref_squeeze %dma_wait3A_688 : memref<1x512xf32, #tpu.memory_space<vmem>> -> memref<512xf32, #tpu.memory_space<vmem>>
    %dma_wait3A_690 = arith.constant 0 : i32
    %dma_wait3A_691 = tpu.memref_slice %arg12[%dma_wait3A_685, %dma_wait3A_690] : memref<32x512xi32, #tpu.memory_space<vmem>> -> memref<1x512xi32, #tpu.memory_space<vmem>>
    %dma_wait3A_692 = tpu.memref_squeeze %dma_wait3A_691 : memref<1x512xi32, #tpu.memory_space<vmem>> -> memref<512xi32, #tpu.memory_space<vmem>>
    %dma_wait3A_693 = arith.constant 0 : i32
    %dma_wait3A_694 = tpu.memref_slice %arg4[%dma_wait3A_693] : memref<31997952xf32, #tpu.memory_space<hbm>> -> memref<31997952xf32, #tpu.memory_space<hbm>>
    tpu.wait_indirect_dma semaphore(%arg18 : memref<!tpu.dma_semaphore, #tpu.memory_space<semaphore_mem>>) src(%dma_wait3A_694 : memref<31997952xf32, #tpu.memory_space<hbm>>) dst(%dma_wait3A_689 : memref<512xf32, #tpu.memory_space<vmem>>)
    %dma_wait3A_695 = arith.constant 2 : i32
    %dma_wait3A_696 = arith.constant 2 : i32
    %dma_wait3A_697 = arith.constant 0 : i32
    %dma_wait3A_698 = tpu.memref_slice %arg15[%dma_wait3A_696, %dma_wait3A_697] : memref<32x512xf32, #tpu.memory_space<vmem>> -> memref<1x512xf32, #tpu.memory_space<vmem>>
    %dma_wait3A_699 = tpu.memref_squeeze %dma_wait3A_698 : memref<1x512xf32, #tpu.memory_space<vmem>> -> memref<512xf32, #tpu.memory_space<vmem>>
    %dma_wait3A_700 = arith.constant 0 : i32
    %dma_wait3A_701 = tpu.memref_slice %arg13[%dma_wait3A_695, %dma_wait3A_700] : memref<32x512xi32, #tpu.memory_space<vmem>> -> memref<1x512xi32, #tpu.memory_space<vmem>>
    %dma_wait3A_702 = tpu.memref_squeeze %dma_wait3A_701 : memref<1x512xi32, #tpu.memory_space<vmem>> -> memref<512xi32, #tpu.memory_space<vmem>>
    %dma_wait3A_703 = arith.constant 0 : i32
    %dma_wait3A_704 = tpu.memref_slice %arg5[%dma_wait3A_703] : memref<31997952xf32, #tpu.memory_space<hbm>> -> memref<31997952xf32, #tpu.memory_space<hbm>>
    tpu.wait_indirect_dma semaphore(%arg19 : memref<!tpu.dma_semaphore, #tpu.memory_space<semaphore_mem>>) src(%dma_wait3A_704 : memref<31997952xf32, #tpu.memory_space<hbm>>) dst(%dma_wait3A_699 : memref<512xf32, #tpu.memory_space<vmem>>)
    %dma_wait3A_705 = arith.constant 3 : i32
    %dma_wait3A_706 = arith.constant 3 : i32
    %dma_wait3A_707 = arith.constant 0 : i32
    %dma_wait3A_708 = tpu.memref_slice %arg14[%dma_wait3A_706, %dma_wait3A_707] : memref<32x512xf32, #tpu.memory_space<vmem>> -> memref<1x512xf32, #tpu.memory_space<vmem>>
    %dma_wait3A_709 = tpu.memref_squeeze %dma_wait3A_708 : memref<1x512xf32, #tpu.memory_space<vmem>> -> memref<512xf32, #tpu.memory_space<vmem>>
    %dma_wait3A_710 = arith.constant 0 : i32
    %dma_wait3A_711 = tpu.memref_slice %arg12[%dma_wait3A_705, %dma_wait3A_710] : memref<32x512xi32, #tpu.memory_space<vmem>> -> memref<1x512xi32, #tpu.memory_space<vmem>>
    %dma_wait3A_712 = tpu.memref_squeeze %dma_wait3A_711 : memref<1x512xi32, #tpu.memory_space<vmem>> -> memref<512xi32, #tpu.memory_space<vmem>>
    %dma_wait3A_713 = arith.constant 0 : i32
    %dma_wait3A_714 = tpu.memref_slice %arg4[%dma_wait3A_713] : memref<31997952xf32, #tpu.memory_space<hbm>> -> memref<31997952xf32, #tpu.memory_space<hbm>>
    tpu.wait_indirect_dma semaphore(%arg18 : memref<!tpu.dma_semaphore, #tpu.memory_space<semaphore_mem>>) src(%dma_wait3A_714 : memref<31997952xf32, #tpu.memory_space<hbm>>) dst(%dma_wait3A_709 : memref<512xf32, #tpu.memory_space<vmem>>)
    %dma_wait3A_715 = arith.constant 3 : i32
    %dma_wait3A_716 = arith.constant 3 : i32
    %dma_wait3A_717 = arith.constant 0 : i32
    %dma_wait3A_718 = tpu.memref_slice %arg15[%dma_wait3A_716, %dma_wait3A_717] : memref<32x512xf32, #tpu.memory_space<vmem>> -> memref<1x512xf32, #tpu.memory_space<vmem>>
    %dma_wait3A_719 = tpu.memref_squeeze %dma_wait3A_718 : memref<1x512xf32, #tpu.memory_space<vmem>> -> memref<512xf32, #tpu.memory_space<vmem>>
    %dma_wait3A_720 = arith.constant 0 : i32
    %dma_wait3A_721 = tpu.memref_slice %arg13[%dma_wait3A_715, %dma_wait3A_720] : memref<32x512xi32, #tpu.memory_space<vmem>> -> memref<1x512xi32, #tpu.memory_space<vmem>>
    %dma_wait3A_722 = tpu.memref_squeeze %dma_wait3A_721 : memref<1x512xi32, #tpu.memory_space<vmem>> -> memref<512xi32, #tpu.memory_space<vmem>>
    %dma_wait3A_723 = arith.constant 0 : i32
    %dma_wait3A_724 = tpu.memref_slice %arg5[%dma_wait3A_723] : memref<31997952xf32, #tpu.memory_space<hbm>> -> memref<31997952xf32, #tpu.memory_space<hbm>>
    tpu.wait_indirect_dma semaphore(%arg19 : memref<!tpu.dma_semaphore, #tpu.memory_space<semaphore_mem>>) src(%dma_wait3A_724 : memref<31997952xf32, #tpu.memory_space<hbm>>) dst(%dma_wait3A_719 : memref<512xf32, #tpu.memory_space<vmem>>)
    %dma_wait3A_725 = arith.constant 4 : i32
    %dma_wait3A_726 = arith.constant 4 : i32
    %dma_wait3A_727 = arith.constant 0 : i32
    %dma_wait3A_728 = tpu.memref_slice %arg14[%dma_wait3A_726, %dma_wait3A_727] : memref<32x512xf32, #tpu.memory_space<vmem>> -> memref<1x512xf32, #tpu.memory_space<vmem>>
    %dma_wait3A_729 = tpu.memref_squeeze %dma_wait3A_728 : memref<1x512xf32, #tpu.memory_space<vmem>> -> memref<512xf32, #tpu.memory_space<vmem>>
    %dma_wait3A_730 = arith.constant 0 : i32
    %dma_wait3A_731 = tpu.memref_slice %arg12[%dma_wait3A_725, %dma_wait3A_730] : memref<32x512xi32, #tpu.memory_space<vmem>> -> memref<1x512xi32, #tpu.memory_space<vmem>>
    %dma_wait3A_732 = tpu.memref_squeeze %dma_wait3A_731 : memref<1x512xi32, #tpu.memory_space<vmem>> -> memref<512xi32, #tpu.memory_space<vmem>>
    %dma_wait3A_733 = arith.constant 0 : i32
    %dma_wait3A_734 = tpu.memref_slice %arg4[%dma_wait3A_733] : memref<31997952xf32, #tpu.memory_space<hbm>> -> memref<31997952xf32, #tpu.memory_space<hbm>>
    tpu.wait_indirect_dma semaphore(%arg18 : memref<!tpu.dma_semaphore, #tpu.memory_space<semaphore_mem>>) src(%dma_wait3A_734 : memref<31997952xf32, #tpu.memory_space<hbm>>) dst(%dma_wait3A_729 : memref<512xf32, #tpu.memory_space<vmem>>)
    %dma_wait3A_735 = arith.constant 4 : i32
    %dma_wait3A_736 = arith.constant 4 : i32
    %dma_wait3A_737 = arith.constant 0 : i32
    %dma_wait3A_738 = tpu.memref_slice %arg15[%dma_wait3A_736, %dma_wait3A_737] : memref<32x512xf32, #tpu.memory_space<vmem>> -> memref<1x512xf32, #tpu.memory_space<vmem>>
    %dma_wait3A_739 = tpu.memref_squeeze %dma_wait3A_738 : memref<1x512xf32, #tpu.memory_space<vmem>> -> memref<512xf32, #tpu.memory_space<vmem>>
    %dma_wait3A_740 = arith.constant 0 : i32
    %dma_wait3A_741 = tpu.memref_slice %arg13[%dma_wait3A_735, %dma_wait3A_740] : memref<32x512xi32, #tpu.memory_space<vmem>> -> memref<1x512xi32, #tpu.memory_space<vmem>>
    %dma_wait3A_742 = tpu.memref_squeeze %dma_wait3A_741 : memref<1x512xi32, #tpu.memory_space<vmem>> -> memref<512xi32, #tpu.memory_space<vmem>>
    %dma_wait3A_743 = arith.constant 0 : i32
    %dma_wait3A_744 = tpu.memref_slice %arg5[%dma_wait3A_743] : memref<31997952xf32, #tpu.memory_space<hbm>> -> memref<31997952xf32, #tpu.memory_space<hbm>>
    tpu.wait_indirect_dma semaphore(%arg19 : memref<!tpu.dma_semaphore, #tpu.memory_space<semaphore_mem>>) src(%dma_wait3A_744 : memref<31997952xf32, #tpu.memory_space<hbm>>) dst(%dma_wait3A_739 : memref<512xf32, #tpu.memory_space<vmem>>)
    %dma_wait3A_745 = arith.constant 5 : i32
    %dma_wait3A_746 = arith.constant 5 : i32
    %dma_wait3A_747 = arith.constant 0 : i32
    %dma_wait3A_748 = tpu.memref_slice %arg14[%dma_wait3A_746, %dma_wait3A_747] : memref<32x512xf32, #tpu.memory_space<vmem>> -> memref<1x512xf32, #tpu.memory_space<vmem>>
    %dma_wait3A_749 = tpu.memref_squeeze %dma_wait3A_748 : memref<1x512xf32, #tpu.memory_space<vmem>> -> memref<512xf32, #tpu.memory_space<vmem>>
    %dma_wait3A_750 = arith.constant 0 : i32
    %dma_wait3A_751 = tpu.memref_slice %arg12[%dma_wait3A_745, %dma_wait3A_750] : memref<32x512xi32, #tpu.memory_space<vmem>> -> memref<1x512xi32, #tpu.memory_space<vmem>>
    %dma_wait3A_752 = tpu.memref_squeeze %dma_wait3A_751 : memref<1x512xi32, #tpu.memory_space<vmem>> -> memref<512xi32, #tpu.memory_space<vmem>>
    %dma_wait3A_753 = arith.constant 0 : i32
    %dma_wait3A_754 = tpu.memref_slice %arg4[%dma_wait3A_753] : memref<31997952xf32, #tpu.memory_space<hbm>> -> memref<31997952xf32, #tpu.memory_space<hbm>>
    tpu.wait_indirect_dma semaphore(%arg18 : memref<!tpu.dma_semaphore, #tpu.memory_space<semaphore_mem>>) src(%dma_wait3A_754 : memref<31997952xf32, #tpu.memory_space<hbm>>) dst(%dma_wait3A_749 : memref<512xf32, #tpu.memory_space<vmem>>)
    %dma_wait3A_755 = arith.constant 5 : i32
    %dma_wait3A_756 = arith.constant 5 : i32
    %dma_wait3A_757 = arith.constant 0 : i32
    %dma_wait3A_758 = tpu.memref_slice %arg15[%dma_wait3A_756, %dma_wait3A_757] : memref<32x512xf32, #tpu.memory_space<vmem>> -> memref<1x512xf32, #tpu.memory_space<vmem>>
    %dma_wait3A_759 = tpu.memref_squeeze %dma_wait3A_758 : memref<1x512xf32, #tpu.memory_space<vmem>> -> memref<512xf32, #tpu.memory_space<vmem>>
    %dma_wait3A_760 = arith.constant 0 : i32
    %dma_wait3A_761 = tpu.memref_slice %arg13[%dma_wait3A_755, %dma_wait3A_760] : memref<32x512xi32, #tpu.memory_space<vmem>> -> memref<1x512xi32, #tpu.memory_space<vmem>>
    %dma_wait3A_762 = tpu.memref_squeeze %dma_wait3A_761 : memref<1x512xi32, #tpu.memory_space<vmem>> -> memref<512xi32, #tpu.memory_space<vmem>>
    %dma_wait3A_763 = arith.constant 0 : i32
    %dma_wait3A_764 = tpu.memref_slice %arg5[%dma_wait3A_763] : memref<31997952xf32, #tpu.memory_space<hbm>> -> memref<31997952xf32, #tpu.memory_space<hbm>>
    tpu.wait_indirect_dma semaphore(%arg19 : memref<!tpu.dma_semaphore, #tpu.memory_space<semaphore_mem>>) src(%dma_wait3A_764 : memref<31997952xf32, #tpu.memory_space<hbm>>) dst(%dma_wait3A_759 : memref<512xf32, #tpu.memory_space<vmem>>)
    %dma_wait3A_765 = arith.constant 6 : i32
    %dma_wait3A_766 = arith.constant 6 : i32
    %dma_wait3A_767 = arith.constant 0 : i32
    %dma_wait3A_768 = tpu.memref_slice %arg14[%dma_wait3A_766, %dma_wait3A_767] : memref<32x512xf32, #tpu.memory_space<vmem>> -> memref<1x512xf32, #tpu.memory_space<vmem>>
    %dma_wait3A_769 = tpu.memref_squeeze %dma_wait3A_768 : memref<1x512xf32, #tpu.memory_space<vmem>> -> memref<512xf32, #tpu.memory_space<vmem>>
    %dma_wait3A_770 = arith.constant 0 : i32
    %dma_wait3A_771 = tpu.memref_slice %arg12[%dma_wait3A_765, %dma_wait3A_770] : memref<32x512xi32, #tpu.memory_space<vmem>> -> memref<1x512xi32, #tpu.memory_space<vmem>>
    %dma_wait3A_772 = tpu.memref_squeeze %dma_wait3A_771 : memref<1x512xi32, #tpu.memory_space<vmem>> -> memref<512xi32, #tpu.memory_space<vmem>>
    %dma_wait3A_773 = arith.constant 0 : i32
    %dma_wait3A_774 = tpu.memref_slice %arg4[%dma_wait3A_773] : memref<31997952xf32, #tpu.memory_space<hbm>> -> memref<31997952xf32, #tpu.memory_space<hbm>>
    tpu.wait_indirect_dma semaphore(%arg18 : memref<!tpu.dma_semaphore, #tpu.memory_space<semaphore_mem>>) src(%dma_wait3A_774 : memref<31997952xf32, #tpu.memory_space<hbm>>) dst(%dma_wait3A_769 : memref<512xf32, #tpu.memory_space<vmem>>)
    %dma_wait3A_775 = arith.constant 6 : i32
    %dma_wait3A_776 = arith.constant 6 : i32
    %dma_wait3A_777 = arith.constant 0 : i32
    %dma_wait3A_778 = tpu.memref_slice %arg15[%dma_wait3A_776, %dma_wait3A_777] : memref<32x512xf32, #tpu.memory_space<vmem>> -> memref<1x512xf32, #tpu.memory_space<vmem>>
    %dma_wait3A_779 = tpu.memref_squeeze %dma_wait3A_778 : memref<1x512xf32, #tpu.memory_space<vmem>> -> memref<512xf32, #tpu.memory_space<vmem>>
    %dma_wait3A_780 = arith.constant 0 : i32
    %dma_wait3A_781 = tpu.memref_slice %arg13[%dma_wait3A_775, %dma_wait3A_780] : memref<32x512xi32, #tpu.memory_space<vmem>> -> memref<1x512xi32, #tpu.memory_space<vmem>>
    %dma_wait3A_782 = tpu.memref_squeeze %dma_wait3A_781 : memref<1x512xi32, #tpu.memory_space<vmem>> -> memref<512xi32, #tpu.memory_space<vmem>>
    %dma_wait3A_783 = arith.constant 0 : i32
    %dma_wait3A_784 = tpu.memref_slice %arg5[%dma_wait3A_783] : memref<31997952xf32, #tpu.memory_space<hbm>> -> memref<31997952xf32, #tpu.memory_space<hbm>>
    tpu.wait_indirect_dma semaphore(%arg19 : memref<!tpu.dma_semaphore, #tpu.memory_space<semaphore_mem>>) src(%dma_wait3A_784 : memref<31997952xf32, #tpu.memory_space<hbm>>) dst(%dma_wait3A_779 : memref<512xf32, #tpu.memory_space<vmem>>)
    %dma_wait3A_785 = arith.constant 7 : i32
    %dma_wait3A_786 = arith.constant 7 : i32
    %dma_wait3A_787 = arith.constant 0 : i32
    %dma_wait3A_788 = tpu.memref_slice %arg14[%dma_wait3A_786, %dma_wait3A_787] : memref<32x512xf32, #tpu.memory_space<vmem>> -> memref<1x512xf32, #tpu.memory_space<vmem>>
    %dma_wait3A_789 = tpu.memref_squeeze %dma_wait3A_788 : memref<1x512xf32, #tpu.memory_space<vmem>> -> memref<512xf32, #tpu.memory_space<vmem>>
    %dma_wait3A_790 = arith.constant 0 : i32
    %dma_wait3A_791 = tpu.memref_slice %arg12[%dma_wait3A_785, %dma_wait3A_790] : memref<32x512xi32, #tpu.memory_space<vmem>> -> memref<1x512xi32, #tpu.memory_space<vmem>>
    %dma_wait3A_792 = tpu.memref_squeeze %dma_wait3A_791 : memref<1x512xi32, #tpu.memory_space<vmem>> -> memref<512xi32, #tpu.memory_space<vmem>>
    %dma_wait3A_793 = arith.constant 0 : i32
    %dma_wait3A_794 = tpu.memref_slice %arg4[%dma_wait3A_793] : memref<31997952xf32, #tpu.memory_space<hbm>> -> memref<31997952xf32, #tpu.memory_space<hbm>>
    tpu.wait_indirect_dma semaphore(%arg18 : memref<!tpu.dma_semaphore, #tpu.memory_space<semaphore_mem>>) src(%dma_wait3A_794 : memref<31997952xf32, #tpu.memory_space<hbm>>) dst(%dma_wait3A_789 : memref<512xf32, #tpu.memory_space<vmem>>)
    %dma_wait3A_795 = arith.constant 7 : i32
    %dma_wait3A_796 = arith.constant 7 : i32
    %dma_wait3A_797 = arith.constant 0 : i32
    %dma_wait3A_798 = tpu.memref_slice %arg15[%dma_wait3A_796, %dma_wait3A_797] : memref<32x512xf32, #tpu.memory_space<vmem>> -> memref<1x512xf32, #tpu.memory_space<vmem>>
    %dma_wait3A_799 = tpu.memref_squeeze %dma_wait3A_798 : memref<1x512xf32, #tpu.memory_space<vmem>> -> memref<512xf32, #tpu.memory_space<vmem>>
    %dma_wait3A_800 = arith.constant 0 : i32
    %dma_wait3A_801 = tpu.memref_slice %arg13[%dma_wait3A_795, %dma_wait3A_800] : memref<32x512xi32, #tpu.memory_space<vmem>> -> memref<1x512xi32, #tpu.memory_space<vmem>>
    %dma_wait3A_802 = tpu.memref_squeeze %dma_wait3A_801 : memref<1x512xi32, #tpu.memory_space<vmem>> -> memref<512xi32, #tpu.memory_space<vmem>>
    %dma_wait3A_803 = arith.constant 0 : i32
    %dma_wait3A_804 = tpu.memref_slice %arg5[%dma_wait3A_803] : memref<31997952xf32, #tpu.memory_space<hbm>> -> memref<31997952xf32, #tpu.memory_space<hbm>>
    tpu.wait_indirect_dma semaphore(%arg19 : memref<!tpu.dma_semaphore, #tpu.memory_space<semaphore_mem>>) src(%dma_wait3A_804 : memref<31997952xf32, #tpu.memory_space<hbm>>) dst(%dma_wait3A_799 : memref<512xf32, #tpu.memory_space<vmem>>)
    %dma_wait3A_805 = arith.constant 8 : i32
    %dma_wait3A_806 = arith.constant 8 : i32
    %dma_wait3A_807 = arith.constant 0 : i32
    %dma_wait3A_808 = tpu.memref_slice %arg14[%dma_wait3A_806, %dma_wait3A_807] : memref<32x512xf32, #tpu.memory_space<vmem>> -> memref<1x512xf32, #tpu.memory_space<vmem>>
    %dma_wait3A_809 = tpu.memref_squeeze %dma_wait3A_808 : memref<1x512xf32, #tpu.memory_space<vmem>> -> memref<512xf32, #tpu.memory_space<vmem>>
    %dma_wait3A_810 = arith.constant 0 : i32
    %dma_wait3A_811 = tpu.memref_slice %arg12[%dma_wait3A_805, %dma_wait3A_810] : memref<32x512xi32, #tpu.memory_space<vmem>> -> memref<1x512xi32, #tpu.memory_space<vmem>>
    %dma_wait3A_812 = tpu.memref_squeeze %dma_wait3A_811 : memref<1x512xi32, #tpu.memory_space<vmem>> -> memref<512xi32, #tpu.memory_space<vmem>>
    %dma_wait3A_813 = arith.constant 0 : i32
    %dma_wait3A_814 = tpu.memref_slice %arg4[%dma_wait3A_813] : memref<31997952xf32, #tpu.memory_space<hbm>> -> memref<31997952xf32, #tpu.memory_space<hbm>>
    tpu.wait_indirect_dma semaphore(%arg18 : memref<!tpu.dma_semaphore, #tpu.memory_space<semaphore_mem>>) src(%dma_wait3A_814 : memref<31997952xf32, #tpu.memory_space<hbm>>) dst(%dma_wait3A_809 : memref<512xf32, #tpu.memory_space<vmem>>)
    %dma_wait3A_815 = arith.constant 8 : i32
    %dma_wait3A_816 = arith.constant 8 : i32
    %dma_wait3A_817 = arith.constant 0 : i32
    %dma_wait3A_818 = tpu.memref_slice %arg15[%dma_wait3A_816, %dma_wait3A_817] : memref<32x512xf32, #tpu.memory_space<vmem>> -> memref<1x512xf32, #tpu.memory_space<vmem>>
    %dma_wait3A_819 = tpu.memref_squeeze %dma_wait3A_818 : memref<1x512xf32, #tpu.memory_space<vmem>> -> memref<512xf32, #tpu.memory_space<vmem>>
    %dma_wait3A_820 = arith.constant 0 : i32
    %dma_wait3A_821 = tpu.memref_slice %arg13[%dma_wait3A_815, %dma_wait3A_820] : memref<32x512xi32, #tpu.memory_space<vmem>> -> memref<1x512xi32, #tpu.memory_space<vmem>>
    %dma_wait3A_822 = tpu.memref_squeeze %dma_wait3A_821 : memref<1x512xi32, #tpu.memory_space<vmem>> -> memref<512xi32, #tpu.memory_space<vmem>>
    %dma_wait3A_823 = arith.constant 0 : i32
    %dma_wait3A_824 = tpu.memref_slice %arg5[%dma_wait3A_823] : memref<31997952xf32, #tpu.memory_space<hbm>> -> memref<31997952xf32, #tpu.memory_space<hbm>>
    tpu.wait_indirect_dma semaphore(%arg19 : memref<!tpu.dma_semaphore, #tpu.memory_space<semaphore_mem>>) src(%dma_wait3A_824 : memref<31997952xf32, #tpu.memory_space<hbm>>) dst(%dma_wait3A_819 : memref<512xf32, #tpu.memory_space<vmem>>)
    %dma_wait3A_825 = arith.constant 9 : i32
    %dma_wait3A_826 = arith.constant 9 : i32
    %dma_wait3A_827 = arith.constant 0 : i32
    %dma_wait3A_828 = tpu.memref_slice %arg14[%dma_wait3A_826, %dma_wait3A_827] : memref<32x512xf32, #tpu.memory_space<vmem>> -> memref<1x512xf32, #tpu.memory_space<vmem>>
    %dma_wait3A_829 = tpu.memref_squeeze %dma_wait3A_828 : memref<1x512xf32, #tpu.memory_space<vmem>> -> memref<512xf32, #tpu.memory_space<vmem>>
    %dma_wait3A_830 = arith.constant 0 : i32
    %dma_wait3A_831 = tpu.memref_slice %arg12[%dma_wait3A_825, %dma_wait3A_830] : memref<32x512xi32, #tpu.memory_space<vmem>> -> memref<1x512xi32, #tpu.memory_space<vmem>>
    %dma_wait3A_832 = tpu.memref_squeeze %dma_wait3A_831 : memref<1x512xi32, #tpu.memory_space<vmem>> -> memref<512xi32, #tpu.memory_space<vmem>>
    %dma_wait3A_833 = arith.constant 0 : i32
    %dma_wait3A_834 = tpu.memref_slice %arg4[%dma_wait3A_833] : memref<31997952xf32, #tpu.memory_space<hbm>> -> memref<31997952xf32, #tpu.memory_space<hbm>>
    tpu.wait_indirect_dma semaphore(%arg18 : memref<!tpu.dma_semaphore, #tpu.memory_space<semaphore_mem>>) src(%dma_wait3A_834 : memref<31997952xf32, #tpu.memory_space<hbm>>) dst(%dma_wait3A_829 : memref<512xf32, #tpu.memory_space<vmem>>)
    %dma_wait3A_835 = arith.constant 9 : i32
    %dma_wait3A_836 = arith.constant 9 : i32
    %dma_wait3A_837 = arith.constant 0 : i32
    %dma_wait3A_838 = tpu.memref_slice %arg15[%dma_wait3A_836, %dma_wait3A_837] : memref<32x512xf32, #tpu.memory_space<vmem>> -> memref<1x512xf32, #tpu.memory_space<vmem>>
    %dma_wait3A_839 = tpu.memref_squeeze %dma_wait3A_838 : memref<1x512xf32, #tpu.memory_space<vmem>> -> memref<512xf32, #tpu.memory_space<vmem>>
    %dma_wait3A_840 = arith.constant 0 : i32
    %dma_wait3A_841 = tpu.memref_slice %arg13[%dma_wait3A_835, %dma_wait3A_840] : memref<32x512xi32, #tpu.memory_space<vmem>> -> memref<1x512xi32, #tpu.memory_space<vmem>>
    %dma_wait3A_842 = tpu.memref_squeeze %dma_wait3A_841 : memref<1x512xi32, #tpu.memory_space<vmem>> -> memref<512xi32, #tpu.memory_space<vmem>>
    %dma_wait3A_843 = arith.constant 0 : i32
    %dma_wait3A_844 = tpu.memref_slice %arg5[%dma_wait3A_843] : memref<31997952xf32, #tpu.memory_space<hbm>> -> memref<31997952xf32, #tpu.memory_space<hbm>>
    tpu.wait_indirect_dma semaphore(%arg19 : memref<!tpu.dma_semaphore, #tpu.memory_space<semaphore_mem>>) src(%dma_wait3A_844 : memref<31997952xf32, #tpu.memory_space<hbm>>) dst(%dma_wait3A_839 : memref<512xf32, #tpu.memory_space<vmem>>)
    %dma_wait3A_845 = arith.constant 10 : i32
    %dma_wait3A_846 = arith.constant 10 : i32
    %dma_wait3A_847 = arith.constant 0 : i32
    %dma_wait3A_848 = tpu.memref_slice %arg14[%dma_wait3A_846, %dma_wait3A_847] : memref<32x512xf32, #tpu.memory_space<vmem>> -> memref<1x512xf32, #tpu.memory_space<vmem>>
    %dma_wait3A_849 = tpu.memref_squeeze %dma_wait3A_848 : memref<1x512xf32, #tpu.memory_space<vmem>> -> memref<512xf32, #tpu.memory_space<vmem>>
    %dma_wait3A_850 = arith.constant 0 : i32
    %dma_wait3A_851 = tpu.memref_slice %arg12[%dma_wait3A_845, %dma_wait3A_850] : memref<32x512xi32, #tpu.memory_space<vmem>> -> memref<1x512xi32, #tpu.memory_space<vmem>>
    %dma_wait3A_852 = tpu.memref_squeeze %dma_wait3A_851 : memref<1x512xi32, #tpu.memory_space<vmem>> -> memref<512xi32, #tpu.memory_space<vmem>>
    %dma_wait3A_853 = arith.constant 0 : i32
    %dma_wait3A_854 = tpu.memref_slice %arg4[%dma_wait3A_853] : memref<31997952xf32, #tpu.memory_space<hbm>> -> memref<31997952xf32, #tpu.memory_space<hbm>>
    tpu.wait_indirect_dma semaphore(%arg18 : memref<!tpu.dma_semaphore, #tpu.memory_space<semaphore_mem>>) src(%dma_wait3A_854 : memref<31997952xf32, #tpu.memory_space<hbm>>) dst(%dma_wait3A_849 : memref<512xf32, #tpu.memory_space<vmem>>)
    %dma_wait3A_855 = arith.constant 10 : i32
    %dma_wait3A_856 = arith.constant 10 : i32
    %dma_wait3A_857 = arith.constant 0 : i32
    %dma_wait3A_858 = tpu.memref_slice %arg15[%dma_wait3A_856, %dma_wait3A_857] : memref<32x512xf32, #tpu.memory_space<vmem>> -> memref<1x512xf32, #tpu.memory_space<vmem>>
    %dma_wait3A_859 = tpu.memref_squeeze %dma_wait3A_858 : memref<1x512xf32, #tpu.memory_space<vmem>> -> memref<512xf32, #tpu.memory_space<vmem>>
    %dma_wait3A_860 = arith.constant 0 : i32
    %dma_wait3A_861 = tpu.memref_slice %arg13[%dma_wait3A_855, %dma_wait3A_860] : memref<32x512xi32, #tpu.memory_space<vmem>> -> memref<1x512xi32, #tpu.memory_space<vmem>>
    %dma_wait3A_862 = tpu.memref_squeeze %dma_wait3A_861 : memref<1x512xi32, #tpu.memory_space<vmem>> -> memref<512xi32, #tpu.memory_space<vmem>>
    %dma_wait3A_863 = arith.constant 0 : i32
    %dma_wait3A_864 = tpu.memref_slice %arg5[%dma_wait3A_863] : memref<31997952xf32, #tpu.memory_space<hbm>> -> memref<31997952xf32, #tpu.memory_space<hbm>>
    tpu.wait_indirect_dma semaphore(%arg19 : memref<!tpu.dma_semaphore, #tpu.memory_space<semaphore_mem>>) src(%dma_wait3A_864 : memref<31997952xf32, #tpu.memory_space<hbm>>) dst(%dma_wait3A_859 : memref<512xf32, #tpu.memory_space<vmem>>)
    %dma_wait3A_865 = arith.constant 11 : i32
    %dma_wait3A_866 = arith.constant 11 : i32
    %dma_wait3A_867 = arith.constant 0 : i32
    %dma_wait3A_868 = tpu.memref_slice %arg14[%dma_wait3A_866, %dma_wait3A_867] : memref<32x512xf32, #tpu.memory_space<vmem>> -> memref<1x512xf32, #tpu.memory_space<vmem>>
    %dma_wait3A_869 = tpu.memref_squeeze %dma_wait3A_868 : memref<1x512xf32, #tpu.memory_space<vmem>> -> memref<512xf32, #tpu.memory_space<vmem>>
    %dma_wait3A_870 = arith.constant 0 : i32
    %dma_wait3A_871 = tpu.memref_slice %arg12[%dma_wait3A_865, %dma_wait3A_870] : memref<32x512xi32, #tpu.memory_space<vmem>> -> memref<1x512xi32, #tpu.memory_space<vmem>>
    %dma_wait3A_872 = tpu.memref_squeeze %dma_wait3A_871 : memref<1x512xi32, #tpu.memory_space<vmem>> -> memref<512xi32, #tpu.memory_space<vmem>>
    %dma_wait3A_873 = arith.constant 0 : i32
    %dma_wait3A_874 = tpu.memref_slice %arg4[%dma_wait3A_873] : memref<31997952xf32, #tpu.memory_space<hbm>> -> memref<31997952xf32, #tpu.memory_space<hbm>>
    tpu.wait_indirect_dma semaphore(%arg18 : memref<!tpu.dma_semaphore, #tpu.memory_space<semaphore_mem>>) src(%dma_wait3A_874 : memref<31997952xf32, #tpu.memory_space<hbm>>) dst(%dma_wait3A_869 : memref<512xf32, #tpu.memory_space<vmem>>)
    %dma_wait3A_875 = arith.constant 11 : i32
    %dma_wait3A_876 = arith.constant 11 : i32
    %dma_wait3A_877 = arith.constant 0 : i32
    %dma_wait3A_878 = tpu.memref_slice %arg15[%dma_wait3A_876, %dma_wait3A_877] : memref<32x512xf32, #tpu.memory_space<vmem>> -> memref<1x512xf32, #tpu.memory_space<vmem>>
    %dma_wait3A_879 = tpu.memref_squeeze %dma_wait3A_878 : memref<1x512xf32, #tpu.memory_space<vmem>> -> memref<512xf32, #tpu.memory_space<vmem>>
    %dma_wait3A_880 = arith.constant 0 : i32
    %dma_wait3A_881 = tpu.memref_slice %arg13[%dma_wait3A_875, %dma_wait3A_880] : memref<32x512xi32, #tpu.memory_space<vmem>> -> memref<1x512xi32, #tpu.memory_space<vmem>>
    %dma_wait3A_882 = tpu.memref_squeeze %dma_wait3A_881 : memref<1x512xi32, #tpu.memory_space<vmem>> -> memref<512xi32, #tpu.memory_space<vmem>>
    %dma_wait3A_883 = arith.constant 0 : i32
    %dma_wait3A_884 = tpu.memref_slice %arg5[%dma_wait3A_883] : memref<31997952xf32, #tpu.memory_space<hbm>> -> memref<31997952xf32, #tpu.memory_space<hbm>>
    tpu.wait_indirect_dma semaphore(%arg19 : memref<!tpu.dma_semaphore, #tpu.memory_space<semaphore_mem>>) src(%dma_wait3A_884 : memref<31997952xf32, #tpu.memory_space<hbm>>) dst(%dma_wait3A_879 : memref<512xf32, #tpu.memory_space<vmem>>)
    %dma_wait3A_885 = arith.constant 12 : i32
    %dma_wait3A_886 = arith.constant 12 : i32
    %dma_wait3A_887 = arith.constant 0 : i32
    %dma_wait3A_888 = tpu.memref_slice %arg14[%dma_wait3A_886, %dma_wait3A_887] : memref<32x512xf32, #tpu.memory_space<vmem>> -> memref<1x512xf32, #tpu.memory_space<vmem>>
    %dma_wait3A_889 = tpu.memref_squeeze %dma_wait3A_888 : memref<1x512xf32, #tpu.memory_space<vmem>> -> memref<512xf32, #tpu.memory_space<vmem>>
    %dma_wait3A_890 = arith.constant 0 : i32
    %dma_wait3A_891 = tpu.memref_slice %arg12[%dma_wait3A_885, %dma_wait3A_890] : memref<32x512xi32, #tpu.memory_space<vmem>> -> memref<1x512xi32, #tpu.memory_space<vmem>>
    %dma_wait3A_892 = tpu.memref_squeeze %dma_wait3A_891 : memref<1x512xi32, #tpu.memory_space<vmem>> -> memref<512xi32, #tpu.memory_space<vmem>>
    %dma_wait3A_893 = arith.constant 0 : i32
    %dma_wait3A_894 = tpu.memref_slice %arg4[%dma_wait3A_893] : memref<31997952xf32, #tpu.memory_space<hbm>> -> memref<31997952xf32, #tpu.memory_space<hbm>>
    tpu.wait_indirect_dma semaphore(%arg18 : memref<!tpu.dma_semaphore, #tpu.memory_space<semaphore_mem>>) src(%dma_wait3A_894 : memref<31997952xf32, #tpu.memory_space<hbm>>) dst(%dma_wait3A_889 : memref<512xf32, #tpu.memory_space<vmem>>)
    %dma_wait3A_895 = arith.constant 12 : i32
    %dma_wait3A_896 = arith.constant 12 : i32
    %dma_wait3A_897 = arith.constant 0 : i32
    %dma_wait3A_898 = tpu.memref_slice %arg15[%dma_wait3A_896, %dma_wait3A_897] : memref<32x512xf32, #tpu.memory_space<vmem>> -> memref<1x512xf32, #tpu.memory_space<vmem>>
    %dma_wait3A_899 = tpu.memref_squeeze %dma_wait3A_898 : memref<1x512xf32, #tpu.memory_space<vmem>> -> memref<512xf32, #tpu.memory_space<vmem>>
    %dma_wait3A_900 = arith.constant 0 : i32
    %dma_wait3A_901 = tpu.memref_slice %arg13[%dma_wait3A_895, %dma_wait3A_900] : memref<32x512xi32, #tpu.memory_space<vmem>> -> memref<1x512xi32, #tpu.memory_space<vmem>>
    %dma_wait3A_902 = tpu.memref_squeeze %dma_wait3A_901 : memref<1x512xi32, #tpu.memory_space<vmem>> -> memref<512xi32, #tpu.memory_space<vmem>>
    %dma_wait3A_903 = arith.constant 0 : i32
    %dma_wait3A_904 = tpu.memref_slice %arg5[%dma_wait3A_903] : memref<31997952xf32, #tpu.memory_space<hbm>> -> memref<31997952xf32, #tpu.memory_space<hbm>>
    tpu.wait_indirect_dma semaphore(%arg19 : memref<!tpu.dma_semaphore, #tpu.memory_space<semaphore_mem>>) src(%dma_wait3A_904 : memref<31997952xf32, #tpu.memory_space<hbm>>) dst(%dma_wait3A_899 : memref<512xf32, #tpu.memory_space<vmem>>)
    %dma_wait3A_905 = arith.constant 13 : i32
    %dma_wait3A_906 = arith.constant 13 : i32
    %dma_wait3A_907 = arith.constant 0 : i32
    %dma_wait3A_908 = tpu.memref_slice %arg14[%dma_wait3A_906, %dma_wait3A_907] : memref<32x512xf32, #tpu.memory_space<vmem>> -> memref<1x512xf32, #tpu.memory_space<vmem>>
    %dma_wait3A_909 = tpu.memref_squeeze %dma_wait3A_908 : memref<1x512xf32, #tpu.memory_space<vmem>> -> memref<512xf32, #tpu.memory_space<vmem>>
    %dma_wait3A_910 = arith.constant 0 : i32
    %dma_wait3A_911 = tpu.memref_slice %arg12[%dma_wait3A_905, %dma_wait3A_910] : memref<32x512xi32, #tpu.memory_space<vmem>> -> memref<1x512xi32, #tpu.memory_space<vmem>>
    %dma_wait3A_912 = tpu.memref_squeeze %dma_wait3A_911 : memref<1x512xi32, #tpu.memory_space<vmem>> -> memref<512xi32, #tpu.memory_space<vmem>>
    %dma_wait3A_913 = arith.constant 0 : i32
    %dma_wait3A_914 = tpu.memref_slice %arg4[%dma_wait3A_913] : memref<31997952xf32, #tpu.memory_space<hbm>> -> memref<31997952xf32, #tpu.memory_space<hbm>>
    tpu.wait_indirect_dma semaphore(%arg18 : memref<!tpu.dma_semaphore, #tpu.memory_space<semaphore_mem>>) src(%dma_wait3A_914 : memref<31997952xf32, #tpu.memory_space<hbm>>) dst(%dma_wait3A_909 : memref<512xf32, #tpu.memory_space<vmem>>)
    %dma_wait3A_915 = arith.constant 13 : i32
    %dma_wait3A_916 = arith.constant 13 : i32
    %dma_wait3A_917 = arith.constant 0 : i32
    %dma_wait3A_918 = tpu.memref_slice %arg15[%dma_wait3A_916, %dma_wait3A_917] : memref<32x512xf32, #tpu.memory_space<vmem>> -> memref<1x512xf32, #tpu.memory_space<vmem>>
    %dma_wait3A_919 = tpu.memref_squeeze %dma_wait3A_918 : memref<1x512xf32, #tpu.memory_space<vmem>> -> memref<512xf32, #tpu.memory_space<vmem>>
    %dma_wait3A_920 = arith.constant 0 : i32
    %dma_wait3A_921 = tpu.memref_slice %arg13[%dma_wait3A_915, %dma_wait3A_920] : memref<32x512xi32, #tpu.memory_space<vmem>> -> memref<1x512xi32, #tpu.memory_space<vmem>>
    %dma_wait3A_922 = tpu.memref_squeeze %dma_wait3A_921 : memref<1x512xi32, #tpu.memory_space<vmem>> -> memref<512xi32, #tpu.memory_space<vmem>>
    %dma_wait3A_923 = arith.constant 0 : i32
    %dma_wait3A_924 = tpu.memref_slice %arg5[%dma_wait3A_923] : memref<31997952xf32, #tpu.memory_space<hbm>> -> memref<31997952xf32, #tpu.memory_space<hbm>>
    tpu.wait_indirect_dma semaphore(%arg19 : memref<!tpu.dma_semaphore, #tpu.memory_space<semaphore_mem>>) src(%dma_wait3A_924 : memref<31997952xf32, #tpu.memory_space<hbm>>) dst(%dma_wait3A_919 : memref<512xf32, #tpu.memory_space<vmem>>)
    %dma_wait3A_925 = arith.constant 14 : i32
    %dma_wait3A_926 = arith.constant 14 : i32
    %dma_wait3A_927 = arith.constant 0 : i32
    %dma_wait3A_928 = tpu.memref_slice %arg14[%dma_wait3A_926, %dma_wait3A_927] : memref<32x512xf32, #tpu.memory_space<vmem>> -> memref<1x512xf32, #tpu.memory_space<vmem>>
    %dma_wait3A_929 = tpu.memref_squeeze %dma_wait3A_928 : memref<1x512xf32, #tpu.memory_space<vmem>> -> memref<512xf32, #tpu.memory_space<vmem>>
    %dma_wait3A_930 = arith.constant 0 : i32
    %dma_wait3A_931 = tpu.memref_slice %arg12[%dma_wait3A_925, %dma_wait3A_930] : memref<32x512xi32, #tpu.memory_space<vmem>> -> memref<1x512xi32, #tpu.memory_space<vmem>>
    %dma_wait3A_932 = tpu.memref_squeeze %dma_wait3A_931 : memref<1x512xi32, #tpu.memory_space<vmem>> -> memref<512xi32, #tpu.memory_space<vmem>>
    %dma_wait3A_933 = arith.constant 0 : i32
    %dma_wait3A_934 = tpu.memref_slice %arg4[%dma_wait3A_933] : memref<31997952xf32, #tpu.memory_space<hbm>> -> memref<31997952xf32, #tpu.memory_space<hbm>>
    tpu.wait_indirect_dma semaphore(%arg18 : memref<!tpu.dma_semaphore, #tpu.memory_space<semaphore_mem>>) src(%dma_wait3A_934 : memref<31997952xf32, #tpu.memory_space<hbm>>) dst(%dma_wait3A_929 : memref<512xf32, #tpu.memory_space<vmem>>)
    %dma_wait3A_935 = arith.constant 14 : i32
    %dma_wait3A_936 = arith.constant 14 : i32
    %dma_wait3A_937 = arith.constant 0 : i32
    %dma_wait3A_938 = tpu.memref_slice %arg15[%dma_wait3A_936, %dma_wait3A_937] : memref<32x512xf32, #tpu.memory_space<vmem>> -> memref<1x512xf32, #tpu.memory_space<vmem>>
    %dma_wait3A_939 = tpu.memref_squeeze %dma_wait3A_938 : memref<1x512xf32, #tpu.memory_space<vmem>> -> memref<512xf32, #tpu.memory_space<vmem>>
    %dma_wait3A_940 = arith.constant 0 : i32
    %dma_wait3A_941 = tpu.memref_slice %arg13[%dma_wait3A_935, %dma_wait3A_940] : memref<32x512xi32, #tpu.memory_space<vmem>> -> memref<1x512xi32, #tpu.memory_space<vmem>>
    %dma_wait3A_942 = tpu.memref_squeeze %dma_wait3A_941 : memref<1x512xi32, #tpu.memory_space<vmem>> -> memref<512xi32, #tpu.memory_space<vmem>>
    %dma_wait3A_943 = arith.constant 0 : i32
    %dma_wait3A_944 = tpu.memref_slice %arg5[%dma_wait3A_943] : memref<31997952xf32, #tpu.memory_space<hbm>> -> memref<31997952xf32, #tpu.memory_space<hbm>>
    tpu.wait_indirect_dma semaphore(%arg19 : memref<!tpu.dma_semaphore, #tpu.memory_space<semaphore_mem>>) src(%dma_wait3A_944 : memref<31997952xf32, #tpu.memory_space<hbm>>) dst(%dma_wait3A_939 : memref<512xf32, #tpu.memory_space<vmem>>)
    %dma_wait3A_945 = arith.constant 15 : i32
    %dma_wait3A_946 = arith.constant 15 : i32
    %dma_wait3A_947 = arith.constant 0 : i32
    %dma_wait3A_948 = tpu.memref_slice %arg14[%dma_wait3A_946, %dma_wait3A_947] : memref<32x512xf32, #tpu.memory_space<vmem>> -> memref<1x512xf32, #tpu.memory_space<vmem>>
    %dma_wait3A_949 = tpu.memref_squeeze %dma_wait3A_948 : memref<1x512xf32, #tpu.memory_space<vmem>> -> memref<512xf32, #tpu.memory_space<vmem>>
    %dma_wait3A_950 = arith.constant 0 : i32
    %dma_wait3A_951 = tpu.memref_slice %arg12[%dma_wait3A_945, %dma_wait3A_950] : memref<32x512xi32, #tpu.memory_space<vmem>> -> memref<1x512xi32, #tpu.memory_space<vmem>>
    %dma_wait3A_952 = tpu.memref_squeeze %dma_wait3A_951 : memref<1x512xi32, #tpu.memory_space<vmem>> -> memref<512xi32, #tpu.memory_space<vmem>>
    %dma_wait3A_953 = arith.constant 0 : i32
    %dma_wait3A_954 = tpu.memref_slice %arg4[%dma_wait3A_953] : memref<31997952xf32, #tpu.memory_space<hbm>> -> memref<31997952xf32, #tpu.memory_space<hbm>>
    tpu.wait_indirect_dma semaphore(%arg18 : memref<!tpu.dma_semaphore, #tpu.memory_space<semaphore_mem>>) src(%dma_wait3A_954 : memref<31997952xf32, #tpu.memory_space<hbm>>) dst(%dma_wait3A_949 : memref<512xf32, #tpu.memory_space<vmem>>)
    %dma_wait3A_955 = arith.constant 15 : i32
    %dma_wait3A_956 = arith.constant 15 : i32
    %dma_wait3A_957 = arith.constant 0 : i32
    %dma_wait3A_958 = tpu.memref_slice %arg15[%dma_wait3A_956, %dma_wait3A_957] : memref<32x512xf32, #tpu.memory_space<vmem>> -> memref<1x512xf32, #tpu.memory_space<vmem>>
    %dma_wait3A_959 = tpu.memref_squeeze %dma_wait3A_958 : memref<1x512xf32, #tpu.memory_space<vmem>> -> memref<512xf32, #tpu.memory_space<vmem>>
    %dma_wait3A_960 = arith.constant 0 : i32
    %dma_wait3A_961 = tpu.memref_slice %arg13[%dma_wait3A_955, %dma_wait3A_960] : memref<32x512xi32, #tpu.memory_space<vmem>> -> memref<1x512xi32, #tpu.memory_space<vmem>>
    %dma_wait3A_962 = tpu.memref_squeeze %dma_wait3A_961 : memref<1x512xi32, #tpu.memory_space<vmem>> -> memref<512xi32, #tpu.memory_space<vmem>>
    %dma_wait3A_963 = arith.constant 0 : i32
    %dma_wait3A_964 = tpu.memref_slice %arg5[%dma_wait3A_963] : memref<31997952xf32, #tpu.memory_space<hbm>> -> memref<31997952xf32, #tpu.memory_space<hbm>>
    tpu.wait_indirect_dma semaphore(%arg19 : memref<!tpu.dma_semaphore, #tpu.memory_space<semaphore_mem>>) src(%dma_wait3A_964 : memref<31997952xf32, #tpu.memory_space<hbm>>) dst(%dma_wait3A_959 : memref<512xf32, #tpu.memory_space<vmem>>)
    %dma_wait3A_965 = arith.constant 16 : i32
    %dma_wait3A_966 = arith.constant 16 : i32
    %dma_wait3A_967 = arith.constant 0 : i32
    %dma_wait3A_968 = tpu.memref_slice %arg14[%dma_wait3A_966, %dma_wait3A_967] : memref<32x512xf32, #tpu.memory_space<vmem>> -> memref<1x512xf32, #tpu.memory_space<vmem>>
    %dma_wait3A_969 = tpu.memref_squeeze %dma_wait3A_968 : memref<1x512xf32, #tpu.memory_space<vmem>> -> memref<512xf32, #tpu.memory_space<vmem>>
    %dma_wait3A_970 = arith.constant 0 : i32
    %dma_wait3A_971 = tpu.memref_slice %arg12[%dma_wait3A_965, %dma_wait3A_970] : memref<32x512xi32, #tpu.memory_space<vmem>> -> memref<1x512xi32, #tpu.memory_space<vmem>>
    %dma_wait3A_972 = tpu.memref_squeeze %dma_wait3A_971 : memref<1x512xi32, #tpu.memory_space<vmem>> -> memref<512xi32, #tpu.memory_space<vmem>>
    %dma_wait3A_973 = arith.constant 0 : i32
    %dma_wait3A_974 = tpu.memref_slice %arg4[%dma_wait3A_973] : memref<31997952xf32, #tpu.memory_space<hbm>> -> memref<31997952xf32, #tpu.memory_space<hbm>>
    tpu.wait_indirect_dma semaphore(%arg18 : memref<!tpu.dma_semaphore, #tpu.memory_space<semaphore_mem>>) src(%dma_wait3A_974 : memref<31997952xf32, #tpu.memory_space<hbm>>) dst(%dma_wait3A_969 : memref<512xf32, #tpu.memory_space<vmem>>)
    %dma_wait3A_975 = arith.constant 16 : i32
    %dma_wait3A_976 = arith.constant 16 : i32
    %dma_wait3A_977 = arith.constant 0 : i32
    %dma_wait3A_978 = tpu.memref_slice %arg15[%dma_wait3A_976, %dma_wait3A_977] : memref<32x512xf32, #tpu.memory_space<vmem>> -> memref<1x512xf32, #tpu.memory_space<vmem>>
    %dma_wait3A_979 = tpu.memref_squeeze %dma_wait3A_978 : memref<1x512xf32, #tpu.memory_space<vmem>> -> memref<512xf32, #tpu.memory_space<vmem>>
    %dma_wait3A_980 = arith.constant 0 : i32
    %dma_wait3A_981 = tpu.memref_slice %arg13[%dma_wait3A_975, %dma_wait3A_980] : memref<32x512xi32, #tpu.memory_space<vmem>> -> memref<1x512xi32, #tpu.memory_space<vmem>>
    %dma_wait3A_982 = tpu.memref_squeeze %dma_wait3A_981 : memref<1x512xi32, #tpu.memory_space<vmem>> -> memref<512xi32, #tpu.memory_space<vmem>>
    %dma_wait3A_983 = arith.constant 0 : i32
    %dma_wait3A_984 = tpu.memref_slice %arg5[%dma_wait3A_983] : memref<31997952xf32, #tpu.memory_space<hbm>> -> memref<31997952xf32, #tpu.memory_space<hbm>>
    tpu.wait_indirect_dma semaphore(%arg19 : memref<!tpu.dma_semaphore, #tpu.memory_space<semaphore_mem>>) src(%dma_wait3A_984 : memref<31997952xf32, #tpu.memory_space<hbm>>) dst(%dma_wait3A_979 : memref<512xf32, #tpu.memory_space<vmem>>)
    %dma_wait3A_985 = arith.constant 17 : i32
    %dma_wait3A_986 = arith.constant 17 : i32
    %dma_wait3A_987 = arith.constant 0 : i32
    %dma_wait3A_988 = tpu.memref_slice %arg14[%dma_wait3A_986, %dma_wait3A_987] : memref<32x512xf32, #tpu.memory_space<vmem>> -> memref<1x512xf32, #tpu.memory_space<vmem>>
    %dma_wait3A_989 = tpu.memref_squeeze %dma_wait3A_988 : memref<1x512xf32, #tpu.memory_space<vmem>> -> memref<512xf32, #tpu.memory_space<vmem>>
    %dma_wait3A_990 = arith.constant 0 : i32
    %dma_wait3A_991 = tpu.memref_slice %arg12[%dma_wait3A_985, %dma_wait3A_990] : memref<32x512xi32, #tpu.memory_space<vmem>> -> memref<1x512xi32, #tpu.memory_space<vmem>>
    %dma_wait3A_992 = tpu.memref_squeeze %dma_wait3A_991 : memref<1x512xi32, #tpu.memory_space<vmem>> -> memref<512xi32, #tpu.memory_space<vmem>>
    %dma_wait3A_993 = arith.constant 0 : i32
    %dma_wait3A_994 = tpu.memref_slice %arg4[%dma_wait3A_993] : memref<31997952xf32, #tpu.memory_space<hbm>> -> memref<31997952xf32, #tpu.memory_space<hbm>>
    tpu.wait_indirect_dma semaphore(%arg18 : memref<!tpu.dma_semaphore, #tpu.memory_space<semaphore_mem>>) src(%dma_wait3A_994 : memref<31997952xf32, #tpu.memory_space<hbm>>) dst(%dma_wait3A_989 : memref<512xf32, #tpu.memory_space<vmem>>)
    %dma_wait3A_995 = arith.constant 17 : i32
    %dma_wait3A_996 = arith.constant 17 : i32
    %dma_wait3A_997 = arith.constant 0 : i32
    %dma_wait3A_998 = tpu.memref_slice %arg15[%dma_wait3A_996, %dma_wait3A_997] : memref<32x512xf32, #tpu.memory_space<vmem>> -> memref<1x512xf32, #tpu.memory_space<vmem>>
    %dma_wait3A_999 = tpu.memref_squeeze %dma_wait3A_998 : memref<1x512xf32, #tpu.memory_space<vmem>> -> memref<512xf32, #tpu.memory_space<vmem>>
    %dma_wait3A_1000 = arith.constant 0 : i32
    %dma_wait3A_1001 = tpu.memref_slice %arg13[%dma_wait3A_995, %dma_wait3A_1000] : memref<32x512xi32, #tpu.memory_space<vmem>> -> memref<1x512xi32, #tpu.memory_space<vmem>>
    %dma_wait3A_1002 = tpu.memref_squeeze %dma_wait3A_1001 : memref<1x512xi32, #tpu.memory_space<vmem>> -> memref<512xi32, #tpu.memory_space<vmem>>
    %dma_wait3A_1003 = arith.constant 0 : i32
    %dma_wait3A_1004 = tpu.memref_slice %arg5[%dma_wait3A_1003] : memref<31997952xf32, #tpu.memory_space<hbm>> -> memref<31997952xf32, #tpu.memory_space<hbm>>
    tpu.wait_indirect_dma semaphore(%arg19 : memref<!tpu.dma_semaphore, #tpu.memory_space<semaphore_mem>>) src(%dma_wait3A_1004 : memref<31997952xf32, #tpu.memory_space<hbm>>) dst(%dma_wait3A_999 : memref<512xf32, #tpu.memory_space<vmem>>)
    %dma_wait3A_1005 = arith.constant 18 : i32
    %dma_wait3A_1006 = arith.constant 18 : i32
    %dma_wait3A_1007 = arith.constant 0 : i32
    %dma_wait3A_1008 = tpu.memref_slice %arg14[%dma_wait3A_1006, %dma_wait3A_1007] : memref<32x512xf32, #tpu.memory_space<vmem>> -> memref<1x512xf32, #tpu.memory_space<vmem>>
    %dma_wait3A_1009 = tpu.memref_squeeze %dma_wait3A_1008 : memref<1x512xf32, #tpu.memory_space<vmem>> -> memref<512xf32, #tpu.memory_space<vmem>>
    %dma_wait3A_1010 = arith.constant 0 : i32
    %dma_wait3A_1011 = tpu.memref_slice %arg12[%dma_wait3A_1005, %dma_wait3A_1010] : memref<32x512xi32, #tpu.memory_space<vmem>> -> memref<1x512xi32, #tpu.memory_space<vmem>>
    %dma_wait3A_1012 = tpu.memref_squeeze %dma_wait3A_1011 : memref<1x512xi32, #tpu.memory_space<vmem>> -> memref<512xi32, #tpu.memory_space<vmem>>
    %dma_wait3A_1013 = arith.constant 0 : i32
    %dma_wait3A_1014 = tpu.memref_slice %arg4[%dma_wait3A_1013] : memref<31997952xf32, #tpu.memory_space<hbm>> -> memref<31997952xf32, #tpu.memory_space<hbm>>
    tpu.wait_indirect_dma semaphore(%arg18 : memref<!tpu.dma_semaphore, #tpu.memory_space<semaphore_mem>>) src(%dma_wait3A_1014 : memref<31997952xf32, #tpu.memory_space<hbm>>) dst(%dma_wait3A_1009 : memref<512xf32, #tpu.memory_space<vmem>>)
    %dma_wait3A_1015 = arith.constant 18 : i32
    %dma_wait3A_1016 = arith.constant 18 : i32
    %dma_wait3A_1017 = arith.constant 0 : i32
    %dma_wait3A_1018 = tpu.memref_slice %arg15[%dma_wait3A_1016, %dma_wait3A_1017] : memref<32x512xf32, #tpu.memory_space<vmem>> -> memref<1x512xf32, #tpu.memory_space<vmem>>
    %dma_wait3A_1019 = tpu.memref_squeeze %dma_wait3A_1018 : memref<1x512xf32, #tpu.memory_space<vmem>> -> memref<512xf32, #tpu.memory_space<vmem>>
    %dma_wait3A_1020 = arith.constant 0 : i32
    %dma_wait3A_1021 = tpu.memref_slice %arg13[%dma_wait3A_1015, %dma_wait3A_1020] : memref<32x512xi32, #tpu.memory_space<vmem>> -> memref<1x512xi32, #tpu.memory_space<vmem>>
    %dma_wait3A_1022 = tpu.memref_squeeze %dma_wait3A_1021 : memref<1x512xi32, #tpu.memory_space<vmem>> -> memref<512xi32, #tpu.memory_space<vmem>>
    %dma_wait3A_1023 = arith.constant 0 : i32
    %dma_wait3A_1024 = tpu.memref_slice %arg5[%dma_wait3A_1023] : memref<31997952xf32, #tpu.memory_space<hbm>> -> memref<31997952xf32, #tpu.memory_space<hbm>>
    tpu.wait_indirect_dma semaphore(%arg19 : memref<!tpu.dma_semaphore, #tpu.memory_space<semaphore_mem>>) src(%dma_wait3A_1024 : memref<31997952xf32, #tpu.memory_space<hbm>>) dst(%dma_wait3A_1019 : memref<512xf32, #tpu.memory_space<vmem>>)
    %dma_wait3A_1025 = arith.constant 19 : i32
    %dma_wait3A_1026 = arith.constant 19 : i32
    %dma_wait3A_1027 = arith.constant 0 : i32
    %dma_wait3A_1028 = tpu.memref_slice %arg14[%dma_wait3A_1026, %dma_wait3A_1027] : memref<32x512xf32, #tpu.memory_space<vmem>> -> memref<1x512xf32, #tpu.memory_space<vmem>>
    %dma_wait3A_1029 = tpu.memref_squeeze %dma_wait3A_1028 : memref<1x512xf32, #tpu.memory_space<vmem>> -> memref<512xf32, #tpu.memory_space<vmem>>
    %dma_wait3A_1030 = arith.constant 0 : i32
    %dma_wait3A_1031 = tpu.memref_slice %arg12[%dma_wait3A_1025, %dma_wait3A_1030] : memref<32x512xi32, #tpu.memory_space<vmem>> -> memref<1x512xi32, #tpu.memory_space<vmem>>
    %dma_wait3A_1032 = tpu.memref_squeeze %dma_wait3A_1031 : memref<1x512xi32, #tpu.memory_space<vmem>> -> memref<512xi32, #tpu.memory_space<vmem>>
    %dma_wait3A_1033 = arith.constant 0 : i32
    %dma_wait3A_1034 = tpu.memref_slice %arg4[%dma_wait3A_1033] : memref<31997952xf32, #tpu.memory_space<hbm>> -> memref<31997952xf32, #tpu.memory_space<hbm>>
    tpu.wait_indirect_dma semaphore(%arg18 : memref<!tpu.dma_semaphore, #tpu.memory_space<semaphore_mem>>) src(%dma_wait3A_1034 : memref<31997952xf32, #tpu.memory_space<hbm>>) dst(%dma_wait3A_1029 : memref<512xf32, #tpu.memory_space<vmem>>)
    %dma_wait3A_1035 = arith.constant 19 : i32
    %dma_wait3A_1036 = arith.constant 19 : i32
    %dma_wait3A_1037 = arith.constant 0 : i32
    %dma_wait3A_1038 = tpu.memref_slice %arg15[%dma_wait3A_1036, %dma_wait3A_1037] : memref<32x512xf32, #tpu.memory_space<vmem>> -> memref<1x512xf32, #tpu.memory_space<vmem>>
    %dma_wait3A_1039 = tpu.memref_squeeze %dma_wait3A_1038 : memref<1x512xf32, #tpu.memory_space<vmem>> -> memref<512xf32, #tpu.memory_space<vmem>>
    %dma_wait3A_1040 = arith.constant 0 : i32
    %dma_wait3A_1041 = tpu.memref_slice %arg13[%dma_wait3A_1035, %dma_wait3A_1040] : memref<32x512xi32, #tpu.memory_space<vmem>> -> memref<1x512xi32, #tpu.memory_space<vmem>>
    %dma_wait3A_1042 = tpu.memref_squeeze %dma_wait3A_1041 : memref<1x512xi32, #tpu.memory_space<vmem>> -> memref<512xi32, #tpu.memory_space<vmem>>
    %dma_wait3A_1043 = arith.constant 0 : i32
    %dma_wait3A_1044 = tpu.memref_slice %arg5[%dma_wait3A_1043] : memref<31997952xf32, #tpu.memory_space<hbm>> -> memref<31997952xf32, #tpu.memory_space<hbm>>
    tpu.wait_indirect_dma semaphore(%arg19 : memref<!tpu.dma_semaphore, #tpu.memory_space<semaphore_mem>>) src(%dma_wait3A_1044 : memref<31997952xf32, #tpu.memory_space<hbm>>) dst(%dma_wait3A_1039 : memref<512xf32, #tpu.memory_space<vmem>>)
    %dma_wait3A_1045 = arith.constant 20 : i32
    %dma_wait3A_1046 = arith.constant 20 : i32
    %dma_wait3A_1047 = arith.constant 0 : i32
    %dma_wait3A_1048 = tpu.memref_slice %arg14[%dma_wait3A_1046, %dma_wait3A_1047] : memref<32x512xf32, #tpu.memory_space<vmem>> -> memref<1x512xf32, #tpu.memory_space<vmem>>
    %dma_wait3A_1049 = tpu.memref_squeeze %dma_wait3A_1048 : memref<1x512xf32, #tpu.memory_space<vmem>> -> memref<512xf32, #tpu.memory_space<vmem>>
    %dma_wait3A_1050 = arith.constant 0 : i32
    %dma_wait3A_1051 = tpu.memref_slice %arg12[%dma_wait3A_1045, %dma_wait3A_1050] : memref<32x512xi32, #tpu.memory_space<vmem>> -> memref<1x512xi32, #tpu.memory_space<vmem>>
    %dma_wait3A_1052 = tpu.memref_squeeze %dma_wait3A_1051 : memref<1x512xi32, #tpu.memory_space<vmem>> -> memref<512xi32, #tpu.memory_space<vmem>>
    %dma_wait3A_1053 = arith.constant 0 : i32
    %dma_wait3A_1054 = tpu.memref_slice %arg4[%dma_wait3A_1053] : memref<31997952xf32, #tpu.memory_space<hbm>> -> memref<31997952xf32, #tpu.memory_space<hbm>>
    tpu.wait_indirect_dma semaphore(%arg18 : memref<!tpu.dma_semaphore, #tpu.memory_space<semaphore_mem>>) src(%dma_wait3A_1054 : memref<31997952xf32, #tpu.memory_space<hbm>>) dst(%dma_wait3A_1049 : memref<512xf32, #tpu.memory_space<vmem>>)
    %dma_wait3A_1055 = arith.constant 20 : i32
    %dma_wait3A_1056 = arith.constant 20 : i32
    %dma_wait3A_1057 = arith.constant 0 : i32
    %dma_wait3A_1058 = tpu.memref_slice %arg15[%dma_wait3A_1056, %dma_wait3A_1057] : memref<32x512xf32, #tpu.memory_space<vmem>> -> memref<1x512xf32, #tpu.memory_space<vmem>>
    %dma_wait3A_1059 = tpu.memref_squeeze %dma_wait3A_1058 : memref<1x512xf32, #tpu.memory_space<vmem>> -> memref<512xf32, #tpu.memory_space<vmem>>
    %dma_wait3A_1060 = arith.constant 0 : i32
    %dma_wait3A_1061 = tpu.memref_slice %arg13[%dma_wait3A_1055, %dma_wait3A_1060] : memref<32x512xi32, #tpu.memory_space<vmem>> -> memref<1x512xi32, #tpu.memory_space<vmem>>
    %dma_wait3A_1062 = tpu.memref_squeeze %dma_wait3A_1061 : memref<1x512xi32, #tpu.memory_space<vmem>> -> memref<512xi32, #tpu.memory_space<vmem>>
    %dma_wait3A_1063 = arith.constant 0 : i32
    %dma_wait3A_1064 = tpu.memref_slice %arg5[%dma_wait3A_1063] : memref<31997952xf32, #tpu.memory_space<hbm>> -> memref<31997952xf32, #tpu.memory_space<hbm>>
    tpu.wait_indirect_dma semaphore(%arg19 : memref<!tpu.dma_semaphore, #tpu.memory_space<semaphore_mem>>) src(%dma_wait3A_1064 : memref<31997952xf32, #tpu.memory_space<hbm>>) dst(%dma_wait3A_1059 : memref<512xf32, #tpu.memory_space<vmem>>)
    %dma_wait3A_1065 = arith.constant 21 : i32
    %dma_wait3A_1066 = arith.constant 21 : i32
    %dma_wait3A_1067 = arith.constant 0 : i32
    %dma_wait3A_1068 = tpu.memref_slice %arg14[%dma_wait3A_1066, %dma_wait3A_1067] : memref<32x512xf32, #tpu.memory_space<vmem>> -> memref<1x512xf32, #tpu.memory_space<vmem>>
    %dma_wait3A_1069 = tpu.memref_squeeze %dma_wait3A_1068 : memref<1x512xf32, #tpu.memory_space<vmem>> -> memref<512xf32, #tpu.memory_space<vmem>>
    %dma_wait3A_1070 = arith.constant 0 : i32
    %dma_wait3A_1071 = tpu.memref_slice %arg12[%dma_wait3A_1065, %dma_wait3A_1070] : memref<32x512xi32, #tpu.memory_space<vmem>> -> memref<1x512xi32, #tpu.memory_space<vmem>>
    %dma_wait3A_1072 = tpu.memref_squeeze %dma_wait3A_1071 : memref<1x512xi32, #tpu.memory_space<vmem>> -> memref<512xi32, #tpu.memory_space<vmem>>
    %dma_wait3A_1073 = arith.constant 0 : i32
    %dma_wait3A_1074 = tpu.memref_slice %arg4[%dma_wait3A_1073] : memref<31997952xf32, #tpu.memory_space<hbm>> -> memref<31997952xf32, #tpu.memory_space<hbm>>
    tpu.wait_indirect_dma semaphore(%arg18 : memref<!tpu.dma_semaphore, #tpu.memory_space<semaphore_mem>>) src(%dma_wait3A_1074 : memref<31997952xf32, #tpu.memory_space<hbm>>) dst(%dma_wait3A_1069 : memref<512xf32, #tpu.memory_space<vmem>>)
    %dma_wait3A_1075 = arith.constant 21 : i32
    %dma_wait3A_1076 = arith.constant 21 : i32
    %dma_wait3A_1077 = arith.constant 0 : i32
    %dma_wait3A_1078 = tpu.memref_slice %arg15[%dma_wait3A_1076, %dma_wait3A_1077] : memref<32x512xf32, #tpu.memory_space<vmem>> -> memref<1x512xf32, #tpu.memory_space<vmem>>
    %dma_wait3A_1079 = tpu.memref_squeeze %dma_wait3A_1078 : memref<1x512xf32, #tpu.memory_space<vmem>> -> memref<512xf32, #tpu.memory_space<vmem>>
    %dma_wait3A_1080 = arith.constant 0 : i32
    %dma_wait3A_1081 = tpu.memref_slice %arg13[%dma_wait3A_1075, %dma_wait3A_1080] : memref<32x512xi32, #tpu.memory_space<vmem>> -> memref<1x512xi32, #tpu.memory_space<vmem>>
    %dma_wait3A_1082 = tpu.memref_squeeze %dma_wait3A_1081 : memref<1x512xi32, #tpu.memory_space<vmem>> -> memref<512xi32, #tpu.memory_space<vmem>>
    %dma_wait3A_1083 = arith.constant 0 : i32
    %dma_wait3A_1084 = tpu.memref_slice %arg5[%dma_wait3A_1083] : memref<31997952xf32, #tpu.memory_space<hbm>> -> memref<31997952xf32, #tpu.memory_space<hbm>>
    tpu.wait_indirect_dma semaphore(%arg19 : memref<!tpu.dma_semaphore, #tpu.memory_space<semaphore_mem>>) src(%dma_wait3A_1084 : memref<31997952xf32, #tpu.memory_space<hbm>>) dst(%dma_wait3A_1079 : memref<512xf32, #tpu.memory_space<vmem>>)
    %dma_wait3A_1085 = arith.constant 22 : i32
    %dma_wait3A_1086 = arith.constant 22 : i32
    %dma_wait3A_1087 = arith.constant 0 : i32
    %dma_wait3A_1088 = tpu.memref_slice %arg14[%dma_wait3A_1086, %dma_wait3A_1087] : memref<32x512xf32, #tpu.memory_space<vmem>> -> memref<1x512xf32, #tpu.memory_space<vmem>>
    %dma_wait3A_1089 = tpu.memref_squeeze %dma_wait3A_1088 : memref<1x512xf32, #tpu.memory_space<vmem>> -> memref<512xf32, #tpu.memory_space<vmem>>
    %dma_wait3A_1090 = arith.constant 0 : i32
    %dma_wait3A_1091 = tpu.memref_slice %arg12[%dma_wait3A_1085, %dma_wait3A_1090] : memref<32x512xi32, #tpu.memory_space<vmem>> -> memref<1x512xi32, #tpu.memory_space<vmem>>
    %dma_wait3A_1092 = tpu.memref_squeeze %dma_wait3A_1091 : memref<1x512xi32, #tpu.memory_space<vmem>> -> memref<512xi32, #tpu.memory_space<vmem>>
    %dma_wait3A_1093 = arith.constant 0 : i32
    %dma_wait3A_1094 = tpu.memref_slice %arg4[%dma_wait3A_1093] : memref<31997952xf32, #tpu.memory_space<hbm>> -> memref<31997952xf32, #tpu.memory_space<hbm>>
    tpu.wait_indirect_dma semaphore(%arg18 : memref<!tpu.dma_semaphore, #tpu.memory_space<semaphore_mem>>) src(%dma_wait3A_1094 : memref<31997952xf32, #tpu.memory_space<hbm>>) dst(%dma_wait3A_1089 : memref<512xf32, #tpu.memory_space<vmem>>)
    %dma_wait3A_1095 = arith.constant 22 : i32
    %dma_wait3A_1096 = arith.constant 22 : i32
    %dma_wait3A_1097 = arith.constant 0 : i32
    %dma_wait3A_1098 = tpu.memref_slice %arg15[%dma_wait3A_1096, %dma_wait3A_1097] : memref<32x512xf32, #tpu.memory_space<vmem>> -> memref<1x512xf32, #tpu.memory_space<vmem>>
    %dma_wait3A_1099 = tpu.memref_squeeze %dma_wait3A_1098 : memref<1x512xf32, #tpu.memory_space<vmem>> -> memref<512xf32, #tpu.memory_space<vmem>>
    %dma_wait3A_1100 = arith.constant 0 : i32
    %dma_wait3A_1101 = tpu.memref_slice %arg13[%dma_wait3A_1095, %dma_wait3A_1100] : memref<32x512xi32, #tpu.memory_space<vmem>> -> memref<1x512xi32, #tpu.memory_space<vmem>>
    %dma_wait3A_1102 = tpu.memref_squeeze %dma_wait3A_1101 : memref<1x512xi32, #tpu.memory_space<vmem>> -> memref<512xi32, #tpu.memory_space<vmem>>
    %dma_wait3A_1103 = arith.constant 0 : i32
    %dma_wait3A_1104 = tpu.memref_slice %arg5[%dma_wait3A_1103] : memref<31997952xf32, #tpu.memory_space<hbm>> -> memref<31997952xf32, #tpu.memory_space<hbm>>
    tpu.wait_indirect_dma semaphore(%arg19 : memref<!tpu.dma_semaphore, #tpu.memory_space<semaphore_mem>>) src(%dma_wait3A_1104 : memref<31997952xf32, #tpu.memory_space<hbm>>) dst(%dma_wait3A_1099 : memref<512xf32, #tpu.memory_space<vmem>>)
    %dma_wait3A_1105 = arith.constant 23 : i32
    %dma_wait3A_1106 = arith.constant 23 : i32
    %dma_wait3A_1107 = arith.constant 0 : i32
    %dma_wait3A_1108 = tpu.memref_slice %arg14[%dma_wait3A_1106, %dma_wait3A_1107] : memref<32x512xf32, #tpu.memory_space<vmem>> -> memref<1x512xf32, #tpu.memory_space<vmem>>
    %dma_wait3A_1109 = tpu.memref_squeeze %dma_wait3A_1108 : memref<1x512xf32, #tpu.memory_space<vmem>> -> memref<512xf32, #tpu.memory_space<vmem>>
    %dma_wait3A_1110 = arith.constant 0 : i32
    %dma_wait3A_1111 = tpu.memref_slice %arg12[%dma_wait3A_1105, %dma_wait3A_1110] : memref<32x512xi32, #tpu.memory_space<vmem>> -> memref<1x512xi32, #tpu.memory_space<vmem>>
    %dma_wait3A_1112 = tpu.memref_squeeze %dma_wait3A_1111 : memref<1x512xi32, #tpu.memory_space<vmem>> -> memref<512xi32, #tpu.memory_space<vmem>>
    %dma_wait3A_1113 = arith.constant 0 : i32
    %dma_wait3A_1114 = tpu.memref_slice %arg4[%dma_wait3A_1113] : memref<31997952xf32, #tpu.memory_space<hbm>> -> memref<31997952xf32, #tpu.memory_space<hbm>>
    tpu.wait_indirect_dma semaphore(%arg18 : memref<!tpu.dma_semaphore, #tpu.memory_space<semaphore_mem>>) src(%dma_wait3A_1114 : memref<31997952xf32, #tpu.memory_space<hbm>>) dst(%dma_wait3A_1109 : memref<512xf32, #tpu.memory_space<vmem>>)
    %dma_wait3A_1115 = arith.constant 23 : i32
    %dma_wait3A_1116 = arith.constant 23 : i32
    %dma_wait3A_1117 = arith.constant 0 : i32
    %dma_wait3A_1118 = tpu.memref_slice %arg15[%dma_wait3A_1116, %dma_wait3A_1117] : memref<32x512xf32, #tpu.memory_space<vmem>> -> memref<1x512xf32, #tpu.memory_space<vmem>>
    %dma_wait3A_1119 = tpu.memref_squeeze %dma_wait3A_1118 : memref<1x512xf32, #tpu.memory_space<vmem>> -> memref<512xf32, #tpu.memory_space<vmem>>
    %dma_wait3A_1120 = arith.constant 0 : i32
    %dma_wait3A_1121 = tpu.memref_slice %arg13[%dma_wait3A_1115, %dma_wait3A_1120] : memref<32x512xi32, #tpu.memory_space<vmem>> -> memref<1x512xi32, #tpu.memory_space<vmem>>
    %dma_wait3A_1122 = tpu.memref_squeeze %dma_wait3A_1121 : memref<1x512xi32, #tpu.memory_space<vmem>> -> memref<512xi32, #tpu.memory_space<vmem>>
    %dma_wait3A_1123 = arith.constant 0 : i32
    %dma_wait3A_1124 = tpu.memref_slice %arg5[%dma_wait3A_1123] : memref<31997952xf32, #tpu.memory_space<hbm>> -> memref<31997952xf32, #tpu.memory_space<hbm>>
    tpu.wait_indirect_dma semaphore(%arg19 : memref<!tpu.dma_semaphore, #tpu.memory_space<semaphore_mem>>) src(%dma_wait3A_1124 : memref<31997952xf32, #tpu.memory_space<hbm>>) dst(%dma_wait3A_1119 : memref<512xf32, #tpu.memory_space<vmem>>)
    %dma_wait3A_1125 = arith.constant 24 : i32
    %dma_wait3A_1126 = arith.constant 24 : i32
    %dma_wait3A_1127 = arith.constant 0 : i32
    %dma_wait3A_1128 = tpu.memref_slice %arg14[%dma_wait3A_1126, %dma_wait3A_1127] : memref<32x512xf32, #tpu.memory_space<vmem>> -> memref<1x512xf32, #tpu.memory_space<vmem>>
    %dma_wait3A_1129 = tpu.memref_squeeze %dma_wait3A_1128 : memref<1x512xf32, #tpu.memory_space<vmem>> -> memref<512xf32, #tpu.memory_space<vmem>>
    %dma_wait3A_1130 = arith.constant 0 : i32
    %dma_wait3A_1131 = tpu.memref_slice %arg12[%dma_wait3A_1125, %dma_wait3A_1130] : memref<32x512xi32, #tpu.memory_space<vmem>> -> memref<1x512xi32, #tpu.memory_space<vmem>>
    %dma_wait3A_1132 = tpu.memref_squeeze %dma_wait3A_1131 : memref<1x512xi32, #tpu.memory_space<vmem>> -> memref<512xi32, #tpu.memory_space<vmem>>
    %dma_wait3A_1133 = arith.constant 0 : i32
    %dma_wait3A_1134 = tpu.memref_slice %arg4[%dma_wait3A_1133] : memref<31997952xf32, #tpu.memory_space<hbm>> -> memref<31997952xf32, #tpu.memory_space<hbm>>
    tpu.wait_indirect_dma semaphore(%arg18 : memref<!tpu.dma_semaphore, #tpu.memory_space<semaphore_mem>>) src(%dma_wait3A_1134 : memref<31997952xf32, #tpu.memory_space<hbm>>) dst(%dma_wait3A_1129 : memref<512xf32, #tpu.memory_space<vmem>>)
    %dma_wait3A_1135 = arith.constant 24 : i32
    %dma_wait3A_1136 = arith.constant 24 : i32
    %dma_wait3A_1137 = arith.constant 0 : i32
    %dma_wait3A_1138 = tpu.memref_slice %arg15[%dma_wait3A_1136, %dma_wait3A_1137] : memref<32x512xf32, #tpu.memory_space<vmem>> -> memref<1x512xf32, #tpu.memory_space<vmem>>
    %dma_wait3A_1139 = tpu.memref_squeeze %dma_wait3A_1138 : memref<1x512xf32, #tpu.memory_space<vmem>> -> memref<512xf32, #tpu.memory_space<vmem>>
    %dma_wait3A_1140 = arith.constant 0 : i32
    %dma_wait3A_1141 = tpu.memref_slice %arg13[%dma_wait3A_1135, %dma_wait3A_1140] : memref<32x512xi32, #tpu.memory_space<vmem>> -> memref<1x512xi32, #tpu.memory_space<vmem>>
    %dma_wait3A_1142 = tpu.memref_squeeze %dma_wait3A_1141 : memref<1x512xi32, #tpu.memory_space<vmem>> -> memref<512xi32, #tpu.memory_space<vmem>>
    %dma_wait3A_1143 = arith.constant 0 : i32
    %dma_wait3A_1144 = tpu.memref_slice %arg5[%dma_wait3A_1143] : memref<31997952xf32, #tpu.memory_space<hbm>> -> memref<31997952xf32, #tpu.memory_space<hbm>>
    tpu.wait_indirect_dma semaphore(%arg19 : memref<!tpu.dma_semaphore, #tpu.memory_space<semaphore_mem>>) src(%dma_wait3A_1144 : memref<31997952xf32, #tpu.memory_space<hbm>>) dst(%dma_wait3A_1139 : memref<512xf32, #tpu.memory_space<vmem>>)
    %dma_wait3A_1145 = arith.constant 25 : i32
    %dma_wait3A_1146 = arith.constant 25 : i32
    %dma_wait3A_1147 = arith.constant 0 : i32
    %dma_wait3A_1148 = tpu.memref_slice %arg14[%dma_wait3A_1146, %dma_wait3A_1147] : memref<32x512xf32, #tpu.memory_space<vmem>> -> memref<1x512xf32, #tpu.memory_space<vmem>>
    %dma_wait3A_1149 = tpu.memref_squeeze %dma_wait3A_1148 : memref<1x512xf32, #tpu.memory_space<vmem>> -> memref<512xf32, #tpu.memory_space<vmem>>
    %dma_wait3A_1150 = arith.constant 0 : i32
    %dma_wait3A_1151 = tpu.memref_slice %arg12[%dma_wait3A_1145, %dma_wait3A_1150] : memref<32x512xi32, #tpu.memory_space<vmem>> -> memref<1x512xi32, #tpu.memory_space<vmem>>
    %dma_wait3A_1152 = tpu.memref_squeeze %dma_wait3A_1151 : memref<1x512xi32, #tpu.memory_space<vmem>> -> memref<512xi32, #tpu.memory_space<vmem>>
    %dma_wait3A_1153 = arith.constant 0 : i32
    %dma_wait3A_1154 = tpu.memref_slice %arg4[%dma_wait3A_1153] : memref<31997952xf32, #tpu.memory_space<hbm>> -> memref<31997952xf32, #tpu.memory_space<hbm>>
    tpu.wait_indirect_dma semaphore(%arg18 : memref<!tpu.dma_semaphore, #tpu.memory_space<semaphore_mem>>) src(%dma_wait3A_1154 : memref<31997952xf32, #tpu.memory_space<hbm>>) dst(%dma_wait3A_1149 : memref<512xf32, #tpu.memory_space<vmem>>)
    %dma_wait3A_1155 = arith.constant 25 : i32
    %dma_wait3A_1156 = arith.constant 25 : i32
    %dma_wait3A_1157 = arith.constant 0 : i32
    %dma_wait3A_1158 = tpu.memref_slice %arg15[%dma_wait3A_1156, %dma_wait3A_1157] : memref<32x512xf32, #tpu.memory_space<vmem>> -> memref<1x512xf32, #tpu.memory_space<vmem>>
    %dma_wait3A_1159 = tpu.memref_squeeze %dma_wait3A_1158 : memref<1x512xf32, #tpu.memory_space<vmem>> -> memref<512xf32, #tpu.memory_space<vmem>>
    %dma_wait3A_1160 = arith.constant 0 : i32
    %dma_wait3A_1161 = tpu.memref_slice %arg13[%dma_wait3A_1155, %dma_wait3A_1160] : memref<32x512xi32, #tpu.memory_space<vmem>> -> memref<1x512xi32, #tpu.memory_space<vmem>>
    %dma_wait3A_1162 = tpu.memref_squeeze %dma_wait3A_1161 : memref<1x512xi32, #tpu.memory_space<vmem>> -> memref<512xi32, #tpu.memory_space<vmem>>
    %dma_wait3A_1163 = arith.constant 0 : i32
    %dma_wait3A_1164 = tpu.memref_slice %arg5[%dma_wait3A_1163] : memref<31997952xf32, #tpu.memory_space<hbm>> -> memref<31997952xf32, #tpu.memory_space<hbm>>
    tpu.wait_indirect_dma semaphore(%arg19 : memref<!tpu.dma_semaphore, #tpu.memory_space<semaphore_mem>>) src(%dma_wait3A_1164 : memref<31997952xf32, #tpu.memory_space<hbm>>) dst(%dma_wait3A_1159 : memref<512xf32, #tpu.memory_space<vmem>>)
    %dma_wait3A_1165 = arith.constant 26 : i32
    %dma_wait3A_1166 = arith.constant 26 : i32
    %dma_wait3A_1167 = arith.constant 0 : i32
    %dma_wait3A_1168 = tpu.memref_slice %arg14[%dma_wait3A_1166, %dma_wait3A_1167] : memref<32x512xf32, #tpu.memory_space<vmem>> -> memref<1x512xf32, #tpu.memory_space<vmem>>
    %dma_wait3A_1169 = tpu.memref_squeeze %dma_wait3A_1168 : memref<1x512xf32, #tpu.memory_space<vmem>> -> memref<512xf32, #tpu.memory_space<vmem>>
    %dma_wait3A_1170 = arith.constant 0 : i32
    %dma_wait3A_1171 = tpu.memref_slice %arg12[%dma_wait3A_1165, %dma_wait3A_1170] : memref<32x512xi32, #tpu.memory_space<vmem>> -> memref<1x512xi32, #tpu.memory_space<vmem>>
    %dma_wait3A_1172 = tpu.memref_squeeze %dma_wait3A_1171 : memref<1x512xi32, #tpu.memory_space<vmem>> -> memref<512xi32, #tpu.memory_space<vmem>>
    %dma_wait3A_1173 = arith.constant 0 : i32
    %dma_wait3A_1174 = tpu.memref_slice %arg4[%dma_wait3A_1173] : memref<31997952xf32, #tpu.memory_space<hbm>> -> memref<31997952xf32, #tpu.memory_space<hbm>>
    tpu.wait_indirect_dma semaphore(%arg18 : memref<!tpu.dma_semaphore, #tpu.memory_space<semaphore_mem>>) src(%dma_wait3A_1174 : memref<31997952xf32, #tpu.memory_space<hbm>>) dst(%dma_wait3A_1169 : memref<512xf32, #tpu.memory_space<vmem>>)
    %dma_wait3A_1175 = arith.constant 26 : i32
    %dma_wait3A_1176 = arith.constant 26 : i32
    %dma_wait3A_1177 = arith.constant 0 : i32
    %dma_wait3A_1178 = tpu.memref_slice %arg15[%dma_wait3A_1176, %dma_wait3A_1177] : memref<32x512xf32, #tpu.memory_space<vmem>> -> memref<1x512xf32, #tpu.memory_space<vmem>>
    %dma_wait3A_1179 = tpu.memref_squeeze %dma_wait3A_1178 : memref<1x512xf32, #tpu.memory_space<vmem>> -> memref<512xf32, #tpu.memory_space<vmem>>
    %dma_wait3A_1180 = arith.constant 0 : i32
    %dma_wait3A_1181 = tpu.memref_slice %arg13[%dma_wait3A_1175, %dma_wait3A_1180] : memref<32x512xi32, #tpu.memory_space<vmem>> -> memref<1x512xi32, #tpu.memory_space<vmem>>
    %dma_wait3A_1182 = tpu.memref_squeeze %dma_wait3A_1181 : memref<1x512xi32, #tpu.memory_space<vmem>> -> memref<512xi32, #tpu.memory_space<vmem>>
    %dma_wait3A_1183 = arith.constant 0 : i32
    %dma_wait3A_1184 = tpu.memref_slice %arg5[%dma_wait3A_1183] : memref<31997952xf32, #tpu.memory_space<hbm>> -> memref<31997952xf32, #tpu.memory_space<hbm>>
    tpu.wait_indirect_dma semaphore(%arg19 : memref<!tpu.dma_semaphore, #tpu.memory_space<semaphore_mem>>) src(%dma_wait3A_1184 : memref<31997952xf32, #tpu.memory_space<hbm>>) dst(%dma_wait3A_1179 : memref<512xf32, #tpu.memory_space<vmem>>)
    %dma_wait3A_1185 = arith.constant 27 : i32
    %dma_wait3A_1186 = arith.constant 27 : i32
    %dma_wait3A_1187 = arith.constant 0 : i32
    %dma_wait3A_1188 = tpu.memref_slice %arg14[%dma_wait3A_1186, %dma_wait3A_1187] : memref<32x512xf32, #tpu.memory_space<vmem>> -> memref<1x512xf32, #tpu.memory_space<vmem>>
    %dma_wait3A_1189 = tpu.memref_squeeze %dma_wait3A_1188 : memref<1x512xf32, #tpu.memory_space<vmem>> -> memref<512xf32, #tpu.memory_space<vmem>>
    %dma_wait3A_1190 = arith.constant 0 : i32
    %dma_wait3A_1191 = tpu.memref_slice %arg12[%dma_wait3A_1185, %dma_wait3A_1190] : memref<32x512xi32, #tpu.memory_space<vmem>> -> memref<1x512xi32, #tpu.memory_space<vmem>>
    %dma_wait3A_1192 = tpu.memref_squeeze %dma_wait3A_1191 : memref<1x512xi32, #tpu.memory_space<vmem>> -> memref<512xi32, #tpu.memory_space<vmem>>
    %dma_wait3A_1193 = arith.constant 0 : i32
    %dma_wait3A_1194 = tpu.memref_slice %arg4[%dma_wait3A_1193] : memref<31997952xf32, #tpu.memory_space<hbm>> -> memref<31997952xf32, #tpu.memory_space<hbm>>
    tpu.wait_indirect_dma semaphore(%arg18 : memref<!tpu.dma_semaphore, #tpu.memory_space<semaphore_mem>>) src(%dma_wait3A_1194 : memref<31997952xf32, #tpu.memory_space<hbm>>) dst(%dma_wait3A_1189 : memref<512xf32, #tpu.memory_space<vmem>>)
    %dma_wait3A_1195 = arith.constant 27 : i32
    %dma_wait3A_1196 = arith.constant 27 : i32
    %dma_wait3A_1197 = arith.constant 0 : i32
    %dma_wait3A_1198 = tpu.memref_slice %arg15[%dma_wait3A_1196, %dma_wait3A_1197] : memref<32x512xf32, #tpu.memory_space<vmem>> -> memref<1x512xf32, #tpu.memory_space<vmem>>
    %dma_wait3A_1199 = tpu.memref_squeeze %dma_wait3A_1198 : memref<1x512xf32, #tpu.memory_space<vmem>> -> memref<512xf32, #tpu.memory_space<vmem>>
    %dma_wait3A_1200 = arith.constant 0 : i32
    %dma_wait3A_1201 = tpu.memref_slice %arg13[%dma_wait3A_1195, %dma_wait3A_1200] : memref<32x512xi32, #tpu.memory_space<vmem>> -> memref<1x512xi32, #tpu.memory_space<vmem>>
    %dma_wait3A_1202 = tpu.memref_squeeze %dma_wait3A_1201 : memref<1x512xi32, #tpu.memory_space<vmem>> -> memref<512xi32, #tpu.memory_space<vmem>>
    %dma_wait3A_1203 = arith.constant 0 : i32
    %dma_wait3A_1204 = tpu.memref_slice %arg5[%dma_wait3A_1203] : memref<31997952xf32, #tpu.memory_space<hbm>> -> memref<31997952xf32, #tpu.memory_space<hbm>>
    tpu.wait_indirect_dma semaphore(%arg19 : memref<!tpu.dma_semaphore, #tpu.memory_space<semaphore_mem>>) src(%dma_wait3A_1204 : memref<31997952xf32, #tpu.memory_space<hbm>>) dst(%dma_wait3A_1199 : memref<512xf32, #tpu.memory_space<vmem>>)
    %dma_wait3A_1205 = arith.constant 28 : i32
    %dma_wait3A_1206 = arith.constant 28 : i32
    %dma_wait3A_1207 = arith.constant 0 : i32
    %dma_wait3A_1208 = tpu.memref_slice %arg14[%dma_wait3A_1206, %dma_wait3A_1207] : memref<32x512xf32, #tpu.memory_space<vmem>> -> memref<1x512xf32, #tpu.memory_space<vmem>>
    %dma_wait3A_1209 = tpu.memref_squeeze %dma_wait3A_1208 : memref<1x512xf32, #tpu.memory_space<vmem>> -> memref<512xf32, #tpu.memory_space<vmem>>
    %dma_wait3A_1210 = arith.constant 0 : i32
    %dma_wait3A_1211 = tpu.memref_slice %arg12[%dma_wait3A_1205, %dma_wait3A_1210] : memref<32x512xi32, #tpu.memory_space<vmem>> -> memref<1x512xi32, #tpu.memory_space<vmem>>
    %dma_wait3A_1212 = tpu.memref_squeeze %dma_wait3A_1211 : memref<1x512xi32, #tpu.memory_space<vmem>> -> memref<512xi32, #tpu.memory_space<vmem>>
    %dma_wait3A_1213 = arith.constant 0 : i32
    %dma_wait3A_1214 = tpu.memref_slice %arg4[%dma_wait3A_1213] : memref<31997952xf32, #tpu.memory_space<hbm>> -> memref<31997952xf32, #tpu.memory_space<hbm>>
    tpu.wait_indirect_dma semaphore(%arg18 : memref<!tpu.dma_semaphore, #tpu.memory_space<semaphore_mem>>) src(%dma_wait3A_1214 : memref<31997952xf32, #tpu.memory_space<hbm>>) dst(%dma_wait3A_1209 : memref<512xf32, #tpu.memory_space<vmem>>)
    %dma_wait3A_1215 = arith.constant 28 : i32
    %dma_wait3A_1216 = arith.constant 28 : i32
    %dma_wait3A_1217 = arith.constant 0 : i32
    %dma_wait3A_1218 = tpu.memref_slice %arg15[%dma_wait3A_1216, %dma_wait3A_1217] : memref<32x512xf32, #tpu.memory_space<vmem>> -> memref<1x512xf32, #tpu.memory_space<vmem>>
    %dma_wait3A_1219 = tpu.memref_squeeze %dma_wait3A_1218 : memref<1x512xf32, #tpu.memory_space<vmem>> -> memref<512xf32, #tpu.memory_space<vmem>>
    %dma_wait3A_1220 = arith.constant 0 : i32
    %dma_wait3A_1221 = tpu.memref_slice %arg13[%dma_wait3A_1215, %dma_wait3A_1220] : memref<32x512xi32, #tpu.memory_space<vmem>> -> memref<1x512xi32, #tpu.memory_space<vmem>>
    %dma_wait3A_1222 = tpu.memref_squeeze %dma_wait3A_1221 : memref<1x512xi32, #tpu.memory_space<vmem>> -> memref<512xi32, #tpu.memory_space<vmem>>
    %dma_wait3A_1223 = arith.constant 0 : i32
    %dma_wait3A_1224 = tpu.memref_slice %arg5[%dma_wait3A_1223] : memref<31997952xf32, #tpu.memory_space<hbm>> -> memref<31997952xf32, #tpu.memory_space<hbm>>
    tpu.wait_indirect_dma semaphore(%arg19 : memref<!tpu.dma_semaphore, #tpu.memory_space<semaphore_mem>>) src(%dma_wait3A_1224 : memref<31997952xf32, #tpu.memory_space<hbm>>) dst(%dma_wait3A_1219 : memref<512xf32, #tpu.memory_space<vmem>>)
    %dma_wait3A_1225 = arith.constant 29 : i32
    %dma_wait3A_1226 = arith.constant 29 : i32
    %dma_wait3A_1227 = arith.constant 0 : i32
    %dma_wait3A_1228 = tpu.memref_slice %arg14[%dma_wait3A_1226, %dma_wait3A_1227] : memref<32x512xf32, #tpu.memory_space<vmem>> -> memref<1x512xf32, #tpu.memory_space<vmem>>
    %dma_wait3A_1229 = tpu.memref_squeeze %dma_wait3A_1228 : memref<1x512xf32, #tpu.memory_space<vmem>> -> memref<512xf32, #tpu.memory_space<vmem>>
    %dma_wait3A_1230 = arith.constant 0 : i32
    %dma_wait3A_1231 = tpu.memref_slice %arg12[%dma_wait3A_1225, %dma_wait3A_1230] : memref<32x512xi32, #tpu.memory_space<vmem>> -> memref<1x512xi32, #tpu.memory_space<vmem>>
    %dma_wait3A_1232 = tpu.memref_squeeze %dma_wait3A_1231 : memref<1x512xi32, #tpu.memory_space<vmem>> -> memref<512xi32, #tpu.memory_space<vmem>>
    %dma_wait3A_1233 = arith.constant 0 : i32
    %dma_wait3A_1234 = tpu.memref_slice %arg4[%dma_wait3A_1233] : memref<31997952xf32, #tpu.memory_space<hbm>> -> memref<31997952xf32, #tpu.memory_space<hbm>>
    tpu.wait_indirect_dma semaphore(%arg18 : memref<!tpu.dma_semaphore, #tpu.memory_space<semaphore_mem>>) src(%dma_wait3A_1234 : memref<31997952xf32, #tpu.memory_space<hbm>>) dst(%dma_wait3A_1229 : memref<512xf32, #tpu.memory_space<vmem>>)
    %dma_wait3A_1235 = arith.constant 29 : i32
    %dma_wait3A_1236 = arith.constant 29 : i32
    %dma_wait3A_1237 = arith.constant 0 : i32
    %dma_wait3A_1238 = tpu.memref_slice %arg15[%dma_wait3A_1236, %dma_wait3A_1237] : memref<32x512xf32, #tpu.memory_space<vmem>> -> memref<1x512xf32, #tpu.memory_space<vmem>>
    %dma_wait3A_1239 = tpu.memref_squeeze %dma_wait3A_1238 : memref<1x512xf32, #tpu.memory_space<vmem>> -> memref<512xf32, #tpu.memory_space<vmem>>
    %dma_wait3A_1240 = arith.constant 0 : i32
    %dma_wait3A_1241 = tpu.memref_slice %arg13[%dma_wait3A_1235, %dma_wait3A_1240] : memref<32x512xi32, #tpu.memory_space<vmem>> -> memref<1x512xi32, #tpu.memory_space<vmem>>
    %dma_wait3A_1242 = tpu.memref_squeeze %dma_wait3A_1241 : memref<1x512xi32, #tpu.memory_space<vmem>> -> memref<512xi32, #tpu.memory_space<vmem>>
    %dma_wait3A_1243 = arith.constant 0 : i32
    %dma_wait3A_1244 = tpu.memref_slice %arg5[%dma_wait3A_1243] : memref<31997952xf32, #tpu.memory_space<hbm>> -> memref<31997952xf32, #tpu.memory_space<hbm>>
    tpu.wait_indirect_dma semaphore(%arg19 : memref<!tpu.dma_semaphore, #tpu.memory_space<semaphore_mem>>) src(%dma_wait3A_1244 : memref<31997952xf32, #tpu.memory_space<hbm>>) dst(%dma_wait3A_1239 : memref<512xf32, #tpu.memory_space<vmem>>)
    %dma_wait3A_1245 = arith.constant 30 : i32
    %dma_wait3A_1246 = arith.constant 30 : i32
    %dma_wait3A_1247 = arith.constant 0 : i32
    %dma_wait3A_1248 = tpu.memref_slice %arg14[%dma_wait3A_1246, %dma_wait3A_1247] : memref<32x512xf32, #tpu.memory_space<vmem>> -> memref<1x512xf32, #tpu.memory_space<vmem>>
    %dma_wait3A_1249 = tpu.memref_squeeze %dma_wait3A_1248 : memref<1x512xf32, #tpu.memory_space<vmem>> -> memref<512xf32, #tpu.memory_space<vmem>>
    %dma_wait3A_1250 = arith.constant 0 : i32
    %dma_wait3A_1251 = tpu.memref_slice %arg12[%dma_wait3A_1245, %dma_wait3A_1250] : memref<32x512xi32, #tpu.memory_space<vmem>> -> memref<1x512xi32, #tpu.memory_space<vmem>>
    %dma_wait3A_1252 = tpu.memref_squeeze %dma_wait3A_1251 : memref<1x512xi32, #tpu.memory_space<vmem>> -> memref<512xi32, #tpu.memory_space<vmem>>
    %dma_wait3A_1253 = arith.constant 0 : i32
    %dma_wait3A_1254 = tpu.memref_slice %arg4[%dma_wait3A_1253] : memref<31997952xf32, #tpu.memory_space<hbm>> -> memref<31997952xf32, #tpu.memory_space<hbm>>
    tpu.wait_indirect_dma semaphore(%arg18 : memref<!tpu.dma_semaphore, #tpu.memory_space<semaphore_mem>>) src(%dma_wait3A_1254 : memref<31997952xf32, #tpu.memory_space<hbm>>) dst(%dma_wait3A_1249 : memref<512xf32, #tpu.memory_space<vmem>>)
    %dma_wait3A_1255 = arith.constant 30 : i32
    %dma_wait3A_1256 = arith.constant 30 : i32
    %dma_wait3A_1257 = arith.constant 0 : i32
    %dma_wait3A_1258 = tpu.memref_slice %arg15[%dma_wait3A_1256, %dma_wait3A_1257] : memref<32x512xf32, #tpu.memory_space<vmem>> -> memref<1x512xf32, #tpu.memory_space<vmem>>
    %dma_wait3A_1259 = tpu.memref_squeeze %dma_wait3A_1258 : memref<1x512xf32, #tpu.memory_space<vmem>> -> memref<512xf32, #tpu.memory_space<vmem>>
    %dma_wait3A_1260 = arith.constant 0 : i32
    %dma_wait3A_1261 = tpu.memref_slice %arg13[%dma_wait3A_1255, %dma_wait3A_1260] : memref<32x512xi32, #tpu.memory_space<vmem>> -> memref<1x512xi32, #tpu.memory_space<vmem>>
    %dma_wait3A_1262 = tpu.memref_squeeze %dma_wait3A_1261 : memref<1x512xi32, #tpu.memory_space<vmem>> -> memref<512xi32, #tpu.memory_space<vmem>>
    %dma_wait3A_1263 = arith.constant 0 : i32
    %dma_wait3A_1264 = tpu.memref_slice %arg5[%dma_wait3A_1263] : memref<31997952xf32, #tpu.memory_space<hbm>> -> memref<31997952xf32, #tpu.memory_space<hbm>>
    tpu.wait_indirect_dma semaphore(%arg19 : memref<!tpu.dma_semaphore, #tpu.memory_space<semaphore_mem>>) src(%dma_wait3A_1264 : memref<31997952xf32, #tpu.memory_space<hbm>>) dst(%dma_wait3A_1259 : memref<512xf32, #tpu.memory_space<vmem>>)
    %dma_wait3A_1265 = arith.constant 31 : i32
    %dma_wait3A_1266 = arith.constant 31 : i32
    %dma_wait3A_1267 = arith.constant 0 : i32
    %dma_wait3A_1268 = tpu.memref_slice %arg14[%dma_wait3A_1266, %dma_wait3A_1267] : memref<32x512xf32, #tpu.memory_space<vmem>> -> memref<1x512xf32, #tpu.memory_space<vmem>>
    %dma_wait3A_1269 = tpu.memref_squeeze %dma_wait3A_1268 : memref<1x512xf32, #tpu.memory_space<vmem>> -> memref<512xf32, #tpu.memory_space<vmem>>
    %dma_wait3A_1270 = arith.constant 0 : i32
    %dma_wait3A_1271 = tpu.memref_slice %arg12[%dma_wait3A_1265, %dma_wait3A_1270] : memref<32x512xi32, #tpu.memory_space<vmem>> -> memref<1x512xi32, #tpu.memory_space<vmem>>
    %dma_wait3A_1272 = tpu.memref_squeeze %dma_wait3A_1271 : memref<1x512xi32, #tpu.memory_space<vmem>> -> memref<512xi32, #tpu.memory_space<vmem>>
    %dma_wait3A_1273 = arith.constant 0 : i32
    %dma_wait3A_1274 = tpu.memref_slice %arg4[%dma_wait3A_1273] : memref<31997952xf32, #tpu.memory_space<hbm>> -> memref<31997952xf32, #tpu.memory_space<hbm>>
    tpu.wait_indirect_dma semaphore(%arg18 : memref<!tpu.dma_semaphore, #tpu.memory_space<semaphore_mem>>) src(%dma_wait3A_1274 : memref<31997952xf32, #tpu.memory_space<hbm>>) dst(%dma_wait3A_1269 : memref<512xf32, #tpu.memory_space<vmem>>)
    %dma_wait3A_1275 = arith.constant 31 : i32
    %dma_wait3A_1276 = arith.constant 31 : i32
    %dma_wait3A_1277 = arith.constant 0 : i32
    %dma_wait3A_1278 = tpu.memref_slice %arg15[%dma_wait3A_1276, %dma_wait3A_1277] : memref<32x512xf32, #tpu.memory_space<vmem>> -> memref<1x512xf32, #tpu.memory_space<vmem>>
    %dma_wait3A_1279 = tpu.memref_squeeze %dma_wait3A_1278 : memref<1x512xf32, #tpu.memory_space<vmem>> -> memref<512xf32, #tpu.memory_space<vmem>>
    %dma_wait3A_1280 = arith.constant 0 : i32
    %dma_wait3A_1281 = tpu.memref_slice %arg13[%dma_wait3A_1275, %dma_wait3A_1280] : memref<32x512xi32, #tpu.memory_space<vmem>> -> memref<1x512xi32, #tpu.memory_space<vmem>>
    %dma_wait3A_1282 = tpu.memref_squeeze %dma_wait3A_1281 : memref<1x512xi32, #tpu.memory_space<vmem>> -> memref<512xi32, #tpu.memory_space<vmem>>
    %dma_wait3A_1283 = arith.constant 0 : i32
    %dma_wait3A_1284 = tpu.memref_slice %arg5[%dma_wait3A_1283] : memref<31997952xf32, #tpu.memory_space<hbm>> -> memref<31997952xf32, #tpu.memory_space<hbm>>
    tpu.wait_indirect_dma semaphore(%arg19 : memref<!tpu.dma_semaphore, #tpu.memory_space<semaphore_mem>>) src(%dma_wait3A_1284 : memref<31997952xf32, #tpu.memory_space<hbm>>) dst(%dma_wait3A_1279 : memref<512xf32, #tpu.memory_space<vmem>>)
    %scan3A_1285 = arith.constant 0 : i32
    %scan3A_1286 = arith.constant 32 : i32
    %scan3A_1287 = arith.addi %scan3A_1285, %scan3A_1286 : i32
    %scan3A_1288 = arith.constant 1 : i32
    scf.for %scan3A_1290 = %scan3A_1285 to %scan3A_1287 step %scan3A_1288  : i32 {
      %mul3A_1291 = arith.constant 1 : i32
      %mul3A_1292 = arith.muli %scan3A_1290, %mul3A_1291 : i32
      %add3A_1293 = arith.constant 0 : i32
      %add3A_1294 = arith.addi %add3A_1293, %mul3A_1292 : i32
      %mul3A_1295 = arith.constant 16 : i32
      %mul3A_1296 = arith.muli %add3A_1294, %mul3A_1295 : i32
      %get3A = arith.index_cast %mul3A_1296 : i32 to index
      %get3A_1297 = tpu.vector_load %arg10[%get3A] {strides = array<i32>} : memref<512xi32, #tpu.memory_space<vmem>>, vector<16xi32>,
      %ge3A = arith.constant 999936 : i32
      %ge3A_1298 = vector.broadcast %ge3A : i32 to vector<16xi32>
      %ge3A_1299 = arith.cmpi sge, %get3A_1297, %ge3A_1298 : vector<16xi32>
      %sub3A = arith.constant 999936 : i32
      %sub3A_1300 = vector.broadcast %sub3A : i32 to vector<16xi32>
      %sub3A_1301 = arith.subi %get3A_1297, %sub3A_1300 : vector<16xi32>
      %jit3A = arith.constant 0 : i32
      %jit3A_1302 = arith.constant 63 : i32
      %max3A = vector.broadcast %jit3A : i32 to vector<16xi32>
      %max3A_1303 = arith.maxsi %max3A, %sub3A_1301 : vector<16xi32>
      %min3A = vector.broadcast %jit3A_1302 : i32 to vector<16xi32>
      %min3A_1304 = arith.minsi %min3A, %max3A_1303 : vector<16xi32>
      %add3A_1305 = arith.constant 0 : i32
      %add3A_1306 = vector.broadcast %add3A_1305 : i32 to vector<16xi32>
      %add3A_1307 = arith.addi %min3A_1304, %add3A_1306 : vector<16xi32>
      %gather3A = tpu.vector_load_idx %arg16[%add3A_1307] : memref<2048xf32, #tpu.memory_space<vmem>>[vector<16xi32>], vector<16xf32>,
      %mul3A_1308 = arith.constant 16 : i32
      %mul3A_1309 = arith.muli %add3A_1294, %mul3A_1308 : i32
      %get3A_1310 = arith.constant 0 : i32
      %get3A_1311 = arith.index_cast %get3A_1310 : i32 to index
      %get3A_1312 = arith.index_cast %mul3A_1309 : i32 to index
      %get3A_1313 = tpu.vector_load %arg14[%get3A_1311, %get3A_1312] {strides = array<i32>} : memref<32x512xf32, #tpu.memory_space<vmem>>, vector<16xf32>,
      %select_n3A = arith.select %ge3A_1299, %gather3A, %get3A_1313 : vector<16xi1>, vector<16xf32>
      %mul3A_1314 = arith.constant 16 : i32
      %mul3A_1315 = arith.muli %add3A_1294, %mul3A_1314 : i32
      %swap3A = arith.constant 0 : i32
      %swap3A_1316 = arith.index_cast %swap3A : i32 to index
      %swap3A_1317 = arith.index_cast %mul3A_1315 : i32 to index
      %swap3A_1318 = tpu.vector_load %arg14[%swap3A_1316, %swap3A_1317] {strides = array<i32>} : memref<32x512xf32, #tpu.memory_space<vmem>>, vector<16xf32>,
      tpu.vector_store %arg14[%swap3A_1316, %swap3A_1317], %select_n3A {strides = array<i32>} : memref<32x512xf32, #tpu.memory_space<vmem>>, vector<16xf32>,
      %add3A_1319 = arith.constant 64 : i32
      %add3A_1320 = vector.broadcast %add3A_1319 : i32 to vector<16xi32>
      %add3A_1321 = arith.addi %min3A_1304, %add3A_1320 : vector<16xi32>
      %gather3A_1322 = tpu.vector_load_idx %arg16[%add3A_1321] : memref<2048xf32, #tpu.memory_space<vmem>>[vector<16xi32>], vector<16xf32>,
      %mul3A_1323 = arith.constant 16 : i32
      %mul3A_1324 = arith.muli %add3A_1294, %mul3A_1323 : i32
      %get3A_1325 = arith.constant 1 : i32
      %get3A_1326 = arith.index_cast %get3A_1325 : i32 to index
      %get3A_1327 = arith.index_cast %mul3A_1324 : i32 to index
      %get3A_1328 = tpu.vector_load %arg14[%get3A_1326, %get3A_1327] {strides = array<i32>} : memref<32x512xf32, #tpu.memory_space<vmem>>, vector<16xf32>,
      %select_n3A_1329 = arith.select %ge3A_1299, %gather3A_1322, %get3A_1328 : vector<16xi1>, vector<16xf32>
      %mul3A_1330 = arith.constant 16 : i32
      %mul3A_1331 = arith.muli %add3A_1294, %mul3A_1330 : i32
      %swap3A_1332 = arith.constant 1 : i32
      %swap3A_1333 = arith.index_cast %swap3A_1332 : i32 to index
      %swap3A_1334 = arith.index_cast %mul3A_1331 : i32 to index
      %swap3A_1335 = tpu.vector_load %arg14[%swap3A_1333, %swap3A_1334] {strides = array<i32>} : memref<32x512xf32, #tpu.memory_space<vmem>>, vector<16xf32>,
      tpu.vector_store %arg14[%swap3A_1333, %swap3A_1334], %select_n3A_1329 {strides = array<i32>} : memref<32x512xf32, #tpu.memory_space<vmem>>, vector<16xf32>,
      %add3A_1336 = arith.constant 128 : i32
      %add3A_1337 = vector.broadcast %add3A_1336 : i32 to vector<16xi32>
      %add3A_1338 = arith.addi %min3A_1304, %add3A_1337 : vector<16xi32>
      %gather3A_1339 = tpu.vector_load_idx %arg16[%add3A_1338] : memref<2048xf32, #tpu.memory_space<vmem>>[vector<16xi32>], vector<16xf32>,
      %mul3A_1340 = arith.constant 16 : i32
      %mul3A_1341 = arith.muli %add3A_1294, %mul3A_1340 : i32
      %get3A_1342 = arith.constant 2 : i32
      %get3A_1343 = arith.index_cast %get3A_1342 : i32 to index
      %get3A_1344 = arith.index_cast %mul3A_1341 : i32 to index
      %get3A_1345 = tpu.vector_load %arg14[%get3A_1343, %get3A_1344] {strides = array<i32>} : memref<32x512xf32, #tpu.memory_space<vmem>>, vector<16xf32>,
      %select_n3A_1346 = arith.select %ge3A_1299, %gather3A_1339, %get3A_1345 : vector<16xi1>, vector<16xf32>
      %mul3A_1347 = arith.constant 16 : i32
      %mul3A_1348 = arith.muli %add3A_1294, %mul3A_1347 : i32
      %swap3A_1349 = arith.constant 2 : i32
      %swap3A_1350 = arith.index_cast %swap3A_1349 : i32 to index
      %swap3A_1351 = arith.index_cast %mul3A_1348 : i32 to index
      %swap3A_1352 = tpu.vector_load %arg14[%swap3A_1350, %swap3A_1351] {strides = array<i32>} : memref<32x512xf32, #tpu.memory_space<vmem>>, vector<16xf32>,
      tpu.vector_store %arg14[%swap3A_1350, %swap3A_1351], %select_n3A_1346 {strides = array<i32>} : memref<32x512xf32, #tpu.memory_space<vmem>>, vector<16xf32>,
      %add3A_1353 = arith.constant 192 : i32
      %add3A_1354 = vector.broadcast %add3A_1353 : i32 to vector<16xi32>
      %add3A_1355 = arith.addi %min3A_1304, %add3A_1354 : vector<16xi32>
      %gather3A_1356 = tpu.vector_load_idx %arg16[%add3A_1355] : memref<2048xf32, #tpu.memory_space<vmem>>[vector<16xi32>], vector<16xf32>,
      %mul3A_1357 = arith.constant 16 : i32
      %mul3A_1358 = arith.muli %add3A_1294, %mul3A_1357 : i32
      %get3A_1359 = arith.constant 3 : i32
      %get3A_1360 = arith.index_cast %get3A_1359 : i32 to index
      %get3A_1361 = arith.index_cast %mul3A_1358 : i32 to index
      %get3A_1362 = tpu.vector_load %arg14[%get3A_1360, %get3A_1361] {strides = array<i32>} : memref<32x512xf32, #tpu.memory_space<vmem>>, vector<16xf32>,
      %select_n3A_1363 = arith.select %ge3A_1299, %gather3A_1356, %get3A_1362 : vector<16xi1>, vector<16xf32>
      %mul3A_1364 = arith.constant 16 : i32
      %mul3A_1365 = arith.muli %add3A_1294, %mul3A_1364 : i32
      %swap3A_1366 = arith.constant 3 : i32
      %swap3A_1367 = arith.index_cast %swap3A_1366 : i32 to index
      %swap3A_1368 = arith.index_cast %mul3A_1365 : i32 to index
      %swap3A_1369 = tpu.vector_load %arg14[%swap3A_1367, %swap3A_1368] {strides = array<i32>} : memref<32x512xf32, #tpu.memory_space<vmem>>, vector<16xf32>,
      tpu.vector_store %arg14[%swap3A_1367, %swap3A_1368], %select_n3A_1363 {strides = array<i32>} : memref<32x512xf32, #tpu.memory_space<vmem>>, vector<16xf32>,
      %add3A_1370 = arith.constant 256 : i32
      %add3A_1371 = vector.broadcast %add3A_1370 : i32 to vector<16xi32>
      %add3A_1372 = arith.addi %min3A_1304, %add3A_1371 : vector<16xi32>
      %gather3A_1373 = tpu.vector_load_idx %arg16[%add3A_1372] : memref<2048xf32, #tpu.memory_space<vmem>>[vector<16xi32>], vector<16xf32>,
      %mul3A_1374 = arith.constant 16 : i32
      %mul3A_1375 = arith.muli %add3A_1294, %mul3A_1374 : i32
      %get3A_1376 = arith.constant 4 : i32
      %get3A_1377 = arith.index_cast %get3A_1376 : i32 to index
      %get3A_1378 = arith.index_cast %mul3A_1375 : i32 to index
      %get3A_1379 = tpu.vector_load %arg14[%get3A_1377, %get3A_1378] {strides = array<i32>} : memref<32x512xf32, #tpu.memory_space<vmem>>, vector<16xf32>,
      %select_n3A_1380 = arith.select %ge3A_1299, %gather3A_1373, %get3A_1379 : vector<16xi1>, vector<16xf32>
      %mul3A_1381 = arith.constant 16 : i32
      %mul3A_1382 = arith.muli %add3A_1294, %mul3A_1381 : i32
      %swap3A_1383 = arith.constant 4 : i32
      %swap3A_1384 = arith.index_cast %swap3A_1383 : i32 to index
      %swap3A_1385 = arith.index_cast %mul3A_1382 : i32 to index
      %swap3A_1386 = tpu.vector_load %arg14[%swap3A_1384, %swap3A_1385] {strides = array<i32>} : memref<32x512xf32, #tpu.memory_space<vmem>>, vector<16xf32>,
      tpu.vector_store %arg14[%swap3A_1384, %swap3A_1385], %select_n3A_1380 {strides = array<i32>} : memref<32x512xf32, #tpu.memory_space<vmem>>, vector<16xf32>,
      %add3A_1387 = arith.constant 320 : i32
      %add3A_1388 = vector.broadcast %add3A_1387 : i32 to vector<16xi32>
      %add3A_1389 = arith.addi %min3A_1304, %add3A_1388 : vector<16xi32>
      %gather3A_1390 = tpu.vector_load_idx %arg16[%add3A_1389] : memref<2048xf32, #tpu.memory_space<vmem>>[vector<16xi32>], vector<16xf32>,
      %mul3A_1391 = arith.constant 16 : i32
      %mul3A_1392 = arith.muli %add3A_1294, %mul3A_1391 : i32
      %get3A_1393 = arith.constant 5 : i32
      %get3A_1394 = arith.index_cast %get3A_1393 : i32 to index
      %get3A_1395 = arith.index_cast %mul3A_1392 : i32 to index
      %get3A_1396 = tpu.vector_load %arg14[%get3A_1394, %get3A_1395] {strides = array<i32>} : memref<32x512xf32, #tpu.memory_space<vmem>>, vector<16xf32>,
      %select_n3A_1397 = arith.select %ge3A_1299, %gather3A_1390, %get3A_1396 : vector<16xi1>, vector<16xf32>
      %mul3A_1398 = arith.constant 16 : i32
      %mul3A_1399 = arith.muli %add3A_1294, %mul3A_1398 : i32
      %swap3A_1400 = arith.constant 5 : i32
      %swap3A_1401 = arith.index_cast %swap3A_1400 : i32 to index
      %swap3A_1402 = arith.index_cast %mul3A_1399 : i32 to index
      %swap3A_1403 = tpu.vector_load %arg14[%swap3A_1401, %swap3A_1402] {strides = array<i32>} : memref<32x512xf32, #tpu.memory_space<vmem>>, vector<16xf32>,
      tpu.vector_store %arg14[%swap3A_1401, %swap3A_1402], %select_n3A_1397 {strides = array<i32>} : memref<32x512xf32, #tpu.memory_space<vmem>>, vector<16xf32>,
      %add3A_1404 = arith.constant 384 : i32
      %add3A_1405 = vector.broadcast %add3A_1404 : i32 to vector<16xi32>
      %add3A_1406 = arith.addi %min3A_1304, %add3A_1405 : vector<16xi32>
      %gather3A_1407 = tpu.vector_load_idx %arg16[%add3A_1406] : memref<2048xf32, #tpu.memory_space<vmem>>[vector<16xi32>], vector<16xf32>,
      %mul3A_1408 = arith.constant 16 : i32
      %mul3A_1409 = arith.muli %add3A_1294, %mul3A_1408 : i32
      %get3A_1410 = arith.constant 6 : i32
      %get3A_1411 = arith.index_cast %get3A_1410 : i32 to index
      %get3A_1412 = arith.index_cast %mul3A_1409 : i32 to index
      %get3A_1413 = tpu.vector_load %arg14[%get3A_1411, %get3A_1412] {strides = array<i32>} : memref<32x512xf32, #tpu.memory_space<vmem>>, vector<16xf32>,
      %select_n3A_1414 = arith.select %ge3A_1299, %gather3A_1407, %get3A_1413 : vector<16xi1>, vector<16xf32>
      %mul3A_1415 = arith.constant 16 : i32
      %mul3A_1416 = arith.muli %add3A_1294, %mul3A_1415 : i32
      %swap3A_1417 = arith.constant 6 : i32
      %swap3A_1418 = arith.index_cast %swap3A_1417 : i32 to index
      %swap3A_1419 = arith.index_cast %mul3A_1416 : i32 to index
      %swap3A_1420 = tpu.vector_load %arg14[%swap3A_1418, %swap3A_1419] {strides = array<i32>} : memref<32x512xf32, #tpu.memory_space<vmem>>, vector<16xf32>,
      tpu.vector_store %arg14[%swap3A_1418, %swap3A_1419], %select_n3A_1414 {strides = array<i32>} : memref<32x512xf32, #tpu.memory_space<vmem>>, vector<16xf32>,
      %add3A_1421 = arith.constant 448 : i32
      %add3A_1422 = vector.broadcast %add3A_1421 : i32 to vector<16xi32>
      %add3A_1423 = arith.addi %min3A_1304, %add3A_1422 : vector<16xi32>
      %gather3A_1424 = tpu.vector_load_idx %arg16[%add3A_1423] : memref<2048xf32, #tpu.memory_space<vmem>>[vector<16xi32>], vector<16xf32>,
      %mul3A_1425 = arith.constant 16 : i32
      %mul3A_1426 = arith.muli %add3A_1294, %mul3A_1425 : i32
      %get3A_1427 = arith.constant 7 : i32
      %get3A_1428 = arith.index_cast %get3A_1427 : i32 to index
      %get3A_1429 = arith.index_cast %mul3A_1426 : i32 to index
      %get3A_1430 = tpu.vector_load %arg14[%get3A_1428, %get3A_1429] {strides = array<i32>} : memref<32x512xf32, #tpu.memory_space<vmem>>, vector<16xf32>,
      %select_n3A_1431 = arith.select %ge3A_1299, %gather3A_1424, %get3A_1430 : vector<16xi1>, vector<16xf32>
      %mul3A_1432 = arith.constant 16 : i32
      %mul3A_1433 = arith.muli %add3A_1294, %mul3A_1432 : i32
      %swap3A_1434 = arith.constant 7 : i32
      %swap3A_1435 = arith.index_cast %swap3A_1434 : i32 to index
      %swap3A_1436 = arith.index_cast %mul3A_1433 : i32 to index
      %swap3A_1437 = tpu.vector_load %arg14[%swap3A_1435, %swap3A_1436] {strides = array<i32>} : memref<32x512xf32, #tpu.memory_space<vmem>>, vector<16xf32>,
      tpu.vector_store %arg14[%swap3A_1435, %swap3A_1436], %select_n3A_1431 {strides = array<i32>} : memref<32x512xf32, #tpu.memory_space<vmem>>, vector<16xf32>,
      %add3A_1438 = arith.constant 512 : i32
      %add3A_1439 = vector.broadcast %add3A_1438 : i32 to vector<16xi32>
      %add3A_1440 = arith.addi %min3A_1304, %add3A_1439 : vector<16xi32>
      %gather3A_1441 = tpu.vector_load_idx %arg16[%add3A_1440] : memref<2048xf32, #tpu.memory_space<vmem>>[vector<16xi32>], vector<16xf32>,
      %mul3A_1442 = arith.constant 16 : i32
      %mul3A_1443 = arith.muli %add3A_1294, %mul3A_1442 : i32
      %get3A_1444 = arith.constant 8 : i32
      %get3A_1445 = arith.index_cast %get3A_1444 : i32 to index
      %get3A_1446 = arith.index_cast %mul3A_1443 : i32 to index
      %get3A_1447 = tpu.vector_load %arg14[%get3A_1445, %get3A_1446] {strides = array<i32>} : memref<32x512xf32, #tpu.memory_space<vmem>>, vector<16xf32>,
      %select_n3A_1448 = arith.select %ge3A_1299, %gather3A_1441, %get3A_1447 : vector<16xi1>, vector<16xf32>
      %mul3A_1449 = arith.constant 16 : i32
      %mul3A_1450 = arith.muli %add3A_1294, %mul3A_1449 : i32
      %swap3A_1451 = arith.constant 8 : i32
      %swap3A_1452 = arith.index_cast %swap3A_1451 : i32 to index
      %swap3A_1453 = arith.index_cast %mul3A_1450 : i32 to index
      %swap3A_1454 = tpu.vector_load %arg14[%swap3A_1452, %swap3A_1453] {strides = array<i32>} : memref<32x512xf32, #tpu.memory_space<vmem>>, vector<16xf32>,
      tpu.vector_store %arg14[%swap3A_1452, %swap3A_1453], %select_n3A_1448 {strides = array<i32>} : memref<32x512xf32, #tpu.memory_space<vmem>>, vector<16xf32>,
      %add3A_1455 = arith.constant 576 : i32
      %add3A_1456 = vector.broadcast %add3A_1455 : i32 to vector<16xi32>
      %add3A_1457 = arith.addi %min3A_1304, %add3A_1456 : vector<16xi32>
      %gather3A_1458 = tpu.vector_load_idx %arg16[%add3A_1457] : memref<2048xf32, #tpu.memory_space<vmem>>[vector<16xi32>], vector<16xf32>,
      %mul3A_1459 = arith.constant 16 : i32
      %mul3A_1460 = arith.muli %add3A_1294, %mul3A_1459 : i32
      %get3A_1461 = arith.constant 9 : i32
      %get3A_1462 = arith.index_cast %get3A_1461 : i32 to index
      %get3A_1463 = arith.index_cast %mul3A_1460 : i32 to index
      %get3A_1464 = tpu.vector_load %arg14[%get3A_1462, %get3A_1463] {strides = array<i32>} : memref<32x512xf32, #tpu.memory_space<vmem>>, vector<16xf32>,
      %select_n3A_1465 = arith.select %ge3A_1299, %gather3A_1458, %get3A_1464 : vector<16xi1>, vector<16xf32>
      %mul3A_1466 = arith.constant 16 : i32
      %mul3A_1467 = arith.muli %add3A_1294, %mul3A_1466 : i32
      %swap3A_1468 = arith.constant 9 : i32
      %swap3A_1469 = arith.index_cast %swap3A_1468 : i32 to index
      %swap3A_1470 = arith.index_cast %mul3A_1467 : i32 to index
      %swap3A_1471 = tpu.vector_load %arg14[%swap3A_1469, %swap3A_1470] {strides = array<i32>} : memref<32x512xf32, #tpu.memory_space<vmem>>, vector<16xf32>,
      tpu.vector_store %arg14[%swap3A_1469, %swap3A_1470], %select_n3A_1465 {strides = array<i32>} : memref<32x512xf32, #tpu.memory_space<vmem>>, vector<16xf32>,
      %add3A_1472 = arith.constant 640 : i32
      %add3A_1473 = vector.broadcast %add3A_1472 : i32 to vector<16xi32>
      %add3A_1474 = arith.addi %min3A_1304, %add3A_1473 : vector<16xi32>
      %gather3A_1475 = tpu.vector_load_idx %arg16[%add3A_1474] : memref<2048xf32, #tpu.memory_space<vmem>>[vector<16xi32>], vector<16xf32>,
      %mul3A_1476 = arith.constant 16 : i32
      %mul3A_1477 = arith.muli %add3A_1294, %mul3A_1476 : i32
      %get3A_1478 = arith.constant 10 : i32
      %get3A_1479 = arith.index_cast %get3A_1478 : i32 to index
      %get3A_1480 = arith.index_cast %mul3A_1477 : i32 to index
      %get3A_1481 = tpu.vector_load %arg14[%get3A_1479, %get3A_1480] {strides = array<i32>} : memref<32x512xf32, #tpu.memory_space<vmem>>, vector<16xf32>,
      %select_n3A_1482 = arith.select %ge3A_1299, %gather3A_1475, %get3A_1481 : vector<16xi1>, vector<16xf32>
      %mul3A_1483 = arith.constant 16 : i32
      %mul3A_1484 = arith.muli %add3A_1294, %mul3A_1483 : i32
      %swap3A_1485 = arith.constant 10 : i32
      %swap3A_1486 = arith.index_cast %swap3A_1485 : i32 to index
      %swap3A_1487 = arith.index_cast %mul3A_1484 : i32 to index
      %swap3A_1488 = tpu.vector_load %arg14[%swap3A_1486, %swap3A_1487] {strides = array<i32>} : memref<32x512xf32, #tpu.memory_space<vmem>>, vector<16xf32>,
      tpu.vector_store %arg14[%swap3A_1486, %swap3A_1487], %select_n3A_1482 {strides = array<i32>} : memref<32x512xf32, #tpu.memory_space<vmem>>, vector<16xf32>,
      %add3A_1489 = arith.constant 704 : i32
      %add3A_1490 = vector.broadcast %add3A_1489 : i32 to vector<16xi32>
      %add3A_1491 = arith.addi %min3A_1304, %add3A_1490 : vector<16xi32>
      %gather3A_1492 = tpu.vector_load_idx %arg16[%add3A_1491] : memref<2048xf32, #tpu.memory_space<vmem>>[vector<16xi32>], vector<16xf32>,
      %mul3A_1493 = arith.constant 16 : i32
      %mul3A_1494 = arith.muli %add3A_1294, %mul3A_1493 : i32
      %get3A_1495 = arith.constant 11 : i32
      %get3A_1496 = arith.index_cast %get3A_1495 : i32 to index
      %get3A_1497 = arith.index_cast %mul3A_1494 : i32 to index
      %get3A_1498 = tpu.vector_load %arg14[%get3A_1496, %get3A_1497] {strides = array<i32>} : memref<32x512xf32, #tpu.memory_space<vmem>>, vector<16xf32>,
      %select_n3A_1499 = arith.select %ge3A_1299, %gather3A_1492, %get3A_1498 : vector<16xi1>, vector<16xf32>
      %mul3A_1500 = arith.constant 16 : i32
      %mul3A_1501 = arith.muli %add3A_1294, %mul3A_1500 : i32
      %swap3A_1502 = arith.constant 11 : i32
      %swap3A_1503 = arith.index_cast %swap3A_1502 : i32 to index
      %swap3A_1504 = arith.index_cast %mul3A_1501 : i32 to index
      %swap3A_1505 = tpu.vector_load %arg14[%swap3A_1503, %swap3A_1504] {strides = array<i32>} : memref<32x512xf32, #tpu.memory_space<vmem>>, vector<16xf32>,
      tpu.vector_store %arg14[%swap3A_1503, %swap3A_1504], %select_n3A_1499 {strides = array<i32>} : memref<32x512xf32, #tpu.memory_space<vmem>>, vector<16xf32>,
      %add3A_1506 = arith.constant 768 : i32
      %add3A_1507 = vector.broadcast %add3A_1506 : i32 to vector<16xi32>
      %add3A_1508 = arith.addi %min3A_1304, %add3A_1507 : vector<16xi32>
      %gather3A_1509 = tpu.vector_load_idx %arg16[%add3A_1508] : memref<2048xf32, #tpu.memory_space<vmem>>[vector<16xi32>], vector<16xf32>,
      %mul3A_1510 = arith.constant 16 : i32
      %mul3A_1511 = arith.muli %add3A_1294, %mul3A_1510 : i32
      %get3A_1512 = arith.constant 12 : i32
      %get3A_1513 = arith.index_cast %get3A_1512 : i32 to index
      %get3A_1514 = arith.index_cast %mul3A_1511 : i32 to index
      %get3A_1515 = tpu.vector_load %arg14[%get3A_1513, %get3A_1514] {strides = array<i32>} : memref<32x512xf32, #tpu.memory_space<vmem>>, vector<16xf32>,
      %select_n3A_1516 = arith.select %ge3A_1299, %gather3A_1509, %get3A_1515 : vector<16xi1>, vector<16xf32>
      %mul3A_1517 = arith.constant 16 : i32
      %mul3A_1518 = arith.muli %add3A_1294, %mul3A_1517 : i32
      %swap3A_1519 = arith.constant 12 : i32
      %swap3A_1520 = arith.index_cast %swap3A_1519 : i32 to index
      %swap3A_1521 = arith.index_cast %mul3A_1518 : i32 to index
      %swap3A_1522 = tpu.vector_load %arg14[%swap3A_1520, %swap3A_1521] {strides = array<i32>} : memref<32x512xf32, #tpu.memory_space<vmem>>, vector<16xf32>,
      tpu.vector_store %arg14[%swap3A_1520, %swap3A_1521], %select_n3A_1516 {strides = array<i32>} : memref<32x512xf32, #tpu.memory_space<vmem>>, vector<16xf32>,
      %add3A_1523 = arith.constant 832 : i32
      %add3A_1524 = vector.broadcast %add3A_1523 : i32 to vector<16xi32>
      %add3A_1525 = arith.addi %min3A_1304, %add3A_1524 : vector<16xi32>
      %gather3A_1526 = tpu.vector_load_idx %arg16[%add3A_1525] : memref<2048xf32, #tpu.memory_space<vmem>>[vector<16xi32>], vector<16xf32>,
      %mul3A_1527 = arith.constant 16 : i32
      %mul3A_1528 = arith.muli %add3A_1294, %mul3A_1527 : i32
      %get3A_1529 = arith.constant 13 : i32
      %get3A_1530 = arith.index_cast %get3A_1529 : i32 to index
      %get3A_1531 = arith.index_cast %mul3A_1528 : i32 to index
      %get3A_1532 = tpu.vector_load %arg14[%get3A_1530, %get3A_1531] {strides = array<i32>} : memref<32x512xf32, #tpu.memory_space<vmem>>, vector<16xf32>,
      %select_n3A_1533 = arith.select %ge3A_1299, %gather3A_1526, %get3A_1532 : vector<16xi1>, vector<16xf32>
      %mul3A_1534 = arith.constant 16 : i32
      %mul3A_1535 = arith.muli %add3A_1294, %mul3A_1534 : i32
      %swap3A_1536 = arith.constant 13 : i32
      %swap3A_1537 = arith.index_cast %swap3A_1536 : i32 to index
      %swap3A_1538 = arith.index_cast %mul3A_1535 : i32 to index
      %swap3A_1539 = tpu.vector_load %arg14[%swap3A_1537, %swap3A_1538] {strides = array<i32>} : memref<32x512xf32, #tpu.memory_space<vmem>>, vector<16xf32>,
      tpu.vector_store %arg14[%swap3A_1537, %swap3A_1538], %select_n3A_1533 {strides = array<i32>} : memref<32x512xf32, #tpu.memory_space<vmem>>, vector<16xf32>,
      %add3A_1540 = arith.constant 896 : i32
      %add3A_1541 = vector.broadcast %add3A_1540 : i32 to vector<16xi32>
      %add3A_1542 = arith.addi %min3A_1304, %add3A_1541 : vector<16xi32>
      %gather3A_1543 = tpu.vector_load_idx %arg16[%add3A_1542] : memref<2048xf32, #tpu.memory_space<vmem>>[vector<16xi32>], vector<16xf32>,
      %mul3A_1544 = arith.constant 16 : i32
      %mul3A_1545 = arith.muli %add3A_1294, %mul3A_1544 : i32
      %get3A_1546 = arith.constant 14 : i32
      %get3A_1547 = arith.index_cast %get3A_1546 : i32 to index
      %get3A_1548 = arith.index_cast %mul3A_1545 : i32 to index
      %get3A_1549 = tpu.vector_load %arg14[%get3A_1547, %get3A_1548] {strides = array<i32>} : memref<32x512xf32, #tpu.memory_space<vmem>>, vector<16xf32>,
      %select_n3A_1550 = arith.select %ge3A_1299, %gather3A_1543, %get3A_1549 : vector<16xi1>, vector<16xf32>
      %mul3A_1551 = arith.constant 16 : i32
      %mul3A_1552 = arith.muli %add3A_1294, %mul3A_1551 : i32
      %swap3A_1553 = arith.constant 14 : i32
      %swap3A_1554 = arith.index_cast %swap3A_1553 : i32 to index
      %swap3A_1555 = arith.index_cast %mul3A_1552 : i32 to index
      %swap3A_1556 = tpu.vector_load %arg14[%swap3A_1554, %swap3A_1555] {strides = array<i32>} : memref<32x512xf32, #tpu.memory_space<vmem>>, vector<16xf32>,
      tpu.vector_store %arg14[%swap3A_1554, %swap3A_1555], %select_n3A_1550 {strides = array<i32>} : memref<32x512xf32, #tpu.memory_space<vmem>>, vector<16xf32>,
      %add3A_1557 = arith.constant 960 : i32
      %add3A_1558 = vector.broadcast %add3A_1557 : i32 to vector<16xi32>
      %add3A_1559 = arith.addi %min3A_1304, %add3A_1558 : vector<16xi32>
      %gather3A_1560 = tpu.vector_load_idx %arg16[%add3A_1559] : memref<2048xf32, #tpu.memory_space<vmem>>[vector<16xi32>], vector<16xf32>,
      %mul3A_1561 = arith.constant 16 : i32
      %mul3A_1562 = arith.muli %add3A_1294, %mul3A_1561 : i32
      %get3A_1563 = arith.constant 15 : i32
      %get3A_1564 = arith.index_cast %get3A_1563 : i32 to index
      %get3A_1565 = arith.index_cast %mul3A_1562 : i32 to index
      %get3A_1566 = tpu.vector_load %arg14[%get3A_1564, %get3A_1565] {strides = array<i32>} : memref<32x512xf32, #tpu.memory_space<vmem>>, vector<16xf32>,
      %select_n3A_1567 = arith.select %ge3A_1299, %gather3A_1560, %get3A_1566 : vector<16xi1>, vector<16xf32>
      %mul3A_1568 = arith.constant 16 : i32
      %mul3A_1569 = arith.muli %add3A_1294, %mul3A_1568 : i32
      %swap3A_1570 = arith.constant 15 : i32
      %swap3A_1571 = arith.index_cast %swap3A_1570 : i32 to index
      %swap3A_1572 = arith.index_cast %mul3A_1569 : i32 to index
      %swap3A_1573 = tpu.vector_load %arg14[%swap3A_1571, %swap3A_1572] {strides = array<i32>} : memref<32x512xf32, #tpu.memory_space<vmem>>, vector<16xf32>,
      tpu.vector_store %arg14[%swap3A_1571, %swap3A_1572], %select_n3A_1567 {strides = array<i32>} : memref<32x512xf32, #tpu.memory_space<vmem>>, vector<16xf32>,
      %add3A_1574 = arith.constant 1024 : i32
      %add3A_1575 = vector.broadcast %add3A_1574 : i32 to vector<16xi32>
      %add3A_1576 = arith.addi %min3A_1304, %add3A_1575 : vector<16xi32>
      %gather3A_1577 = tpu.vector_load_idx %arg16[%add3A_1576] : memref<2048xf32, #tpu.memory_space<vmem>>[vector<16xi32>], vector<16xf32>,
      %mul3A_1578 = arith.constant 16 : i32
      %mul3A_1579 = arith.muli %add3A_1294, %mul3A_1578 : i32
      %get3A_1580 = arith.constant 16 : i32
      %get3A_1581 = arith.index_cast %get3A_1580 : i32 to index
      %get3A_1582 = arith.index_cast %mul3A_1579 : i32 to index
      %get3A_1583 = tpu.vector_load %arg14[%get3A_1581, %get3A_1582] {strides = array<i32>} : memref<32x512xf32, #tpu.memory_space<vmem>>, vector<16xf32>,
      %select_n3A_1584 = arith.select %ge3A_1299, %gather3A_1577, %get3A_1583 : vector<16xi1>, vector<16xf32>
      %mul3A_1585 = arith.constant 16 : i32
      %mul3A_1586 = arith.muli %add3A_1294, %mul3A_1585 : i32
      %swap3A_1587 = arith.constant 16 : i32
      %swap3A_1588 = arith.index_cast %swap3A_1587 : i32 to index
      %swap3A_1589 = arith.index_cast %mul3A_1586 : i32 to index
      %swap3A_1590 = tpu.vector_load %arg14[%swap3A_1588, %swap3A_1589] {strides = array<i32>} : memref<32x512xf32, #tpu.memory_space<vmem>>, vector<16xf32>,
      tpu.vector_store %arg14[%swap3A_1588, %swap3A_1589], %select_n3A_1584 {strides = array<i32>} : memref<32x512xf32, #tpu.memory_space<vmem>>, vector<16xf32>,
      %add3A_1591 = arith.constant 1088 : i32
      %add3A_1592 = vector.broadcast %add3A_1591 : i32 to vector<16xi32>
      %add3A_1593 = arith.addi %min3A_1304, %add3A_1592 : vector<16xi32>
      %gather3A_1594 = tpu.vector_load_idx %arg16[%add3A_1593] : memref<2048xf32, #tpu.memory_space<vmem>>[vector<16xi32>], vector<16xf32>,
      %mul3A_1595 = arith.constant 16 : i32
      %mul3A_1596 = arith.muli %add3A_1294, %mul3A_1595 : i32
      %get3A_1597 = arith.constant 17 : i32
      %get3A_1598 = arith.index_cast %get3A_1597 : i32 to index
      %get3A_1599 = arith.index_cast %mul3A_1596 : i32 to index
      %get3A_1600 = tpu.vector_load %arg14[%get3A_1598, %get3A_1599] {strides = array<i32>} : memref<32x512xf32, #tpu.memory_space<vmem>>, vector<16xf32>,
      %select_n3A_1601 = arith.select %ge3A_1299, %gather3A_1594, %get3A_1600 : vector<16xi1>, vector<16xf32>
      %mul3A_1602 = arith.constant 16 : i32
      %mul3A_1603 = arith.muli %add3A_1294, %mul3A_1602 : i32
      %swap3A_1604 = arith.constant 17 : i32
      %swap3A_1605 = arith.index_cast %swap3A_1604 : i32 to index
      %swap3A_1606 = arith.index_cast %mul3A_1603 : i32 to index
      %swap3A_1607 = tpu.vector_load %arg14[%swap3A_1605, %swap3A_1606] {strides = array<i32>} : memref<32x512xf32, #tpu.memory_space<vmem>>, vector<16xf32>,
      tpu.vector_store %arg14[%swap3A_1605, %swap3A_1606], %select_n3A_1601 {strides = array<i32>} : memref<32x512xf32, #tpu.memory_space<vmem>>, vector<16xf32>,
      %add3A_1608 = arith.constant 1152 : i32
      %add3A_1609 = vector.broadcast %add3A_1608 : i32 to vector<16xi32>
      %add3A_1610 = arith.addi %min3A_1304, %add3A_1609 : vector<16xi32>
      %gather3A_1611 = tpu.vector_load_idx %arg16[%add3A_1610] : memref<2048xf32, #tpu.memory_space<vmem>>[vector<16xi32>], vector<16xf32>,
      %mul3A_1612 = arith.constant 16 : i32
      %mul3A_1613 = arith.muli %add3A_1294, %mul3A_1612 : i32
      %get3A_1614 = arith.constant 18 : i32
      %get3A_1615 = arith.index_cast %get3A_1614 : i32 to index
      %get3A_1616 = arith.index_cast %mul3A_1613 : i32 to index
      %get3A_1617 = tpu.vector_load %arg14[%get3A_1615, %get3A_1616] {strides = array<i32>} : memref<32x512xf32, #tpu.memory_space<vmem>>, vector<16xf32>,
      %select_n3A_1618 = arith.select %ge3A_1299, %gather3A_1611, %get3A_1617 : vector<16xi1>, vector<16xf32>
      %mul3A_1619 = arith.constant 16 : i32
      %mul3A_1620 = arith.muli %add3A_1294, %mul3A_1619 : i32
      %swap3A_1621 = arith.constant 18 : i32
      %swap3A_1622 = arith.index_cast %swap3A_1621 : i32 to index
      %swap3A_1623 = arith.index_cast %mul3A_1620 : i32 to index
      %swap3A_1624 = tpu.vector_load %arg14[%swap3A_1622, %swap3A_1623] {strides = array<i32>} : memref<32x512xf32, #tpu.memory_space<vmem>>, vector<16xf32>,
      tpu.vector_store %arg14[%swap3A_1622, %swap3A_1623], %select_n3A_1618 {strides = array<i32>} : memref<32x512xf32, #tpu.memory_space<vmem>>, vector<16xf32>,
      %add3A_1625 = arith.constant 1216 : i32
      %add3A_1626 = vector.broadcast %add3A_1625 : i32 to vector<16xi32>
      %add3A_1627 = arith.addi %min3A_1304, %add3A_1626 : vector<16xi32>
      %gather3A_1628 = tpu.vector_load_idx %arg16[%add3A_1627] : memref<2048xf32, #tpu.memory_space<vmem>>[vector<16xi32>], vector<16xf32>,
      %mul3A_1629 = arith.constant 16 : i32
      %mul3A_1630 = arith.muli %add3A_1294, %mul3A_1629 : i32
      %get3A_1631 = arith.constant 19 : i32
      %get3A_1632 = arith.index_cast %get3A_1631 : i32 to index
      %get3A_1633 = arith.index_cast %mul3A_1630 : i32 to index
      %get3A_1634 = tpu.vector_load %arg14[%get3A_1632, %get3A_1633] {strides = array<i32>} : memref<32x512xf32, #tpu.memory_space<vmem>>, vector<16xf32>,
      %select_n3A_1635 = arith.select %ge3A_1299, %gather3A_1628, %get3A_1634 : vector<16xi1>, vector<16xf32>
      %mul3A_1636 = arith.constant 16 : i32
      %mul3A_1637 = arith.muli %add3A_1294, %mul3A_1636 : i32
      %swap3A_1638 = arith.constant 19 : i32
      %swap3A_1639 = arith.index_cast %swap3A_1638 : i32 to index
      %swap3A_1640 = arith.index_cast %mul3A_1637 : i32 to index
      %swap3A_1641 = tpu.vector_load %arg14[%swap3A_1639, %swap3A_1640] {strides = array<i32>} : memref<32x512xf32, #tpu.memory_space<vmem>>, vector<16xf32>,
      tpu.vector_store %arg14[%swap3A_1639, %swap3A_1640], %select_n3A_1635 {strides = array<i32>} : memref<32x512xf32, #tpu.memory_space<vmem>>, vector<16xf32>,
      %add3A_1642 = arith.constant 1280 : i32
      %add3A_1643 = vector.broadcast %add3A_1642 : i32 to vector<16xi32>
      %add3A_1644 = arith.addi %min3A_1304, %add3A_1643 : vector<16xi32>
      %gather3A_1645 = tpu.vector_load_idx %arg16[%add3A_1644] : memref<2048xf32, #tpu.memory_space<vmem>>[vector<16xi32>], vector<16xf32>,
      %mul3A_1646 = arith.constant 16 : i32
      %mul3A_1647 = arith.muli %add3A_1294, %mul3A_1646 : i32
      %get3A_1648 = arith.constant 20 : i32
      %get3A_1649 = arith.index_cast %get3A_1648 : i32 to index
      %get3A_1650 = arith.index_cast %mul3A_1647 : i32 to index
      %get3A_1651 = tpu.vector_load %arg14[%get3A_1649, %get3A_1650] {strides = array<i32>} : memref<32x512xf32, #tpu.memory_space<vmem>>, vector<16xf32>,
      %select_n3A_1652 = arith.select %ge3A_1299, %gather3A_1645, %get3A_1651 : vector<16xi1>, vector<16xf32>
      %mul3A_1653 = arith.constant 16 : i32
      %mul3A_1654 = arith.muli %add3A_1294, %mul3A_1653 : i32
      %swap3A_1655 = arith.constant 20 : i32
      %swap3A_1656 = arith.index_cast %swap3A_1655 : i32 to index
      %swap3A_1657 = arith.index_cast %mul3A_1654 : i32 to index
      %swap3A_1658 = tpu.vector_load %arg14[%swap3A_1656, %swap3A_1657] {strides = array<i32>} : memref<32x512xf32, #tpu.memory_space<vmem>>, vector<16xf32>,
      tpu.vector_store %arg14[%swap3A_1656, %swap3A_1657], %select_n3A_1652 {strides = array<i32>} : memref<32x512xf32, #tpu.memory_space<vmem>>, vector<16xf32>,
      %add3A_1659 = arith.constant 1344 : i32
      %add3A_1660 = vector.broadcast %add3A_1659 : i32 to vector<16xi32>
      %add3A_1661 = arith.addi %min3A_1304, %add3A_1660 : vector<16xi32>
      %gather3A_1662 = tpu.vector_load_idx %arg16[%add3A_1661] : memref<2048xf32, #tpu.memory_space<vmem>>[vector<16xi32>], vector<16xf32>,
      %mul3A_1663 = arith.constant 16 : i32
      %mul3A_1664 = arith.muli %add3A_1294, %mul3A_1663 : i32
      %get3A_1665 = arith.constant 21 : i32
      %get3A_1666 = arith.index_cast %get3A_1665 : i32 to index
      %get3A_1667 = arith.index_cast %mul3A_1664 : i32 to index
      %get3A_1668 = tpu.vector_load %arg14[%get3A_1666, %get3A_1667] {strides = array<i32>} : memref<32x512xf32, #tpu.memory_space<vmem>>, vector<16xf32>,
      %select_n3A_1669 = arith.select %ge3A_1299, %gather3A_1662, %get3A_1668 : vector<16xi1>, vector<16xf32>
      %mul3A_1670 = arith.constant 16 : i32
      %mul3A_1671 = arith.muli %add3A_1294, %mul3A_1670 : i32
      %swap3A_1672 = arith.constant 21 : i32
      %swap3A_1673 = arith.index_cast %swap3A_1672 : i32 to index
      %swap3A_1674 = arith.index_cast %mul3A_1671 : i32 to index
      %swap3A_1675 = tpu.vector_load %arg14[%swap3A_1673, %swap3A_1674] {strides = array<i32>} : memref<32x512xf32, #tpu.memory_space<vmem>>, vector<16xf32>,
      tpu.vector_store %arg14[%swap3A_1673, %swap3A_1674], %select_n3A_1669 {strides = array<i32>} : memref<32x512xf32, #tpu.memory_space<vmem>>, vector<16xf32>,
      %add3A_1676 = arith.constant 1408 : i32
      %add3A_1677 = vector.broadcast %add3A_1676 : i32 to vector<16xi32>
      %add3A_1678 = arith.addi %min3A_1304, %add3A_1677 : vector<16xi32>
      %gather3A_1679 = tpu.vector_load_idx %arg16[%add3A_1678] : memref<2048xf32, #tpu.memory_space<vmem>>[vector<16xi32>], vector<16xf32>,
      %mul3A_1680 = arith.constant 16 : i32
      %mul3A_1681 = arith.muli %add3A_1294, %mul3A_1680 : i32
      %get3A_1682 = arith.constant 22 : i32
      %get3A_1683 = arith.index_cast %get3A_1682 : i32 to index
      %get3A_1684 = arith.index_cast %mul3A_1681 : i32 to index
      %get3A_1685 = tpu.vector_load %arg14[%get3A_1683, %get3A_1684] {strides = array<i32>} : memref<32x512xf32, #tpu.memory_space<vmem>>, vector<16xf32>,
      %select_n3A_1686 = arith.select %ge3A_1299, %gather3A_1679, %get3A_1685 : vector<16xi1>, vector<16xf32>
      %mul3A_1687 = arith.constant 16 : i32
      %mul3A_1688 = arith.muli %add3A_1294, %mul3A_1687 : i32
      %swap3A_1689 = arith.constant 22 : i32
      %swap3A_1690 = arith.index_cast %swap3A_1689 : i32 to index
      %swap3A_1691 = arith.index_cast %mul3A_1688 : i32 to index
      %swap3A_1692 = tpu.vector_load %arg14[%swap3A_1690, %swap3A_1691] {strides = array<i32>} : memref<32x512xf32, #tpu.memory_space<vmem>>, vector<16xf32>,
      tpu.vector_store %arg14[%swap3A_1690, %swap3A_1691], %select_n3A_1686 {strides = array<i32>} : memref<32x512xf32, #tpu.memory_space<vmem>>, vector<16xf32>,
      %add3A_1693 = arith.constant 1472 : i32
      %add3A_1694 = vector.broadcast %add3A_1693 : i32 to vector<16xi32>
      %add3A_1695 = arith.addi %min3A_1304, %add3A_1694 : vector<16xi32>
      %gather3A_1696 = tpu.vector_load_idx %arg16[%add3A_1695] : memref<2048xf32, #tpu.memory_space<vmem>>[vector<16xi32>], vector<16xf32>,
      %mul3A_1697 = arith.constant 16 : i32
      %mul3A_1698 = arith.muli %add3A_1294, %mul3A_1697 : i32
      %get3A_1699 = arith.constant 23 : i32
      %get3A_1700 = arith.index_cast %get3A_1699 : i32 to index
      %get3A_1701 = arith.index_cast %mul3A_1698 : i32 to index
      %get3A_1702 = tpu.vector_load %arg14[%get3A_1700, %get3A_1701] {strides = array<i32>} : memref<32x512xf32, #tpu.memory_space<vmem>>, vector<16xf32>,
      %select_n3A_1703 = arith.select %ge3A_1299, %gather3A_1696, %get3A_1702 : vector<16xi1>, vector<16xf32>
      %mul3A_1704 = arith.constant 16 : i32
      %mul3A_1705 = arith.muli %add3A_1294, %mul3A_1704 : i32
      %swap3A_1706 = arith.constant 23 : i32
      %swap3A_1707 = arith.index_cast %swap3A_1706 : i32 to index
      %swap3A_1708 = arith.index_cast %mul3A_1705 : i32 to index
      %swap3A_1709 = tpu.vector_load %arg14[%swap3A_1707, %swap3A_1708] {strides = array<i32>} : memref<32x512xf32, #tpu.memory_space<vmem>>, vector<16xf32>,
      tpu.vector_store %arg14[%swap3A_1707, %swap3A_1708], %select_n3A_1703 {strides = array<i32>} : memref<32x512xf32, #tpu.memory_space<vmem>>, vector<16xf32>,
      %add3A_1710 = arith.constant 1536 : i32
      %add3A_1711 = vector.broadcast %add3A_1710 : i32 to vector<16xi32>
      %add3A_1712 = arith.addi %min3A_1304, %add3A_1711 : vector<16xi32>
      %gather3A_1713 = tpu.vector_load_idx %arg16[%add3A_1712] : memref<2048xf32, #tpu.memory_space<vmem>>[vector<16xi32>], vector<16xf32>,
      %mul3A_1714 = arith.constant 16 : i32
      %mul3A_1715 = arith.muli %add3A_1294, %mul3A_1714 : i32
      %get3A_1716 = arith.constant 24 : i32
      %get3A_1717 = arith.index_cast %get3A_1716 : i32 to index
      %get3A_1718 = arith.index_cast %mul3A_1715 : i32 to index
      %get3A_1719 = tpu.vector_load %arg14[%get3A_1717, %get3A_1718] {strides = array<i32>} : memref<32x512xf32, #tpu.memory_space<vmem>>, vector<16xf32>,
      %select_n3A_1720 = arith.select %ge3A_1299, %gather3A_1713, %get3A_1719 : vector<16xi1>, vector<16xf32>
      %mul3A_1721 = arith.constant 16 : i32
      %mul3A_1722 = arith.muli %add3A_1294, %mul3A_1721 : i32
      %swap3A_1723 = arith.constant 24 : i32
      %swap3A_1724 = arith.index_cast %swap3A_1723 : i32 to index
      %swap3A_1725 = arith.index_cast %mul3A_1722 : i32 to index
      %swap3A_1726 = tpu.vector_load %arg14[%swap3A_1724, %swap3A_1725] {strides = array<i32>} : memref<32x512xf32, #tpu.memory_space<vmem>>, vector<16xf32>,
      tpu.vector_store %arg14[%swap3A_1724, %swap3A_1725], %select_n3A_1720 {strides = array<i32>} : memref<32x512xf32, #tpu.memory_space<vmem>>, vector<16xf32>,
      %add3A_1727 = arith.constant 1600 : i32
      %add3A_1728 = vector.broadcast %add3A_1727 : i32 to vector<16xi32>
      %add3A_1729 = arith.addi %min3A_1304, %add3A_1728 : vector<16xi32>
      %gather3A_1730 = tpu.vector_load_idx %arg16[%add3A_1729] : memref<2048xf32, #tpu.memory_space<vmem>>[vector<16xi32>], vector<16xf32>,
      %mul3A_1731 = arith.constant 16 : i32
      %mul3A_1732 = arith.muli %add3A_1294, %mul3A_1731 : i32
      %get3A_1733 = arith.constant 25 : i32
      %get3A_1734 = arith.index_cast %get3A_1733 : i32 to index
      %get3A_1735 = arith.index_cast %mul3A_1732 : i32 to index
      %get3A_1736 = tpu.vector_load %arg14[%get3A_1734, %get3A_1735] {strides = array<i32>} : memref<32x512xf32, #tpu.memory_space<vmem>>, vector<16xf32>,
      %select_n3A_1737 = arith.select %ge3A_1299, %gather3A_1730, %get3A_1736 : vector<16xi1>, vector<16xf32>
      %mul3A_1738 = arith.constant 16 : i32
      %mul3A_1739 = arith.muli %add3A_1294, %mul3A_1738 : i32
      %swap3A_1740 = arith.constant 25 : i32
      %swap3A_1741 = arith.index_cast %swap3A_1740 : i32 to index
      %swap3A_1742 = arith.index_cast %mul3A_1739 : i32 to index
      %swap3A_1743 = tpu.vector_load %arg14[%swap3A_1741, %swap3A_1742] {strides = array<i32>} : memref<32x512xf32, #tpu.memory_space<vmem>>, vector<16xf32>,
      tpu.vector_store %arg14[%swap3A_1741, %swap3A_1742], %select_n3A_1737 {strides = array<i32>} : memref<32x512xf32, #tpu.memory_space<vmem>>, vector<16xf32>,
      %add3A_1744 = arith.constant 1664 : i32
      %add3A_1745 = vector.broadcast %add3A_1744 : i32 to vector<16xi32>
      %add3A_1746 = arith.addi %min3A_1304, %add3A_1745 : vector<16xi32>
      %gather3A_1747 = tpu.vector_load_idx %arg16[%add3A_1746] : memref<2048xf32, #tpu.memory_space<vmem>>[vector<16xi32>], vector<16xf32>,
      %mul3A_1748 = arith.constant 16 : i32
      %mul3A_1749 = arith.muli %add3A_1294, %mul3A_1748 : i32
      %get3A_1750 = arith.constant 26 : i32
      %get3A_1751 = arith.index_cast %get3A_1750 : i32 to index
      %get3A_1752 = arith.index_cast %mul3A_1749 : i32 to index
      %get3A_1753 = tpu.vector_load %arg14[%get3A_1751, %get3A_1752] {strides = array<i32>} : memref<32x512xf32, #tpu.memory_space<vmem>>, vector<16xf32>,
      %select_n3A_1754 = arith.select %ge3A_1299, %gather3A_1747, %get3A_1753 : vector<16xi1>, vector<16xf32>
      %mul3A_1755 = arith.constant 16 : i32
      %mul3A_1756 = arith.muli %add3A_1294, %mul3A_1755 : i32
      %swap3A_1757 = arith.constant 26 : i32
      %swap3A_1758 = arith.index_cast %swap3A_1757 : i32 to index
      %swap3A_1759 = arith.index_cast %mul3A_1756 : i32 to index
      %swap3A_1760 = tpu.vector_load %arg14[%swap3A_1758, %swap3A_1759] {strides = array<i32>} : memref<32x512xf32, #tpu.memory_space<vmem>>, vector<16xf32>,
      tpu.vector_store %arg14[%swap3A_1758, %swap3A_1759], %select_n3A_1754 {strides = array<i32>} : memref<32x512xf32, #tpu.memory_space<vmem>>, vector<16xf32>,
      %add3A_1761 = arith.constant 1728 : i32
      %add3A_1762 = vector.broadcast %add3A_1761 : i32 to vector<16xi32>
      %add3A_1763 = arith.addi %min3A_1304, %add3A_1762 : vector<16xi32>
      %gather3A_1764 = tpu.vector_load_idx %arg16[%add3A_1763] : memref<2048xf32, #tpu.memory_space<vmem>>[vector<16xi32>], vector<16xf32>,
      %mul3A_1765 = arith.constant 16 : i32
      %mul3A_1766 = arith.muli %add3A_1294, %mul3A_1765 : i32
      %get3A_1767 = arith.constant 27 : i32
      %get3A_1768 = arith.index_cast %get3A_1767 : i32 to index
      %get3A_1769 = arith.index_cast %mul3A_1766 : i32 to index
      %get3A_1770 = tpu.vector_load %arg14[%get3A_1768, %get3A_1769] {strides = array<i32>} : memref<32x512xf32, #tpu.memory_space<vmem>>, vector<16xf32>,
      %select_n3A_1771 = arith.select %ge3A_1299, %gather3A_1764, %get3A_1770 : vector<16xi1>, vector<16xf32>
      %mul3A_1772 = arith.constant 16 : i32
      %mul3A_1773 = arith.muli %add3A_1294, %mul3A_1772 : i32
      %swap3A_1774 = arith.constant 27 : i32
      %swap3A_1775 = arith.index_cast %swap3A_1774 : i32 to index
      %swap3A_1776 = arith.index_cast %mul3A_1773 : i32 to index
      %swap3A_1777 = tpu.vector_load %arg14[%swap3A_1775, %swap3A_1776] {strides = array<i32>} : memref<32x512xf32, #tpu.memory_space<vmem>>, vector<16xf32>,
      tpu.vector_store %arg14[%swap3A_1775, %swap3A_1776], %select_n3A_1771 {strides = array<i32>} : memref<32x512xf32, #tpu.memory_space<vmem>>, vector<16xf32>,
      %add3A_1778 = arith.constant 1792 : i32
      %add3A_1779 = vector.broadcast %add3A_1778 : i32 to vector<16xi32>
      %add3A_1780 = arith.addi %min3A_1304, %add3A_1779 : vector<16xi32>
      %gather3A_1781 = tpu.vector_load_idx %arg16[%add3A_1780] : memref<2048xf32, #tpu.memory_space<vmem>>[vector<16xi32>], vector<16xf32>,
      %mul3A_1782 = arith.constant 16 : i32
      %mul3A_1783 = arith.muli %add3A_1294, %mul3A_1782 : i32
      %get3A_1784 = arith.constant 28 : i32
      %get3A_1785 = arith.index_cast %get3A_1784 : i32 to index
      %get3A_1786 = arith.index_cast %mul3A_1783 : i32 to index
      %get3A_1787 = tpu.vector_load %arg14[%get3A_1785, %get3A_1786] {strides = array<i32>} : memref<32x512xf32, #tpu.memory_space<vmem>>, vector<16xf32>,
      %select_n3A_1788 = arith.select %ge3A_1299, %gather3A_1781, %get3A_1787 : vector<16xi1>, vector<16xf32>
      %mul3A_1789 = arith.constant 16 : i32
      %mul3A_1790 = arith.muli %add3A_1294, %mul3A_1789 : i32
      %swap3A_1791 = arith.constant 28 : i32
      %swap3A_1792 = arith.index_cast %swap3A_1791 : i32 to index
      %swap3A_1793 = arith.index_cast %mul3A_1790 : i32 to index
      %swap3A_1794 = tpu.vector_load %arg14[%swap3A_1792, %swap3A_1793] {strides = array<i32>} : memref<32x512xf32, #tpu.memory_space<vmem>>, vector<16xf32>,
      tpu.vector_store %arg14[%swap3A_1792, %swap3A_1793], %select_n3A_1788 {strides = array<i32>} : memref<32x512xf32, #tpu.memory_space<vmem>>, vector<16xf32>,
      %add3A_1795 = arith.constant 1856 : i32
      %add3A_1796 = vector.broadcast %add3A_1795 : i32 to vector<16xi32>
      %add3A_1797 = arith.addi %min3A_1304, %add3A_1796 : vector<16xi32>
      %gather3A_1798 = tpu.vector_load_idx %arg16[%add3A_1797] : memref<2048xf32, #tpu.memory_space<vmem>>[vector<16xi32>], vector<16xf32>,
      %mul3A_1799 = arith.constant 16 : i32
      %mul3A_1800 = arith.muli %add3A_1294, %mul3A_1799 : i32
      %get3A_1801 = arith.constant 29 : i32
      %get3A_1802 = arith.index_cast %get3A_1801 : i32 to index
      %get3A_1803 = arith.index_cast %mul3A_1800 : i32 to index
      %get3A_1804 = tpu.vector_load %arg14[%get3A_1802, %get3A_1803] {strides = array<i32>} : memref<32x512xf32, #tpu.memory_space<vmem>>, vector<16xf32>,
      %select_n3A_1805 = arith.select %ge3A_1299, %gather3A_1798, %get3A_1804 : vector<16xi1>, vector<16xf32>
      %mul3A_1806 = arith.constant 16 : i32
      %mul3A_1807 = arith.muli %add3A_1294, %mul3A_1806 : i32
      %swap3A_1808 = arith.constant 29 : i32
      %swap3A_1809 = arith.index_cast %swap3A_1808 : i32 to index
      %swap3A_1810 = arith.index_cast %mul3A_1807 : i32 to index
      %swap3A_1811 = tpu.vector_load %arg14[%swap3A_1809, %swap3A_1810] {strides = array<i32>} : memref<32x512xf32, #tpu.memory_space<vmem>>, vector<16xf32>,
      tpu.vector_store %arg14[%swap3A_1809, %swap3A_1810], %select_n3A_1805 {strides = array<i32>} : memref<32x512xf32, #tpu.memory_space<vmem>>, vector<16xf32>,
      %add3A_1812 = arith.constant 1920 : i32
      %add3A_1813 = vector.broadcast %add3A_1812 : i32 to vector<16xi32>
      %add3A_1814 = arith.addi %min3A_1304, %add3A_1813 : vector<16xi32>
      %gather3A_1815 = tpu.vector_load_idx %arg16[%add3A_1814] : memref<2048xf32, #tpu.memory_space<vmem>>[vector<16xi32>], vector<16xf32>,
      %mul3A_1816 = arith.constant 16 : i32
      %mul3A_1817 = arith.muli %add3A_1294, %mul3A_1816 : i32
      %get3A_1818 = arith.constant 30 : i32
      %get3A_1819 = arith.index_cast %get3A_1818 : i32 to index
      %get3A_1820 = arith.index_cast %mul3A_1817 : i32 to index
      %get3A_1821 = tpu.vector_load %arg14[%get3A_1819, %get3A_1820] {strides = array<i32>} : memref<32x512xf32, #tpu.memory_space<vmem>>, vector<16xf32>,
      %select_n3A_1822 = arith.select %ge3A_1299, %gather3A_1815, %get3A_1821 : vector<16xi1>, vector<16xf32>
      %mul3A_1823 = arith.constant 16 : i32
      %mul3A_1824 = arith.muli %add3A_1294, %mul3A_1823 : i32
      %swap3A_1825 = arith.constant 30 : i32
      %swap3A_1826 = arith.index_cast %swap3A_1825 : i32 to index
      %swap3A_1827 = arith.index_cast %mul3A_1824 : i32 to index
      %swap3A_1828 = tpu.vector_load %arg14[%swap3A_1826, %swap3A_1827] {strides = array<i32>} : memref<32x512xf32, #tpu.memory_space<vmem>>, vector<16xf32>,
      tpu.vector_store %arg14[%swap3A_1826, %swap3A_1827], %select_n3A_1822 {strides = array<i32>} : memref<32x512xf32, #tpu.memory_space<vmem>>, vector<16xf32>,
      %add3A_1829 = arith.constant 1984 : i32
      %add3A_1830 = vector.broadcast %add3A_1829 : i32 to vector<16xi32>
      %add3A_1831 = arith.addi %min3A_1304, %add3A_1830 : vector<16xi32>
      %gather3A_1832 = tpu.vector_load_idx %arg16[%add3A_1831] : memref<2048xf32, #tpu.memory_space<vmem>>[vector<16xi32>], vector<16xf32>,
      %mul3A_1833 = arith.constant 16 : i32
      %mul3A_1834 = arith.muli %add3A_1294, %mul3A_1833 : i32
      %get3A_1835 = arith.constant 31 : i32
      %get3A_1836 = arith.index_cast %get3A_1835 : i32 to index
      %get3A_1837 = arith.index_cast %mul3A_1834 : i32 to index
      %get3A_1838 = tpu.vector_load %arg14[%get3A_1836, %get3A_1837] {strides = array<i32>} : memref<32x512xf32, #tpu.memory_space<vmem>>, vector<16xf32>,
      %select_n3A_1839 = arith.select %ge3A_1299, %gather3A_1832, %get3A_1838 : vector<16xi1>, vector<16xf32>
      %mul3A_1840 = arith.constant 16 : i32
      %mul3A_1841 = arith.muli %add3A_1294, %mul3A_1840 : i32
      %swap3A_1842 = arith.constant 31 : i32
      %swap3A_1843 = arith.index_cast %swap3A_1842 : i32 to index
      %swap3A_1844 = arith.index_cast %mul3A_1841 : i32 to index
      %swap3A_1845 = tpu.vector_load %arg14[%swap3A_1843, %swap3A_1844] {strides = array<i32>} : memref<32x512xf32, #tpu.memory_space<vmem>>, vector<16xf32>,
      tpu.vector_store %arg14[%swap3A_1843, %swap3A_1844], %select_n3A_1839 {strides = array<i32>} : memref<32x512xf32, #tpu.memory_space<vmem>>, vector<16xf32>,
      %mul3A_1846 = arith.constant 16 : i32
      %mul3A_1847 = arith.muli %add3A_1294, %mul3A_1846 : i32
      %get3A_1848 = arith.index_cast %mul3A_1847 : i32 to index
      %get3A_1849 = tpu.vector_load %arg11[%get3A_1848] {strides = array<i32>} : memref<512xi32, #tpu.memory_space<vmem>>, vector<16xi32>,
      %ge3A_1850 = arith.constant 999936 : i32
      %ge3A_1851 = vector.broadcast %ge3A_1850 : i32 to vector<16xi32>
      %ge3A_1852 = arith.cmpi sge, %get3A_1849, %ge3A_1851 : vector<16xi32>
      %sub3A_1853 = arith.constant 999936 : i32
      %sub3A_1854 = vector.broadcast %sub3A_1853 : i32 to vector<16xi32>
      %sub3A_1855 = arith.subi %get3A_1849, %sub3A_1854 : vector<16xi32>
      %jit3A_1856 = arith.constant 0 : i32
      %jit3A_1857 = arith.constant 63 : i32
      %max3A_1858 = vector.broadcast %jit3A_1856 : i32 to vector<16xi32>
      %max3A_1859 = arith.maxsi %max3A_1858, %sub3A_1855 : vector<16xi32>
      %min3A_1860 = vector.broadcast %jit3A_1857 : i32 to vector<16xi32>
      %min3A_1861 = arith.minsi %min3A_1860, %max3A_1859 : vector<16xi32>
      %add3A_1862 = arith.constant 0 : i32
      %add3A_1863 = vector.broadcast %add3A_1862 : i32 to vector<16xi32>
      %add3A_1864 = arith.addi %min3A_1861, %add3A_1863 : vector<16xi32>
      %gather3A_1865 = tpu.vector_load_idx %arg17[%add3A_1864] : memref<2048xf32, #tpu.memory_space<vmem>>[vector<16xi32>], vector<16xf32>,
      %mul3A_1866 = arith.constant 16 : i32
      %mul3A_1867 = arith.muli %add3A_1294, %mul3A_1866 : i32
      %get3A_1868 = arith.constant 0 : i32
      %get3A_1869 = arith.index_cast %get3A_1868 : i32 to index
      %get3A_1870 = arith.index_cast %mul3A_1867 : i32 to index
      %get3A_1871 = tpu.vector_load %arg15[%get3A_1869, %get3A_1870] {strides = array<i32>} : memref<32x512xf32, #tpu.memory_space<vmem>>, vector<16xf32>,
      %select_n3A_1872 = arith.select %ge3A_1852, %gather3A_1865, %get3A_1871 : vector<16xi1>, vector<16xf32>
      %mul3A_1873 = arith.constant 16 : i32
      %mul3A_1874 = arith.muli %add3A_1294, %mul3A_1873 : i32
      %swap3A_1875 = arith.constant 0 : i32
      %swap3A_1876 = arith.index_cast %swap3A_1875 : i32 to index
      %swap3A_1877 = arith.index_cast %mul3A_1874 : i32 to index
      %swap3A_1878 = tpu.vector_load %arg15[%swap3A_1876, %swap3A_1877] {strides = array<i32>} : memref<32x512xf32, #tpu.memory_space<vmem>>, vector<16xf32>,
      tpu.vector_store %arg15[%swap3A_1876, %swap3A_1877], %select_n3A_1872 {strides = array<i32>} : memref<32x512xf32, #tpu.memory_space<vmem>>, vector<16xf32>,
      %add3A_1879 = arith.constant 64 : i32
      %add3A_1880 = vector.broadcast %add3A_1879 : i32 to vector<16xi32>
      %add3A_1881 = arith.addi %min3A_1861, %add3A_1880 : vector<16xi32>
      %gather3A_1882 = tpu.vector_load_idx %arg17[%add3A_1881] : memref<2048xf32, #tpu.memory_space<vmem>>[vector<16xi32>], vector<16xf32>,
      %mul3A_1883 = arith.constant 16 : i32
      %mul3A_1884 = arith.muli %add3A_1294, %mul3A_1883 : i32
      %get3A_1885 = arith.constant 1 : i32
      %get3A_1886 = arith.index_cast %get3A_1885 : i32 to index
      %get3A_1887 = arith.index_cast %mul3A_1884 : i32 to index
      %get3A_1888 = tpu.vector_load %arg15[%get3A_1886, %get3A_1887] {strides = array<i32>} : memref<32x512xf32, #tpu.memory_space<vmem>>, vector<16xf32>,
      %select_n3A_1889 = arith.select %ge3A_1852, %gather3A_1882, %get3A_1888 : vector<16xi1>, vector<16xf32>
      %mul3A_1890 = arith.constant 16 : i32
      %mul3A_1891 = arith.muli %add3A_1294, %mul3A_1890 : i32
      %swap3A_1892 = arith.constant 1 : i32
      %swap3A_1893 = arith.index_cast %swap3A_1892 : i32 to index
      %swap3A_1894 = arith.index_cast %mul3A_1891 : i32 to index
      %swap3A_1895 = tpu.vector_load %arg15[%swap3A_1893, %swap3A_1894] {strides = array<i32>} : memref<32x512xf32, #tpu.memory_space<vmem>>, vector<16xf32>,
      tpu.vector_store %arg15[%swap3A_1893, %swap3A_1894], %select_n3A_1889 {strides = array<i32>} : memref<32x512xf32, #tpu.memory_space<vmem>>, vector<16xf32>,
      %add3A_1896 = arith.constant 128 : i32
      %add3A_1897 = vector.broadcast %add3A_1896 : i32 to vector<16xi32>
      %add3A_1898 = arith.addi %min3A_1861, %add3A_1897 : vector<16xi32>
      %gather3A_1899 = tpu.vector_load_idx %arg17[%add3A_1898] : memref<2048xf32, #tpu.memory_space<vmem>>[vector<16xi32>], vector<16xf32>,
      %mul3A_1900 = arith.constant 16 : i32
      %mul3A_1901 = arith.muli %add3A_1294, %mul3A_1900 : i32
      %get3A_1902 = arith.constant 2 : i32
      %get3A_1903 = arith.index_cast %get3A_1902 : i32 to index
      %get3A_1904 = arith.index_cast %mul3A_1901 : i32 to index
      %get3A_1905 = tpu.vector_load %arg15[%get3A_1903, %get3A_1904] {strides = array<i32>} : memref<32x512xf32, #tpu.memory_space<vmem>>, vector<16xf32>,
      %select_n3A_1906 = arith.select %ge3A_1852, %gather3A_1899, %get3A_1905 : vector<16xi1>, vector<16xf32>
      %mul3A_1907 = arith.constant 16 : i32
      %mul3A_1908 = arith.muli %add3A_1294, %mul3A_1907 : i32
      %swap3A_1909 = arith.constant 2 : i32
      %swap3A_1910 = arith.index_cast %swap3A_1909 : i32 to index
      %swap3A_1911 = arith.index_cast %mul3A_1908 : i32 to index
      %swap3A_1912 = tpu.vector_load %arg15[%swap3A_1910, %swap3A_1911] {strides = array<i32>} : memref<32x512xf32, #tpu.memory_space<vmem>>, vector<16xf32>,
      tpu.vector_store %arg15[%swap3A_1910, %swap3A_1911], %select_n3A_1906 {strides = array<i32>} : memref<32x512xf32, #tpu.memory_space<vmem>>, vector<16xf32>,
      %add3A_1913 = arith.constant 192 : i32
      %add3A_1914 = vector.broadcast %add3A_1913 : i32 to vector<16xi32>
      %add3A_1915 = arith.addi %min3A_1861, %add3A_1914 : vector<16xi32>
      %gather3A_1916 = tpu.vector_load_idx %arg17[%add3A_1915] : memref<2048xf32, #tpu.memory_space<vmem>>[vector<16xi32>], vector<16xf32>,
      %mul3A_1917 = arith.constant 16 : i32
      %mul3A_1918 = arith.muli %add3A_1294, %mul3A_1917 : i32
      %get3A_1919 = arith.constant 3 : i32
      %get3A_1920 = arith.index_cast %get3A_1919 : i32 to index
      %get3A_1921 = arith.index_cast %mul3A_1918 : i32 to index
      %get3A_1922 = tpu.vector_load %arg15[%get3A_1920, %get3A_1921] {strides = array<i32>} : memref<32x512xf32, #tpu.memory_space<vmem>>, vector<16xf32>,
      %select_n3A_1923 = arith.select %ge3A_1852, %gather3A_1916, %get3A_1922 : vector<16xi1>, vector<16xf32>
      %mul3A_1924 = arith.constant 16 : i32
      %mul3A_1925 = arith.muli %add3A_1294, %mul3A_1924 : i32
      %swap3A_1926 = arith.constant 3 : i32
      %swap3A_1927 = arith.index_cast %swap3A_1926 : i32 to index
      %swap3A_1928 = arith.index_cast %mul3A_1925 : i32 to index
      %swap3A_1929 = tpu.vector_load %arg15[%swap3A_1927, %swap3A_1928] {strides = array<i32>} : memref<32x512xf32, #tpu.memory_space<vmem>>, vector<16xf32>,
      tpu.vector_store %arg15[%swap3A_1927, %swap3A_1928], %select_n3A_1923 {strides = array<i32>} : memref<32x512xf32, #tpu.memory_space<vmem>>, vector<16xf32>,
      %add3A_1930 = arith.constant 256 : i32
      %add3A_1931 = vector.broadcast %add3A_1930 : i32 to vector<16xi32>
      %add3A_1932 = arith.addi %min3A_1861, %add3A_1931 : vector<16xi32>
      %gather3A_1933 = tpu.vector_load_idx %arg17[%add3A_1932] : memref<2048xf32, #tpu.memory_space<vmem>>[vector<16xi32>], vector<16xf32>,
      %mul3A_1934 = arith.constant 16 : i32
      %mul3A_1935 = arith.muli %add3A_1294, %mul3A_1934 : i32
      %get3A_1936 = arith.constant 4 : i32
      %get3A_1937 = arith.index_cast %get3A_1936 : i32 to index
      %get3A_1938 = arith.index_cast %mul3A_1935 : i32 to index
      %get3A_1939 = tpu.vector_load %arg15[%get3A_1937, %get3A_1938] {strides = array<i32>} : memref<32x512xf32, #tpu.memory_space<vmem>>, vector<16xf32>,
      %select_n3A_1940 = arith.select %ge3A_1852, %gather3A_1933, %get3A_1939 : vector<16xi1>, vector<16xf32>
      %mul3A_1941 = arith.constant 16 : i32
      %mul3A_1942 = arith.muli %add3A_1294, %mul3A_1941 : i32
      %swap3A_1943 = arith.constant 4 : i32
      %swap3A_1944 = arith.index_cast %swap3A_1943 : i32 to index
      %swap3A_1945 = arith.index_cast %mul3A_1942 : i32 to index
      %swap3A_1946 = tpu.vector_load %arg15[%swap3A_1944, %swap3A_1945] {strides = array<i32>} : memref<32x512xf32, #tpu.memory_space<vmem>>, vector<16xf32>,
      tpu.vector_store %arg15[%swap3A_1944, %swap3A_1945], %select_n3A_1940 {strides = array<i32>} : memref<32x512xf32, #tpu.memory_space<vmem>>, vector<16xf32>,
      %add3A_1947 = arith.constant 320 : i32
      %add3A_1948 = vector.broadcast %add3A_1947 : i32 to vector<16xi32>
      %add3A_1949 = arith.addi %min3A_1861, %add3A_1948 : vector<16xi32>
      %gather3A_1950 = tpu.vector_load_idx %arg17[%add3A_1949] : memref<2048xf32, #tpu.memory_space<vmem>>[vector<16xi32>], vector<16xf32>,
      %mul3A_1951 = arith.constant 16 : i32
      %mul3A_1952 = arith.muli %add3A_1294, %mul3A_1951 : i32
      %get3A_1953 = arith.constant 5 : i32
      %get3A_1954 = arith.index_cast %get3A_1953 : i32 to index
      %get3A_1955 = arith.index_cast %mul3A_1952 : i32 to index
      %get3A_1956 = tpu.vector_load %arg15[%get3A_1954, %get3A_1955] {strides = array<i32>} : memref<32x512xf32, #tpu.memory_space<vmem>>, vector<16xf32>,
      %select_n3A_1957 = arith.select %ge3A_1852, %gather3A_1950, %get3A_1956 : vector<16xi1>, vector<16xf32>
      %mul3A_1958 = arith.constant 16 : i32
      %mul3A_1959 = arith.muli %add3A_1294, %mul3A_1958 : i32
      %swap3A_1960 = arith.constant 5 : i32
      %swap3A_1961 = arith.index_cast %swap3A_1960 : i32 to index
      %swap3A_1962 = arith.index_cast %mul3A_1959 : i32 to index
      %swap3A_1963 = tpu.vector_load %arg15[%swap3A_1961, %swap3A_1962] {strides = array<i32>} : memref<32x512xf32, #tpu.memory_space<vmem>>, vector<16xf32>,
      tpu.vector_store %arg15[%swap3A_1961, %swap3A_1962], %select_n3A_1957 {strides = array<i32>} : memref<32x512xf32, #tpu.memory_space<vmem>>, vector<16xf32>,
      %add3A_1964 = arith.constant 384 : i32
      %add3A_1965 = vector.broadcast %add3A_1964 : i32 to vector<16xi32>
      %add3A_1966 = arith.addi %min3A_1861, %add3A_1965 : vector<16xi32>
      %gather3A_1967 = tpu.vector_load_idx %arg17[%add3A_1966] : memref<2048xf32, #tpu.memory_space<vmem>>[vector<16xi32>], vector<16xf32>,
      %mul3A_1968 = arith.constant 16 : i32
      %mul3A_1969 = arith.muli %add3A_1294, %mul3A_1968 : i32
      %get3A_1970 = arith.constant 6 : i32
      %get3A_1971 = arith.index_cast %get3A_1970 : i32 to index
      %get3A_1972 = arith.index_cast %mul3A_1969 : i32 to index
      %get3A_1973 = tpu.vector_load %arg15[%get3A_1971, %get3A_1972] {strides = array<i32>} : memref<32x512xf32, #tpu.memory_space<vmem>>, vector<16xf32>,
      %select_n3A_1974 = arith.select %ge3A_1852, %gather3A_1967, %get3A_1973 : vector<16xi1>, vector<16xf32>
      %mul3A_1975 = arith.constant 16 : i32
      %mul3A_1976 = arith.muli %add3A_1294, %mul3A_1975 : i32
      %swap3A_1977 = arith.constant 6 : i32
      %swap3A_1978 = arith.index_cast %swap3A_1977 : i32 to index
      %swap3A_1979 = arith.index_cast %mul3A_1976 : i32 to index
      %swap3A_1980 = tpu.vector_load %arg15[%swap3A_1978, %swap3A_1979] {strides = array<i32>} : memref<32x512xf32, #tpu.memory_space<vmem>>, vector<16xf32>,
      tpu.vector_store %arg15[%swap3A_1978, %swap3A_1979], %select_n3A_1974 {strides = array<i32>} : memref<32x512xf32, #tpu.memory_space<vmem>>, vector<16xf32>,
      %add3A_1981 = arith.constant 448 : i32
      %add3A_1982 = vector.broadcast %add3A_1981 : i32 to vector<16xi32>
      %add3A_1983 = arith.addi %min3A_1861, %add3A_1982 : vector<16xi32>
      %gather3A_1984 = tpu.vector_load_idx %arg17[%add3A_1983] : memref<2048xf32, #tpu.memory_space<vmem>>[vector<16xi32>], vector<16xf32>,
      %mul3A_1985 = arith.constant 16 : i32
      %mul3A_1986 = arith.muli %add3A_1294, %mul3A_1985 : i32
      %get3A_1987 = arith.constant 7 : i32
      %get3A_1988 = arith.index_cast %get3A_1987 : i32 to index
      %get3A_1989 = arith.index_cast %mul3A_1986 : i32 to index
      %get3A_1990 = tpu.vector_load %arg15[%get3A_1988, %get3A_1989] {strides = array<i32>} : memref<32x512xf32, #tpu.memory_space<vmem>>, vector<16xf32>,
      %select_n3A_1991 = arith.select %ge3A_1852, %gather3A_1984, %get3A_1990 : vector<16xi1>, vector<16xf32>
      %mul3A_1992 = arith.constant 16 : i32
      %mul3A_1993 = arith.muli %add3A_1294, %mul3A_1992 : i32
      %swap3A_1994 = arith.constant 7 : i32
      %swap3A_1995 = arith.index_cast %swap3A_1994 : i32 to index
      %swap3A_1996 = arith.index_cast %mul3A_1993 : i32 to index
      %swap3A_1997 = tpu.vector_load %arg15[%swap3A_1995, %swap3A_1996] {strides = array<i32>} : memref<32x512xf32, #tpu.memory_space<vmem>>, vector<16xf32>,
      tpu.vector_store %arg15[%swap3A_1995, %swap3A_1996], %select_n3A_1991 {strides = array<i32>} : memref<32x512xf32, #tpu.memory_space<vmem>>, vector<16xf32>,
      %add3A_1998 = arith.constant 512 : i32
      %add3A_1999 = vector.broadcast %add3A_1998 : i32 to vector<16xi32>
      %add3A_2000 = arith.addi %min3A_1861, %add3A_1999 : vector<16xi32>
      %gather3A_2001 = tpu.vector_load_idx %arg17[%add3A_2000] : memref<2048xf32, #tpu.memory_space<vmem>>[vector<16xi32>], vector<16xf32>,
      %mul3A_2002 = arith.constant 16 : i32
      %mul3A_2003 = arith.muli %add3A_1294, %mul3A_2002 : i32
      %get3A_2004 = arith.constant 8 : i32
      %get3A_2005 = arith.index_cast %get3A_2004 : i32 to index
      %get3A_2006 = arith.index_cast %mul3A_2003 : i32 to index
      %get3A_2007 = tpu.vector_load %arg15[%get3A_2005, %get3A_2006] {strides = array<i32>} : memref<32x512xf32, #tpu.memory_space<vmem>>, vector<16xf32>,
      %select_n3A_2008 = arith.select %ge3A_1852, %gather3A_2001, %get3A_2007 : vector<16xi1>, vector<16xf32>
      %mul3A_2009 = arith.constant 16 : i32
      %mul3A_2010 = arith.muli %add3A_1294, %mul3A_2009 : i32
      %swap3A_2011 = arith.constant 8 : i32
      %swap3A_2012 = arith.index_cast %swap3A_2011 : i32 to index
      %swap3A_2013 = arith.index_cast %mul3A_2010 : i32 to index
      %swap3A_2014 = tpu.vector_load %arg15[%swap3A_2012, %swap3A_2013] {strides = array<i32>} : memref<32x512xf32, #tpu.memory_space<vmem>>, vector<16xf32>,
      tpu.vector_store %arg15[%swap3A_2012, %swap3A_2013], %select_n3A_2008 {strides = array<i32>} : memref<32x512xf32, #tpu.memory_space<vmem>>, vector<16xf32>,
      %add3A_2015 = arith.constant 576 : i32
      %add3A_2016 = vector.broadcast %add3A_2015 : i32 to vector<16xi32>
      %add3A_2017 = arith.addi %min3A_1861, %add3A_2016 : vector<16xi32>
      %gather3A_2018 = tpu.vector_load_idx %arg17[%add3A_2017] : memref<2048xf32, #tpu.memory_space<vmem>>[vector<16xi32>], vector<16xf32>,
      %mul3A_2019 = arith.constant 16 : i32
      %mul3A_2020 = arith.muli %add3A_1294, %mul3A_2019 : i32
      %get3A_2021 = arith.constant 9 : i32
      %get3A_2022 = arith.index_cast %get3A_2021 : i32 to index
      %get3A_2023 = arith.index_cast %mul3A_2020 : i32 to index
      %get3A_2024 = tpu.vector_load %arg15[%get3A_2022, %get3A_2023] {strides = array<i32>} : memref<32x512xf32, #tpu.memory_space<vmem>>, vector<16xf32>,
      %select_n3A_2025 = arith.select %ge3A_1852, %gather3A_2018, %get3A_2024 : vector<16xi1>, vector<16xf32>
      %mul3A_2026 = arith.constant 16 : i32
      %mul3A_2027 = arith.muli %add3A_1294, %mul3A_2026 : i32
      %swap3A_2028 = arith.constant 9 : i32
      %swap3A_2029 = arith.index_cast %swap3A_2028 : i32 to index
      %swap3A_2030 = arith.index_cast %mul3A_2027 : i32 to index
      %swap3A_2031 = tpu.vector_load %arg15[%swap3A_2029, %swap3A_2030] {strides = array<i32>} : memref<32x512xf32, #tpu.memory_space<vmem>>, vector<16xf32>,
      tpu.vector_store %arg15[%swap3A_2029, %swap3A_2030], %select_n3A_2025 {strides = array<i32>} : memref<32x512xf32, #tpu.memory_space<vmem>>, vector<16xf32>,
      %add3A_2032 = arith.constant 640 : i32
      %add3A_2033 = vector.broadcast %add3A_2032 : i32 to vector<16xi32>
      %add3A_2034 = arith.addi %min3A_1861, %add3A_2033 : vector<16xi32>
      %gather3A_2035 = tpu.vector_load_idx %arg17[%add3A_2034] : memref<2048xf32, #tpu.memory_space<vmem>>[vector<16xi32>], vector<16xf32>,
      %mul3A_2036 = arith.constant 16 : i32
      %mul3A_2037 = arith.muli %add3A_1294, %mul3A_2036 : i32
      %get3A_2038 = arith.constant 10 : i32
      %get3A_2039 = arith.index_cast %get3A_2038 : i32 to index
      %get3A_2040 = arith.index_cast %mul3A_2037 : i32 to index
      %get3A_2041 = tpu.vector_load %arg15[%get3A_2039, %get3A_2040] {strides = array<i32>} : memref<32x512xf32, #tpu.memory_space<vmem>>, vector<16xf32>,
      %select_n3A_2042 = arith.select %ge3A_1852, %gather3A_2035, %get3A_2041 : vector<16xi1>, vector<16xf32>
      %mul3A_2043 = arith.constant 16 : i32
      %mul3A_2044 = arith.muli %add3A_1294, %mul3A_2043 : i32
      %swap3A_2045 = arith.constant 10 : i32
      %swap3A_2046 = arith.index_cast %swap3A_2045 : i32 to index
      %swap3A_2047 = arith.index_cast %mul3A_2044 : i32 to index
      %swap3A_2048 = tpu.vector_load %arg15[%swap3A_2046, %swap3A_2047] {strides = array<i32>} : memref<32x512xf32, #tpu.memory_space<vmem>>, vector<16xf32>,
      tpu.vector_store %arg15[%swap3A_2046, %swap3A_2047], %select_n3A_2042 {strides = array<i32>} : memref<32x512xf32, #tpu.memory_space<vmem>>, vector<16xf32>,
      %add3A_2049 = arith.constant 704 : i32
      %add3A_2050 = vector.broadcast %add3A_2049 : i32 to vector<16xi32>
      %add3A_2051 = arith.addi %min3A_1861, %add3A_2050 : vector<16xi32>
      %gather3A_2052 = tpu.vector_load_idx %arg17[%add3A_2051] : memref<2048xf32, #tpu.memory_space<vmem>>[vector<16xi32>], vector<16xf32>,
      %mul3A_2053 = arith.constant 16 : i32
      %mul3A_2054 = arith.muli %add3A_1294, %mul3A_2053 : i32
      %get3A_2055 = arith.constant 11 : i32
      %get3A_2056 = arith.index_cast %get3A_2055 : i32 to index
      %get3A_2057 = arith.index_cast %mul3A_2054 : i32 to index
      %get3A_2058 = tpu.vector_load %arg15[%get3A_2056, %get3A_2057] {strides = array<i32>} : memref<32x512xf32, #tpu.memory_space<vmem>>, vector<16xf32>,
      %select_n3A_2059 = arith.select %ge3A_1852, %gather3A_2052, %get3A_2058 : vector<16xi1>, vector<16xf32>
      %mul3A_2060 = arith.constant 16 : i32
      %mul3A_2061 = arith.muli %add3A_1294, %mul3A_2060 : i32
      %swap3A_2062 = arith.constant 11 : i32
      %swap3A_2063 = arith.index_cast %swap3A_2062 : i32 to index
      %swap3A_2064 = arith.index_cast %mul3A_2061 : i32 to index
      %swap3A_2065 = tpu.vector_load %arg15[%swap3A_2063, %swap3A_2064] {strides = array<i32>} : memref<32x512xf32, #tpu.memory_space<vmem>>, vector<16xf32>,
      tpu.vector_store %arg15[%swap3A_2063, %swap3A_2064], %select_n3A_2059 {strides = array<i32>} : memref<32x512xf32, #tpu.memory_space<vmem>>, vector<16xf32>,
      %add3A_2066 = arith.constant 768 : i32
      %add3A_2067 = vector.broadcast %add3A_2066 : i32 to vector<16xi32>
      %add3A_2068 = arith.addi %min3A_1861, %add3A_2067 : vector<16xi32>
      %gather3A_2069 = tpu.vector_load_idx %arg17[%add3A_2068] : memref<2048xf32, #tpu.memory_space<vmem>>[vector<16xi32>], vector<16xf32>,
      %mul3A_2070 = arith.constant 16 : i32
      %mul3A_2071 = arith.muli %add3A_1294, %mul3A_2070 : i32
      %get3A_2072 = arith.constant 12 : i32
      %get3A_2073 = arith.index_cast %get3A_2072 : i32 to index
      %get3A_2074 = arith.index_cast %mul3A_2071 : i32 to index
      %get3A_2075 = tpu.vector_load %arg15[%get3A_2073, %get3A_2074] {strides = array<i32>} : memref<32x512xf32, #tpu.memory_space<vmem>>, vector<16xf32>,
      %select_n3A_2076 = arith.select %ge3A_1852, %gather3A_2069, %get3A_2075 : vector<16xi1>, vector<16xf32>
      %mul3A_2077 = arith.constant 16 : i32
      %mul3A_2078 = arith.muli %add3A_1294, %mul3A_2077 : i32
      %swap3A_2079 = arith.constant 12 : i32
      %swap3A_2080 = arith.index_cast %swap3A_2079 : i32 to index
      %swap3A_2081 = arith.index_cast %mul3A_2078 : i32 to index
      %swap3A_2082 = tpu.vector_load %arg15[%swap3A_2080, %swap3A_2081] {strides = array<i32>} : memref<32x512xf32, #tpu.memory_space<vmem>>, vector<16xf32>,
      tpu.vector_store %arg15[%swap3A_2080, %swap3A_2081], %select_n3A_2076 {strides = array<i32>} : memref<32x512xf32, #tpu.memory_space<vmem>>, vector<16xf32>,
      %add3A_2083 = arith.constant 832 : i32
      %add3A_2084 = vector.broadcast %add3A_2083 : i32 to vector<16xi32>
      %add3A_2085 = arith.addi %min3A_1861, %add3A_2084 : vector<16xi32>
      %gather3A_2086 = tpu.vector_load_idx %arg17[%add3A_2085] : memref<2048xf32, #tpu.memory_space<vmem>>[vector<16xi32>], vector<16xf32>,
      %mul3A_2087 = arith.constant 16 : i32
      %mul3A_2088 = arith.muli %add3A_1294, %mul3A_2087 : i32
      %get3A_2089 = arith.constant 13 : i32
      %get3A_2090 = arith.index_cast %get3A_2089 : i32 to index
      %get3A_2091 = arith.index_cast %mul3A_2088 : i32 to index
      %get3A_2092 = tpu.vector_load %arg15[%get3A_2090, %get3A_2091] {strides = array<i32>} : memref<32x512xf32, #tpu.memory_space<vmem>>, vector<16xf32>,
      %select_n3A_2093 = arith.select %ge3A_1852, %gather3A_2086, %get3A_2092 : vector<16xi1>, vector<16xf32>
      %mul3A_2094 = arith.constant 16 : i32
      %mul3A_2095 = arith.muli %add3A_1294, %mul3A_2094 : i32
      %swap3A_2096 = arith.constant 13 : i32
      %swap3A_2097 = arith.index_cast %swap3A_2096 : i32 to index
      %swap3A_2098 = arith.index_cast %mul3A_2095 : i32 to index
      %swap3A_2099 = tpu.vector_load %arg15[%swap3A_2097, %swap3A_2098] {strides = array<i32>} : memref<32x512xf32, #tpu.memory_space<vmem>>, vector<16xf32>,
      tpu.vector_store %arg15[%swap3A_2097, %swap3A_2098], %select_n3A_2093 {strides = array<i32>} : memref<32x512xf32, #tpu.memory_space<vmem>>, vector<16xf32>,
      %add3A_2100 = arith.constant 896 : i32
      %add3A_2101 = vector.broadcast %add3A_2100 : i32 to vector<16xi32>
      %add3A_2102 = arith.addi %min3A_1861, %add3A_2101 : vector<16xi32>
      %gather3A_2103 = tpu.vector_load_idx %arg17[%add3A_2102] : memref<2048xf32, #tpu.memory_space<vmem>>[vector<16xi32>], vector<16xf32>,
      %mul3A_2104 = arith.constant 16 : i32
      %mul3A_2105 = arith.muli %add3A_1294, %mul3A_2104 : i32
      %get3A_2106 = arith.constant 14 : i32
      %get3A_2107 = arith.index_cast %get3A_2106 : i32 to index
      %get3A_2108 = arith.index_cast %mul3A_2105 : i32 to index
      %get3A_2109 = tpu.vector_load %arg15[%get3A_2107, %get3A_2108] {strides = array<i32>} : memref<32x512xf32, #tpu.memory_space<vmem>>, vector<16xf32>,
      %select_n3A_2110 = arith.select %ge3A_1852, %gather3A_2103, %get3A_2109 : vector<16xi1>, vector<16xf32>
      %mul3A_2111 = arith.constant 16 : i32
      %mul3A_2112 = arith.muli %add3A_1294, %mul3A_2111 : i32
      %swap3A_2113 = arith.constant 14 : i32
      %swap3A_2114 = arith.index_cast %swap3A_2113 : i32 to index
      %swap3A_2115 = arith.index_cast %mul3A_2112 : i32 to index
      %swap3A_2116 = tpu.vector_load %arg15[%swap3A_2114, %swap3A_2115] {strides = array<i32>} : memref<32x512xf32, #tpu.memory_space<vmem>>, vector<16xf32>,
      tpu.vector_store %arg15[%swap3A_2114, %swap3A_2115], %select_n3A_2110 {strides = array<i32>} : memref<32x512xf32, #tpu.memory_space<vmem>>, vector<16xf32>,
      %add3A_2117 = arith.constant 960 : i32
      %add3A_2118 = vector.broadcast %add3A_2117 : i32 to vector<16xi32>
      %add3A_2119 = arith.addi %min3A_1861, %add3A_2118 : vector<16xi32>
      %gather3A_2120 = tpu.vector_load_idx %arg17[%add3A_2119] : memref<2048xf32, #tpu.memory_space<vmem>>[vector<16xi32>], vector<16xf32>,
      %mul3A_2121 = arith.constant 16 : i32
      %mul3A_2122 = arith.muli %add3A_1294, %mul3A_2121 : i32
      %get3A_2123 = arith.constant 15 : i32
      %get3A_2124 = arith.index_cast %get3A_2123 : i32 to index
      %get3A_2125 = arith.index_cast %mul3A_2122 : i32 to index
      %get3A_2126 = tpu.vector_load %arg15[%get3A_2124, %get3A_2125] {strides = array<i32>} : memref<32x512xf32, #tpu.memory_space<vmem>>, vector<16xf32>,
      %select_n3A_2127 = arith.select %ge3A_1852, %gather3A_2120, %get3A_2126 : vector<16xi1>, vector<16xf32>
      %mul3A_2128 = arith.constant 16 : i32
      %mul3A_2129 = arith.muli %add3A_1294, %mul3A_2128 : i32
      %swap3A_2130 = arith.constant 15 : i32
      %swap3A_2131 = arith.index_cast %swap3A_2130 : i32 to index
      %swap3A_2132 = arith.index_cast %mul3A_2129 : i32 to index
      %swap3A_2133 = tpu.vector_load %arg15[%swap3A_2131, %swap3A_2132] {strides = array<i32>} : memref<32x512xf32, #tpu.memory_space<vmem>>, vector<16xf32>,
      tpu.vector_store %arg15[%swap3A_2131, %swap3A_2132], %select_n3A_2127 {strides = array<i32>} : memref<32x512xf32, #tpu.memory_space<vmem>>, vector<16xf32>,
      %add3A_2134 = arith.constant 1024 : i32
      %add3A_2135 = vector.broadcast %add3A_2134 : i32 to vector<16xi32>
      %add3A_2136 = arith.addi %min3A_1861, %add3A_2135 : vector<16xi32>
      %gather3A_2137 = tpu.vector_load_idx %arg17[%add3A_2136] : memref<2048xf32, #tpu.memory_space<vmem>>[vector<16xi32>], vector<16xf32>,
      %mul3A_2138 = arith.constant 16 : i32
      %mul3A_2139 = arith.muli %add3A_1294, %mul3A_2138 : i32
      %get3A_2140 = arith.constant 16 : i32
      %get3A_2141 = arith.index_cast %get3A_2140 : i32 to index
      %get3A_2142 = arith.index_cast %mul3A_2139 : i32 to index
      %get3A_2143 = tpu.vector_load %arg15[%get3A_2141, %get3A_2142] {strides = array<i32>} : memref<32x512xf32, #tpu.memory_space<vmem>>, vector<16xf32>,
      %select_n3A_2144 = arith.select %ge3A_1852, %gather3A_2137, %get3A_2143 : vector<16xi1>, vector<16xf32>
      %mul3A_2145 = arith.constant 16 : i32
      %mul3A_2146 = arith.muli %add3A_1294, %mul3A_2145 : i32
      %swap3A_2147 = arith.constant 16 : i32
      %swap3A_2148 = arith.index_cast %swap3A_2147 : i32 to index
      %swap3A_2149 = arith.index_cast %mul3A_2146 : i32 to index
      %swap3A_2150 = tpu.vector_load %arg15[%swap3A_2148, %swap3A_2149] {strides = array<i32>} : memref<32x512xf32, #tpu.memory_space<vmem>>, vector<16xf32>,
      tpu.vector_store %arg15[%swap3A_2148, %swap3A_2149], %select_n3A_2144 {strides = array<i32>} : memref<32x512xf32, #tpu.memory_space<vmem>>, vector<16xf32>,
      %add3A_2151 = arith.constant 1088 : i32
      %add3A_2152 = vector.broadcast %add3A_2151 : i32 to vector<16xi32>
      %add3A_2153 = arith.addi %min3A_1861, %add3A_2152 : vector<16xi32>
      %gather3A_2154 = tpu.vector_load_idx %arg17[%add3A_2153] : memref<2048xf32, #tpu.memory_space<vmem>>[vector<16xi32>], vector<16xf32>,
      %mul3A_2155 = arith.constant 16 : i32
      %mul3A_2156 = arith.muli %add3A_1294, %mul3A_2155 : i32
      %get3A_2157 = arith.constant 17 : i32
      %get3A_2158 = arith.index_cast %get3A_2157 : i32 to index
      %get3A_2159 = arith.index_cast %mul3A_2156 : i32 to index
      %get3A_2160 = tpu.vector_load %arg15[%get3A_2158, %get3A_2159] {strides = array<i32>} : memref<32x512xf32, #tpu.memory_space<vmem>>, vector<16xf32>,
      %select_n3A_2161 = arith.select %ge3A_1852, %gather3A_2154, %get3A_2160 : vector<16xi1>, vector<16xf32>
      %mul3A_2162 = arith.constant 16 : i32
      %mul3A_2163 = arith.muli %add3A_1294, %mul3A_2162 : i32
      %swap3A_2164 = arith.constant 17 : i32
      %swap3A_2165 = arith.index_cast %swap3A_2164 : i32 to index
      %swap3A_2166 = arith.index_cast %mul3A_2163 : i32 to index
      %swap3A_2167 = tpu.vector_load %arg15[%swap3A_2165, %swap3A_2166] {strides = array<i32>} : memref<32x512xf32, #tpu.memory_space<vmem>>, vector<16xf32>,
      tpu.vector_store %arg15[%swap3A_2165, %swap3A_2166], %select_n3A_2161 {strides = array<i32>} : memref<32x512xf32, #tpu.memory_space<vmem>>, vector<16xf32>,
      %add3A_2168 = arith.constant 1152 : i32
      %add3A_2169 = vector.broadcast %add3A_2168 : i32 to vector<16xi32>
      %add3A_2170 = arith.addi %min3A_1861, %add3A_2169 : vector<16xi32>
      %gather3A_2171 = tpu.vector_load_idx %arg17[%add3A_2170] : memref<2048xf32, #tpu.memory_space<vmem>>[vector<16xi32>], vector<16xf32>,
      %mul3A_2172 = arith.constant 16 : i32
      %mul3A_2173 = arith.muli %add3A_1294, %mul3A_2172 : i32
      %get3A_2174 = arith.constant 18 : i32
      %get3A_2175 = arith.index_cast %get3A_2174 : i32 to index
      %get3A_2176 = arith.index_cast %mul3A_2173 : i32 to index
      %get3A_2177 = tpu.vector_load %arg15[%get3A_2175, %get3A_2176] {strides = array<i32>} : memref<32x512xf32, #tpu.memory_space<vmem>>, vector<16xf32>,
      %select_n3A_2178 = arith.select %ge3A_1852, %gather3A_2171, %get3A_2177 : vector<16xi1>, vector<16xf32>
      %mul3A_2179 = arith.constant 16 : i32
      %mul3A_2180 = arith.muli %add3A_1294, %mul3A_2179 : i32
      %swap3A_2181 = arith.constant 18 : i32
      %swap3A_2182 = arith.index_cast %swap3A_2181 : i32 to index
      %swap3A_2183 = arith.index_cast %mul3A_2180 : i32 to index
      %swap3A_2184 = tpu.vector_load %arg15[%swap3A_2182, %swap3A_2183] {strides = array<i32>} : memref<32x512xf32, #tpu.memory_space<vmem>>, vector<16xf32>,
      tpu.vector_store %arg15[%swap3A_2182, %swap3A_2183], %select_n3A_2178 {strides = array<i32>} : memref<32x512xf32, #tpu.memory_space<vmem>>, vector<16xf32>,
      %add3A_2185 = arith.constant 1216 : i32
      %add3A_2186 = vector.broadcast %add3A_2185 : i32 to vector<16xi32>
      %add3A_2187 = arith.addi %min3A_1861, %add3A_2186 : vector<16xi32>
      %gather3A_2188 = tpu.vector_load_idx %arg17[%add3A_2187] : memref<2048xf32, #tpu.memory_space<vmem>>[vector<16xi32>], vector<16xf32>,
      %mul3A_2189 = arith.constant 16 : i32
      %mul3A_2190 = arith.muli %add3A_1294, %mul3A_2189 : i32
      %get3A_2191 = arith.constant 19 : i32
      %get3A_2192 = arith.index_cast %get3A_2191 : i32 to index
      %get3A_2193 = arith.index_cast %mul3A_2190 : i32 to index
      %get3A_2194 = tpu.vector_load %arg15[%get3A_2192, %get3A_2193] {strides = array<i32>} : memref<32x512xf32, #tpu.memory_space<vmem>>, vector<16xf32>,
      %select_n3A_2195 = arith.select %ge3A_1852, %gather3A_2188, %get3A_2194 : vector<16xi1>, vector<16xf32>
      %mul3A_2196 = arith.constant 16 : i32
      %mul3A_2197 = arith.muli %add3A_1294, %mul3A_2196 : i32
      %swap3A_2198 = arith.constant 19 : i32
      %swap3A_2199 = arith.index_cast %swap3A_2198 : i32 to index
      %swap3A_2200 = arith.index_cast %mul3A_2197 : i32 to index
      %swap3A_2201 = tpu.vector_load %arg15[%swap3A_2199, %swap3A_2200] {strides = array<i32>} : memref<32x512xf32, #tpu.memory_space<vmem>>, vector<16xf32>,
      tpu.vector_store %arg15[%swap3A_2199, %swap3A_2200], %select_n3A_2195 {strides = array<i32>} : memref<32x512xf32, #tpu.memory_space<vmem>>, vector<16xf32>,
      %add3A_2202 = arith.constant 1280 : i32
      %add3A_2203 = vector.broadcast %add3A_2202 : i32 to vector<16xi32>
      %add3A_2204 = arith.addi %min3A_1861, %add3A_2203 : vector<16xi32>
      %gather3A_2205 = tpu.vector_load_idx %arg17[%add3A_2204] : memref<2048xf32, #tpu.memory_space<vmem>>[vector<16xi32>], vector<16xf32>,
      %mul3A_2206 = arith.constant 16 : i32
      %mul3A_2207 = arith.muli %add3A_1294, %mul3A_2206 : i32
      %get3A_2208 = arith.constant 20 : i32
      %get3A_2209 = arith.index_cast %get3A_2208 : i32 to index
      %get3A_2210 = arith.index_cast %mul3A_2207 : i32 to index
      %get3A_2211 = tpu.vector_load %arg15[%get3A_2209, %get3A_2210] {strides = array<i32>} : memref<32x512xf32, #tpu.memory_space<vmem>>, vector<16xf32>,
      %select_n3A_2212 = arith.select %ge3A_1852, %gather3A_2205, %get3A_2211 : vector<16xi1>, vector<16xf32>
      %mul3A_2213 = arith.constant 16 : i32
      %mul3A_2214 = arith.muli %add3A_1294, %mul3A_2213 : i32
      %swap3A_2215 = arith.constant 20 : i32
      %swap3A_2216 = arith.index_cast %swap3A_2215 : i32 to index
      %swap3A_2217 = arith.index_cast %mul3A_2214 : i32 to index
      %swap3A_2218 = tpu.vector_load %arg15[%swap3A_2216, %swap3A_2217] {strides = array<i32>} : memref<32x512xf32, #tpu.memory_space<vmem>>, vector<16xf32>,
      tpu.vector_store %arg15[%swap3A_2216, %swap3A_2217], %select_n3A_2212 {strides = array<i32>} : memref<32x512xf32, #tpu.memory_space<vmem>>, vector<16xf32>,
      %add3A_2219 = arith.constant 1344 : i32
      %add3A_2220 = vector.broadcast %add3A_2219 : i32 to vector<16xi32>
      %add3A_2221 = arith.addi %min3A_1861, %add3A_2220 : vector<16xi32>
      %gather3A_2222 = tpu.vector_load_idx %arg17[%add3A_2221] : memref<2048xf32, #tpu.memory_space<vmem>>[vector<16xi32>], vector<16xf32>,
      %mul3A_2223 = arith.constant 16 : i32
      %mul3A_2224 = arith.muli %add3A_1294, %mul3A_2223 : i32
      %get3A_2225 = arith.constant 21 : i32
      %get3A_2226 = arith.index_cast %get3A_2225 : i32 to index
      %get3A_2227 = arith.index_cast %mul3A_2224 : i32 to index
      %get3A_2228 = tpu.vector_load %arg15[%get3A_2226, %get3A_2227] {strides = array<i32>} : memref<32x512xf32, #tpu.memory_space<vmem>>, vector<16xf32>,
      %select_n3A_2229 = arith.select %ge3A_1852, %gather3A_2222, %get3A_2228 : vector<16xi1>, vector<16xf32>
      %mul3A_2230 = arith.constant 16 : i32
      %mul3A_2231 = arith.muli %add3A_1294, %mul3A_2230 : i32
      %swap3A_2232 = arith.constant 21 : i32
      %swap3A_2233 = arith.index_cast %swap3A_2232 : i32 to index
      %swap3A_2234 = arith.index_cast %mul3A_2231 : i32 to index
      %swap3A_2235 = tpu.vector_load %arg15[%swap3A_2233, %swap3A_2234] {strides = array<i32>} : memref<32x512xf32, #tpu.memory_space<vmem>>, vector<16xf32>,
      tpu.vector_store %arg15[%swap3A_2233, %swap3A_2234], %select_n3A_2229 {strides = array<i32>} : memref<32x512xf32, #tpu.memory_space<vmem>>, vector<16xf32>,
      %add3A_2236 = arith.constant 1408 : i32
      %add3A_2237 = vector.broadcast %add3A_2236 : i32 to vector<16xi32>
      %add3A_2238 = arith.addi %min3A_1861, %add3A_2237 : vector<16xi32>
      %gather3A_2239 = tpu.vector_load_idx %arg17[%add3A_2238] : memref<2048xf32, #tpu.memory_space<vmem>>[vector<16xi32>], vector<16xf32>,
      %mul3A_2240 = arith.constant 16 : i32
      %mul3A_2241 = arith.muli %add3A_1294, %mul3A_2240 : i32
      %get3A_2242 = arith.constant 22 : i32
      %get3A_2243 = arith.index_cast %get3A_2242 : i32 to index
      %get3A_2244 = arith.index_cast %mul3A_2241 : i32 to index
      %get3A_2245 = tpu.vector_load %arg15[%get3A_2243, %get3A_2244] {strides = array<i32>} : memref<32x512xf32, #tpu.memory_space<vmem>>, vector<16xf32>,
      %select_n3A_2246 = arith.select %ge3A_1852, %gather3A_2239, %get3A_2245 : vector<16xi1>, vector<16xf32>
      %mul3A_2247 = arith.constant 16 : i32
      %mul3A_2248 = arith.muli %add3A_1294, %mul3A_2247 : i32
      %swap3A_2249 = arith.constant 22 : i32
      %swap3A_2250 = arith.index_cast %swap3A_2249 : i32 to index
      %swap3A_2251 = arith.index_cast %mul3A_2248 : i32 to index
      %swap3A_2252 = tpu.vector_load %arg15[%swap3A_2250, %swap3A_2251] {strides = array<i32>} : memref<32x512xf32, #tpu.memory_space<vmem>>, vector<16xf32>,
      tpu.vector_store %arg15[%swap3A_2250, %swap3A_2251], %select_n3A_2246 {strides = array<i32>} : memref<32x512xf32, #tpu.memory_space<vmem>>, vector<16xf32>,
      %add3A_2253 = arith.constant 1472 : i32
      %add3A_2254 = vector.broadcast %add3A_2253 : i32 to vector<16xi32>
      %add3A_2255 = arith.addi %min3A_1861, %add3A_2254 : vector<16xi32>
      %gather3A_2256 = tpu.vector_load_idx %arg17[%add3A_2255] : memref<2048xf32, #tpu.memory_space<vmem>>[vector<16xi32>], vector<16xf32>,
      %mul3A_2257 = arith.constant 16 : i32
      %mul3A_2258 = arith.muli %add3A_1294, %mul3A_2257 : i32
      %get3A_2259 = arith.constant 23 : i32
      %get3A_2260 = arith.index_cast %get3A_2259 : i32 to index
      %get3A_2261 = arith.index_cast %mul3A_2258 : i32 to index
      %get3A_2262 = tpu.vector_load %arg15[%get3A_2260, %get3A_2261] {strides = array<i32>} : memref<32x512xf32, #tpu.memory_space<vmem>>, vector<16xf32>,
      %select_n3A_2263 = arith.select %ge3A_1852, %gather3A_2256, %get3A_2262 : vector<16xi1>, vector<16xf32>
      %mul3A_2264 = arith.constant 16 : i32
      %mul3A_2265 = arith.muli %add3A_1294, %mul3A_2264 : i32
      %swap3A_2266 = arith.constant 23 : i32
      %swap3A_2267 = arith.index_cast %swap3A_2266 : i32 to index
      %swap3A_2268 = arith.index_cast %mul3A_2265 : i32 to index
      %swap3A_2269 = tpu.vector_load %arg15[%swap3A_2267, %swap3A_2268] {strides = array<i32>} : memref<32x512xf32, #tpu.memory_space<vmem>>, vector<16xf32>,
      tpu.vector_store %arg15[%swap3A_2267, %swap3A_2268], %select_n3A_2263 {strides = array<i32>} : memref<32x512xf32, #tpu.memory_space<vmem>>, vector<16xf32>,
      %add3A_2270 = arith.constant 1536 : i32
      %add3A_2271 = vector.broadcast %add3A_2270 : i32 to vector<16xi32>
      %add3A_2272 = arith.addi %min3A_1861, %add3A_2271 : vector<16xi32>
      %gather3A_2273 = tpu.vector_load_idx %arg17[%add3A_2272] : memref<2048xf32, #tpu.memory_space<vmem>>[vector<16xi32>], vector<16xf32>,
      %mul3A_2274 = arith.constant 16 : i32
      %mul3A_2275 = arith.muli %add3A_1294, %mul3A_2274 : i32
      %get3A_2276 = arith.constant 24 : i32
      %get3A_2277 = arith.index_cast %get3A_2276 : i32 to index
      %get3A_2278 = arith.index_cast %mul3A_2275 : i32 to index
      %get3A_2279 = tpu.vector_load %arg15[%get3A_2277, %get3A_2278] {strides = array<i32>} : memref<32x512xf32, #tpu.memory_space<vmem>>, vector<16xf32>,
      %select_n3A_2280 = arith.select %ge3A_1852, %gather3A_2273, %get3A_2279 : vector<16xi1>, vector<16xf32>
      %mul3A_2281 = arith.constant 16 : i32
      %mul3A_2282 = arith.muli %add3A_1294, %mul3A_2281 : i32
      %swap3A_2283 = arith.constant 24 : i32
      %swap3A_2284 = arith.index_cast %swap3A_2283 : i32 to index
      %swap3A_2285 = arith.index_cast %mul3A_2282 : i32 to index
      %swap3A_2286 = tpu.vector_load %arg15[%swap3A_2284, %swap3A_2285] {strides = array<i32>} : memref<32x512xf32, #tpu.memory_space<vmem>>, vector<16xf32>,
      tpu.vector_store %arg15[%swap3A_2284, %swap3A_2285], %select_n3A_2280 {strides = array<i32>} : memref<32x512xf32, #tpu.memory_space<vmem>>, vector<16xf32>,
      %add3A_2287 = arith.constant 1600 : i32
      %add3A_2288 = vector.broadcast %add3A_2287 : i32 to vector<16xi32>
      %add3A_2289 = arith.addi %min3A_1861, %add3A_2288 : vector<16xi32>
      %gather3A_2290 = tpu.vector_load_idx %arg17[%add3A_2289] : memref<2048xf32, #tpu.memory_space<vmem>>[vector<16xi32>], vector<16xf32>,
      %mul3A_2291 = arith.constant 16 : i32
      %mul3A_2292 = arith.muli %add3A_1294, %mul3A_2291 : i32
      %get3A_2293 = arith.constant 25 : i32
      %get3A_2294 = arith.index_cast %get3A_2293 : i32 to index
      %get3A_2295 = arith.index_cast %mul3A_2292 : i32 to index
      %get3A_2296 = tpu.vector_load %arg15[%get3A_2294, %get3A_2295] {strides = array<i32>} : memref<32x512xf32, #tpu.memory_space<vmem>>, vector<16xf32>,
      %select_n3A_2297 = arith.select %ge3A_1852, %gather3A_2290, %get3A_2296 : vector<16xi1>, vector<16xf32>
      %mul3A_2298 = arith.constant 16 : i32
      %mul3A_2299 = arith.muli %add3A_1294, %mul3A_2298 : i32
      %swap3A_2300 = arith.constant 25 : i32
      %swap3A_2301 = arith.index_cast %swap3A_2300 : i32 to index
      %swap3A_2302 = arith.index_cast %mul3A_2299 : i32 to index
      %swap3A_2303 = tpu.vector_load %arg15[%swap3A_2301, %swap3A_2302] {strides = array<i32>} : memref<32x512xf32, #tpu.memory_space<vmem>>, vector<16xf32>,
      tpu.vector_store %arg15[%swap3A_2301, %swap3A_2302], %select_n3A_2297 {strides = array<i32>} : memref<32x512xf32, #tpu.memory_space<vmem>>, vector<16xf32>,
      %add3A_2304 = arith.constant 1664 : i32
      %add3A_2305 = vector.broadcast %add3A_2304 : i32 to vector<16xi32>
      %add3A_2306 = arith.addi %min3A_1861, %add3A_2305 : vector<16xi32>
      %gather3A_2307 = tpu.vector_load_idx %arg17[%add3A_2306] : memref<2048xf32, #tpu.memory_space<vmem>>[vector<16xi32>], vector<16xf32>,
      %mul3A_2308 = arith.constant 16 : i32
      %mul3A_2309 = arith.muli %add3A_1294, %mul3A_2308 : i32
      %get3A_2310 = arith.constant 26 : i32
      %get3A_2311 = arith.index_cast %get3A_2310 : i32 to index
      %get3A_2312 = arith.index_cast %mul3A_2309 : i32 to index
      %get3A_2313 = tpu.vector_load %arg15[%get3A_2311, %get3A_2312] {strides = array<i32>} : memref<32x512xf32, #tpu.memory_space<vmem>>, vector<16xf32>,
      %select_n3A_2314 = arith.select %ge3A_1852, %gather3A_2307, %get3A_2313 : vector<16xi1>, vector<16xf32>
      %mul3A_2315 = arith.constant 16 : i32
      %mul3A_2316 = arith.muli %add3A_1294, %mul3A_2315 : i32
      %swap3A_2317 = arith.constant 26 : i32
      %swap3A_2318 = arith.index_cast %swap3A_2317 : i32 to index
      %swap3A_2319 = arith.index_cast %mul3A_2316 : i32 to index
      %swap3A_2320 = tpu.vector_load %arg15[%swap3A_2318, %swap3A_2319] {strides = array<i32>} : memref<32x512xf32, #tpu.memory_space<vmem>>, vector<16xf32>,
      tpu.vector_store %arg15[%swap3A_2318, %swap3A_2319], %select_n3A_2314 {strides = array<i32>} : memref<32x512xf32, #tpu.memory_space<vmem>>, vector<16xf32>,
      %add3A_2321 = arith.constant 1728 : i32
      %add3A_2322 = vector.broadcast %add3A_2321 : i32 to vector<16xi32>
      %add3A_2323 = arith.addi %min3A_1861, %add3A_2322 : vector<16xi32>
      %gather3A_2324 = tpu.vector_load_idx %arg17[%add3A_2323] : memref<2048xf32, #tpu.memory_space<vmem>>[vector<16xi32>], vector<16xf32>,
      %mul3A_2325 = arith.constant 16 : i32
      %mul3A_2326 = arith.muli %add3A_1294, %mul3A_2325 : i32
      %get3A_2327 = arith.constant 27 : i32
      %get3A_2328 = arith.index_cast %get3A_2327 : i32 to index
      %get3A_2329 = arith.index_cast %mul3A_2326 : i32 to index
      %get3A_2330 = tpu.vector_load %arg15[%get3A_2328, %get3A_2329] {strides = array<i32>} : memref<32x512xf32, #tpu.memory_space<vmem>>, vector<16xf32>,
      %select_n3A_2331 = arith.select %ge3A_1852, %gather3A_2324, %get3A_2330 : vector<16xi1>, vector<16xf32>
      %mul3A_2332 = arith.constant 16 : i32
      %mul3A_2333 = arith.muli %add3A_1294, %mul3A_2332 : i32
      %swap3A_2334 = arith.constant 27 : i32
      %swap3A_2335 = arith.index_cast %swap3A_2334 : i32 to index
      %swap3A_2336 = arith.index_cast %mul3A_2333 : i32 to index
      %swap3A_2337 = tpu.vector_load %arg15[%swap3A_2335, %swap3A_2336] {strides = array<i32>} : memref<32x512xf32, #tpu.memory_space<vmem>>, vector<16xf32>,
      tpu.vector_store %arg15[%swap3A_2335, %swap3A_2336], %select_n3A_2331 {strides = array<i32>} : memref<32x512xf32, #tpu.memory_space<vmem>>, vector<16xf32>,
      %add3A_2338 = arith.constant 1792 : i32
      %add3A_2339 = vector.broadcast %add3A_2338 : i32 to vector<16xi32>
      %add3A_2340 = arith.addi %min3A_1861, %add3A_2339 : vector<16xi32>
      %gather3A_2341 = tpu.vector_load_idx %arg17[%add3A_2340] : memref<2048xf32, #tpu.memory_space<vmem>>[vector<16xi32>], vector<16xf32>,
      %mul3A_2342 = arith.constant 16 : i32
      %mul3A_2343 = arith.muli %add3A_1294, %mul3A_2342 : i32
      %get3A_2344 = arith.constant 28 : i32
      %get3A_2345 = arith.index_cast %get3A_2344 : i32 to index
      %get3A_2346 = arith.index_cast %mul3A_2343 : i32 to index
      %get3A_2347 = tpu.vector_load %arg15[%get3A_2345, %get3A_2346] {strides = array<i32>} : memref<32x512xf32, #tpu.memory_space<vmem>>, vector<16xf32>,
      %select_n3A_2348 = arith.select %ge3A_1852, %gather3A_2341, %get3A_2347 : vector<16xi1>, vector<16xf32>
      %mul3A_2349 = arith.constant 16 : i32
      %mul3A_2350 = arith.muli %add3A_1294, %mul3A_2349 : i32
      %swap3A_2351 = arith.constant 28 : i32
      %swap3A_2352 = arith.index_cast %swap3A_2351 : i32 to index
      %swap3A_2353 = arith.index_cast %mul3A_2350 : i32 to index
      %swap3A_2354 = tpu.vector_load %arg15[%swap3A_2352, %swap3A_2353] {strides = array<i32>} : memref<32x512xf32, #tpu.memory_space<vmem>>, vector<16xf32>,
      tpu.vector_store %arg15[%swap3A_2352, %swap3A_2353], %select_n3A_2348 {strides = array<i32>} : memref<32x512xf32, #tpu.memory_space<vmem>>, vector<16xf32>,
      %add3A_2355 = arith.constant 1856 : i32
      %add3A_2356 = vector.broadcast %add3A_2355 : i32 to vector<16xi32>
      %add3A_2357 = arith.addi %min3A_1861, %add3A_2356 : vector<16xi32>
      %gather3A_2358 = tpu.vector_load_idx %arg17[%add3A_2357] : memref<2048xf32, #tpu.memory_space<vmem>>[vector<16xi32>], vector<16xf32>,
      %mul3A_2359 = arith.constant 16 : i32
      %mul3A_2360 = arith.muli %add3A_1294, %mul3A_2359 : i32
      %get3A_2361 = arith.constant 29 : i32
      %get3A_2362 = arith.index_cast %get3A_2361 : i32 to index
      %get3A_2363 = arith.index_cast %mul3A_2360 : i32 to index
      %get3A_2364 = tpu.vector_load %arg15[%get3A_2362, %get3A_2363] {strides = array<i32>} : memref<32x512xf32, #tpu.memory_space<vmem>>, vector<16xf32>,
      %select_n3A_2365 = arith.select %ge3A_1852, %gather3A_2358, %get3A_2364 : vector<16xi1>, vector<16xf32>
      %mul3A_2366 = arith.constant 16 : i32
      %mul3A_2367 = arith.muli %add3A_1294, %mul3A_2366 : i32
      %swap3A_2368 = arith.constant 29 : i32
      %swap3A_2369 = arith.index_cast %swap3A_2368 : i32 to index
      %swap3A_2370 = arith.index_cast %mul3A_2367 : i32 to index
      %swap3A_2371 = tpu.vector_load %arg15[%swap3A_2369, %swap3A_2370] {strides = array<i32>} : memref<32x512xf32, #tpu.memory_space<vmem>>, vector<16xf32>,
      tpu.vector_store %arg15[%swap3A_2369, %swap3A_2370], %select_n3A_2365 {strides = array<i32>} : memref<32x512xf32, #tpu.memory_space<vmem>>, vector<16xf32>,
      %add3A_2372 = arith.constant 1920 : i32
      %add3A_2373 = vector.broadcast %add3A_2372 : i32 to vector<16xi32>
      %add3A_2374 = arith.addi %min3A_1861, %add3A_2373 : vector<16xi32>
      %gather3A_2375 = tpu.vector_load_idx %arg17[%add3A_2374] : memref<2048xf32, #tpu.memory_space<vmem>>[vector<16xi32>], vector<16xf32>,
      %mul3A_2376 = arith.constant 16 : i32
      %mul3A_2377 = arith.muli %add3A_1294, %mul3A_2376 : i32
      %get3A_2378 = arith.constant 30 : i32
      %get3A_2379 = arith.index_cast %get3A_2378 : i32 to index
      %get3A_2380 = arith.index_cast %mul3A_2377 : i32 to index
      %get3A_2381 = tpu.vector_load %arg15[%get3A_2379, %get3A_2380] {strides = array<i32>} : memref<32x512xf32, #tpu.memory_space<vmem>>, vector<16xf32>,
      %select_n3A_2382 = arith.select %ge3A_1852, %gather3A_2375, %get3A_2381 : vector<16xi1>, vector<16xf32>
      %mul3A_2383 = arith.constant 16 : i32
      %mul3A_2384 = arith.muli %add3A_1294, %mul3A_2383 : i32
      %swap3A_2385 = arith.constant 30 : i32
      %swap3A_2386 = arith.index_cast %swap3A_2385 : i32 to index
      %swap3A_2387 = arith.index_cast %mul3A_2384 : i32 to index
      %swap3A_2388 = tpu.vector_load %arg15[%swap3A_2386, %swap3A_2387] {strides = array<i32>} : memref<32x512xf32, #tpu.memory_space<vmem>>, vector<16xf32>,
      tpu.vector_store %arg15[%swap3A_2386, %swap3A_2387], %select_n3A_2382 {strides = array<i32>} : memref<32x512xf32, #tpu.memory_space<vmem>>, vector<16xf32>,
      %add3A_2389 = arith.constant 1984 : i32
      %add3A_2390 = vector.broadcast %add3A_2389 : i32 to vector<16xi32>
      %add3A_2391 = arith.addi %min3A_1861, %add3A_2390 : vector<16xi32>
      %gather3A_2392 = tpu.vector_load_idx %arg17[%add3A_2391] : memref<2048xf32, #tpu.memory_space<vmem>>[vector<16xi32>], vector<16xf32>,
      %mul3A_2393 = arith.constant 16 : i32
      %mul3A_2394 = arith.muli %add3A_1294, %mul3A_2393 : i32
      %get3A_2395 = arith.constant 31 : i32
      %get3A_2396 = arith.index_cast %get3A_2395 : i32 to index
      %get3A_2397 = arith.index_cast %mul3A_2394 : i32 to index
      %get3A_2398 = tpu.vector_load %arg15[%get3A_2396, %get3A_2397] {strides = array<i32>} : memref<32x512xf32, #tpu.memory_space<vmem>>, vector<16xf32>,
      %select_n3A_2399 = arith.select %ge3A_1852, %gather3A_2392, %get3A_2398 : vector<16xi1>, vector<16xf32>
      %mul3A_2400 = arith.constant 16 : i32
      %mul3A_2401 = arith.muli %add3A_1294, %mul3A_2400 : i32
      %swap3A_2402 = arith.constant 31 : i32
      %swap3A_2403 = arith.index_cast %swap3A_2402 : i32 to index
      %swap3A_2404 = arith.index_cast %mul3A_2401 : i32 to index
      %swap3A_2405 = tpu.vector_load %arg15[%swap3A_2403, %swap3A_2404] {strides = array<i32>} : memref<32x512xf32, #tpu.memory_space<vmem>>, vector<16xf32>,
      tpu.vector_store %arg15[%swap3A_2403, %swap3A_2404], %select_n3A_2399 {strides = array<i32>} : memref<32x512xf32, #tpu.memory_space<vmem>>, vector<16xf32>,
    }
    %scan3A_1289 = arith.constant 32 : i32
    "tpu.region"() ({
      %run_scoped3A = tpu.sem_alloc : memref<!tpu.dma_semaphore, #tpu.memory_space<semaphore_mem>>
      %dma_start3A_1290 = arith.constant 0 : i32
      %dma_start3A_1291 = tpu.memref_slice %arg8[%dma_start3A_1290, %mul3A_2] : memref<32x16384xf32, #tpu.memory_space<hbm>> -> memref<32x512xf32, #tpu.memory_space<hbm>>
      %dma_start3A_1292 = arith.constant 0 : i32
      %dma_start3A_1293 = tpu.memref_slice %arg8[%dma_start3A_1292, %mul3A_2] : memref<32x16384xf32, #tpu.memory_space<hbm>> -> memref<32x512xf32, #tpu.memory_space<hbm>>
      tpu.enqueue_dma source(%arg14 : memref<32x512xf32, #tpu.memory_space<vmem>>) target(%dma_start3A_1293 : memref<32x512xf32, #tpu.memory_space<hbm>>) target_semaphore(%run_scoped3A : memref<!tpu.dma_semaphore, #tpu.memory_space<semaphore_mem>>)
      %dma_wait3A_1294 = arith.constant 0 : i32
      %dma_wait3A_1295 = tpu.memref_slice %arg8[%dma_wait3A_1294, %mul3A_2] : memref<32x16384xf32, #tpu.memory_space<hbm>> -> memref<32x512xf32, #tpu.memory_space<hbm>>
      %dma_wait3A_1296 = arith.constant 0 : i32
      %dma_wait3A_1297 = tpu.memref_slice %arg8[%dma_wait3A_1296, %mul3A_2] : memref<32x16384xf32, #tpu.memory_space<hbm>> -> memref<32x512xf32, #tpu.memory_space<hbm>>
      tpu.wait_dma2 semaphore(%run_scoped3A : memref<!tpu.dma_semaphore, #tpu.memory_space<semaphore_mem>>) src(%arg14 : memref<32x512xf32, #tpu.memory_space<vmem>>) dst(%dma_wait3A_1297 : memref<32x512xf32, #tpu.memory_space<hbm>>)
      tpu.yield
    }) : () -> ()
    "tpu.region"() ({
      %run_scoped3A = tpu.sem_alloc : memref<!tpu.dma_semaphore, #tpu.memory_space<semaphore_mem>>
      %dma_start3A_1290 = arith.constant 0 : i32
      %dma_start3A_1291 = tpu.memref_slice %arg9[%dma_start3A_1290, %mul3A_2] : memref<32x16384xf32, #tpu.memory_space<hbm>> -> memref<32x512xf32, #tpu.memory_space<hbm>>
      %dma_start3A_1292 = arith.constant 0 : i32
      %dma_start3A_1293 = tpu.memref_slice %arg9[%dma_start3A_1292, %mul3A_2] : memref<32x16384xf32, #tpu.memory_space<hbm>> -> memref<32x512xf32, #tpu.memory_space<hbm>>
      tpu.enqueue_dma source(%arg15 : memref<32x512xf32, #tpu.memory_space<vmem>>) target(%dma_start3A_1293 : memref<32x512xf32, #tpu.memory_space<hbm>>) target_semaphore(%run_scoped3A : memref<!tpu.dma_semaphore, #tpu.memory_space<semaphore_mem>>)
      %dma_wait3A_1294 = arith.constant 0 : i32
      %dma_wait3A_1295 = tpu.memref_slice %arg9[%dma_wait3A_1294, %mul3A_2] : memref<32x16384xf32, #tpu.memory_space<hbm>> -> memref<32x512xf32, #tpu.memory_space<hbm>>
      %dma_wait3A_1296 = arith.constant 0 : i32
      %dma_wait3A_1297 = tpu.memref_slice %arg9[%dma_wait3A_1296, %mul3A_2] : memref<32x16384xf32, #tpu.memory_space<hbm>> -> memref<32x512xf32, #tpu.memory_space<hbm>>
      tpu.wait_dma2 semaphore(%run_scoped3A : memref<!tpu.dma_semaphore, #tpu.memory_space<semaphore_mem>>) src(%arg15 : memref<32x512xf32, #tpu.memory_space<vmem>>) dst(%dma_wait3A_1297 : memref<32x512xf32, #tpu.memory_space<hbm>>)
      tpu.yield
    }) : () -> ()
    return
  }
}

module attributes {stable_mosaic.version = 14 : i64} {
  func.func @_mlp_body(%arg0: i32, %arg1: memref<32x2048xf32, #tpu.memory_space<vmem>>, %arg2: memref<32x2048xf32, #tpu.memory_space<vmem>>, %arg3: memref<32x32xf32, #tpu.memory_space<vmem>>, %arg4: memref<32x32xf32, #tpu.memory_space<vmem>>, %arg5: memref<32x1xf32, #tpu.memory_space<vmem>>, %arg6: memref<32x1xf32, #tpu.memory_space<vmem>>, %arg7: memref<1x2048xf32, #tpu.memory_space<vmem>>) attributes {dimension_semantics = [#tpu.dimension_semantics<arbitrary>], iteration_bounds = array<i64: 8>, scalar_prefetch = 0 : i64, scratch_operands = 0 : i64, tpu.core_type = #tpu.core_type<tc>, window_params = [{transform_indices = @transform_0, window_bounds = array<i64: 32, 2048>}, {transform_indices = @transform_1, window_bounds = array<i64: 32, 2048>}, {pipeline_mode = #tpu.pipeline_mode<synchronous>, transform_indices = @transform_2, window_bounds = array<i64: 32, 32>}, {pipeline_mode = #tpu.pipeline_mode<synchronous>, transform_indices = @transform_3, window_bounds = array<i64: 32, 32>}, {pipeline_mode = #tpu.pipeline_mode<synchronous>, transform_indices = @transform_4, window_bounds = array<i64: 32, 1>}, {pipeline_mode = #tpu.pipeline_mode<synchronous>, transform_indices = @transform_5, window_bounds = array<i64: 32, 1>}, {transform_indices = @transform_6, window_bounds = array<i64: 1, 2048>}]} {
    %get3A = arith.constant 0 : index
    %get3A_0 = arith.constant 0 : index
    %get3A_1 = vector.load %arg3[%get3A, %get3A_0] : memref<32x32xf32, #tpu.memory_space<vmem>>, vector<32x32xf32>
    %get3A_2 = arith.constant 0 : index
    %get3A_3 = arith.constant 0 : index
    %get3A_4 = vector.load %arg1[%get3A_2, %get3A_3] : memref<32x2048xf32, #tpu.memory_space<vmem>>, vector<32x2048xf32>
    %dot_general3A = arith.constant dense<0.000000e+00> : vector<32x2048xf32>
    %dot_general3A_5 = tpu.matmul %get3A_1, %get3A_4, %dot_general3A {dimension_numbers = #tpu.dot_dimension_numbers<[0], [0], [1], [1], [0, 1, 1, 1], [], []>, transpose_lhs_hint = false} : vector<32x32xf32>, vector<32x2048xf32>, vector<32x2048xf32> -> vector<32x2048xf32>
    %get3A_6 = arith.constant 0 : index
    %get3A_7 = arith.constant 0 : index
    %get3A_8 = vector.load %arg4[%get3A_6, %get3A_7] : memref<32x32xf32, #tpu.memory_space<vmem>>, vector<32x32xf32>
    %get3A_9 = arith.constant 0 : index
    %get3A_10 = arith.constant 0 : index
    %get3A_11 = vector.load %arg2[%get3A_9, %get3A_10] : memref<32x2048xf32, #tpu.memory_space<vmem>>, vector<32x2048xf32>
    %dot_general3A_12 = arith.constant dense<0.000000e+00> : vector<32x2048xf32>
    %dot_general3A_13 = tpu.matmul %get3A_8, %get3A_11, %dot_general3A_12 {dimension_numbers = #tpu.dot_dimension_numbers<[0], [0], [1], [1], [0, 1, 1, 1], [], []>, transpose_lhs_hint = false} : vector<32x32xf32>, vector<32x2048xf32>, vector<32x2048xf32> -> vector<32x2048xf32>
    %add3A = arith.addf %dot_general3A_5, %dot_general3A_13 : vector<32x2048xf32>
    %get3A_14 = arith.constant 0 : index
    %get3A_15 = arith.constant 0 : index
    %get3A_16 = vector.load %arg5[%get3A_14, %get3A_15] : memref<32x1xf32, #tpu.memory_space<vmem>>, vector<32x1xf32>
    %add3A_17 = vector.broadcast %get3A_16 : vector<32x1xf32> to vector<32x2048xf32>
    %add3A_18 = arith.addf %add3A, %add3A_17 : vector<32x2048xf32>
    %max3A = arith.constant 0.000000e+00 : f32
    %max3A_19 = vector.broadcast %max3A : f32 to vector<32x2048xf32>
    %max3A_20 = arith.maximumf %add3A_18, %max3A_19 : vector<32x2048xf32>
    %get3A_21 = arith.constant 0 : index
    %get3A_22 = arith.constant 0 : index
    %get3A_23 = vector.load %arg6[%get3A_21, %get3A_22] : memref<32x1xf32, #tpu.memory_space<vmem>>, vector<32x1xf32>
    %dot_general3A_24 = arith.constant dense<0.000000e+00> : vector<1x2048xf32>
    %dot_general3A_25 = tpu.matmul %get3A_23, %max3A_20, %dot_general3A_24 {dimension_numbers = #tpu.dot_dimension_numbers<[0], [0], [1], [1], [0, 1, 1, 1], [], []>, transpose_lhs_hint = false} : vector<32x1xf32>, vector<32x2048xf32>, vector<1x2048xf32> -> vector<1x2048xf32>
    %swap3A = arith.constant 0 : index
    %swap3A_26 = arith.constant 0 : index
    %swap3A_27 = vector.load %arg7[%swap3A, %swap3A_26] : memref<1x2048xf32, #tpu.memory_space<vmem>>, vector<1x2048xf32>
    tpu.vector_store %arg7[%swap3A, %swap3A_26], %dot_general3A_25 {strides = array<i32>} : memref<1x2048xf32, #tpu.memory_space<vmem>>, vector<1x2048xf32>,
    return
  }
  func.func @transform_0(%arg0: i32) -> (i32, i32) {
    %c0_i32 = arith.constant 0 : i32
    %c0_i32_0 = arith.constant 0 : i32
    return %c0_i32, %arg0 : i32, i32
  }
  func.func @transform_1(%arg0: i32) -> (i32, i32) {
    %c0_i32 = arith.constant 0 : i32
    %c0_i32_0 = arith.constant 0 : i32
    return %c0_i32, %arg0 : i32, i32
  }
  func.func @transform_2(%arg0: i32) -> (i32, i32) {
    %c0_i32 = arith.constant 0 : i32
    %c0_i32_0 = arith.constant 0 : i32
    %c0_i32_1 = arith.constant 0 : i32
    return %c0_i32, %c0_i32_0 : i32, i32
  }
  func.func @transform_3(%arg0: i32) -> (i32, i32) {
    %c0_i32 = arith.constant 0 : i32
    %c0_i32_0 = arith.constant 0 : i32
    %c0_i32_1 = arith.constant 0 : i32
    return %c0_i32, %c0_i32_0 : i32, i32
  }
  func.func @transform_4(%arg0: i32) -> (i32, i32) {
    %c0_i32 = arith.constant 0 : i32
    %c0_i32_0 = arith.constant 0 : i32
    %c0_i32_1 = arith.constant 0 : i32
    return %c0_i32, %c0_i32_0 : i32, i32
  }
  func.func @transform_5(%arg0: i32) -> (i32, i32) {
    %c0_i32 = arith.constant 0 : i32
    %c0_i32_0 = arith.constant 0 : i32
    %c0_i32_1 = arith.constant 0 : i32
    return %c0_i32, %c0_i32_0 : i32, i32
  }
  func.func @transform_6(%arg0: i32) -> (i32, i32) {
    %c0_i32 = arith.constant 0 : i32
    %c0_i32_0 = arith.constant 0 : i32
    return %c0_i32, %arg0 : i32, i32
  }
}

</mosaic_0001>

<sc_bundles>
// kernel: kernel.4.cloned.1.call-start
scs
__scs_entry_jumppad:
0x0: {  	(pc) =	sbr.rel $0x88, $3  }
0x1: {  	(tag) =	ssettag $0x0;
	lr =	simm.s32 $0x1  }
0x2: {  	[smem:$0x3F9B] =	sst lr;
	_ =	strace $0xD0000000  }
0x3: {  	_ = 	snop  }
0x4: {  	_ = 	snop  }
0x5: {  	_ = 	snop  }
0x6: {  	_ = 	snop  }
0x7: {  	_ = 	snop  }
__scs_overlays_trampoline_lowered:
0x8: {  	[smem:$0x3FAA] =	sst s0  }
0x9: {  	[smem:$0x3FAB] =	sst s1  }
0xa: {  	[smem:$0x3FAC] =	sst s2  }
0xb: {  	[smem:$0x3FAD] =	sst s3  }
0xc: {  	[smem:$0x3FAE] =	sst s4  }
0xd: {  	[smem:$0x3FAF] =	sst s5  }
0xe: {  	[smem:$0x3FB0] =	sst s6  }
0xf: {  	[smem:$0x3FB1] =	sst s7  }
0x10: {  	[smem:$0x3FB2] =	sst s8  }
0x11: {  	[smem:$0x3FB3] =	sst s9;
	s0 =	simm.s32 @!p0 $0x0  }
0x12: {  	s1 =	sld [smem:$0x3F99];
	s0 =	simm.s32 @p0 $0x1  }
0x13: {  	[smem:$0x3FB4] =	sst s0;
	s0 =	simm.s32 @!p1 $0x0  }
0x14: {  	s2 =	sld [smem:$0x3F98];
	s0 =	simm.s32 @p1 $0x1  }
0x15: {  	[smem:$0x3FB5] =	sst s0;
	s0 =	simm.s32 @!p2 $0x0  }
0x16: {  	s3 =	sld [smem:$0x3FDB];
	s0 =	simm.s32 @p2 $0x1  }
0x17: {  	s4 =	simm.s32 $0x1BF5;
	[smem:$0x3FB7] =	sst s0  }
0x18: {  	s0 =	sld [smem:$0x3F9A];
	_ =	swait.ge [sflag:s4], $0x0  }
0x19: {  	s7 =	sld [smem:$0x3F9B]  }
0x1a: {  	s8 =	sadd.s32 $0xFFFFE003, lr  }
0x1b: {  	s9 =	sadd.s32 $0xFFFFFEF7, lr;
	s5 =	simm.s32 $0xFFFFFFFF;
	p2 =	slt.u32 s8, $0xFFFFF086  }
0x1c: {  	p1 =	slt.u32 s9, $0xF7A;
	s5 =	simm.s32 @!p2 $0x0  }
0x1d: {  	s5 =	simm.s32 @p1 $0x1;
	p0 =	seq.s32 s7, s2  }
0x1e: {  	s7 =	smul.u32 @!p0 $0xF7A, s2;
	p2 =	seq.s32 @!p0 s5, $0x0  }
0x1f: {  	s9 =	smul.u32 $0xF7A, s1;
	s8 =	simm.s32 @!p0 $0x1BF5;
	p2 =	por !p2, p0  }
0x20: {  	[sflag:s8] =	ssyncset.s32 @!p0 $0xFFFFF086;
	s6 =	sadd.s32 @!p0 s3, s7;
	s7 =	simm.s32 @!p0 $0x108  }
0x21: {  	s3 =	sadd.s32 s3, s9;
	s6 =	sadd.s32 @!p0 $0x88, s6;
	s7 =	simm.s32 @p2 $0x1082  }
0x22: {  	[simem:s7], [sflag:s8] =	dma.local @!p0 [hbm:s6], $0xF7A  }
0x23: {  	s9 =	sor.u32 $0xD0000000, s2;
	s6 =	simm.s32 $0x108;
	_ =	swait.ge @!p0 [sflag:s8], $0x0  }
0x24: {  	s3 =	sadd.s32 $0x88, s3;
	s6 =	simm.s32 @!p1 $0x1082;
	[sflag:s4] =	ssyncset.s32 $0xFFFFF086  }
0x25: {  	[simem:s6], [sflag:s4] =	dma.local [hbm:s3], $0xF7A  }
0x26: {  	[smem:$0x3F9B] =	sst s1;
	(tag) =	ssettag s2;
	_ =	strace s9  }
0x27: {  	s1 =	sld [smem:$0x3FAB]  }
0x28: {  	s2 =	sld [smem:$0x3FAC]  }
0x29: {  	s4 =	sld [smem:$0x3FAE]  }
0x2a: {  	p0 =	seq.s32 s5, $0x0;
	s5 =	sld [smem:$0x3FAF]  }
0x2b: {  	s6 =	sld [smem:$0x3FB0]  }
0x2c: {  	s7 =	sld [smem:$0x3FB1]  }
0x2d: {  	s3 =	simm.s32 $0x108;
	s8 =	sld [smem:$0x3FB2]  }
0x2e: {  	s3 =	simm.s32 @!p0 $0x1082;
	s9 =	sld [smem:$0x3FB3]  }
0x2f: {  	lr =	sadd.s32 s0, s3;
	s0 =	sld [smem:$0x3FAA]  }
0x30: {  	s3 =	sld [smem:$0x3FAD]  }
0x31: {  	[smem:$0x3FB6] =	sst s10  }
0x32: {  	s10 =	sld [smem:$0x3FB4];
	_ =	sdelay $0x3  }
0x33: {  	p0 =	seq.s32 s10, $0x1;
	s10 =	sld [smem:$0x3FB6];
	_ =	sdelay $0x3  }
0x34: {  	[smem:$0x3FB6] =	sst s10  }
0x35: {  	s10 =	sld [smem:$0x3FB5];
	_ =	sdelay $0x3  }
0x36: {  	p1 =	seq.s32 s10, $0x1;
	s10 =	sld [smem:$0x3FB6];
	_ =	sdelay $0x3  }
0x37: {  	[smem:$0x3FB6] =	sst s10  }
0x38: {  	s10 =	sld [smem:$0x3FB7]  }
0x39: {  	_ = 	snop;
	(pc) =	sbr.ind lr, $3  }
0x3a: {  	_ = 	snop  }
0x3b: {  	_ = 	snop  }
0x3c: {  	p2 =	seq.s32 s10, $0x1;
	s10 =	sld [smem:$0x3FB6]  }
0x3d: {  	_ =	shalt  }
0x3e: {  	_ =	shalt  }
0x3f: {  	_ =	shalt  }
0x40: {  	_ =	shalt  }
0x41: {  	_ =	shalt  }
0x42: {  	_ =	shalt  }
0x43: {  	_ =	shalt  }
0x44: {  	_ =	shalt  }
0x45: {  	_ =	shalt  }
0x46: {  	_ =	shalt  }
0x47: {  	_ =	shalt  }
0x48: {  	_ =	shalt  }
0x49: {  	_ =	shalt  }
0x4a: {  	_ =	shalt  }
0x4b: {  	_ =	shalt  }
0x4c: {  	_ =	shalt  }
0x4d: {  	_ =	shalt  }
0x4e: {  	_ =	shalt  }
0x4f: {  	_ =	shalt  }
0x50: {  	_ =	shalt  }
0x51: {  	_ =	shalt  }
0x52: {  	_ =	shalt  }
0x53: {  	_ =	shalt  }
0x54: {  	_ =	shalt  }
0x55: {  	_ =	shalt  }
0x56: {  	_ =	shalt  }
0x57: {  	_ =	shalt  }
0x58: {  	_ =	shalt  }
0x59: {  	_ =	shalt  }
0x5a: {  	_ =	shalt  }
0x5b: {  	_ =	shalt  }
0x5c: {  	_ =	shalt  }
0x5d: {  	_ =	shalt  }
0x5e: {  	_ =	shalt  }
0x5f: {  	_ =	shalt  }
0x60: {  	_ =	shalt  }
0x61: {  	_ =	shalt  }
0x62: {  	_ =	shalt  }
0x63: {  	_ =	shalt  }
0x64: {  	_ =	shalt  }
0x65: {  	_ =	shalt  }
0x66: {  	_ =	shalt  }
0x67: {  	_ =	shalt  }
0x68: {  	_ =	shalt  }
0x69: {  	_ =	shalt  }
0x6a: {  	_ =	shalt  }
0x6b: {  	_ =	shalt  }
0x6c: {  	_ =	shalt  }
0x6d: {  	_ =	shalt  }
0x6e: {  	_ =	shalt  }
0x6f: {  	_ =	shalt  }
0x70: {  	_ =	shalt  }
0x71: {  	_ =	shalt  }
0x72: {  	_ =	shalt  }
0x73: {  	_ =	shalt  }
0x74: {  	_ =	shalt  }
0x75: {  	_ =	shalt  }
0x76: {  	_ =	shalt  }
0x77: {  	_ =	shalt  }
0x78: {  	_ =	shalt  }
0x79: {  	_ =	shalt  }
0x7a: {  	_ =	shalt  }
0x7b: {  	_ =	shalt  }
0x7c: {  	_ =	shalt  }
0x7d: {  	_ =	shalt  }
0x7e: {  	_ =	shalt  }
0x7f: {  	_ =	shalt  }
0x80: {  	_ =	shalt  }
0x81: {  	_ =	shalt  }
0x82: {  	_ =	shalt  }
0x83: {  	_ =	shalt  }
0x84: {  	_ =	shalt  }
0x85: {  	_ =	shalt  }
0x86: {  	_ =	shalt  }
0x87: {  	_ =	shalt  }
.Lfunc_end0:
.L_simem_size_0:
called_computation_lowered:
.L_overlay_start_0:
0x88: {  	s2 =	sld [smem:$0x3FD9]  }
0x89: {  	s3 =	sld [smem:$0x3FFE];
	_ =	sdelay $0x1  }
0x8a: {  	s1 =	srdreg.scid  }
0x8b: {  	s0 =	sand.u32 $0x1, s1  }
0x8c: {  	s14 =	sshll.u32 s0, $0xA;
	s2 =	sadd.s32 s3, s2  }
0x8d: {  	s2 =	sadd.s32 s2, s14  }
0x8e: {  	[smem:$0x3FC2] =	sst s2  }
0x8f: {  	_ = 	snop  }
0x90: {  	s2 =	sld [smem:$0x3FD0];
	_ =	sdelay $0x2  }
0x91: {  	s15 =	simm.s32 $0xA;
	s4 =	simm.s32 $0x10  }
0x92: {  	[smem:s4], [sflag:s15] =	dma.local [hbm:s2], $0x1  }
0x93: {  	_ =	swait.eq [sflag:s15], $0x1  }
0x94: {  	s16 =	sld [smem:$0x10];
	[sflag:s15] =	ssyncset.done $0x0  }
0x95: {  	s17 =	sld [smem:$0x11];
	[sflag:s15] =	ssyncadd.s32 $0xFFFFFFFF  }
0x96: {  	s18 =	sld [smem:$0x12];
	(tm) =	ssettm $0x1  }
0x97: {  	s5 =	sld [smem:$0x3FFB];
	_ =	sdelay $0x3  }
0x98: {  	_ =	strace s5  }
0x99: {  	s5 =	sld [smem:$0x3FFC];
	_ =	sdelay $0x3  }
0x9a: {  	_ =	strace s5  }
0x9b: {  	s5 =	sld [smem:$0x3FFD];
	_ =	sdelay $0x3  }
0x9c: {  	_ =	strace s5  }
0x9d: {  	_ =	strace $0x8FFFFFFF  }
0x9e: {  	s19 =	sld [smem:$0x3FDB];
	_ =	sdelay $0x1  }
0x9f: {  	s6 =	simm.s32 $_scs_section_size  }
0xa0: {  	s7 =	simm.s32 $_size__tile_overlayer_lowered;
	s8 =	simm.s32 $_tile_overlayer_lowered  }
0xa1: {  	s22 =	simm.s32 $0x1BFF;
	s21 =	sshll.u32 s8, $0x1;
	s5 =	sadd.s32 s6, s19  }
0xa2: {  	s9 =	simm.s32 $0x0;
	s20 =	sshll.u32 s7, $0x1;
	s7 =	sadd.s32 s21, s5  }
0xa3: {  	[timem:s9], [sflag:s22] =	dma.local [hbm:s7], s20  }
0xa4: {  	_ =	swait.ge [sflag:s22], s20  }
0xa5: {  	s6 =	ssub.s32 $0x0, s20;
	[sflag:s22] =	ssyncset.done $0x0  }
0xa6: {  	[sflag:s22] =	ssyncadd.s32 s6;
	_ =	sdelay $0x1  }
0xa7: {  	s23 =	simm.s32 $0x1B8B  }
0xa8: {  	_ =	swait.ge [sflag:s23], $0x1  }
0xa9: {  	[sflag:s23] =	ssyncset.done $0x0  }
0xaa: {  	s25 =	simm.s32 $0x1B8E;
	s24 =	sld [smem:$0x3FFE];
	[sflag:s23] =	ssyncadd.s32 $0xFFFFFFFF  }
0xab: {  	s26 =	simm.s32 $execute0_lowered;
	[smem:$0x3FD2] =	sst s25  }
0xac: {  	s7 =	sshll.u32 s26, $0x1;
	_ =	strace $0x80000046;
	[dreg:$0x1] =	wrdreg $0xFFFFFFFF  }
0xad: {  	s28 =	simm.s32 $_size_execute0_lowered;
	s5 =	sadd.s32 s5, s7;
	[dreg:$0x0] =	wrdreg $0x0  }
0xae: {  	s7 =	sshll.u32 s28, $0x1;
	[dreg:$0x2] =	wrdreg s5  }
0xaf: {  	[dreg:$0x3] =	wrdreg s7  }
0xb0: {  	[dreg:$0x4] =	wrdreg $0xC0  }
0xb1: {  	_ =	task [dreg:s9], $0x5FFFF  }
0xb2: {  	[dreg:$0x1] =	wrdreg $0xFFFFFFFF  }
0xb3: {  	[dreg:$0x0] =	wrdreg $0x60  }
0xb4: {  	[dreg:$0x2] =	wrdreg s24  }
0xb5: {  	[dreg:$0x3] =	wrdreg s16  }
0xb6: {  	[dreg:$0x4] =	wrdreg s17  }
0xb7: {  	[dreg:$0x5] =	wrdreg s18  }
0xb8: {  	[dreg:$0x6] =	wrdreg $0x9  }
0xb9: {  	_ =	task.clear_ibuf [dreg:s9], $0x7FFFF;
	_ =	strace $0x90000046  }
0xba: {  	s29 =	simm.s32 $0x9;
	_ =	strace $0x80000048  }
0xbb: {  	_ =	swait.ge [sflag:s29], $0x1  }
0xbc: {  	[sflag:s29] =	ssyncadd.s32 $0xFFFFFFFF  }
0xbd: {  	_ =	strace $0x90000048  }
0xbe: {  	_ =	sfence  }
0xbf: {  	s30 =	sld [smem:$0x0];
	_ =	sdelay $0x2  }
0xc0: {  	s31 =	sshll.u32 s1, $0xD;
	s1 =	sshrl.u32 s1, $0x2  }
0xc1: {  	s3 =	sand.u32 $0x4000, s31;
	s1 =	sadd.s32 s1, s30  }
0xc2: {  	s0 =	sor.u32 s3, s0;
	s1 =	sshll.u32 s1, $0x11  }
0xc3: {  	s0 =	sor.u32 s1, s0  }
0xc4: {  	s0 =	sadd.s32 $0x8F2B, s0  }
0xc5: {  	[sflag:s0] =	ssyncadd.remote.s32 $0x1  }
0xc6: {  	_ =	sfence.sel $0xFFFF  }
0xc7: {  	[dreg:$0x0] =	wrdreg $0xFFFFFFFF;
	(pc) =	sbr.abs _section_cstart, $3  }
0xc8: {  	[dreg:$0x1] =	wrdreg $0xFFFFFFFF  }
0xc9: {  	_ =	task.clear_ibuf [dreg:s9], $0x2FFFF;
	_ =	strace $0x9FFFFFFF  }
0xca: {  	(tm) =	ssettm $0x7FFFFFFF  }
0xcb: {  	_ =	shalt  }
tec
execute0_lowered:
.L_overlay_start_1:
0x0: {  	(tag) =	ssettag $0x1  }
0x1: {  	s0 =	rddreg [dreg:$0x0]  }
0x2: {  	s1 =	rddreg [dreg:$0x1]  }
0x3: {  	s9 =	rddreg [dreg:$0x2]  }
0x4: {  	s10 =	rddreg [dreg:$0x3];
	s2 =	srdreg.scid  }
0x5: {  	s3 =	stileid.u32;
	s12 =	simm.s32 $0x3;
	s13 =	simm.s32 $0x200  }
0x6: {  	s14 =	simm.s32 $0x10400;
	s15 =	simm.s32 $0x10C00;
	s17 =	simm.s32 $0x8400  }
0x7: {  	s19 =	simm.s32 $0xC400;
	s31 =	simm.s32 $0xFE00;
	s16 =	simm.s32 $0x8000  }
0x8: {  	s18 =	simm.s32 $0x10000;
	s20 =	simm.s32 $0x4200;
	s21 =	simm.s32 $0xC200  }
0x9: {  	s22 =	simm.s32 $0x8200;
	s23 =	simm.s32 $0x10200;
	s24 =	simm.s32 $0x1  }
0xa: {  	s25 =	simm.s32 $0x2;
	s26 =	simm.s32 $0x0;
	s5 =	sand.u32 $0x1, s2  }
0xb: {  	s2 =	simm.s32 $0x0;
	s3 =	sshll.u32 s3, $0x7;
	s6 =	sadd.s32 $0x7A2E00, s0  }
0xc: {  	s4 =	sshll.u32 s5, $0x6;
	[smem:$0x7FF] =	sst s2;
	s8 =	ssub.s32 $0x2, s5  }
0xd: {  	s5 =	sadd.s32 $0x7A3000, s0;
	s11 =	sor.u32 s4, s3;
	_ =	strace $0x80000047  }
0xe: {  	s3 =	sadd.s32 $0x3D2600, s0;
	s4 =	sadd.s32 $0x1E00, s0;
	s30 =	sshrl.u32 s8, $0x1  }
0xf: {  	s7 =	sadd.s32 s11, s0;
	s0 =	ssub.s32 s8, s30;
	s8 =	sadd.s32 s1, s11  }
0x10: {  	s9 =	sadd.s32 s9, s11;
	s10 =	sadd.s32 s10, s11;
	s1 =	simm.s32 $0xC000  }
0x11: {  	s7 =	sadd.s32 $0x1600, s7;
	s11 =	smax.u32 s0, $0x1;
	s0 =	simm.s32 $0x4000  }
.LBB2_1:
0x12: {  	[tilespmem:s2], [sflag:$0x3] =	stream.linear.gather [hbm4b:s7+s2], $0x200, $0x38;
	[tilespmem:$0x11400] =	vst v63  }
0x13: {  	_ =	swait.ge [sflag:s12], $0x200  }
0x14: {  	[sflag:s12] =	ssyncset.done $0x0  }
0x15: {  	[sflag:s12] =	ssyncadd.s32 $0xFFFFFE00  }
0x16: {  	[tilespmem:s13], [sflag:$0x3] =	stream.linear.gather [hbm4b:s8+s2], $0x200, $0x38;
	[tilespmem:$0x11400] =	vst v63  }
0x17: {  	_ =	swait.ge [sflag:s12], $0x200  }
0x18: {  	[sflag:s12] =	ssyncset.done $0x0  }
0x19: {  	[sflag:s12] =	ssyncadd.s32 $0xFFFFFE00  }
0x1a: {  	[tilespmem:s14], [sflag:$0x3] =	stream.linear.gather [hbm4b:s5+s2], $0x800, $0x38;
	[tilespmem:$0x11400] =	vst v63  }
0x1b: {  	_ =	swait.ge [sflag:s12], $0x800  }
0x1c: {  	[sflag:s12] =	ssyncset.done $0x0  }
0x1d: {  	[sflag:s12] =	ssyncadd.s32 $0xFFFFF800  }
0x1e: {  	[tilespmem:s15], [sflag:$0x3] =	stream.linear.gather [hbm4b:s6+s2], $0x800, $0x38;
	[tilespmem:$0x11400] =	vst v63  }
0x1f: {  	_ =	swait.ge [sflag:s12], $0x800  }
0x20: {  	[sflag:s12] =	ssyncset.done $0x0  }
0x21: {  	s28 =	simm.s32 $0x0;
	[sflag:s12] =	ssyncadd.s32 $0xFFFFF800  }
0x22: {  	v0 =	vld [tilespmem:s28+$0x200]  }
0x23: {  	v1 =	vld [tilespmem:s28+$0x0];
	_ =	sdelay $0x3  }
0x24: {  	vm0 =	vlt.s32 v0, $0xF41FF  }
0x25: {  	vm1 =	vlt.s32 v1, $0xF41FF;
	v0 =	vnsel vm0, $0xF41FF, v0  }
0x26: {  	v1 =	vnsel vm1, $0xF41FF, v1;
	v2 =	vshll.u32 v0, $0x3  }
0x27: {  	v3 =	vshll.u32 v1, $0x3;
	v0 =	vand.u32 $0x7F, v0;
	v2 =	vand.u32 $0xFFFFFC00, v2  }
0x28: {  	v1 =	vand.u32 $0x7F, v1;
	v3 =	vand.u32 $0xFFFFFC00, v3;
	v2 =	vor.u32 v0, v2  }
0x29: {  	v0 =	vor.u32 v1, v3;
	[tilespmem:s28+$0x4400] =	vst v2;
	v1 =	vadd.s32 $0x16E3380, v2  }
0x2a: {  	v3 =	vor.u32 $0x80, v0;
	[tilespmem:s28+$0x8200] =	vst v1  }
0x2b: {  	v4 =	vadd.s32 $0xF42080, v2;
	[tilespmem:s28+$0x600] =	vst v3  }
0x2c: {  	v5 =	vadd.s32 $0xF42180, v2;
	[tilespmem:s28+$0x6600] =	vst v4  }
0x2d: {  	v11 =	vadd.s32 $0xF42280, v2;
	[tilespmem:s28+$0x6A00] =	vst v5  }
0x2e: {  	v1 =	vor.u32 $0x100, v0;
	[tilespmem:s28+$0x6E00] =	vst v11  }
0x2f: {  	v3 =	vor.u32 $0x180, v0;
	[tilespmem:s28+$0x800] =	vst v1  }
0x30: {  	v1 =	vor.u32 $0x380, v0;
	[tilespmem:s28+$0xA00] =	vst v3  }
0x31: {  	v3 =	vor.u32 $0x200, v0;
	[tilespmem:s28+$0x1200] =	vst v1  }
0x32: {  	v1 =	vadd.s32 $0x7A1380, v0;
	[tilespmem:s28+$0xC00] =	vst v3  }
0x33: {  	v3 =	vor.u32 $0x280, v0;
	[tilespmem:s28+$0x2200] =	vst v1  }
0x34: {  	v1 =	vadd.s32 $0xF42380, v0;
	[tilespmem:s28+$0xE00] =	vst v3  }
0x35: {  	v3 =	vadd.s32 $0x7A1000, v0;
	[tilespmem:s28+$0x3200] =	vst v1  }
0x36: {  	v1 =	vor.u32 $0x300, v0;
	[tilespmem:s28+$0x1400] =	vst v3  }
0x37: {  	v3 =	vadd.s32 $0x7A1100, v0;
	[tilespmem:s28+$0x1000] =	vst v1  }
0x38: {  	v1 =	vadd.s32 $0x7A1080, v0;
	[tilespmem:s28+$0x1800] =	vst v3  }
0x39: {  	v3 =	vadd.s32 $0x7A1200, v0;
	[tilespmem:s28+$0x1600] =	vst v1  }
0x3a: {  	v1 =	vadd.s32 $0x7A1180, v0;
	[tilespmem:s28+$0x1C00] =	vst v3  }
0x3b: {  	v3 =	vadd.s32 $0x7A1300, v0;
	[tilespmem:s28+$0x1A00] =	vst v1  }
0x3c: {  	v1 =	vadd.s32 $0x7A1280, v0;
	[tilespmem:s28+$0x2000] =	vst v3  }
0x3d: {  	v3 =	vadd.s32 $0xF42080, v0;
	[tilespmem:s28+$0x1E00] =	vst v1  }
0x3e: {  	v1 =	vadd.s32 $0xF42000, v0;
	[tilespmem:s28+$0x2600] =	vst v3  }
0x3f: {  	v3 =	vadd.s32 $0xF42180, v0;
	[tilespmem:s28+$0x2400] =	vst v1  }
0x40: {  	v1 =	vadd.s32 $0xF42100, v0;
	[tilespmem:s28+$0x2A00] =	vst v3  }
0x41: {  	v3 =	vadd.s32 $0xF42280, v0;
	[tilespmem:s28+$0x2800] =	vst v1  }
0x42: {  	v1 =	vadd.s32 $0xF42200, v0;
	[tilespmem:s28+$0x2E00] =	vst v3  }
0x43: {  	v3 =	vadd.s32 $0x16E3000, v0;
	[tilespmem:s28+$0x2C00] =	vst v1  }
0x44: {  	v1 =	vadd.s32 $0xF42300, v0;
	[tilespmem:s28+$0x3400] =	vst v3  }
0x45: {  	v3 =	vadd.s32 $0x16E3100, v0;
	[tilespmem:s28+$0x3000] =	vst v1  }
0x46: {  	v1 =	vadd.s32 $0x16E3080, v0;
	[tilespmem:s28+$0x3800] =	vst v3  }
0x47: {  	v3 =	vadd.s32 $0x16E3200, v0;
	[tilespmem:s28+$0x3600] =	vst v1  }
0x48: {  	v1 =	vadd.s32 $0x16E3180, v0;
	[tilespmem:s28+$0x3C00] =	vst v3  }
0x49: {  	v3 =	vadd.s32 $0x16E3300, v0;
	[tilespmem:s28+$0x3A00] =	vst v1  }
0x4a: {  	v1 =	vadd.s32 $0x16E3280, v0;
	[tilespmem:s28+$0x4000] =	vst v3  }
0x4b: {  	v3 =	vor.u32 $0x80, v2;
	[tilespmem:s28+$0x3E00] =	vst v1  }
0x4c: {  	v1 =	vadd.s32 $0x16E3380, v0;
	[tilespmem:s28+$0x4600] =	vst v3  }
0x4d: {  	v3 =	vor.u32 $0x180, v2;
	[tilespmem:s28+$0x4200] =	vst v1  }
0x4e: {  	v1 =	vor.u32 $0x100, v2;
	[tilespmem:s28+$0x4A00] =	vst v3  }
0x4f: {  	v3 =	vor.u32 $0x280, v2;
	[tilespmem:s28+$0x4800] =	vst v1  }
0x50: {  	v1 =	vor.u32 $0x200, v2;
	[tilespmem:s28+$0x4E00] =	vst v3  }
0x51: {  	v3 =	vor.u32 $0x380, v2;
	[tilespmem:s28+$0x4C00] =	vst v1  }
0x52: {  	v1 =	vor.u32 $0x300, v2;
	[tilespmem:s28+$0x5200] =	vst v3  }
0x53: {  	v3 =	vadd.s32 $0x7A1080, v2;
	[tilespmem:s28+$0x5000] =	vst v1  }
0x54: {  	v1 =	vadd.s32 $0x7A1000, v2;
	[tilespmem:s28+$0x5600] =	vst v3  }
0x55: {  	v3 =	vadd.s32 $0x7A1180, v2;
	[tilespmem:s28+$0x5400] =	vst v1  }
0x56: {  	v1 =	vadd.s32 $0x7A1100, v2;
	[tilespmem:s28+$0x5A00] =	vst v3  }
0x57: {  	v3 =	vadd.s32 $0x7A1280, v2;
	[tilespmem:s28+$0x5800] =	vst v1  }
0x58: {  	v1 =	vadd.s32 $0x7A1200, v2;
	[tilespmem:s28+$0x5E00] =	vst v3  }
0x59: {  	v9 =	vadd.s32 $0xF42300, v2;
	v3 =	vadd.s32 $0x7A1380, v2;
	[tilespmem:s28+$0x5C00] =	vst v1  }
0x5a: {  	v8 =	vadd.s32 $0xF42380, v2;
	v1 =	vadd.s32 $0x7A1300, v2;
	[tilespmem:s28+$0x6200] =	vst v3  }
0x5b: {  	v7 =	vadd.s32 $0x16E3080, v2;
	v3 =	vadd.s32 $0xF42100, v2;
	[tilespmem:s28+$0x6000] =	vst v1  }
0x5c: {  	v6 =	vadd.s32 $0x16E3100, v2;
	v5 =	vadd.s32 $0x16E3180, v2;
	v1 =	vadd.s32 $0xF42000, v2;
	[tilespmem:s28+$0x6800] =	vst v3  }
0x5d: {  	v4 =	vadd.s32 $0x16E3200, v2;
	[tilespmem:s28+$0x6400] =	vst v1;
	v1 =	vadd.s32 $0xF42200, v2  }
0x5e: {  	s30 =	simm.s32 $0x10;
	s29 =	simm.s32 $0x80;
	v10 =	vadd.s32 $0x16E3000, v2;
	v3 =	vadd.s32 $0x16E3280, v2;
	[tilespmem:s28+$0x6C00] =	vst v1;
	v1 =	vadd.s32 $0x16E3300, v2  }
.LBB2_2:
0x5f: {  	p0 =	sne.s32 s29, $0x7C0;
	v2 =	vld [tilespmem:s30+$0x200];
	[tilespmem:s28+$0x7000] =	vst v9  }
0x60: {  	v9 =	vld [tilespmem:s30+$0x0];
	[tilespmem:s28+$0x7200] =	vst v8  }
0x61: {  	[tilespmem:s28+$0x7400] =	vst v10  }
0x62: {  	[tilespmem:s28+$0x7600] =	vst v7  }
0x63: {  	[tilespmem:s28+$0x7800] =	vst v6  }
0x64: {  	vm0 =	vlt.s32 v2, $0xF41FF;
	[tilespmem:s28+$0x7A00] =	vst v5  }
0x65: {  	vm1 =	vlt.s32 v9, $0xF41FF;
	v2 =	vnsel vm0, $0xF41FF, v2;
	[tilespmem:s28+$0x7C00] =	vst v4  }
0x66: {  	v4 =	vnsel vm1, $0xF41FF, v9;
	v5 =	vshll.u32 v2, $0x3;
	[tilespmem:s28+$0x7E00] =	vst v3  }
0x67: {  	v2 =	vand.u32 $0x7F, v2;
	v3 =	vshll.u32 v4, $0x3;
	v5 =	vand.u32 $0xFFFFFC00, v5;
	[tilespmem:s28+$0x8000] =	vst v1  }
0x68: {  	v1 =	vand.u32 $0xFFFFFC00, v3;
	v3 =	vand.u32 $0x7F, v4;
	v11 =	vor.u32 v2, v5;
	[tilespmem:s28+$0x400] =	vst v0;
	s28 =	smov.u32 s30  }
0x69: {  	v0 =	vor.u32 v3, v1;
	[tilespmem:s28+$0x4400] =	vst v11;
	v2 =	vor.u32 $0x80, v11;
	v1 =	vadd.s32 $0x16E3380, v11  }
0x6a: {  	v3 =	vor.u32 $0x80, v0;
	v4 =	vor.u32 $0x100, v0;
	v5 =	vor.u32 $0x180, v0;
	[tilespmem:s28+$0x8200] =	vst v1  }
0x6b: {  	v1 =	vor.u32 $0x200, v0;
	v6 =	vor.u32 $0x300, v0;
	[tilespmem:s28+$0x600] =	vst v3;
	v3 =	vor.u32 $0x280, v0  }
0x6c: {  	v7 =	vadd.s32 $0x7A1000, v0;
	v8 =	vadd.s32 $0x7A1080, v0;
	[tilespmem:s28+$0x800] =	vst v4;
	v4 =	vor.u32 $0x380, v0  }
0x6d: {  	v12 =	vadd.s32 $0x7A1180, v0;
	v13 =	vadd.s32 $0x7A1200, v0;
	[tilespmem:s28+$0x1200] =	vst v4;
	v4 =	vadd.s32 $0x7A1100, v0  }
0x6e: {  	v14 =	vadd.s32 $0x7A1280, v0;
	v15 =	vadd.s32 $0x7A1300, v0;
	v9 =	vadd.s32 $0x7A1380, v0  }
0x6f: {  	v16 =	vadd.s32 $0xF42000, v0;
	v17 =	vadd.s32 $0xF42080, v0;
	v18 =	vadd.s32 $0xF42100, v0;
	[tilespmem:s28+$0xA00] =	vst v5  }
0x70: {  	v19 =	vadd.s32 $0xF42180, v0;
	v20 =	vadd.s32 $0xF42200, v0;
	v21 =	vadd.s32 $0xF42280, v0;
	[tilespmem:s28+$0x2200] =	vst v9  }
0x71: {  	v22 =	vadd.s32 $0xF42300, v0;
	v23 =	vadd.s32 $0x16E3000, v0;
	[tilespmem:s28+$0xC00] =	vst v1;
	v1 =	vadd.s32 $0xF42380, v0  }
0x72: {  	v24 =	vadd.s32 $0x16E3080, v0;
	v25 =	vadd.s32 $0x16E3100, v0;
	v26 =	vadd.s32 $0x16E3180, v0  }
0x73: {  	v27 =	vadd.s32 $0x16E3200, v0;
	v28 =	vadd.s32 $0x16E3280, v0;
	v29 =	vadd.s32 $0x16E3300, v0;
	[tilespmem:s28+$0x3200] =	vst v1  }
0x74: {  	v31 =	vor.u32 $0x100, v11;
	v32 =	vor.u32 $0x180, v11;
	v30 =	vadd.s32 $0x16E3380, v0;
	[tilespmem:s28+$0xE00] =	vst v3  }
0x75: {  	v33 =	vor.u32 $0x200, v11;
	v34 =	vor.u32 $0x280, v11;
	v35 =	vor.u32 $0x300, v11;
	[tilespmem:s28+$0x1000] =	vst v6  }
0x76: {  	v36 =	vor.u32 $0x380, v11;
	v37 =	vadd.s32 $0x7A1000, v11;
	v38 =	vadd.s32 $0x7A1080, v11;
	[tilespmem:s28+$0x1400] =	vst v7  }
0x77: {  	v39 =	vadd.s32 $0x7A1100, v11;
	v40 =	vadd.s32 $0x7A1180, v11;
	v41 =	vadd.s32 $0x7A1200, v11  }
0x78: {  	v42 =	vadd.s32 $0x7A1280, v11;
	v43 =	vadd.s32 $0x7A1300, v11;
	v44 =	vadd.s32 $0x7A1380, v11  }
0x79: {  	v45 =	vadd.s32 $0xF42000, v11;
	v46 =	vadd.s32 $0xF42080, v11;
	v47 =	vadd.s32 $0xF42100, v11;
	[tilespmem:s28+$0x1600] =	vst v8  }
0x7a: {  	v48 =	vadd.s32 $0xF42180, v11;
	v49 =	vadd.s32 $0xF42200, v11;
	v50 =	vadd.s32 $0xF42280, v11  }
0x7b: {  	v10 =	vadd.s32 $0x16E3000, v11;
	v9 =	vadd.s32 $0xF42300, v11;
	v8 =	vadd.s32 $0xF42380, v11;
	[tilespmem:s28+$0x1800] =	vst v4  }
0x7c: {  	v5 =	vadd.s32 $0x16E3180, v11;
	v6 =	vadd.s32 $0x16E3100, v11;
	v7 =	vadd.s32 $0x16E3080, v11  }
0x7d: {  	v1 =	vadd.s32 $0x16E3300, v11;
	v3 =	vadd.s32 $0x16E3280, v11;
	v4 =	vadd.s32 $0x16E3200, v11  }
0x7e: {  	[tilespmem:s28+$0x1A00] =	vst v12  }
0x7f: {  	[tilespmem:s28+$0x1C00] =	vst v13  }
0x80: {  	[tilespmem:s28+$0x1E00] =	vst v14  }
0x81: {  	[tilespmem:s28+$0x2000] =	vst v15  }
0x82: {  	[tilespmem:s28+$0x2400] =	vst v16  }
0x83: {  	[tilespmem:s28+$0x2600] =	vst v17  }
0x84: {  	[tilespmem:s28+$0x2800] =	vst v18  }
0x85: {  	[tilespmem:s28+$0x2A00] =	vst v19  }
0x86: {  	[tilespmem:s28+$0x2C00] =	vst v20  }
0x87: {  	[tilespmem:s28+$0x2E00] =	vst v21  }
0x88: {  	[tilespmem:s28+$0x3000] =	vst v22  }
0x89: {  	[tilespmem:s28+$0x3400] =	vst v23  }
0x8a: {  	[tilespmem:s28+$0x3600] =	vst v24  }
0x8b: {  	[tilespmem:s28+$0x3800] =	vst v25  }
0x8c: {  	[tilespmem:s28+$0x3A00] =	vst v26  }
0x8d: {  	[tilespmem:s28+$0x3C00] =	vst v27  }
0x8e: {  	[tilespmem:s28+$0x3E00] =	vst v28  }
0x8f: {  	[tilespmem:s28+$0x4000] =	vst v29  }
0x90: {  	[tilespmem:s28+$0x4200] =	vst v30  }
0x91: {  	[tilespmem:s28+$0x4600] =	vst v2  }
0x92: {  	[tilespmem:s28+$0x4800] =	vst v31  }
0x93: {  	[tilespmem:s28+$0x4A00] =	vst v32  }
0x94: {  	[tilespmem:s28+$0x4C00] =	vst v33  }
0x95: {  	[tilespmem:s28+$0x4E00] =	vst v34  }
0x96: {  	[tilespmem:s28+$0x5000] =	vst v35  }
0x97: {  	[tilespmem:s28+$0x5200] =	vst v36  }
0x98: {  	[tilespmem:s28+$0x5400] =	vst v37  }
0x99: {  	[tilespmem:s28+$0x5600] =	vst v38  }
0x9a: {  	[tilespmem:s28+$0x5800] =	vst v39  }
0x9b: {  	[tilespmem:s28+$0x5A00] =	vst v40  }
0x9c: {  	[tilespmem:s28+$0x5C00] =	vst v41  }
0x9d: {  	[tilespmem:s28+$0x5E00] =	vst v42  }
0x9e: {  	[tilespmem:s28+$0x6000] =	vst v43  }
0x9f: {  	[tilespmem:s28+$0x6200] =	vst v44  }
0xa0: {  	[tilespmem:s28+$0x6400] =	vst v45  }
.Ltmp0:
0xa1: {  	[tilespmem:s28+$0x6600] =	vst v46;
	(pc) =	sbr.rel @p0 .LBB2_2-.Ltmp0, $4  }
0xa2: {  	[tilespmem:s28+$0x6800] =	vst v47  }
0xa3: {  	[tilespmem:s28+$0x6A00] =	vst v48  }
0xa4: {  	[tilespmem:s28+$0x6C00] =	vst v49  }
0xa5: {  	s30 =	sshra.s32 s29, $0x2;
	s29 =	sadd.s32 $0x40, s29;
	[tilespmem:s28+$0x6E00] =	vst v50  }
0xa6: {  	v2 =	vld [tilespmem:s30+$0x200];
	[tilespmem:s28+$0x7000] =	vst v9  }
0xa7: {  	v9 =	vld [tilespmem:s30+$0x0];
	[tilespmem:s28+$0x7200] =	vst v8  }
0xa8: {  	[tilespmem:s28+$0x7400] =	vst v10  }
0xa9: {  	[tilespmem:s28+$0x7600] =	vst v7  }
0xaa: {  	[tilespmem:s28+$0x7800] =	vst v6  }
0xab: {  	[tilespmem:s28+$0x7A00] =	vst v5;
	vm0 =	vlt.s32 v2, $0xF41FF  }
0xac: {  	[tilespmem:s28+$0x7C00] =	vst v4;
	vm1 =	vlt.s32 v9, $0xF41FF;
	v2 =	vnsel vm0, $0xF41FF, v2  }
0xad: {  	[tilespmem:s28+$0x7E00] =	vst v3;
	v60 =	vnsel vm1, $0xF41FF, v9;
	v61 =	vshll.u32 v2, $0x3  }
0xae: {  	[tilespmem:s28+$0x8000] =	vst v1;
	v2 =	vand.u32 $0x7F, v2;
	v3 =	vshll.u32 v60, $0x3;
	v5 =	vand.u32 $0xFFFFFC00, v61  }
0xaf: {  	[tilespmem:s28+$0x400] =	vst v0;
	v1 =	vand.u32 $0xFFFFFC00, v3;
	v3 =	vand.u32 $0x7F, v60;
	v2 =	vor.u32 v2, v5  }
0xb0: {  	v0 =	vor.u32 v3, v1;
	[tilespmem:s30+$0x4400] =	vst v2;
	v1 =	vadd.s32 $0x16E3380, v2  }
0xb1: {  	[tilespmem:s30+$0x8200] =	vst v1  }
0xb2: {  	v3 =	vor.u32 $0x80, v0;
	[tilespmem:s30+$0x400] =	vst v0  }
0xb3: {  	v1 =	vor.u32 $0x100, v0;
	[tilespmem:s30+$0x600] =	vst v3  }
0xb4: {  	[tilespmem:s30+$0x800] =	vst v1;
	v1 =	vor.u32 $0x380, v0  }
0xb5: {  	v3 =	vor.u32 $0x180, v0;
	[tilespmem:s30+$0x1200] =	vst v1  }
0xb6: {  	v1 =	vadd.s32 $0x7A1380, v0;
	[tilespmem:s30+$0xA00] =	vst v3  }
0xb7: {  	v3 =	vor.u32 $0x200, v0;
	[tilespmem:s30+$0x2200] =	vst v1  }
0xb8: {  	[tilespmem:s30+$0xC00] =	vst v3;
	v1 =	vadd.s32 $0xF42380, v0  }
0xb9: {  	v3 =	vor.u32 $0x280, v0;
	[tilespmem:s30+$0x3200] =	vst v1  }
0xba: {  	v1 =	vor.u32 $0x300, v0;
	[tilespmem:s30+$0xE00] =	vst v3  }
0xbb: {  	v3 =	vadd.s32 $0x7A1000, v0;
	[tilespmem:s30+$0x1000] =	vst v1  }
0xbc: {  	v1 =	vadd.s32 $0x7A1080, v0;
	[tilespmem:s30+$0x1400] =	vst v3  }
0xbd: {  	v3 =	vadd.s32 $0x7A1100, v0;
	[tilespmem:s30+$0x1600] =	vst v1  }
0xbe: {  	v1 =	vadd.s32 $0x7A1180, v0;
	[tilespmem:s30+$0x1800] =	vst v3  }
0xbf: {  	v3 =	vadd.s32 $0x7A1200, v0;
	[tilespmem:s30+$0x1A00] =	vst v1  }
0xc0: {  	v1 =	vadd.s32 $0x7A1280, v0;
	[tilespmem:s30+$0x1C00] =	vst v3  }
0xc1: {  	v3 =	vadd.s32 $0x7A1300, v0;
	[tilespmem:s30+$0x1E00] =	vst v1  }
0xc2: {  	v1 =	vadd.s32 $0xF42000, v0;
	[tilespmem:s30+$0x2000] =	vst v3  }
0xc3: {  	v3 =	vadd.s32 $0xF42080, v0;
	[tilespmem:s30+$0x2400] =	vst v1  }
0xc4: {  	v1 =	vadd.s32 $0xF42100, v0;
	[tilespmem:s30+$0x2600] =	vst v3  }
0xc5: {  	v3 =	vadd.s32 $0xF42180, v0;
	[tilespmem:s30+$0x2800] =	vst v1  }
0xc6: {  	v1 =	vadd.s32 $0xF42200, v0;
	[tilespmem:s30+$0x2A00] =	vst v3  }
0xc7: {  	v3 =	vadd.s32 $0xF42280, v0;
	[tilespmem:s30+$0x2C00] =	vst v1  }
0xc8: {  	v1 =	vadd.s32 $0xF42300, v0;
	[tilespmem:s30+$0x2E00] =	vst v3  }
0xc9: {  	v3 =	vadd.s32 $0x16E3000, v0;
	[tilespmem:s30+$0x3000] =	vst v1  }
0xca: {  	v1 =	vadd.s32 $0x16E3080, v0;
	[tilespmem:s30+$0x3400] =	vst v3  }
0xcb: {  	v3 =	vadd.s32 $0x16E3100, v0;
	[tilespmem:s30+$0x3600] =	vst v1  }
0xcc: {  	v1 =	vadd.s32 $0x16E3180, v0;
	[tilespmem:s30+$0x3800] =	vst v3  }
0xcd: {  	v3 =	vadd.s32 $0x16E3200, v0;
	[tilespmem:s30+$0x3A00] =	vst v1  }
0xce: {  	v1 =	vadd.s32 $0x16E3280, v0;
	[tilespmem:s30+$0x3C00] =	vst v3  }
0xcf: {  	v3 =	vadd.s32 $0x16E3300, v0;
	[tilespmem:s30+$0x3E00] =	vst v1  }
0xd0: {  	v1 =	vadd.s32 $0x16E3380, v0;
	[tilespmem:s30+$0x4000] =	vst v3  }
0xd1: {  	v3 =	vor.u32 $0x80, v2;
	[tilespmem:s30+$0x4200] =	vst v1  }
0xd2: {  	v1 =	vor.u32 $0x100, v2;
	[tilespmem:s30+$0x4600] =	vst v3  }
0xd3: {  	v3 =	vor.u32 $0x180, v2;
	[tilespmem:s30+$0x4800] =	vst v1  }
0xd4: {  	v1 =	vor.u32 $0x200, v2;
	[tilespmem:s30+$0x4A00] =	vst v3  }
0xd5: {  	v3 =	vor.u32 $0x280, v2;
	[tilespmem:s30+$0x4C00] =	vst v1  }
0xd6: {  	v1 =	vor.u32 $0x300, v2;
	[tilespmem:s30+$0x4E00] =	vst v3  }
0xd7: {  	v3 =	vor.u32 $0x380, v2;
	[tilespmem:s30+$0x5000] =	vst v1  }
0xd8: {  	v1 =	vadd.s32 $0x7A1000, v2;
	[tilespmem:s30+$0x5200] =	vst v3  }
0xd9: {  	v3 =	vadd.s32 $0x7A1080, v2;
	[tilespmem:s30+$0x5400] =	vst v1  }
0xda: {  	v1 =	vadd.s32 $0x7A1100, v2;
	[tilespmem:s30+$0x5600] =	vst v3  }
0xdb: {  	v3 =	vadd.s32 $0x7A1180, v2;
	[tilespmem:s30+$0x5800] =	vst v1  }
0xdc: {  	v1 =	vadd.s32 $0x7A1200, v2;
	[tilespmem:s30+$0x5A00] =	vst v3  }
0xdd: {  	v3 =	vadd.s32 $0x7A1280, v2;
	[tilespmem:s30+$0x5C00] =	vst v1  }
0xde: {  	v1 =	vadd.s32 $0x7A1300, v2;
	[tilespmem:s30+$0x5E00] =	vst v3  }
0xdf: {  	v3 =	vadd.s32 $0x7A1380, v2;
	[tilespmem:s30+$0x6000] =	vst v1  }
0xe0: {  	v1 =	vadd.s32 $0xF42000, v2;
	[tilespmem:s30+$0x6200] =	vst v3  }
0xe1: {  	v3 =	vadd.s32 $0xF42080, v2;
	[tilespmem:s30+$0x6400] =	vst v1  }
0xe2: {  	v1 =	vadd.s32 $0xF42100, v2;
	[tilespmem:s30+$0x6600] =	vst v3  }
0xe3: {  	v3 =	vadd.s32 $0xF42180, v2;
	[tilespmem:s30+$0x6800] =	vst v1  }
0xe4: {  	v1 =	vadd.s32 $0xF42200, v2;
	[tilespmem:s30+$0x6A00] =	vst v3  }
0xe5: {  	v3 =	vadd.s32 $0xF42280, v2;
	[tilespmem:s30+$0x6C00] =	vst v1  }
0xe6: {  	v1 =	vadd.s32 $0xF42300, v2;
	[tilespmem:s30+$0x6E00] =	vst v3  }
0xe7: {  	v3 =	vadd.s32 $0xF42380, v2;
	[tilespmem:s30+$0x7000] =	vst v1  }
0xe8: {  	v1 =	vadd.s32 $0x16E3000, v2;
	[tilespmem:s30+$0x7200] =	vst v3  }
0xe9: {  	v3 =	vadd.s32 $0x16E3080, v2;
	[tilespmem:s30+$0x7400] =	vst v1  }
0xea: {  	v1 =	vadd.s32 $0x16E3100, v2;
	[tilespmem:s30+$0x7600] =	vst v3  }
0xeb: {  	v3 =	vadd.s32 $0x16E3180, v2;
	[tilespmem:s30+$0x7800] =	vst v1  }
0xec: {  	v1 =	vadd.s32 $0x16E3200, v2;
	[tilespmem:s30+$0x7A00] =	vst v3  }
0xed: {  	v3 =	vadd.s32 $0x16E3280, v2;
	[tilespmem:s30+$0x7C00] =	vst v1  }
0xee: {  	v1 =	vadd.s32 $0x16E3300, v2;
	[tilespmem:s30+$0x7E00] =	vst v3  }
0xef: {  	s28 =	simm.s32 $0x400;
	[tilespmem:s30+$0x8000] =	vst v1  }
0xf0: {  	[tilespmem:s17], [sflag:$0x1] =	stream.indirect.gather [hbm4b:s3+s13], $0x1, s28, s13, $0xb8;
	[tilespmem:$0x11400] =	vst v63  }
0xf1: {  	s28 =	simm.s32 $0x4400  }
0xf2: {  	[tilespmem:s19], [sflag:$0x2] =	stream.indirect.gather [hbm4b:s4+s13], $0x1, s28, s13, $0xb8;
	[tilespmem:$0x11400] =	vst v63  }
0xf3: {  	s29 =	simm.s32 $0x8600;
	s28 =	simm.s32 $0x600  }
0xf4: {  	[tilespmem:s29], [sflag:$0x1] =	stream.indirect.gather [hbm4b:s3+s13], $0x1, s28, s13, $0xb8;
	[tilespmem:$0x11400] =	vst v63  }
0xf5: {  	s28 =	simm.s32 $0x4600;
	s29 =	simm.s32 $0xC600  }
0xf6: {  	[tilespmem:s29], [sflag:$0x2] =	stream.indirect.gather [hbm4b:s4+s13], $0x1, s28, s13, $0xb8;
	[tilespmem:$0x11400] =	vst v63  }
0xf7: {  	s28 =	simm.s32 $0x800;
	s29 =	simm.s32 $0x8800  }
0xf8: {  	[tilespmem:s29], [sflag:$0x1] =	stream.indirect.gather [hbm4b:s3+s13], $0x1, s28, s13, $0xb8;
	[tilespmem:$0x11400] =	vst v63  }
0xf9: {  	s28 =	simm.s32 $0x4800;
	s29 =	simm.s32 $0xC800  }
0xfa: {  	[tilespmem:s29], [sflag:$0x2] =	stream.indirect.gather [hbm4b:s4+s13], $0x1, s28, s13, $0xb8;
	[tilespmem:$0x11400] =	vst v63  }
0xfb: {  	s28 =	simm.s32 $0xA00;
	s29 =	simm.s32 $0x8A00  }
0xfc: {  	[tilespmem:s29], [sflag:$0x1] =	stream.indirect.gather [hbm4b:s3+s13], $0x1, s28, s13, $0xb8;
	[tilespmem:$0x11400] =	vst v63  }
0xfd: {  	s28 =	simm.s32 $0x4A00;
	s29 =	simm.s32 $0xCA00  }
0xfe: {  	[tilespmem:s29], [sflag:$0x2] =	stream.indirect.gather [hbm4b:s4+s13], $0x1, s28, s13, $0xb8;
	[tilespmem:$0x11400] =	vst v63  }
0xff: {  	s28 =	simm.s32 $0xC00;
	s29 =	simm.s32 $0x8C00  }
0x100: {  	[tilespmem:s29], [sflag:$0x1] =	stream.indirect.gather [hbm4b:s3+s13], $0x1, s28, s13, $0xb8;
	[tilespmem:$0x11400] =	vst v63  }
0x101: {  	s28 =	simm.s32 $0x4C00;
	s29 =	simm.s32 $0xCC00  }
0x102: {  	[tilespmem:s29], [sflag:$0x2] =	stream.indirect.gather [hbm4b:s4+s13], $0x1, s28, s13, $0xb8;
	[tilespmem:$0x11400] =	vst v63  }
0x103: {  	s28 =	simm.s32 $0xE00;
	s29 =	simm.s32 $0x8E00  }
0x104: {  	[tilespmem:s29], [sflag:$0x1] =	stream.indirect.gather [hbm4b:s3+s13], $0x1, s28, s13, $0xb8;
	[tilespmem:$0x11400] =	vst v63  }
0x105: {  	s28 =	simm.s32 $0x4E00;
	s29 =	simm.s32 $0xCE00  }
0x106: {  	[tilespmem:s29], [sflag:$0x2] =	stream.indirect.gather [hbm4b:s4+s13], $0x1, s28, s13, $0xb8;
	[tilespmem:$0x11400] =	vst v63  }
0x107: {  	s28 =	simm.s32 $0x1000;
	s29 =	simm.s32 $0x9000  }
0x108: {  	[tilespmem:s29], [sflag:$0x1] =	stream.indirect.gather [hbm4b:s3+s13], $0x1, s28, s13, $0xb8;
	[tilespmem:$0x11400] =	vst v63  }
0x109: {  	s28 =	simm.s32 $0x5000;
	s29 =	simm.s32 $0xD000  }
0x10a: {  	[tilespmem:s29], [sflag:$0x2] =	stream.indirect.gather [hbm4b:s4+s13], $0x1, s28, s13, $0xb8;
	[tilespmem:$0x11400] =	vst v63  }
0x10b: {  	s28 =	simm.s32 $0x1200;
	s29 =	simm.s32 $0x9200  }
0x10c: {  	[tilespmem:s29], [sflag:$0x1] =	stream.indirect.gather [hbm4b:s3+s13], $0x1, s28, s13, $0xb8;
	[tilespmem:$0x11400] =	vst v63  }
0x10d: {  	s28 =	simm.s32 $0x5200;
	s29 =	simm.s32 $0xD200  }
0x10e: {  	[tilespmem:s29], [sflag:$0x2] =	stream.indirect.gather [hbm4b:s4+s13], $0x1, s28, s13, $0xb8;
	[tilespmem:$0x11400] =	vst v63  }
0x10f: {  	s28 =	simm.s32 $0x1400;
	s29 =	simm.s32 $0x9400  }
0x110: {  	[tilespmem:s29], [sflag:$0x1] =	stream.indirect.gather [hbm4b:s3+s13], $0x1, s28, s13, $0xb8;
	[tilespmem:$0x11400] =	vst v63  }
0x111: {  	s28 =	simm.s32 $0x5400;
	s29 =	simm.s32 $0xD400  }
0x112: {  	[tilespmem:s29], [sflag:$0x2] =	stream.indirect.gather [hbm4b:s4+s13], $0x1, s28, s13, $0xb8;
	[tilespmem:$0x11400] =	vst v63  }
0x113: {  	s28 =	simm.s32 $0x1600;
	s29 =	simm.s32 $0x9600  }
0x114: {  	[tilespmem:s29], [sflag:$0x1] =	stream.indirect.gather [hbm4b:s3+s13], $0x1, s28, s13, $0xb8;
	[tilespmem:$0x11400] =	vst v63  }
0x115: {  	s28 =	simm.s32 $0x5600;
	s29 =	simm.s32 $0xD600  }
0x116: {  	[tilespmem:s29], [sflag:$0x2] =	stream.indirect.gather [hbm4b:s4+s13], $0x1, s28, s13, $0xb8;
	[tilespmem:$0x11400] =	vst v63  }
0x117: {  	s28 =	simm.s32 $0x1800;
	s29 =	simm.s32 $0x9800  }
0x118: {  	[tilespmem:s29], [sflag:$0x1] =	stream.indirect.gather [hbm4b:s3+s13], $0x1, s28, s13, $0xb8;
	[tilespmem:$0x11400] =	vst v63  }
0x119: {  	s28 =	simm.s32 $0x5800;
	s29 =	simm.s32 $0xD800  }
0x11a: {  	[tilespmem:s29], [sflag:$0x2] =	stream.indirect.gather [hbm4b:s4+s13], $0x1, s28, s13, $0xb8;
	[tilespmem:$0x11400] =	vst v63  }
0x11b: {  	s28 =	simm.s32 $0x1A00;
	s29 =	simm.s32 $0x9A00  }
0x11c: {  	[tilespmem:s29], [sflag:$0x1] =	stream.indirect.gather [hbm4b:s3+s13], $0x1, s28, s13, $0xb8;
	[tilespmem:$0x11400] =	vst v63  }
0x11d: {  	s28 =	simm.s32 $0x5A00;
	s29 =	simm.s32 $0xDA00  }
0x11e: {  	[tilespmem:s29], [sflag:$0x2] =	stream.indirect.gather [hbm4b:s4+s13], $0x1, s28, s13, $0xb8;
	[tilespmem:$0x11400] =	vst v63  }
0x11f: {  	s28 =	simm.s32 $0x1C00;
	s29 =	simm.s32 $0x9C00  }
0x120: {  	[tilespmem:s29], [sflag:$0x1] =	stream.indirect.gather [hbm4b:s3+s13], $0x1, s28, s13, $0xb8;
	[tilespmem:$0x11400] =	vst v63  }
0x121: {  	s28 =	simm.s32 $0x5C00;
	s29 =	simm.s32 $0xDC00  }
0x122: {  	[tilespmem:s29], [sflag:$0x2] =	stream.indirect.gather [hbm4b:s4+s13], $0x1, s28, s13, $0xb8;
	[tilespmem:$0x11400] =	vst v63  }
0x123: {  	s28 =	simm.s32 $0x1E00;
	s29 =	simm.s32 $0x9E00  }
0x124: {  	[tilespmem:s29], [sflag:$0x1] =	stream.indirect.gather [hbm4b:s3+s13], $0x1, s28, s13, $0xb8;
	[tilespmem:$0x11400] =	vst v63  }
0x125: {  	s28 =	simm.s32 $0x5E00;
	s29 =	simm.s32 $0xDE00  }
0x126: {  	[tilespmem:s29], [sflag:$0x2] =	stream.indirect.gather [hbm4b:s4+s13], $0x1, s28, s13, $0xb8;
	[tilespmem:$0x11400] =	vst v63  }
0x127: {  	s28 =	simm.s32 $0x2000;
	s29 =	simm.s32 $0xA000  }
0x128: {  	[tilespmem:s29], [sflag:$0x1] =	stream.indirect.gather [hbm4b:s3+s13], $0x1, s28, s13, $0xb8;
	[tilespmem:$0x11400] =	vst v63  }
0x129: {  	s28 =	simm.s32 $0x6000;
	s29 =	simm.s32 $0xE000  }
0x12a: {  	[tilespmem:s29], [sflag:$0x2] =	stream.indirect.gather [hbm4b:s4+s13], $0x1, s28, s13, $0xb8;
	[tilespmem:$0x11400] =	vst v63  }
0x12b: {  	s28 =	simm.s32 $0x2200;
	s29 =	simm.s32 $0xA200  }
0x12c: {  	[tilespmem:s29], [sflag:$0x1] =	stream.indirect.gather [hbm4b:s3+s13], $0x1, s28, s13, $0xb8;
	[tilespmem:$0x11400] =	vst v63  }
0x12d: {  	s28 =	simm.s32 $0x6200;
	s29 =	simm.s32 $0xE200  }
0x12e: {  	[tilespmem:s29], [sflag:$0x2] =	stream.indirect.gather [hbm4b:s4+s13], $0x1, s28, s13, $0xb8;
	[tilespmem:$0x11400] =	vst v63  }
0x12f: {  	s28 =	simm.s32 $0x2400;
	s29 =	simm.s32 $0xA400  }
0x130: {  	[tilespmem:s29], [sflag:$0x1] =	stream.indirect.gather [hbm4b:s3+s13], $0x1, s28, s13, $0xb8;
	[tilespmem:$0x11400] =	vst v63  }
0x131: {  	s28 =	simm.s32 $0x6400;
	s29 =	simm.s32 $0xE400  }
0x132: {  	[tilespmem:s29], [sflag:$0x2] =	stream.indirect.gather [hbm4b:s4+s13], $0x1, s28, s13, $0xb8;
	[tilespmem:$0x11400] =	vst v63  }
0x133: {  	s28 =	simm.s32 $0x2600;
	s29 =	simm.s32 $0xA600  }
0x134: {  	[tilespmem:s29], [sflag:$0x1] =	stream.indirect.gather [hbm4b:s3+s13], $0x1, s28, s13, $0xb8;
	[tilespmem:$0x11400] =	vst v63  }
0x135: {  	s28 =	simm.s32 $0x6600;
	s29 =	simm.s32 $0xE600  }
0x136: {  	[tilespmem:s29], [sflag:$0x2] =	stream.indirect.gather [hbm4b:s4+s13], $0x1, s28, s13, $0xb8;
	[tilespmem:$0x11400] =	vst v63  }
0x137: {  	s28 =	simm.s32 $0x2800;
	s29 =	simm.s32 $0xA800  }
0x138: {  	[tilespmem:s29], [sflag:$0x1] =	stream.indirect.gather [hbm4b:s3+s13], $0x1, s28, s13, $0xb8;
	[tilespmem:$0x11400] =	vst v63  }
0x139: {  	s28 =	simm.s32 $0x6800;
	s29 =	simm.s32 $0xE800  }
0x13a: {  	[tilespmem:s29], [sflag:$0x2] =	stream.indirect.gather [hbm4b:s4+s13], $0x1, s28, s13, $0xb8;
	[tilespmem:$0x11400] =	vst v63  }
0x13b: {  	s28 =	simm.s32 $0x2A00;
	s29 =	simm.s32 $0xAA00  }
0x13c: {  	[tilespmem:s29], [sflag:$0x1] =	stream.indirect.gather [hbm4b:s3+s13], $0x1, s28, s13, $0xb8;
	[tilespmem:$0x11400] =	vst v63  }
0x13d: {  	s28 =	simm.s32 $0x6A00;
	s29 =	simm.s32 $0xEA00  }
0x13e: {  	[tilespmem:s29], [sflag:$0x2] =	stream.indirect.gather [hbm4b:s4+s13], $0x1, s28, s13, $0xb8;
	[tilespmem:$0x11400] =	vst v63  }
0x13f: {  	s28 =	simm.s32 $0x2C00;
	s29 =	simm.s32 $0xAC00  }
0x140: {  	[tilespmem:s29], [sflag:$0x1] =	stream.indirect.gather [hbm4b:s3+s13], $0x1, s28, s13, $0xb8;
	[tilespmem:$0x11400] =	vst v63  }
0x141: {  	s28 =	simm.s32 $0x6C00;
	s29 =	simm.s32 $0xEC00  }
0x142: {  	[tilespmem:s29], [sflag:$0x2] =	stream.indirect.gather [hbm4b:s4+s13], $0x1, s28, s13, $0xb8;
	[tilespmem:$0x11400] =	vst v63  }
0x143: {  	s28 =	simm.s32 $0x2E00;
	s29 =	simm.s32 $0xAE00  }
0x144: {  	[tilespmem:s29], [sflag:$0x1] =	stream.indirect.gather [hbm4b:s3+s13], $0x1, s28, s13, $0xb8;
	[tilespmem:$0x11400] =	vst v63  }
0x145: {  	s28 =	simm.s32 $0x6E00;
	s29 =	simm.s32 $0xEE00  }
0x146: {  	[tilespmem:s29], [sflag:$0x2] =	stream.indirect.gather [hbm4b:s4+s13], $0x1, s28, s13, $0xb8;
	[tilespmem:$0x11400] =	vst v63  }
0x147: {  	s28 =	simm.s32 $0x3000;
	s29 =	simm.s32 $0xB000  }
0x148: {  	[tilespmem:s29], [sflag:$0x1] =	stream.indirect.gather [hbm4b:s3+s13], $0x1, s28, s13, $0xb8;
	[tilespmem:$0x11400] =	vst v63  }
0x149: {  	s28 =	simm.s32 $0x7000;
	s29 =	simm.s32 $0xF000  }
0x14a: {  	[tilespmem:s29], [sflag:$0x2] =	stream.indirect.gather [hbm4b:s4+s13], $0x1, s28, s13, $0xb8;
	[tilespmem:$0x11400] =	vst v63  }
0x14b: {  	s28 =	simm.s32 $0x3200;
	s29 =	simm.s32 $0xB200  }
0x14c: {  	[tilespmem:s29], [sflag:$0x1] =	stream.indirect.gather [hbm4b:s3+s13], $0x1, s28, s13, $0xb8;
	[tilespmem:$0x11400] =	vst v63  }
0x14d: {  	s28 =	simm.s32 $0x7200;
	s29 =	simm.s32 $0xF200  }
0x14e: {  	[tilespmem:s29], [sflag:$0x2] =	stream.indirect.gather [hbm4b:s4+s13], $0x1, s28, s13, $0xb8;
	[tilespmem:$0x11400] =	vst v63  }
0x14f: {  	s28 =	simm.s32 $0x3400;
	s29 =	simm.s32 $0xB400  }
0x150: {  	[tilespmem:s29], [sflag:$0x1] =	stream.indirect.gather [hbm4b:s3+s13], $0x1, s28, s13, $0xb8;
	[tilespmem:$0x11400] =	vst v63  }
0x151: {  	s28 =	simm.s32 $0x7400;
	s29 =	simm.s32 $0xF400  }
0x152: {  	[tilespmem:s29], [sflag:$0x2] =	stream.indirect.gather [hbm4b:s4+s13], $0x1, s28, s13, $0xb8;
	[tilespmem:$0x11400] =	vst v63  }
0x153: {  	s28 =	simm.s32 $0x3600;
	s29 =	simm.s32 $0xB600  }
0x154: {  	[tilespmem:s29], [sflag:$0x1] =	stream.indirect.gather [hbm4b:s3+s13], $0x1, s28, s13, $0xb8;
	[tilespmem:$0x11400] =	vst v63  }
0x155: {  	s28 =	simm.s32 $0x7600;
	s29 =	simm.s32 $0xF600  }
0x156: {  	[tilespmem:s29], [sflag:$0x2] =	stream.indirect.gather [hbm4b:s4+s13], $0x1, s28, s13, $0xb8;
	[tilespmem:$0x11400] =	vst v63  }
0x157: {  	s28 =	simm.s32 $0x3800;
	s29 =	simm.s32 $0xB800  }
0x158: {  	[tilespmem:s29], [sflag:$0x1] =	stream.indirect.gather [hbm4b:s3+s13], $0x1, s28, s13, $0xb8;
	[tilespmem:$0x11400] =	vst v63  }
0x159: {  	s28 =	simm.s32 $0x7800;
	s29 =	simm.s32 $0xF800  }
0x15a: {  	[tilespmem:s29], [sflag:$0x2] =	stream.indirect.gather [hbm4b:s4+s13], $0x1, s28, s13, $0xb8;
	[tilespmem:$0x11400] =	vst v63  }
0x15b: {  	s28 =	simm.s32 $0x3A00;
	s29 =	simm.s32 $0xBA00  }
0x15c: {  	[tilespmem:s29], [sflag:$0x1] =	stream.indirect.gather [hbm4b:s3+s13], $0x1, s28, s13, $0xb8;
	[tilespmem:$0x11400] =	vst v63  }
0x15d: {  	s28 =	simm.s32 $0x7A00;
	s29 =	simm.s32 $0xFA00  }
0x15e: {  	[tilespmem:s29], [sflag:$0x2] =	stream.indirect.gather [hbm4b:s4+s13], $0x1, s28, s13, $0xb8;
	[tilespmem:$0x11400] =	vst v63  }
0x15f: {  	s28 =	simm.s32 $0x3C00;
	s29 =	simm.s32 $0xBC00  }
0x160: {  	[tilespmem:s29], [sflag:$0x1] =	stream.indirect.gather [hbm4b:s3+s13], $0x1, s28, s13, $0xb8;
	[tilespmem:$0x11400] =	vst v63  }
0x161: {  	s28 =	simm.s32 $0x7C00;
	s29 =	simm.s32 $0xFC00  }
0x162: {  	[tilespmem:s29], [sflag:$0x2] =	stream.indirect.gather [hbm4b:s4+s13], $0x1, s28, s13, $0xb8;
	[tilespmem:$0x11400] =	vst v63  }
0x163: {  	s28 =	simm.s32 $0x3E00;
	s29 =	simm.s32 $0xBE00  }
0x164: {  	[tilespmem:s29], [sflag:$0x1] =	stream.indirect.gather [hbm4b:s3+s13], $0x1, s28, s13, $0xb8;
	[tilespmem:$0x11400] =	vst v63  }
0x165: {  	s28 =	simm.s32 $0x7E00  }
0x166: {  	[tilespmem:s31], [sflag:$0x2] =	stream.indirect.gather [hbm4b:s4+s13], $0x1, s28, s13, $0xb8;
	[tilespmem:$0x11400] =	vst v63  }
0x167: {  	_ = 	snop  }
0x168: {  	[tilespmem:s1], [sflag:$0x1] =	stream.indirect.gather [hbm4b:s3+s13], $0x1, s0, s13, $0xb8;
	[tilespmem:$0x11400] =	vst v63  }
0x169: {  	_ = 	snop  }
0x16a: {  	[tilespmem:s18], [sflag:$0x2] =	stream.indirect.gather [hbm4b:s4+s13], $0x1, s16, s13, $0xb8;
	[tilespmem:$0x11400] =	vst v63  }
0x16b: {  	_ = 	snop  }
0x16c: {  	[tilespmem:s21], [sflag:$0x1] =	stream.indirect.gather [hbm4b:s3+s13], $0x1, s20, s13, $0xb8;
	[tilespmem:$0x11400] =	vst v63  }
0x16d: {  	_ = 	snop  }
0x16e: {  	[tilespmem:s23], [sflag:$0x2] =	stream.indirect.gather [hbm4b:s4+s13], $0x1, s22, s13, $0xb8;
	[tilespmem:$0x11400] =	vst v63  }
0x16f: {  	_ =	swait.ge [sflag:s24], $0x200  }
0x170: {  	[sflag:s24] =	ssyncset.done $0x0  }
0x171: {  	[sflag:s24] =	ssyncadd.s32 $0xFFFFFE00  }
0x172: {  	_ =	swait.ge [sflag:s25], $0x200  }
0x173: {  	[sflag:s25] =	ssyncset.done $0x0  }
0x174: {  	[sflag:s25] =	ssyncadd.s32 $0xFFFFFE00  }
0x175: {  	_ =	swait.ge [sflag:s24], $0x200  }
0x176: {  	[sflag:s24] =	ssyncset.done $0x0  }
0x177: {  	[sflag:s24] =	ssyncadd.s32 $0xFFFFFE00  }
0x178: {  	_ =	swait.ge [sflag:s25], $0x200  }
0x179: {  	[sflag:s25] =	ssyncset.done $0x0  }
0x17a: {  	[sflag:s25] =	ssyncadd.s32 $0xFFFFFE00  }
0x17b: {  	_ =	swait.ge [sflag:s24], $0x200  }
0x17c: {  	[sflag:s24] =	ssyncset.done $0x0  }
0x17d: {  	[sflag:s24] =	ssyncadd.s32 $0xFFFFFE00  }
0x17e: {  	_ =	swait.ge [sflag:s25], $0x200  }
0x17f: {  	[sflag:s25] =	ssyncset.done $0x0  }
0x180: {  	[sflag:s25] =	ssyncadd.s32 $0xFFFFFE00  }
0x181: {  	_ =	swait.ge [sflag:s24], $0x200  }
0x182: {  	[sflag:s24] =	ssyncset.done $0x0  }
0x183: {  	[sflag:s24] =	ssyncadd.s32 $0xFFFFFE00  }
0x184: {  	_ =	swait.ge [sflag:s25], $0x200  }
0x185: {  	[sflag:s25] =	ssyncset.done $0x0  }
0x186: {  	[sflag:s25] =	ssyncadd.s32 $0xFFFFFE00  }
0x187: {  	_ =	swait.ge [sflag:s24], $0x200  }
0x188: {  	[sflag:s24] =	ssyncset.done $0x0  }
0x189: {  	[sflag:s24] =	ssyncadd.s32 $0xFFFFFE00  }
0x18a: {  	_ =	swait.ge [sflag:s25], $0x200  }
0x18b: {  	[sflag:s25] =	ssyncset.done $0x0  }
0x18c: {  	[sflag:s25] =	ssyncadd.s32 $0xFFFFFE00  }
0x18d: {  	_ =	swait.ge [sflag:s24], $0x200  }
0x18e: {  	[sflag:s24] =	ssyncset.done $0x0  }
0x18f: {  	[sflag:s24] =	ssyncadd.s32 $0xFFFFFE00  }
0x190: {  	_ =	swait.ge [sflag:s25], $0x200  }
0x191: {  	[sflag:s25] =	ssyncset.done $0x0  }
0x192: {  	[sflag:s25] =	ssyncadd.s32 $0xFFFFFE00  }
0x193: {  	_ =	swait.ge [sflag:s24], $0x200  }
0x194: {  	[sflag:s24] =	ssyncset.done $0x0  }
0x195: {  	[sflag:s24] =	ssyncadd.s32 $0xFFFFFE00  }
0x196: {  	_ =	swait.ge [sflag:s25], $0x200  }
0x197: {  	[sflag:s25] =	ssyncset.done $0x0  }
0x198: {  	[sflag:s25] =	ssyncadd.s32 $0xFFFFFE00  }
0x199: {  	_ =	swait.ge [sflag:s24], $0x200  }
0x19a: {  	[sflag:s24] =	ssyncset.done $0x0  }
0x19b: {  	[sflag:s24] =	ssyncadd.s32 $0xFFFFFE00  }
0x19c: {  	_ =	swait.ge [sflag:s25], $0x200  }
0x19d: {  	[sflag:s25] =	ssyncset.done $0x0  }
0x19e: {  	[sflag:s25] =	ssyncadd.s32 $0xFFFFFE00  }
0x19f: {  	_ =	swait.ge [sflag:s24], $0x200  }
0x1a0: {  	[sflag:s24] =	ssyncset.done $0x0  }
0x1a1: {  	[sflag:s24] =	ssyncadd.s32 $0xFFFFFE00  }
0x1a2: {  	_ =	swait.ge [sflag:s25], $0x200  }
0x1a3: {  	[sflag:s25] =	ssyncset.done $0x0  }
0x1a4: {  	[sflag:s25] =	ssyncadd.s32 $0xFFFFFE00  }
0x1a5: {  	_ =	swait.ge [sflag:s24], $0x200  }
0x1a6: {  	[sflag:s24] =	ssyncset.done $0x0  }
0x1a7: {  	[sflag:s24] =	ssyncadd.s32 $0xFFFFFE00  }
0x1a8: {  	_ =	swait.ge [sflag:s25], $0x200  }
0x1a9: {  	[sflag:s25] =	ssyncset.done $0x0  }
0x1aa: {  	[sflag:s25] =	ssyncadd.s32 $0xFFFFFE00  }
0x1ab: {  	_ =	swait.ge [sflag:s24], $0x200  }
0x1ac: {  	[sflag:s24] =	ssyncset.done $0x0  }
0x1ad: {  	[sflag:s24] =	ssyncadd.s32 $0xFFFFFE00  }
0x1ae: {  	_ =	swait.ge [sflag:s25], $0x200  }
0x1af: {  	[sflag:s25] =	ssyncset.done $0x0  }
0x1b0: {  	[sflag:s25] =	ssyncadd.s32 $0xFFFFFE00  }
0x1b1: {  	_ =	swait.ge [sflag:s24], $0x200  }
0x1b2: {  	[sflag:s24] =	ssyncset.done $0x0  }
0x1b3: {  	[sflag:s24] =	ssyncadd.s32 $0xFFFFFE00  }
0x1b4: {  	_ =	swait.ge [sflag:s25], $0x200  }
0x1b5: {  	[sflag:s25] =	ssyncset.done $0x0  }
0x1b6: {  	[sflag:s25] =	ssyncadd.s32 $0xFFFFFE00  }
0x1b7: {  	_ =	swait.ge [sflag:s24], $0x200  }
0x1b8: {  	[sflag:s24] =	ssyncset.done $0x0  }
0x1b9: {  	[sflag:s24] =	ssyncadd.s32 $0xFFFFFE00  }
0x1ba: {  	_ =	swait.ge [sflag:s25], $0x200  }
0x1bb: {  	[sflag:s25] =	ssyncset.done $0x0  }
0x1bc: {  	[sflag:s25] =	ssyncadd.s32 $0xFFFFFE00  }
0x1bd: {  	_ =	swait.ge [sflag:s24], $0x200  }
0x1be: {  	[sflag:s24] =	ssyncset.done $0x0  }
0x1bf: {  	[sflag:s24] =	ssyncadd.s32 $0xFFFFFE00  }
0x1c0: {  	_ =	swait.ge [sflag:s25], $0x200  }
0x1c1: {  	[sflag:s25] =	ssyncset.done $0x0  }
0x1c2: {  	[sflag:s25] =	ssyncadd.s32 $0xFFFFFE00  }
0x1c3: {  	_ =	swait.ge [sflag:s24], $0x200  }
0x1c4: {  	[sflag:s24] =	ssyncset.done $0x0  }
0x1c5: {  	[sflag:s24] =	ssyncadd.s32 $0xFFFFFE00  }
0x1c6: {  	_ =	swait.ge [sflag:s25], $0x200  }
0x1c7: {  	[sflag:s25] =	ssyncset.done $0x0  }
0x1c8: {  	[sflag:s25] =	ssyncadd.s32 $0xFFFFFE00  }
0x1c9: {  	_ =	swait.ge [sflag:s24], $0x200  }
0x1ca: {  	[sflag:s24] =	ssyncset.done $0x0  }
0x1cb: {  	[sflag:s24] =	ssyncadd.s32 $0xFFFFFE00  }
0x1cc: {  	_ =	swait.ge [sflag:s25], $0x200  }
0x1cd: {  	[sflag:s25] =	ssyncset.done $0x0  }
0x1ce: {  	[sflag:s25] =	ssyncadd.s32 $0xFFFFFE00  }
0x1cf: {  	_ =	swait.ge [sflag:s24], $0x200  }
0x1d0: {  	[sflag:s24] =	ssyncset.done $0x0  }
0x1d1: {  	[sflag:s24] =	ssyncadd.s32 $0xFFFFFE00  }
0x1d2: {  	_ =	swait.ge [sflag:s25], $0x200  }
0x1d3: {  	[sflag:s25] =	ssyncset.done $0x0  }
0x1d4: {  	[sflag:s25] =	ssyncadd.s32 $0xFFFFFE00  }
0x1d5: {  	_ =	swait.ge [sflag:s24], $0x200  }
0x1d6: {  	[sflag:s24] =	ssyncset.done $0x0  }
0x1d7: {  	[sflag:s24] =	ssyncadd.s32 $0xFFFFFE00  }
0x1d8: {  	_ =	swait.ge [sflag:s25], $0x200  }
0x1d9: {  	[sflag:s25] =	ssyncset.done $0x0  }
0x1da: {  	[sflag:s25] =	ssyncadd.s32 $0xFFFFFE00  }
0x1db: {  	_ =	swait.ge [sflag:s24], $0x200  }
0x1dc: {  	[sflag:s24] =	ssyncset.done $0x0  }
0x1dd: {  	[sflag:s24] =	ssyncadd.s32 $0xFFFFFE00  }
0x1de: {  	_ =	swait.ge [sflag:s25], $0x200  }
0x1df: {  	[sflag:s25] =	ssyncset.done $0x0  }
0x1e0: {  	[sflag:s25] =	ssyncadd.s32 $0xFFFFFE00  }
0x1e1: {  	_ =	swait.ge [sflag:s24], $0x200  }
0x1e2: {  	[sflag:s24] =	ssyncset.done $0x0  }
0x1e3: {  	[sflag:s24] =	ssyncadd.s32 $0xFFFFFE00  }
0x1e4: {  	_ =	swait.ge [sflag:s25], $0x200  }
0x1e5: {  	[sflag:s25] =	ssyncset.done $0x0  }
0x1e6: {  	[sflag:s25] =	ssyncadd.s32 $0xFFFFFE00  }
0x1e7: {  	_ =	swait.ge [sflag:s24], $0x200  }
0x1e8: {  	[sflag:s24] =	ssyncset.done $0x0  }
0x1e9: {  	[sflag:s24] =	ssyncadd.s32 $0xFFFFFE00  }
0x1ea: {  	_ =	swait.ge [sflag:s25], $0x200  }
0x1eb: {  	[sflag:s25] =	ssyncset.done $0x0  }
0x1ec: {  	[sflag:s25] =	ssyncadd.s32 $0xFFFFFE00  }
0x1ed: {  	_ =	swait.ge [sflag:s24], $0x200  }
0x1ee: {  	[sflag:s24] =	ssyncset.done $0x0  }
0x1ef: {  	[sflag:s24] =	ssyncadd.s32 $0xFFFFFE00  }
0x1f0: {  	_ =	swait.ge [sflag:s25], $0x200  }
0x1f1: {  	[sflag:s25] =	ssyncset.done $0x0  }
0x1f2: {  	[sflag:s25] =	ssyncadd.s32 $0xFFFFFE00  }
0x1f3: {  	_ =	swait.ge [sflag:s24], $0x200  }
0x1f4: {  	[sflag:s24] =	ssyncset.done $0x0  }
0x1f5: {  	[sflag:s24] =	ssyncadd.s32 $0xFFFFFE00  }
0x1f6: {  	_ =	swait.ge [sflag:s25], $0x200  }
0x1f7: {  	[sflag:s25] =	ssyncset.done $0x0  }
0x1f8: {  	[sflag:s25] =	ssyncadd.s32 $0xFFFFFE00  }
0x1f9: {  	_ =	swait.ge [sflag:s24], $0x200  }
0x1fa: {  	[sflag:s24] =	ssyncset.done $0x0  }
0x1fb: {  	[sflag:s24] =	ssyncadd.s32 $0xFFFFFE00  }
0x1fc: {  	_ =	swait.ge [sflag:s25], $0x200  }
0x1fd: {  	[sflag:s25] =	ssyncset.done $0x0  }
0x1fe: {  	[sflag:s25] =	ssyncadd.s32 $0xFFFFFE00  }
0x1ff: {  	_ =	swait.ge [sflag:s24], $0x200  }
0x200: {  	[sflag:s24] =	ssyncset.done $0x0  }
0x201: {  	[sflag:s24] =	ssyncadd.s32 $0xFFFFFE00  }
0x202: {  	_ =	swait.ge [sflag:s25], $0x200  }
0x203: {  	[sflag:s25] =	ssyncset.done $0x0  }
0x204: {  	[sflag:s25] =	ssyncadd.s32 $0xFFFFFE00  }
0x205: {  	_ =	swait.ge [sflag:s24], $0x200  }
0x206: {  	[sflag:s24] =	ssyncset.done $0x0  }
0x207: {  	[sflag:s24] =	ssyncadd.s32 $0xFFFFFE00  }
0x208: {  	_ =	swait.ge [sflag:s25], $0x200  }
0x209: {  	[sflag:s25] =	ssyncset.done $0x0  }
0x20a: {  	[sflag:s25] =	ssyncadd.s32 $0xFFFFFE00  }
0x20b: {  	_ =	swait.ge [sflag:s24], $0x200  }
0x20c: {  	[sflag:s24] =	ssyncset.done $0x0  }
0x20d: {  	[sflag:s24] =	ssyncadd.s32 $0xFFFFFE00  }
0x20e: {  	_ =	swait.ge [sflag:s25], $0x200  }
0x20f: {  	[sflag:s25] =	ssyncset.done $0x0  }
0x210: {  	[sflag:s25] =	ssyncadd.s32 $0xFFFFFE00  }
0x211: {  	_ =	swait.ge [sflag:s24], $0x200  }
0x212: {  	[sflag:s24] =	ssyncset.done $0x0  }
0x213: {  	[sflag:s24] =	ssyncadd.s32 $0xFFFFFE00  }
0x214: {  	_ =	swait.ge [sflag:s25], $0x200  }
0x215: {  	[sflag:s25] =	ssyncset.done $0x0  }
0x216: {  	[sflag:s25] =	ssyncadd.s32 $0xFFFFFE00  }
0x217: {  	_ =	swait.ge [sflag:s24], $0x200  }
0x218: {  	[sflag:s24] =	ssyncset.done $0x0  }
0x219: {  	[sflag:s24] =	ssyncadd.s32 $0xFFFFFE00  }
0x21a: {  	_ =	swait.ge [sflag:s25], $0x200  }
0x21b: {  	[sflag:s25] =	ssyncset.done $0x0  }
0x21c: {  	[sflag:s25] =	ssyncadd.s32 $0xFFFFFE00  }
0x21d: {  	_ =	swait.ge [sflag:s24], $0x200  }
0x21e: {  	[sflag:s24] =	ssyncset.done $0x0  }
0x21f: {  	[sflag:s24] =	ssyncadd.s32 $0xFFFFFE00  }
0x220: {  	_ =	swait.ge [sflag:s25], $0x200  }
0x221: {  	[sflag:s25] =	ssyncset.done $0x0  }
0x222: {  	[sflag:s25] =	ssyncadd.s32 $0xFFFFFE00  }
0x223: {  	_ =	swait.ge [sflag:s24], $0x200  }
0x224: {  	[sflag:s24] =	ssyncset.done $0x0  }
0x225: {  	[sflag:s24] =	ssyncadd.s32 $0xFFFFFE00  }
0x226: {  	_ =	swait.ge [sflag:s25], $0x200  }
0x227: {  	[sflag:s25] =	ssyncset.done $0x0  }
0x228: {  	[sflag:s25] =	ssyncadd.s32 $0xFFFFFE00  }
0x229: {  	_ =	swait.ge [sflag:s24], $0x200  }
0x22a: {  	[sflag:s24] =	ssyncset.done $0x0  }
0x22b: {  	[sflag:s24] =	ssyncadd.s32 $0xFFFFFE00  }
0x22c: {  	_ =	swait.ge [sflag:s25], $0x200  }
0x22d: {  	[sflag:s25] =	ssyncset.done $0x0  }
0x22e: {  	s28 =	simm.s32 $0x0;
	[sflag:s25] =	ssyncadd.s32 $0xFFFFFE00  }
0x22f: {  	v1 =	vld [tilespmem:s28+$0x0];
	_ =	sdelay $0x4  }
0x230: {  	v0 =	vadd.s32 $0xFFF0BE00, v1  }
0x231: {  	vm0 =	vgt.s32 v0, $0x0  }
0x232: {  	v0 =	vnsel vm0, $0x0, v0  }
0x233: {  	v0 =	vmin.u32 v0, $0x3F;
	_ =	sdelay $0x3  }
0x234: {  	v3 =	vld [tilespmem:s28+$0x8400]  }
0x235: {  	v2 =	vld.idx.msk [tilespmem:v0+s14+$0x0], $0xffff;
	_ =	sdelay $0x1  }
0x236: {  	v62 =	vor.u32 $0x40, v0;
	_ =	sdelay $0x1  }
0x237: {  	vm0 =	vgt.s32 v1, $0xF41FF  }
0x238: {  	v1 =	vsel vm0, v2, v3  }
0x239: {  	v2 =	vld [tilespmem:s28+$0x8600];
	[tilespmem:s28+$0x8400] =	vst v1  }
0x23a: {  	v1 =	vld.idx.msk [tilespmem:v62+s14+$0x0], $0xffff;
	_ =	sdelay $0x1  }
0x23b: {  	v3 =	vor.u32 $0x80, v0;
	_ =	sdelay $0x2  }
0x23c: {  	v1 =	vsel vm0, v1, v2  }
0x23d: {  	v2 =	vld [tilespmem:s28+$0x8800];
	[tilespmem:s28+$0x8600] =	vst v1  }
0x23e: {  	v1 =	vld.idx.msk [tilespmem:v3+s14+$0x0], $0xffff;
	_ =	sdelay $0x1  }
0x23f: {  	v3 =	vor.u32 $0xC0, v0;
	_ =	sdelay $0x2  }
0x240: {  	v1 =	vsel vm0, v1, v2  }
0x241: {  	v2 =	vld [tilespmem:s28+$0x8A00];
	[tilespmem:s28+$0x8800] =	vst v1  }
0x242: {  	v1 =	vld.idx.msk [tilespmem:v3+s14+$0x0], $0xffff;
	_ =	sdelay $0x1  }
0x243: {  	v3 =	vor.u32 $0x100, v0;
	_ =	sdelay $0x2  }
0x244: {  	v1 =	vsel vm0, v1, v2  }
0x245: {  	v2 =	vld [tilespmem:s28+$0x8C00];
	[tilespmem:s28+$0x8A00] =	vst v1  }
0x246: {  	v1 =	vld.idx.msk [tilespmem:v3+s14+$0x0], $0xffff;
	_ =	sdelay $0x1  }
0x247: {  	v3 =	vor.u32 $0x140, v0;
	_ =	sdelay $0x2  }
0x248: {  	v1 =	vsel vm0, v1, v2  }
0x249: {  	v2 =	vld [tilespmem:s28+$0x8E00];
	[tilespmem:s28+$0x8C00] =	vst v1  }
0x24a: {  	v1 =	vld.idx.msk [tilespmem:v3+s14+$0x0], $0xffff;
	_ =	sdelay $0x1  }
0x24b: {  	v3 =	vor.u32 $0x180, v0;
	_ =	sdelay $0x2  }
0x24c: {  	v1 =	vsel vm0, v1, v2  }
0x24d: {  	v2 =	vld [tilespmem:s28+$0x9000];
	[tilespmem:s28+$0x8E00] =	vst v1  }
0x24e: {  	v1 =	vld.idx.msk [tilespmem:v3+s14+$0x0], $0xffff;
	_ =	sdelay $0x1  }
0x24f: {  	v3 =	vor.u32 $0x1C0, v0;
	_ =	sdelay $0x2  }
0x250: {  	v1 =	vsel vm0, v1, v2  }
0x251: {  	v2 =	vld [tilespmem:s28+$0x9200];
	[tilespmem:s28+$0x9000] =	vst v1  }
0x252: {  	v1 =	vld.idx.msk [tilespmem:v3+s14+$0x0], $0xffff;
	_ =	sdelay $0x1  }
0x253: {  	v3 =	vor.u32 $0x200, v0;
	_ =	sdelay $0x2  }
0x254: {  	v1 =	vsel vm0, v1, v2  }
0x255: {  	v2 =	vld [tilespmem:s28+$0x9400];
	[tilespmem:s28+$0x9200] =	vst v1  }
0x256: {  	v1 =	vld.idx.msk [tilespmem:v3+s14+$0x0], $0xffff;
	_ =	sdelay $0x1  }
0x257: {  	v3 =	vor.u32 $0x240, v0;
	_ =	sdelay $0x2  }
0x258: {  	v1 =	vsel vm0, v1, v2  }
0x259: {  	v2 =	vld [tilespmem:s28+$0x9600];
	[tilespmem:s28+$0x9400] =	vst v1  }
0x25a: {  	v1 =	vld.idx.msk [tilespmem:v3+s14+$0x0], $0xffff;
	_ =	sdelay $0x1  }
0x25b: {  	v3 =	vor.u32 $0x280, v0;
	_ =	sdelay $0x2  }
0x25c: {  	v1 =	vsel vm0, v1, v2  }
0x25d: {  	v2 =	vld [tilespmem:s28+$0x9800];
	[tilespmem:s28+$0x9600] =	vst v1  }
0x25e: {  	v1 =	vld.idx.msk [tilespmem:v3+s14+$0x0], $0xffff;
	_ =	sdelay $0x1  }
0x25f: {  	v3 =	vor.u32 $0x2C0, v0;
	_ =	sdelay $0x2  }
0x260: {  	v1 =	vsel vm0, v1, v2  }
0x261: {  	v2 =	vld [tilespmem:s28+$0x9A00];
	[tilespmem:s28+$0x9800] =	vst v1  }
0x262: {  	v1 =	vld.idx.msk [tilespmem:v3+s14+$0x0], $0xffff;
	_ =	sdelay $0x1  }
0x263: {  	v3 =	vor.u32 $0x300, v0;
	_ =	sdelay $0x2  }
0x264: {  	v1 =	vsel vm0, v1, v2  }
0x265: {  	v2 =	vld [tilespmem:s28+$0x9C00];
	[tilespmem:s28+$0x9A00] =	vst v1  }
0x266: {  	v1 =	vld.idx.msk [tilespmem:v3+s14+$0x0], $0xffff;
	_ =	sdelay $0x1  }
0x267: {  	v3 =	vor.u32 $0x340, v0;
	_ =	sdelay $0x2  }
0x268: {  	v1 =	vsel vm0, v1, v2  }
0x269: {  	v2 =	vld [tilespmem:s28+$0x9E00];
	[tilespmem:s28+$0x9C00] =	vst v1  }
0x26a: {  	v1 =	vld.idx.msk [tilespmem:v3+s14+$0x0], $0xffff;
	_ =	sdelay $0x1  }
0x26b: {  	v3 =	vor.u32 $0x380, v0;
	_ =	sdelay $0x2  }
0x26c: {  	v1 =	vsel vm0, v1, v2  }
0x26d: {  	v2 =	vld [tilespmem:s28+$0xA000];
	[tilespmem:s28+$0x9E00] =	vst v1  }
0x26e: {  	v1 =	vld.idx.msk [tilespmem:v3+s14+$0x0], $0xffff;
	_ =	sdelay $0x1  }
0x26f: {  	v3 =	vor.u32 $0x3C0, v0;
	_ =	sdelay $0x2  }
0x270: {  	v1 =	vsel vm0, v1, v2  }
0x271: {  	v2 =	vld [tilespmem:s28+$0xA200];
	[tilespmem:s28+$0xA000] =	vst v1  }
0x272: {  	v1 =	vld.idx.msk [tilespmem:v3+s14+$0x0], $0xffff;
	_ =	sdelay $0x1  }
0x273: {  	v3 =	vor.u32 $0x400, v0;
	_ =	sdelay $0x2  }
0x274: {  	v1 =	vsel vm0, v1, v2  }
0x275: {  	v2 =	vld [tilespmem:s28+$0xA400];
	[tilespmem:s28+$0xA200] =	vst v1  }
0x276: {  	v1 =	vld.idx.msk [tilespmem:v3+s14+$0x0], $0xffff;
	_ =	sdelay $0x1  }
0x277: {  	v3 =	vor.u32 $0x440, v0;
	_ =	sdelay $0x2  }
0x278: {  	v1 =	vsel vm0, v1, v2  }
0x279: {  	v2 =	vld [tilespmem:s28+$0xA600];
	[tilespmem:s28+$0xA400] =	vst v1  }
0x27a: {  	v1 =	vld.idx.msk [tilespmem:v3+s14+$0x0], $0xffff;
	_ =	sdelay $0x1  }
0x27b: {  	v3 =	vor.u32 $0x480, v0;
	_ =	sdelay $0x2  }
0x27c: {  	v1 =	vsel vm0, v1, v2  }
0x27d: {  	v2 =	vld [tilespmem:s28+$0xA800];
	[tilespmem:s28+$0xA600] =	vst v1  }
0x27e: {  	v1 =	vld.idx.msk [tilespmem:v3+s14+$0x0], $0xffff;
	_ =	sdelay $0x1  }
0x27f: {  	v3 =	vor.u32 $0x4C0, v0;
	_ =	sdelay $0x2  }
0x280: {  	v1 =	vsel vm0, v1, v2  }
0x281: {  	v2 =	vld [tilespmem:s28+$0xAA00];
	[tilespmem:s28+$0xA800] =	vst v1  }
0x282: {  	v1 =	vld.idx.msk [tilespmem:v3+s14+$0x0], $0xffff;
	_ =	sdelay $0x1  }
0x283: {  	v3 =	vor.u32 $0x500, v0;
	_ =	sdelay $0x2  }
0x284: {  	v1 =	vsel vm0, v1, v2  }
0x285: {  	v2 =	vld [tilespmem:s28+$0xAC00];
	[tilespmem:s28+$0xAA00] =	vst v1  }
0x286: {  	v1 =	vld.idx.msk [tilespmem:v3+s14+$0x0], $0xffff;
	_ =	sdelay $0x1  }
0x287: {  	v3 =	vor.u32 $0x540, v0;
	_ =	sdelay $0x2  }
0x288: {  	v1 =	vsel vm0, v1, v2  }
0x289: {  	v2 =	vld [tilespmem:s28+$0xAE00];
	[tilespmem:s28+$0xAC00] =	vst v1  }
0x28a: {  	v1 =	vld.idx.msk [tilespmem:v3+s14+$0x0], $0xffff;
	_ =	sdelay $0x1  }
0x28b: {  	v3 =	vor.u32 $0x580, v0;
	_ =	sdelay $0x2  }
0x28c: {  	v1 =	vsel vm0, v1, v2  }
0x28d: {  	v2 =	vld [tilespmem:s28+$0xB000];
	[tilespmem:s28+$0xAE00] =	vst v1  }
0x28e: {  	v1 =	vld.idx.msk [tilespmem:v3+s14+$0x0], $0xffff;
	_ =	sdelay $0x1  }
0x28f: {  	v3 =	vor.u32 $0x5C0, v0;
	_ =	sdelay $0x2  }
0x290: {  	v1 =	vsel vm0, v1, v2  }
0x291: {  	v2 =	vld [tilespmem:s28+$0xB200];
	[tilespmem:s28+$0xB000] =	vst v1  }
0x292: {  	v1 =	vld.idx.msk [tilespmem:v3+s14+$0x0], $0xffff;
	_ =	sdelay $0x1  }
0x293: {  	v3 =	vor.u32 $0x600, v0;
	_ =	sdelay $0x2  }
0x294: {  	v1 =	vsel vm0, v1, v2  }
0x295: {  	v2 =	vld [tilespmem:s28+$0xB400];
	[tilespmem:s28+$0xB200] =	vst v1  }
0x296: {  	v1 =	vld.idx.msk [tilespmem:v3+s14+$0x0], $0xffff;
	_ =	sdelay $0x1  }
0x297: {  	v3 =	vor.u32 $0x640, v0;
	_ =	sdelay $0x2  }
0x298: {  	v1 =	vsel vm0, v1, v2  }
0x299: {  	v2 =	vld [tilespmem:s28+$0xB600];
	[tilespmem:s28+$0xB400] =	vst v1  }
0x29a: {  	v1 =	vld.idx.msk [tilespmem:v3+s14+$0x0], $0xffff;
	_ =	sdelay $0x1  }
0x29b: {  	v3 =	vor.u32 $0x680, v0;
	_ =	sdelay $0x2  }
0x29c: {  	v1 =	vsel vm0, v1, v2  }
0x29d: {  	v2 =	vld [tilespmem:s28+$0xB800];
	[tilespmem:s28+$0xB600] =	vst v1  }
0x29e: {  	v1 =	vld.idx.msk [tilespmem:v3+s14+$0x0], $0xffff;
	_ =	sdelay $0x1  }
0x29f: {  	v3 =	vor.u32 $0x6C0, v0;
	_ =	sdelay $0x2  }
0x2a0: {  	v1 =	vsel vm0, v1, v2  }
0x2a1: {  	v2 =	vld [tilespmem:s28+$0xBA00];
	[tilespmem:s28+$0xB800] =	vst v1  }
0x2a2: {  	v1 =	vld.idx.msk [tilespmem:v3+s14+$0x0], $0xffff;
	_ =	sdelay $0x1  }
0x2a3: {  	v3 =	vor.u32 $0x700, v0;
	_ =	sdelay $0x2  }
0x2a4: {  	v1 =	vsel vm0, v1, v2  }
0x2a5: {  	v2 =	vld [tilespmem:s28+$0xBC00];
	[tilespmem:s28+$0xBA00] =	vst v1  }
0x2a6: {  	v1 =	vld.idx.msk [tilespmem:v3+s14+$0x0], $0xffff;
	_ =	sdelay $0x1  }
0x2a7: {  	v3 =	vor.u32 $0x740, v0;
	_ =	sdelay $0x2  }
0x2a8: {  	v1 =	vsel vm0, v1, v2  }
0x2a9: {  	v2 =	vld [tilespmem:s28+$0xBE00];
	[tilespmem:s28+$0xBC00] =	vst v1  }
0x2aa: {  	v1 =	vld.idx.msk [tilespmem:v3+s14+$0x0], $0xffff;
	_ =	sdelay $0x1  }
0x2ab: {  	v3 =	vor.u32 $0x780, v0;
	_ =	sdelay $0x2  }
0x2ac: {  	v1 =	vsel vm0, v1, v2  }
0x2ad: {  	v2 =	vld [tilespmem:s28+$0xC000];
	[tilespmem:s28+$0xBE00] =	vst v1  }
0x2ae: {  	v1 =	vld.idx.msk [tilespmem:v3+s14+$0x0], $0xffff;
	_ =	sdelay $0x1  }
0x2af: {  	v0 =	vor.u32 $0x7C0, v0;
	v3 =	vld [tilespmem:s28+$0x200];
	_ =	sdelay $0x2  }
0x2b0: {  	v1 =	vsel vm0, v1, v2  }
0x2b1: {  	[tilespmem:s28+$0xC000] =	vst v1  }
0x2b2: {  	v1 =	vld.idx.msk [tilespmem:v0+s14+$0x0], $0xffff;
	v0 =	vadd.s32 $0xFFF0BE00, v3  }
0x2b3: {  	v2 =	vld [tilespmem:s28+$0xC200];
	vm1 =	vgt.s32 v0, $0x0  }
0x2b4: {  	v0 =	vnsel vm1, $0x0, v0  }
0x2b5: {  	v0 =	vmin.u32 v0, $0x3F;
	_ =	sdelay $0x2  }
0x2b6: {  	v1 =	vsel vm0, v1, v2  }
0x2b7: {  	v2 =	vld [tilespmem:s28+$0xC400];
	[tilespmem:s28+$0xC200] =	vst v1  }
0x2b8: {  	v1 =	vld.idx.msk [tilespmem:v0+s15+$0x0], $0xffff;
	_ =	sdelay $0x1  }
0x2b9: {  	v63 =	vor.u32 $0x40, v0;
	_ =	sdelay $0x1  }
0x2ba: {  	vm0 =	vgt.s32 v3, $0xF41FF  }
0x2bb: {  	v1 =	vsel vm0, v1, v2  }
0x2bc: {  	v2 =	vld [tilespmem:s28+$0xC600];
	[tilespmem:s28+$0xC400] =	vst v1  }
0x2bd: {  	v1 =	vld.idx.msk [tilespmem:v63+s15+$0x0], $0xffff;
	_ =	sdelay $0x1  }
0x2be: {  	v3 =	vor.u32 $0x80, v0;
	_ =	sdelay $0x2  }
0x2bf: {  	v1 =	vsel vm0, v1, v2  }
0x2c0: {  	v2 =	vld [tilespmem:s28+$0xC800];
	[tilespmem:s28+$0xC600] =	vst v1  }
0x2c1: {  	v1 =	vld.idx.msk [tilespmem:v3+s15+$0x0], $0xffff;
	_ =	sdelay $0x1  }
0x2c2: {  	v3 =	vor.u32 $0xC0, v0;
	_ =	sdelay $0x2  }
0x2c3: {  	v1 =	vsel vm0, v1, v2  }
0x2c4: {  	v2 =	vld [tilespmem:s28+$0xCA00];
	[tilespmem:s28+$0xC800] =	vst v1  }
0x2c5: {  	v1 =	vld.idx.msk [tilespmem:v3+s15+$0x0], $0xffff;
	_ =	sdelay $0x1  }
0x2c6: {  	v3 =	vor.u32 $0x100, v0;
	_ =	sdelay $0x2  }
0x2c7: {  	v1 =	vsel vm0, v1, v2  }
0x2c8: {  	v2 =	vld [tilespmem:s28+$0xCC00];
	[tilespmem:s28+$0xCA00] =	vst v1  }
0x2c9: {  	v1 =	vld.idx.msk [tilespmem:v3+s15+$0x0], $0xffff;
	_ =	sdelay $0x1  }
0x2ca: {  	v3 =	vor.u32 $0x140, v0;
	_ =	sdelay $0x2  }
0x2cb: {  	v1 =	vsel vm0, v1, v2  }
0x2cc: {  	v2 =	vld [tilespmem:s28+$0xCE00];
	[tilespmem:s28+$0xCC00] =	vst v1  }
0x2cd: {  	v1 =	vld.idx.msk [tilespmem:v3+s15+$0x0], $0xffff;
	_ =	sdelay $0x1  }
0x2ce: {  	v3 =	vor.u32 $0x180, v0;
	_ =	sdelay $0x2  }
0x2cf: {  	v1 =	vsel vm0, v1, v2  }
0x2d0: {  	v2 =	vld [tilespmem:s28+$0xD000];
	[tilespmem:s28+$0xCE00] =	vst v1  }
0x2d1: {  	v1 =	vld.idx.msk [tilespmem:v3+s15+$0x0], $0xffff;
	_ =	sdelay $0x1  }
0x2d2: {  	v3 =	vor.u32 $0x1C0, v0;
	_ =	sdelay $0x2  }
0x2d3: {  	v1 =	vsel vm0, v1, v2  }
0x2d4: {  	v2 =	vld [tilespmem:s28+$0xD200];
	[tilespmem:s28+$0xD000] =	vst v1  }
0x2d5: {  	v1 =	vld.idx.msk [tilespmem:v3+s15+$0x0], $0xffff;
	_ =	sdelay $0x1  }
0x2d6: {  	v3 =	vor.u32 $0x200, v0;
	_ =	sdelay $0x2  }
0x2d7: {  	v1 =	vsel vm0, v1, v2  }
0x2d8: {  	v2 =	vld [tilespmem:s28+$0xD400];
	[tilespmem:s28+$0xD200] =	vst v1  }
0x2d9: {  	v1 =	vld.idx.msk [tilespmem:v3+s15+$0x0], $0xffff;
	_ =	sdelay $0x1  }
0x2da: {  	v3 =	vor.u32 $0x240, v0;
	_ =	sdelay $0x2  }
0x2db: {  	v1 =	vsel vm0, v1, v2  }
0x2dc: {  	v2 =	vld [tilespmem:s28+$0xD600];
	[tilespmem:s28+$0xD400] =	vst v1  }
0x2dd: {  	v1 =	vld.idx.msk [tilespmem:v3+s15+$0x0], $0xffff;
	_ =	sdelay $0x1  }
0x2de: {  	v3 =	vor.u32 $0x280, v0;
	_ =	sdelay $0x2  }
0x2df: {  	v1 =	vsel vm0, v1, v2  }
0x2e0: {  	v2 =	vld [tilespmem:s28+$0xD800];
	[tilespmem:s28+$0xD600] =	vst v1  }
0x2e1: {  	v1 =	vld.idx.msk [tilespmem:v3+s15+$0x0], $0xffff;
	_ =	sdelay $0x1  }
0x2e2: {  	v3 =	vor.u32 $0x2C0, v0;
	_ =	sdelay $0x2  }
0x2e3: {  	v1 =	vsel vm0, v1, v2  }
0x2e4: {  	v2 =	vld [tilespmem:s28+$0xDA00];
	[tilespmem:s28+$0xD800] =	vst v1  }
0x2e5: {  	v1 =	vld.idx.msk [tilespmem:v3+s15+$0x0], $0xffff;
	_ =	sdelay $0x1  }
0x2e6: {  	v3 =	vor.u32 $0x300, v0;
	_ =	sdelay $0x2  }
0x2e7: {  	v1 =	vsel vm0, v1, v2  }
0x2e8: {  	v2 =	vld [tilespmem:s28+$0xDC00];
	[tilespmem:s28+$0xDA00] =	vst v1  }
0x2e9: {  	v1 =	vld.idx.msk [tilespmem:v3+s15+$0x0], $0xffff;
	_ =	sdelay $0x1  }
0x2ea: {  	v3 =	vor.u32 $0x340, v0;
	_ =	sdelay $0x2  }
0x2eb: {  	v1 =	vsel vm0, v1, v2  }
0x2ec: {  	v2 =	vld [tilespmem:s28+$0xDE00];
	[tilespmem:s28+$0xDC00] =	vst v1  }
0x2ed: {  	v1 =	vld.idx.msk [tilespmem:v3+s15+$0x0], $0xffff;
	_ =	sdelay $0x1  }
0x2ee: {  	v3 =	vor.u32 $0x380, v0;
	_ =	sdelay $0x2  }
0x2ef: {  	v1 =	vsel vm0, v1, v2  }
0x2f0: {  	v2 =	vld [tilespmem:s28+$0xE000];
	[tilespmem:s28+$0xDE00] =	vst v1  }
0x2f1: {  	v1 =	vld.idx.msk [tilespmem:v3+s15+$0x0], $0xffff;
	_ =	sdelay $0x1  }
0x2f2: {  	v3 =	vor.u32 $0x3C0, v0;
	_ =	sdelay $0x2  }
0x2f3: {  	v1 =	vsel vm0, v1, v2  }
0x2f4: {  	v2 =	vld [tilespmem:s28+$0xE200];
	[tilespmem:s28+$0xE000] =	vst v1  }
0x2f5: {  	v1 =	vld.idx.msk [tilespmem:v3+s15+$0x0], $0xffff;
	_ =	sdelay $0x1  }
0x2f6: {  	v3 =	vor.u32 $0x400, v0;
	_ =	sdelay $0x2  }
0x2f7: {  	v1 =	vsel vm0, v1, v2  }
0x2f8: {  	v2 =	vld [tilespmem:s28+$0xE400];
	[tilespmem:s28+$0xE200] =	vst v1  }
0x2f9: {  	v1 =	vld.idx.msk [tilespmem:v3+s15+$0x0], $0xffff;
	_ =	sdelay $0x1  }
0x2fa: {  	v3 =	vor.u32 $0x440, v0;
	_ =	sdelay $0x2  }
0x2fb: {  	v1 =	vsel vm0, v1, v2  }
0x2fc: {  	v2 =	vld [tilespmem:s28+$0xE600];
	[tilespmem:s28+$0xE400] =	vst v1  }
0x2fd: {  	v1 =	vld.idx.msk [tilespmem:v3+s15+$0x0], $0xffff;
	_ =	sdelay $0x1  }
0x2fe: {  	v3 =	vor.u32 $0x480, v0;
	_ =	sdelay $0x2  }
0x2ff: {  	v1 =	vsel vm0, v1, v2  }
0x300: {  	v2 =	vld [tilespmem:s28+$0xE800];
	[tilespmem:s28+$0xE600] =	vst v1  }
0x301: {  	v1 =	vld.idx.msk [tilespmem:v3+s15+$0x0], $0xffff;
	_ =	sdelay $0x1  }
0x302: {  	v3 =	vor.u32 $0x4C0, v0;
	_ =	sdelay $0x2  }
0x303: {  	v1 =	vsel vm0, v1, v2  }
0x304: {  	v2 =	vld [tilespmem:s28+$0xEA00];
	[tilespmem:s28+$0xE800] =	vst v1  }
0x305: {  	v1 =	vld.idx.msk [tilespmem:v3+s15+$0x0], $0xffff;
	_ =	sdelay $0x1  }
0x306: {  	v3 =	vor.u32 $0x500, v0;
	_ =	sdelay $0x2  }
0x307: {  	v1 =	vsel vm0, v1, v2  }
0x308: {  	v2 =	vld [tilespmem:s28+$0xEC00];
	[tilespmem:s28+$0xEA00] =	vst v1  }
0x309: {  	v1 =	vld.idx.msk [tilespmem:v3+s15+$0x0], $0xffff;
	_ =	sdelay $0x1  }
0x30a: {  	v3 =	vor.u32 $0x540, v0;
	_ =	sdelay $0x2  }
0x30b: {  	v1 =	vsel vm0, v1, v2  }
0x30c: {  	v2 =	vld [tilespmem:s28+$0xEE00];
	[tilespmem:s28+$0xEC00] =	vst v1  }
0x30d: {  	v1 =	vld.idx.msk [tilespmem:v3+s15+$0x0], $0xffff;
	_ =	sdelay $0x1  }
0x30e: {  	v3 =	vor.u32 $0x580, v0;
	_ =	sdelay $0x2  }
0x30f: {  	v1 =	vsel vm0, v1, v2  }
0x310: {  	v2 =	vld [tilespmem:s28+$0xF000];
	[tilespmem:s28+$0xEE00] =	vst v1  }
0x311: {  	v1 =	vld.idx.msk [tilespmem:v3+s15+$0x0], $0xffff;
	_ =	sdelay $0x1  }
0x312: {  	v3 =	vor.u32 $0x5C0, v0;
	_ =	sdelay $0x2  }
0x313: {  	v1 =	vsel vm0, v1, v2  }
0x314: {  	v2 =	vld [tilespmem:s28+$0xF200];
	[tilespmem:s28+$0xF000] =	vst v1  }
0x315: {  	v1 =	vld.idx.msk [tilespmem:v3+s15+$0x0], $0xffff;
	_ =	sdelay $0x1  }
0x316: {  	v3 =	vor.u32 $0x600, v0;
	_ =	sdelay $0x2  }
0x317: {  	v1 =	vsel vm0, v1, v2  }
0x318: {  	v2 =	vld [tilespmem:s28+$0xF400];
	[tilespmem:s28+$0xF200] =	vst v1  }
0x319: {  	v1 =	vld.idx.msk [tilespmem:v3+s15+$0x0], $0xffff;
	_ =	sdelay $0x1  }
0x31a: {  	v3 =	vor.u32 $0x640, v0;
	_ =	sdelay $0x2  }
0x31b: {  	v1 =	vsel vm0, v1, v2  }
0x31c: {  	v2 =	vld [tilespmem:s28+$0xF600];
	[tilespmem:s28+$0xF400] =	vst v1  }
0x31d: {  	v1 =	vld.idx.msk [tilespmem:v3+s15+$0x0], $0xffff;
	_ =	sdelay $0x1  }
0x31e: {  	v3 =	vor.u32 $0x680, v0;
	_ =	sdelay $0x2  }
0x31f: {  	v1 =	vsel vm0, v1, v2  }
0x320: {  	v2 =	vld [tilespmem:s28+$0xF800];
	[tilespmem:s28+$0xF600] =	vst v1  }
0x321: {  	v1 =	vld.idx.msk [tilespmem:v3+s15+$0x0], $0xffff;
	_ =	sdelay $0x1  }
0x322: {  	v3 =	vor.u32 $0x6C0, v0;
	_ =	sdelay $0x2  }
0x323: {  	v1 =	vsel vm0, v1, v2  }
0x324: {  	v2 =	vld [tilespmem:s28+$0xFA00];
	[tilespmem:s28+$0xF800] =	vst v1  }
0x325: {  	v1 =	vld.idx.msk [tilespmem:v3+s15+$0x0], $0xffff;
	_ =	sdelay $0x1  }
0x326: {  	v3 =	vor.u32 $0x700, v0;
	_ =	sdelay $0x2  }
0x327: {  	v1 =	vsel vm0, v1, v2  }
0x328: {  	v2 =	vld [tilespmem:s28+$0xFC00];
	[tilespmem:s28+$0xFA00] =	vst v1  }
0x329: {  	v1 =	vld.idx.msk [tilespmem:v3+s15+$0x0], $0xffff;
	_ =	sdelay $0x1  }
0x32a: {  	v3 =	vor.u32 $0x740, v0;
	_ =	sdelay $0x2  }
0x32b: {  	v1 =	vsel vm0, v1, v2  }
0x32c: {  	v2 =	vld [tilespmem:s28+$0xFE00];
	[tilespmem:s28+$0xFC00] =	vst v1  }
0x32d: {  	v1 =	vld.idx.msk [tilespmem:v3+s15+$0x0], $0xffff;
	_ =	sdelay $0x1  }
0x32e: {  	v3 =	vor.u32 $0x780, v0;
	_ =	sdelay $0x2  }
0x32f: {  	v1 =	vsel vm0, v1, v2  }
0x330: {  	v2 =	vld [tilespmem:s28+$0x10000];
	[tilespmem:s28+$0xFE00] =	vst v1  }
0x331: {  	v1 =	vld.idx.msk [tilespmem:v3+s15+$0x0], $0xffff  }
0x332: {  	s30 =	simm.s32 $0x10;
	s29 =	simm.s32 $0x80  }
.LBB2_4:
0x333: {  	p0 =	sne.s32 s29, $0x7C0;
	v3 =	vld [tilespmem:s30+$0x0];
	v0 =	vor.u32 $0x7C0, v0;
	_ =	sdelay $0x2  }
0x334: {  	v1 =	vsel vm0, v1, v2  }
0x335: {  	[tilespmem:s28+$0x10000] =	vst v1  }
0x336: {  	v1 =	vadd.s32 $0xFFF0BE00, v3;
	v2 =	vld.idx.msk [tilespmem:v0+s15+$0x0], $0xffff  }
0x337: {  	vm1 =	vgt.s32 v1, $0x0;
	v4 =	vld [tilespmem:s28+$0x10200]  }
0x338: {  	v0 =	vnsel vm1, $0x0, v1  }
0x339: {  	v0 =	vmin.u32 v0, $0x3F;
	_ =	sdelay $0x2  }
0x33a: {  	v1 =	vsel vm0, v2, v4  }
0x33b: {  	[tilespmem:s28+$0x10200] =	vst v1;
	s28 =	smov.u32 s30  }
0x33c: {  	v1 =	vld.idx.msk [tilespmem:v0+s14+$0x0], $0xffff  }
0x33d: {  	v2 =	vld [tilespmem:s28+$0x8400];
	_ =	sdelay $0x1  }
0x33e: {  	v4 =	vor.u32 $0x40, v0;
	_ =	sdelay $0x1  }
0x33f: {  	vm0 =	vgt.s32 v3, $0xF41FF  }
0x340: {  	v1 =	vsel vm0, v1, v2  }
0x341: {  	[tilespmem:s28+$0x8400] =	vst v1  }
0x342: {  	v1 =	vld.idx.msk [tilespmem:v4+s14+$0x0], $0xffff  }
0x343: {  	v2 =	vld [tilespmem:s28+$0x8600];
	_ =	sdelay $0x1  }
0x344: {  	v3 =	vor.u32 $0x80, v0;
	_ =	sdelay $0x2  }
0x345: {  	v1 =	vsel vm0, v1, v2  }
0x346: {  	[tilespmem:s28+$0x8600] =	vst v1  }
0x347: {  	v1 =	vld.idx.msk [tilespmem:v3+s14+$0x0], $0xffff  }
0x348: {  	v2 =	vld [tilespmem:s28+$0x8800];
	_ =	sdelay $0x1  }
0x349: {  	v3 =	vor.u32 $0xC0, v0;
	_ =	sdelay $0x2  }
0x34a: {  	v1 =	vsel vm0, v1, v2  }
0x34b: {  	[tilespmem:s28+$0x8800] =	vst v1  }
0x34c: {  	v1 =	vld.idx.msk [tilespmem:v3+s14+$0x0], $0xffff  }
0x34d: {  	v2 =	vld [tilespmem:s28+$0x8A00];
	_ =	sdelay $0x1  }
0x34e: {  	v3 =	vor.u32 $0x100, v0;
	_ =	sdelay $0x2  }
0x34f: {  	v1 =	vsel vm0, v1, v2  }
0x350: {  	[tilespmem:s28+$0x8A00] =	vst v1  }
0x351: {  	v1 =	vld.idx.msk [tilespmem:v3+s14+$0x0], $0xffff  }
0x352: {  	v2 =	vld [tilespmem:s28+$0x8C00];
	_ =	sdelay $0x1  }
0x353: {  	v3 =	vor.u32 $0x140, v0;
	_ =	sdelay $0x2  }
0x354: {  	v1 =	vsel vm0, v1, v2  }
0x355: {  	[tilespmem:s28+$0x8C00] =	vst v1  }
0x356: {  	v1 =	vld.idx.msk [tilespmem:v3+s14+$0x0], $0xffff  }
0x357: {  	v2 =	vld [tilespmem:s28+$0x8E00];
	_ =	sdelay $0x1  }
0x358: {  	v3 =	vor.u32 $0x180, v0;
	_ =	sdelay $0x2  }
0x359: {  	v1 =	vsel vm0, v1, v2  }
0x35a: {  	[tilespmem:s28+$0x8E00] =	vst v1  }
0x35b: {  	v1 =	vld.idx.msk [tilespmem:v3+s14+$0x0], $0xffff  }
0x35c: {  	v2 =	vld [tilespmem:s28+$0x9000];
	_ =	sdelay $0x1  }
0x35d: {  	v3 =	vor.u32 $0x1C0, v0;
	_ =	sdelay $0x2  }
0x35e: {  	v1 =	vsel vm0, v1, v2  }
0x35f: {  	[tilespmem:s28+$0x9000] =	vst v1  }
0x360: {  	v1 =	vld.idx.msk [tilespmem:v3+s14+$0x0], $0xffff  }
0x361: {  	v2 =	vld [tilespmem:s28+$0x9200];
	_ =	sdelay $0x1  }
0x362: {  	v3 =	vor.u32 $0x200, v0;
	_ =	sdelay $0x2  }
0x363: {  	v1 =	vsel vm0, v1, v2  }
0x364: {  	[tilespmem:s28+$0x9200] =	vst v1  }
0x365: {  	v1 =	vld.idx.msk [tilespmem:v3+s14+$0x0], $0xffff  }
0x366: {  	v2 =	vld [tilespmem:s28+$0x9400];
	_ =	sdelay $0x1  }
0x367: {  	v3 =	vor.u32 $0x240, v0;
	_ =	sdelay $0x2  }
0x368: {  	v1 =	vsel vm0, v1, v2  }
0x369: {  	[tilespmem:s28+$0x9400] =	vst v1  }
0x36a: {  	v1 =	vld.idx.msk [tilespmem:v3+s14+$0x0], $0xffff  }
0x36b: {  	v2 =	vld [tilespmem:s28+$0x9600];
	_ =	sdelay $0x1  }
0x36c: {  	v3 =	vor.u32 $0x280, v0;
	_ =	sdelay $0x2  }
0x36d: {  	v1 =	vsel vm0, v1, v2  }
0x36e: {  	[tilespmem:s28+$0x9600] =	vst v1  }
0x36f: {  	v1 =	vld.idx.msk [tilespmem:v3+s14+$0x0], $0xffff  }
0x370: {  	v2 =	vld [tilespmem:s28+$0x9800];
	_ =	sdelay $0x1  }
0x371: {  	v3 =	vor.u32 $0x2C0, v0;
	_ =	sdelay $0x2  }
0x372: {  	v1 =	vsel vm0, v1, v2  }
0x373: {  	[tilespmem:s28+$0x9800] =	vst v1  }
0x374: {  	v1 =	vld.idx.msk [tilespmem:v3+s14+$0x0], $0xffff  }
0x375: {  	v2 =	vld [tilespmem:s28+$0x9A00];
	_ =	sdelay $0x1  }
0x376: {  	v3 =	vor.u32 $0x300, v0;
	_ =	sdelay $0x2  }
0x377: {  	v1 =	vsel vm0, v1, v2  }
0x378: {  	[tilespmem:s28+$0x9A00] =	vst v1  }
0x379: {  	v1 =	vld.idx.msk [tilespmem:v3+s14+$0x0], $0xffff  }
0x37a: {  	v2 =	vld [tilespmem:s28+$0x9C00];
	_ =	sdelay $0x1  }
0x37b: {  	v3 =	vor.u32 $0x340, v0;
	_ =	sdelay $0x2  }
0x37c: {  	v1 =	vsel vm0, v1, v2  }
0x37d: {  	[tilespmem:s28+$0x9C00] =	vst v1  }
0x37e: {  	v1 =	vld.idx.msk [tilespmem:v3+s14+$0x0], $0xffff  }
0x37f: {  	v2 =	vld [tilespmem:s28+$0x9E00];
	_ =	sdelay $0x1  }
0x380: {  	v3 =	vor.u32 $0x380, v0;
	_ =	sdelay $0x2  }
0x381: {  	v1 =	vsel vm0, v1, v2  }
0x382: {  	[tilespmem:s28+$0x9E00] =	vst v1  }
0x383: {  	v1 =	vld.idx.msk [tilespmem:v3+s14+$0x0], $0xffff  }
0x384: {  	v2 =	vld [tilespmem:s28+$0xA000];
	_ =	sdelay $0x1  }
0x385: {  	v3 =	vor.u32 $0x3C0, v0;
	_ =	sdelay $0x2  }
0x386: {  	v1 =	vsel vm0, v1, v2  }
0x387: {  	[tilespmem:s28+$0xA000] =	vst v1  }
0x388: {  	v1 =	vld.idx.msk [tilespmem:v3+s14+$0x0], $0xffff  }
0x389: {  	v2 =	vld [tilespmem:s28+$0xA200];
	_ =	sdelay $0x1  }
0x38a: {  	v3 =	vor.u32 $0x400, v0;
	_ =	sdelay $0x2  }
0x38b: {  	v1 =	vsel vm0, v1, v2  }
0x38c: {  	[tilespmem:s28+$0xA200] =	vst v1  }
0x38d: {  	v1 =	vld.idx.msk [tilespmem:v3+s14+$0x0], $0xffff  }
0x38e: {  	v2 =	vld [tilespmem:s28+$0xA400];
	_ =	sdelay $0x1  }
0x38f: {  	v3 =	vor.u32 $0x440, v0;
	_ =	sdelay $0x2  }
0x390: {  	v1 =	vsel vm0, v1, v2  }
0x391: {  	[tilespmem:s28+$0xA400] =	vst v1  }
0x392: {  	v1 =	vld.idx.msk [tilespmem:v3+s14+$0x0], $0xffff  }
0x393: {  	v2 =	vld [tilespmem:s28+$0xA600];
	_ =	sdelay $0x1  }
0x394: {  	v3 =	vor.u32 $0x480, v0;
	_ =	sdelay $0x2  }
0x395: {  	v1 =	vsel vm0, v1, v2  }
0x396: {  	[tilespmem:s28+$0xA600] =	vst v1  }
0x397: {  	v1 =	vld.idx.msk [tilespmem:v3+s14+$0x0], $0xffff  }
0x398: {  	v2 =	vld [tilespmem:s28+$0xA800];
	_ =	sdelay $0x1  }
0x399: {  	v3 =	vor.u32 $0x4C0, v0;
	_ =	sdelay $0x2  }
0x39a: {  	v1 =	vsel vm0, v1, v2  }
0x39b: {  	[tilespmem:s28+$0xA800] =	vst v1  }
0x39c: {  	v1 =	vld.idx.msk [tilespmem:v3+s14+$0x0], $0xffff  }
0x39d: {  	v2 =	vld [tilespmem:s28+$0xAA00];
	_ =	sdelay $0x1  }
0x39e: {  	v3 =	vor.u32 $0x500, v0;
	_ =	sdelay $0x2  }
0x39f: {  	v1 =	vsel vm0, v1, v2  }
0x3a0: {  	[tilespmem:s28+$0xAA00] =	vst v1  }
0x3a1: {  	v1 =	vld.idx.msk [tilespmem:v3+s14+$0x0], $0xffff  }
0x3a2: {  	v2 =	vld [tilespmem:s28+$0xAC00];
	_ =	sdelay $0x1  }
0x3a3: {  	v3 =	vor.u32 $0x540, v0;
	_ =	sdelay $0x2  }
0x3a4: {  	v1 =	vsel vm0, v1, v2  }
0x3a5: {  	[tilespmem:s28+$0xAC00] =	vst v1  }
0x3a6: {  	v1 =	vld.idx.msk [tilespmem:v3+s14+$0x0], $0xffff  }
0x3a7: {  	v2 =	vld [tilespmem:s28+$0xAE00];
	_ =	sdelay $0x1  }
0x3a8: {  	v3 =	vor.u32 $0x580, v0;
	_ =	sdelay $0x2  }
0x3a9: {  	v1 =	vsel vm0, v1, v2  }
0x3aa: {  	[tilespmem:s28+$0xAE00] =	vst v1  }
0x3ab: {  	v1 =	vld.idx.msk [tilespmem:v3+s14+$0x0], $0xffff  }
0x3ac: {  	v2 =	vld [tilespmem:s28+$0xB000];
	_ =	sdelay $0x1  }
0x3ad: {  	v3 =	vor.u32 $0x5C0, v0;
	_ =	sdelay $0x2  }
0x3ae: {  	v1 =	vsel vm0, v1, v2  }
0x3af: {  	[tilespmem:s28+$0xB000] =	vst v1  }
0x3b0: {  	v1 =	vld.idx.msk [tilespmem:v3+s14+$0x0], $0xffff  }
0x3b1: {  	v2 =	vld [tilespmem:s28+$0xB200];
	_ =	sdelay $0x1  }
0x3b2: {  	v3 =	vor.u32 $0x600, v0;
	_ =	sdelay $0x2  }
0x3b3: {  	v1 =	vsel vm0, v1, v2  }
0x3b4: {  	[tilespmem:s28+$0xB200] =	vst v1  }
0x3b5: {  	v1 =	vld.idx.msk [tilespmem:v3+s14+$0x0], $0xffff  }
0x3b6: {  	v2 =	vld [tilespmem:s28+$0xB400];
	_ =	sdelay $0x1  }
0x3b7: {  	v3 =	vor.u32 $0x640, v0;
	_ =	sdelay $0x2  }
0x3b8: {  	v1 =	vsel vm0, v1, v2  }
0x3b9: {  	[tilespmem:s28+$0xB400] =	vst v1  }
0x3ba: {  	v1 =	vld.idx.msk [tilespmem:v3+s14+$0x0], $0xffff  }
0x3bb: {  	v2 =	vld [tilespmem:s28+$0xB600];
	_ =	sdelay $0x1  }
0x3bc: {  	v3 =	vor.u32 $0x680, v0;
	_ =	sdelay $0x2  }
0x3bd: {  	v1 =	vsel vm0, v1, v2  }
0x3be: {  	[tilespmem:s28+$0xB600] =	vst v1  }
0x3bf: {  	v1 =	vld.idx.msk [tilespmem:v3+s14+$0x0], $0xffff  }
0x3c0: {  	v2 =	vld [tilespmem:s28+$0xB800];
	_ =	sdelay $0x1  }
0x3c1: {  	v3 =	vor.u32 $0x6C0, v0;
	_ =	sdelay $0x2  }
0x3c2: {  	v1 =	vsel vm0, v1, v2  }
0x3c3: {  	[tilespmem:s28+$0xB800] =	vst v1  }
0x3c4: {  	v1 =	vld.idx.msk [tilespmem:v3+s14+$0x0], $0xffff  }
0x3c5: {  	v2 =	vld [tilespmem:s28+$0xBA00];
	_ =	sdelay $0x1  }
0x3c6: {  	v3 =	vor.u32 $0x700, v0;
	_ =	sdelay $0x2  }
0x3c7: {  	v1 =	vsel vm0, v1, v2  }
0x3c8: {  	[tilespmem:s28+$0xBA00] =	vst v1  }
0x3c9: {  	v1 =	vld.idx.msk [tilespmem:v3+s14+$0x0], $0xffff  }
0x3ca: {  	v2 =	vld [tilespmem:s28+$0xBC00];
	_ =	sdelay $0x1  }
0x3cb: {  	v3 =	vor.u32 $0x740, v0;
	_ =	sdelay $0x2  }
0x3cc: {  	v1 =	vsel vm0, v1, v2  }
0x3cd: {  	[tilespmem:s28+$0xBC00] =	vst v1  }
0x3ce: {  	v1 =	vld.idx.msk [tilespmem:v3+s14+$0x0], $0xffff  }
0x3cf: {  	v2 =	vld [tilespmem:s28+$0xBE00];
	_ =	sdelay $0x1  }
0x3d0: {  	v3 =	vor.u32 $0x780, v0;
	_ =	sdelay $0x2  }
0x3d1: {  	v1 =	vsel vm0, v1, v2  }
0x3d2: {  	[tilespmem:s28+$0xBE00] =	vst v1  }
0x3d3: {  	v1 =	vld.idx.msk [tilespmem:v3+s14+$0x0], $0xffff  }
0x3d4: {  	v2 =	vld [tilespmem:s28+$0xC000];
	_ =	sdelay $0x1  }
0x3d5: {  	v0 =	vor.u32 $0x7C0, v0;
	v3 =	vld [tilespmem:s28+$0x200];
	_ =	sdelay $0x2  }
0x3d6: {  	v1 =	vsel vm0, v1, v2  }
0x3d7: {  	[tilespmem:s28+$0xC000] =	vst v1  }
0x3d8: {  	v1 =	vld.idx.msk [tilespmem:v0+s14+$0x0], $0xffff;
	v0 =	vadd.s32 $0xFFF0BE00, v3  }
0x3d9: {  	v2 =	vld [tilespmem:s28+$0xC200];
	vm1 =	vgt.s32 v0, $0x0  }
0x3da: {  	v0 =	vnsel vm1, $0x0, v0  }
0x3db: {  	v0 =	vmin.u32 v0, $0x3F;
	_ =	sdelay $0x2  }
0x3dc: {  	v1 =	vsel vm0, v1, v2  }
0x3dd: {  	[tilespmem:s28+$0xC200] =	vst v1  }
0x3de: {  	v1 =	vld.idx.msk [tilespmem:v0+s15+$0x0], $0xffff  }
0x3df: {  	v2 =	vld [tilespmem:s28+$0xC400];
	_ =	sdelay $0x1  }
0x3e0: {  	v4 =	vor.u32 $0x40, v0;
	_ =	sdelay $0x1  }
0x3e1: {  	vm0 =	vgt.s32 v3, $0xF41FF  }
0x3e2: {  	v1 =	vsel vm0, v1, v2  }
0x3e3: {  	[tilespmem:s28+$0xC400] =	vst v1  }
0x3e4: {  	v1 =	vld.idx.msk [tilespmem:v4+s15+$0x0], $0xffff  }
0x3e5: {  	v2 =	vld [tilespmem:s28+$0xC600];
	_ =	sdelay $0x1  }
0x3e6: {  	v3 =	vor.u32 $0x80, v0;
	_ =	sdelay $0x2  }
0x3e7: {  	v1 =	vsel vm0, v1, v2  }
0x3e8: {  	[tilespmem:s28+$0xC600] =	vst v1  }
0x3e9: {  	v1 =	vld.idx.msk [tilespmem:v3+s15+$0x0], $0xffff  }
0x3ea: {  	v2 =	vld [tilespmem:s28+$0xC800];
	_ =	sdelay $0x1  }
0x3eb: {  	v3 =	vor.u32 $0xC0, v0;
	_ =	sdelay $0x2  }
0x3ec: {  	v1 =	vsel vm0, v1, v2  }
0x3ed: {  	[tilespmem:s28+$0xC800] =	vst v1  }
0x3ee: {  	v1 =	vld.idx.msk [tilespmem:v3+s15+$0x0], $0xffff  }
0x3ef: {  	v2 =	vld [tilespmem:s28+$0xCA00];
	_ =	sdelay $0x1  }
0x3f0: {  	v3 =	vor.u32 $0x100, v0;
	_ =	sdelay $0x2  }
0x3f1: {  	v1 =	vsel vm0, v1, v2  }
0x3f2: {  	[tilespmem:s28+$0xCA00] =	vst v1  }
0x3f3: {  	v1 =	vld.idx.msk [tilespmem:v3+s15+$0x0], $0xffff  }
0x3f4: {  	v2 =	vld [tilespmem:s28+$0xCC00];
	_ =	sdelay $0x1  }
0x3f5: {  	v3 =	vor.u32 $0x140, v0;
	_ =	sdelay $0x2  }
0x3f6: {  	v1 =	vsel vm0, v1, v2  }
0x3f7: {  	[tilespmem:s28+$0xCC00] =	vst v1  }
0x3f8: {  	v1 =	vld.idx.msk [tilespmem:v3+s15+$0x0], $0xffff  }
0x3f9: {  	v2 =	vld [tilespmem:s28+$0xCE00];
	_ =	sdelay $0x1  }
0x3fa: {  	v3 =	vor.u32 $0x180, v0;
	_ =	sdelay $0x2  }
0x3fb: {  	v1 =	vsel vm0, v1, v2  }
0x3fc: {  	[tilespmem:s28+$0xCE00] =	vst v1  }
0x3fd: {  	v1 =	vld.idx.msk [tilespmem:v3+s15+$0x0], $0xffff  }
0x3fe: {  	v2 =	vld [tilespmem:s28+$0xD000];
	_ =	sdelay $0x1  }
0x3ff: {  	v3 =	vor.u32 $0x1C0, v0;
	_ =	sdelay $0x2  }
0x400: {  	v1 =	vsel vm0, v1, v2  }
0x401: {  	[tilespmem:s28+$0xD000] =	vst v1  }
0x402: {  	v1 =	vld.idx.msk [tilespmem:v3+s15+$0x0], $0xffff  }
0x403: {  	v2 =	vld [tilespmem:s28+$0xD200];
	_ =	sdelay $0x1  }
0x404: {  	v3 =	vor.u32 $0x200, v0;
	_ =	sdelay $0x2  }
0x405: {  	v1 =	vsel vm0, v1, v2  }
0x406: {  	[tilespmem:s28+$0xD200] =	vst v1  }
0x407: {  	v1 =	vld.idx.msk [tilespmem:v3+s15+$0x0], $0xffff  }
0x408: {  	v2 =	vld [tilespmem:s28+$0xD400];
	_ =	sdelay $0x1  }
0x409: {  	v3 =	vor.u32 $0x240, v0;
	_ =	sdelay $0x2  }
0x40a: {  	v1 =	vsel vm0, v1, v2  }
0x40b: {  	[tilespmem:s28+$0xD400] =	vst v1  }
0x40c: {  	v1 =	vld.idx.msk [tilespmem:v3+s15+$0x0], $0xffff  }
0x40d: {  	v2 =	vld [tilespmem:s28+$0xD600];
	_ =	sdelay $0x1  }
0x40e: {  	v3 =	vor.u32 $0x280, v0;
	_ =	sdelay $0x2  }
0x40f: {  	v1 =	vsel vm0, v1, v2  }
0x410: {  	[tilespmem:s28+$0xD600] =	vst v1  }
0x411: {  	v1 =	vld.idx.msk [tilespmem:v3+s15+$0x0], $0xffff  }
0x412: {  	v2 =	vld [tilespmem:s28+$0xD800];
	_ =	sdelay $0x1  }
0x413: {  	v3 =	vor.u32 $0x2C0, v0;
	_ =	sdelay $0x2  }
0x414: {  	v1 =	vsel vm0, v1, v2  }
0x415: {  	[tilespmem:s28+$0xD800] =	vst v1  }
0x416: {  	v1 =	vld.idx.msk [tilespmem:v3+s15+$0x0], $0xffff  }
0x417: {  	v2 =	vld [tilespmem:s28+$0xDA00];
	_ =	sdelay $0x1  }
0x418: {  	v3 =	vor.u32 $0x300, v0;
	_ =	sdelay $0x2  }
0x419: {  	v1 =	vsel vm0, v1, v2  }
0x41a: {  	[tilespmem:s28+$0xDA00] =	vst v1  }
0x41b: {  	v1 =	vld.idx.msk [tilespmem:v3+s15+$0x0], $0xffff  }
0x41c: {  	v2 =	vld [tilespmem:s28+$0xDC00];
	_ =	sdelay $0x1  }
0x41d: {  	v3 =	vor.u32 $0x340, v0;
	_ =	sdelay $0x2  }
0x41e: {  	v1 =	vsel vm0, v1, v2  }
0x41f: {  	[tilespmem:s28+$0xDC00] =	vst v1  }
0x420: {  	v1 =	vld.idx.msk [tilespmem:v3+s15+$0x0], $0xffff  }
0x421: {  	v2 =	vld [tilespmem:s28+$0xDE00];
	_ =	sdelay $0x1  }
0x422: {  	v3 =	vor.u32 $0x380, v0;
	_ =	sdelay $0x2  }
0x423: {  	v1 =	vsel vm0, v1, v2  }
0x424: {  	[tilespmem:s28+$0xDE00] =	vst v1  }
0x425: {  	v1 =	vld.idx.msk [tilespmem:v3+s15+$0x0], $0xffff  }
0x426: {  	v2 =	vld [tilespmem:s28+$0xE000];
	_ =	sdelay $0x1  }
0x427: {  	v3 =	vor.u32 $0x3C0, v0;
	_ =	sdelay $0x2  }
0x428: {  	v1 =	vsel vm0, v1, v2  }
0x429: {  	[tilespmem:s28+$0xE000] =	vst v1  }
0x42a: {  	v1 =	vld.idx.msk [tilespmem:v3+s15+$0x0], $0xffff  }
0x42b: {  	v2 =	vld [tilespmem:s28+$0xE200];
	_ =	sdelay $0x1  }
0x42c: {  	v3 =	vor.u32 $0x400, v0;
	_ =	sdelay $0x2  }
0x42d: {  	v1 =	vsel vm0, v1, v2  }
0x42e: {  	[tilespmem:s28+$0xE200] =	vst v1  }
0x42f: {  	v1 =	vld.idx.msk [tilespmem:v3+s15+$0x0], $0xffff  }
0x430: {  	v2 =	vld [tilespmem:s28+$0xE400];
	_ =	sdelay $0x1  }
0x431: {  	v3 =	vor.u32 $0x440, v0;
	_ =	sdelay $0x2  }
0x432: {  	v1 =	vsel vm0, v1, v2  }
0x433: {  	[tilespmem:s28+$0xE400] =	vst v1  }
0x434: {  	v1 =	vld.idx.msk [tilespmem:v3+s15+$0x0], $0xffff  }
0x435: {  	v2 =	vld [tilespmem:s28+$0xE600];
	_ =	sdelay $0x1  }
0x436: {  	v3 =	vor.u32 $0x480, v0;
	_ =	sdelay $0x2  }
0x437: {  	v1 =	vsel vm0, v1, v2  }
0x438: {  	[tilespmem:s28+$0xE600] =	vst v1  }
0x439: {  	v1 =	vld.idx.msk [tilespmem:v3+s15+$0x0], $0xffff  }
0x43a: {  	v2 =	vld [tilespmem:s28+$0xE800];
	_ =	sdelay $0x1  }
0x43b: {  	v3 =	vor.u32 $0x4C0, v0;
	_ =	sdelay $0x2  }
0x43c: {  	v1 =	vsel vm0, v1, v2  }
0x43d: {  	[tilespmem:s28+$0xE800] =	vst v1  }
0x43e: {  	v1 =	vld.idx.msk [tilespmem:v3+s15+$0x0], $0xffff  }
0x43f: {  	v2 =	vld [tilespmem:s28+$0xEA00];
	_ =	sdelay $0x1  }
0x440: {  	v3 =	vor.u32 $0x500, v0;
	_ =	sdelay $0x2  }
0x441: {  	v1 =	vsel vm0, v1, v2  }
0x442: {  	[tilespmem:s28+$0xEA00] =	vst v1  }
0x443: {  	v1 =	vld.idx.msk [tilespmem:v3+s15+$0x0], $0xffff  }
0x444: {  	v2 =	vld [tilespmem:s28+$0xEC00];
	_ =	sdelay $0x1  }
0x445: {  	v3 =	vor.u32 $0x540, v0;
	_ =	sdelay $0x2  }
0x446: {  	v1 =	vsel vm0, v1, v2  }
0x447: {  	[tilespmem:s28+$0xEC00] =	vst v1  }
0x448: {  	v1 =	vld.idx.msk [tilespmem:v3+s15+$0x0], $0xffff  }
0x449: {  	v2 =	vld [tilespmem:s28+$0xEE00];
	_ =	sdelay $0x1  }
0x44a: {  	v3 =	vor.u32 $0x580, v0;
	_ =	sdelay $0x2  }
0x44b: {  	v1 =	vsel vm0, v1, v2  }
0x44c: {  	[tilespmem:s28+$0xEE00] =	vst v1  }
0x44d: {  	v1 =	vld.idx.msk [tilespmem:v3+s15+$0x0], $0xffff  }
0x44e: {  	v2 =	vld [tilespmem:s28+$0xF000];
	_ =	sdelay $0x1  }
0x44f: {  	v3 =	vor.u32 $0x5C0, v0;
	_ =	sdelay $0x2  }
0x450: {  	v1 =	vsel vm0, v1, v2  }
0x451: {  	[tilespmem:s28+$0xF000] =	vst v1  }
0x452: {  	v1 =	vld.idx.msk [tilespmem:v3+s15+$0x0], $0xffff  }
0x453: {  	v2 =	vld [tilespmem:s28+$0xF200];
	_ =	sdelay $0x1  }
0x454: {  	v3 =	vor.u32 $0x600, v0;
	_ =	sdelay $0x2  }
0x455: {  	v1 =	vsel vm0, v1, v2  }
0x456: {  	[tilespmem:s28+$0xF200] =	vst v1  }
0x457: {  	v1 =	vld.idx.msk [tilespmem:v3+s15+$0x0], $0xffff  }
0x458: {  	v2 =	vld [tilespmem:s28+$0xF400];
	_ =	sdelay $0x1  }
0x459: {  	v3 =	vor.u32 $0x640, v0;
	_ =	sdelay $0x2  }
0x45a: {  	v1 =	vsel vm0, v1, v2  }
0x45b: {  	[tilespmem:s28+$0xF400] =	vst v1  }
0x45c: {  	v1 =	vld.idx.msk [tilespmem:v3+s15+$0x0], $0xffff  }
0x45d: {  	v2 =	vld [tilespmem:s28+$0xF600];
	_ =	sdelay $0x1  }
0x45e: {  	v3 =	vor.u32 $0x680, v0;
	_ =	sdelay $0x2  }
0x45f: {  	v1 =	vsel vm0, v1, v2  }
0x460: {  	[tilespmem:s28+$0xF600] =	vst v1  }
0x461: {  	v1 =	vld.idx.msk [tilespmem:v3+s15+$0x0], $0xffff  }
0x462: {  	v2 =	vld [tilespmem:s28+$0xF800];
	_ =	sdelay $0x1  }
0x463: {  	v3 =	vor.u32 $0x6C0, v0;
	_ =	sdelay $0x2  }
0x464: {  	v1 =	vsel vm0, v1, v2  }
0x465: {  	[tilespmem:s28+$0xF800] =	vst v1  }
0x466: {  	v1 =	vld.idx.msk [tilespmem:v3+s15+$0x0], $0xffff  }
0x467: {  	v2 =	vld [tilespmem:s28+$0xFA00];
	_ =	sdelay $0x1  }
0x468: {  	v3 =	vor.u32 $0x700, v0;
	_ =	sdelay $0x2  }
0x469: {  	v1 =	vsel vm0, v1, v2  }
0x46a: {  	[tilespmem:s28+$0xFA00] =	vst v1  }
0x46b: {  	v1 =	vld.idx.msk [tilespmem:v3+s15+$0x0], $0xffff  }
0x46c: {  	v2 =	vld [tilespmem:s28+$0xFC00];
	_ =	sdelay $0x1  }
0x46d: {  	v3 =	vor.u32 $0x740, v0;
	_ =	sdelay $0x2  }
0x46e: {  	v1 =	vsel vm0, v1, v2  }
0x46f: {  	[tilespmem:s28+$0xFC00] =	vst v1  }
0x470: {  	v1 =	vld.idx.msk [tilespmem:v3+s15+$0x0], $0xffff  }
0x471: {  	v2 =	vld [tilespmem:s28+$0xFE00];
	_ =	sdelay $0x1  }
0x472: {  	v3 =	vor.u32 $0x780, v0;
	_ =	sdelay $0x2  }
.Ltmp1:
0x473: {  	v1 =	vsel vm0, v1, v2;
	(pc) =	sbr.rel @p0 .LBB2_4-.Ltmp1, $4  }
0x474: {  	[tilespmem:s28+$0xFE00] =	vst v1  }
0x475: {  	v1 =	vld.idx.msk [tilespmem:v3+s15+$0x0], $0xffff  }
0x476: {  	v2 =	vld [tilespmem:s28+$0x10000]  }
0x477: {  	s30 =	sshra.s32 s29, $0x2;
	s29 =	sadd.s32 $0x40, s29  }
0x478: {  	v3 =	vld [tilespmem:s30+$0x0];
	v0 =	vor.u32 $0x7C0, v0;
	_ =	sdelay $0x2  }
0x479: {  	v1 =	vsel vm0, v1, v2  }
0x47a: {  	v4 =	vld [tilespmem:s28+$0x10200];
	[tilespmem:s28+$0x10000] =	vst v1  }
0x47b: {  	v50 =	vadd.s32 $0xFFF0BE00, v3;
	v51 =	vld.idx.msk [tilespmem:v0+s15+$0x0], $0xffff  }
0x47c: {  	vm1 =	vgt.s32 v50, $0x0  }
0x47d: {  	v52 =	vnsel vm1, $0x0, v50  }
0x47e: {  	v0 =	vmin.u32 v52, $0x3F;
	_ =	sdelay $0x1  }
0x47f: {  	v53 =	vsel vm0, v51, v4  }
0x480: {  	[tilespmem:s28+$0x10200] =	vst v53  }
0x481: {  	v54 =	vld [tilespmem:s30+$0x8400]  }
0x482: {  	v1 =	vld.idx.msk [tilespmem:v0+s14+$0x0], $0xffff;
	_ =	sdelay $0x1  }
0x483: {  	v55 =	vor.u32 $0x40, v0;
	_ =	sdelay $0x1  }
0x484: {  	vm13 =	vgt.s32 v3, $0xF41FF  }
0x485: {  	v1 =	vsel vm13, v1, v54  }
0x486: {  	v56 =	vld [tilespmem:s30+$0x8600];
	[tilespmem:s30+$0x8400] =	vst v1  }
0x487: {  	v1 =	vld.idx.msk [tilespmem:v55+s14+$0x0], $0xffff;
	_ =	sdelay $0x1  }
0x488: {  	v57 =	vor.u32 $0x80, v0;
	_ =	sdelay $0x2  }
0x489: {  	v1 =	vsel vm13, v1, v56  }
0x48a: {  	v58 =	vld [tilespmem:s30+$0x8800];
	[tilespmem:s30+$0x8600] =	vst v1  }
0x48b: {  	v1 =	vld.idx.msk [tilespmem:v57+s14+$0x0], $0xffff;
	_ =	sdelay $0x1  }
0x48c: {  	v59 =	vor.u32 $0xC0, v0;
	_ =	sdelay $0x2  }
0x48d: {  	v1 =	vsel vm13, v1, v58  }
0x48e: {  	v60 =	vld [tilespmem:s30+$0x8A00];
	[tilespmem:s30+$0x8800] =	vst v1  }
0x48f: {  	v1 =	vld.idx.msk [tilespmem:v59+s14+$0x0], $0xffff;
	_ =	sdelay $0x1  }
0x490: {  	v61 =	vor.u32 $0x100, v0;
	_ =	sdelay $0x2  }
0x491: {  	v1 =	vsel vm13, v1, v60  }
0x492: {  	v62 =	vld [tilespmem:s30+$0x8C00];
	[tilespmem:s30+$0x8A00] =	vst v1  }
0x493: {  	v1 =	vld.idx.msk [tilespmem:v61+s14+$0x0], $0xffff;
	_ =	sdelay $0x1  }
0x494: {  	v63 =	vor.u32 $0x140, v0;
	_ =	sdelay $0x2  }
0x495: {  	v1 =	vsel vm13, v1, v62  }
0x496: {  	v6 =	vld [tilespmem:s30+$0x8E00];
	[tilespmem:s30+$0x8C00] =	vst v1  }
0x497: {  	v1 =	vld.idx.msk [tilespmem:v63+s14+$0x0], $0xffff;
	_ =	sdelay $0x1  }
0x498: {  	v7 =	vor.u32 $0x180, v0;
	_ =	sdelay $0x2  }
0x499: {  	v1 =	vsel vm13, v1, v6  }
0x49a: {  	v8 =	vld [tilespmem:s30+$0x9000];
	[tilespmem:s30+$0x8E00] =	vst v1  }
0x49b: {  	v1 =	vld.idx.msk [tilespmem:v7+s14+$0x0], $0xffff;
	_ =	sdelay $0x1  }
0x49c: {  	v9 =	vor.u32 $0x1C0, v0;
	_ =	sdelay $0x2  }
0x49d: {  	v1 =	vsel vm13, v1, v8  }
0x49e: {  	v10 =	vld [tilespmem:s30+$0x9200];
	[tilespmem:s30+$0x9000] =	vst v1  }
0x49f: {  	v1 =	vld.idx.msk [tilespmem:v9+s14+$0x0], $0xffff;
	_ =	sdelay $0x1  }
0x4a0: {  	v11 =	vor.u32 $0x200, v0;
	_ =	sdelay $0x2  }
0x4a1: {  	v1 =	vsel vm13, v1, v10  }
0x4a2: {  	v12 =	vld [tilespmem:s30+$0x9400];
	[tilespmem:s30+$0x9200] =	vst v1  }
0x4a3: {  	v1 =	vld.idx.msk [tilespmem:v11+s14+$0x0], $0xffff;
	_ =	sdelay $0x1  }
0x4a4: {  	v13 =	vor.u32 $0x240, v0;
	_ =	sdelay $0x2  }
0x4a5: {  	v1 =	vsel vm13, v1, v12  }
0x4a6: {  	v14 =	vld [tilespmem:s30+$0x9600];
	[tilespmem:s30+$0x9400] =	vst v1  }
0x4a7: {  	v1 =	vld.idx.msk [tilespmem:v13+s14+$0x0], $0xffff;
	_ =	sdelay $0x1  }
0x4a8: {  	v15 =	vor.u32 $0x280, v0;
	_ =	sdelay $0x2  }
0x4a9: {  	v1 =	vsel vm13, v1, v14  }
0x4aa: {  	v16 =	vld [tilespmem:s30+$0x9800];
	[tilespmem:s30+$0x9600] =	vst v1  }
0x4ab: {  	v1 =	vld.idx.msk [tilespmem:v15+s14+$0x0], $0xffff;
	_ =	sdelay $0x1  }
0x4ac: {  	v17 =	vor.u32 $0x2C0, v0;
	_ =	sdelay $0x2  }
0x4ad: {  	v1 =	vsel vm13, v1, v16  }
0x4ae: {  	v18 =	vld [tilespmem:s30+$0x9A00];
	[tilespmem:s30+$0x9800] =	vst v1  }
0x4af: {  	v1 =	vld.idx.msk [tilespmem:v17+s14+$0x0], $0xffff;
	_ =	sdelay $0x1  }
0x4b0: {  	v19 =	vor.u32 $0x300, v0;
	_ =	sdelay $0x2  }
0x4b1: {  	v1 =	vsel vm13, v1, v18  }
0x4b2: {  	v20 =	vld [tilespmem:s30+$0x9C00];
	[tilespmem:s30+$0x9A00] =	vst v1  }
0x4b3: {  	v1 =	vld.idx.msk [tilespmem:v19+s14+$0x0], $0xffff;
	_ =	sdelay $0x1  }
0x4b4: {  	v21 =	vor.u32 $0x340, v0;
	_ =	sdelay $0x2  }
0x4b5: {  	v1 =	vsel vm13, v1, v20  }
0x4b6: {  	v22 =	vld [tilespmem:s30+$0x9E00];
	[tilespmem:s30+$0x9C00] =	vst v1  }
0x4b7: {  	v1 =	vld.idx.msk [tilespmem:v21+s14+$0x0], $0xffff;
	_ =	sdelay $0x1  }
0x4b8: {  	v23 =	vor.u32 $0x380, v0;
	_ =	sdelay $0x2  }
0x4b9: {  	v1 =	vsel vm13, v1, v22  }
0x4ba: {  	v24 =	vld [tilespmem:s30+$0xA000];
	[tilespmem:s30+$0x9E00] =	vst v1  }
0x4bb: {  	v1 =	vld.idx.msk [tilespmem:v23+s14+$0x0], $0xffff;
	_ =	sdelay $0x1  }
0x4bc: {  	v25 =	vor.u32 $0x3C0, v0;
	_ =	sdelay $0x2  }
0x4bd: {  	v1 =	vsel vm13, v1, v24  }
0x4be: {  	v26 =	vld [tilespmem:s30+$0xA200];
	[tilespmem:s30+$0xA000] =	vst v1  }
0x4bf: {  	v1 =	vld.idx.msk [tilespmem:v25+s14+$0x0], $0xffff;
	_ =	sdelay $0x1  }
0x4c0: {  	v27 =	vor.u32 $0x400, v0;
	_ =	sdelay $0x2  }
0x4c1: {  	v1 =	vsel vm13, v1, v26  }
0x4c2: {  	v28 =	vld [tilespmem:s30+$0xA400];
	[tilespmem:s30+$0xA200] =	vst v1  }
0x4c3: {  	v1 =	vld.idx.msk [tilespmem:v27+s14+$0x0], $0xffff;
	_ =	sdelay $0x1  }
0x4c4: {  	v29 =	vor.u32 $0x440, v0;
	_ =	sdelay $0x2  }
0x4c5: {  	v1 =	vsel vm13, v1, v28  }
0x4c6: {  	v30 =	vld [tilespmem:s30+$0xA600];
	[tilespmem:s30+$0xA400] =	vst v1  }
0x4c7: {  	v1 =	vld.idx.msk [tilespmem:v29+s14+$0x0], $0xffff;
	_ =	sdelay $0x1  }
0x4c8: {  	v31 =	vor.u32 $0x480, v0;
	_ =	sdelay $0x2  }
0x4c9: {  	v1 =	vsel vm13, v1, v30  }
0x4ca: {  	v32 =	vld [tilespmem:s30+$0xA800];
	[tilespmem:s30+$0xA600] =	vst v1  }
0x4cb: {  	v1 =	vld.idx.msk [tilespmem:v31+s14+$0x0], $0xffff;
	_ =	sdelay $0x1  }
0x4cc: {  	v33 =	vor.u32 $0x4C0, v0;
	_ =	sdelay $0x2  }
0x4cd: {  	v1 =	vsel vm13, v1, v32  }
0x4ce: {  	v34 =	vld [tilespmem:s30+$0xAA00];
	[tilespmem:s30+$0xA800] =	vst v1  }
0x4cf: {  	v1 =	vld.idx.msk [tilespmem:v33+s14+$0x0], $0xffff;
	_ =	sdelay $0x1  }
0x4d0: {  	v35 =	vor.u32 $0x500, v0;
	_ =	sdelay $0x2  }
0x4d1: {  	v1 =	vsel vm13, v1, v34  }
0x4d2: {  	v36 =	vld [tilespmem:s30+$0xAC00];
	[tilespmem:s30+$0xAA00] =	vst v1  }
0x4d3: {  	v1 =	vld.idx.msk [tilespmem:v35+s14+$0x0], $0xffff;
	_ =	sdelay $0x1  }
0x4d4: {  	v37 =	vor.u32 $0x540, v0;
	_ =	sdelay $0x2  }
0x4d5: {  	v1 =	vsel vm13, v1, v36  }
0x4d6: {  	v38 =	vld [tilespmem:s30+$0xAE00];
	[tilespmem:s30+$0xAC00] =	vst v1  }
0x4d7: {  	v1 =	vld.idx.msk [tilespmem:v37+s14+$0x0], $0xffff;
	_ =	sdelay $0x1  }
0x4d8: {  	v39 =	vor.u32 $0x580, v0;
	_ =	sdelay $0x2  }
0x4d9: {  	v1 =	vsel vm13, v1, v38  }
0x4da: {  	v40 =	vld [tilespmem:s30+$0xB000];
	[tilespmem:s30+$0xAE00] =	vst v1  }
0x4db: {  	v1 =	vld.idx.msk [tilespmem:v39+s14+$0x0], $0xffff;
	_ =	sdelay $0x1  }
0x4dc: {  	v41 =	vor.u32 $0x5C0, v0;
	_ =	sdelay $0x2  }
0x4dd: {  	v1 =	vsel vm13, v1, v40  }
0x4de: {  	v42 =	vld [tilespmem:s30+$0xB200];
	[tilespmem:s30+$0xB000] =	vst v1  }
0x4df: {  	v1 =	vld.idx.msk [tilespmem:v41+s14+$0x0], $0xffff;
	_ =	sdelay $0x1  }
0x4e0: {  	v43 =	vor.u32 $0x600, v0;
	_ =	sdelay $0x2  }
0x4e1: {  	v1 =	vsel vm13, v1, v42  }
0x4e2: {  	v44 =	vld [tilespmem:s30+$0xB400];
	[tilespmem:s30+$0xB200] =	vst v1  }
0x4e3: {  	v1 =	vld.idx.msk [tilespmem:v43+s14+$0x0], $0xffff;
	_ =	sdelay $0x1  }
0x4e4: {  	v45 =	vor.u32 $0x640, v0;
	_ =	sdelay $0x2  }
0x4e5: {  	v1 =	vsel vm13, v1, v44  }
0x4e6: {  	v46 =	vld [tilespmem:s30+$0xB600];
	[tilespmem:s30+$0xB400] =	vst v1  }
0x4e7: {  	v1 =	vld.idx.msk [tilespmem:v45+s14+$0x0], $0xffff;
	_ =	sdelay $0x1  }
0x4e8: {  	v47 =	vor.u32 $0x680, v0;
	_ =	sdelay $0x2  }
0x4e9: {  	v1 =	vsel vm13, v1, v46  }
0x4ea: {  	v48 =	vld [tilespmem:s30+$0xB800];
	[tilespmem:s30+$0xB600] =	vst v1  }
0x4eb: {  	v1 =	vld.idx.msk [tilespmem:v47+s14+$0x0], $0xffff;
	_ =	sdelay $0x1  }
0x4ec: {  	v49 =	vor.u32 $0x6C0, v0;
	_ =	sdelay $0x2  }
0x4ed: {  	v1 =	vsel vm13, v1, v48  }
0x4ee: {  	v50 =	vld [tilespmem:s30+$0xBA00];
	[tilespmem:s30+$0xB800] =	vst v1  }
0x4ef: {  	v1 =	vld.idx.msk [tilespmem:v49+s14+$0x0], $0xffff;
	_ =	sdelay $0x1  }
0x4f0: {  	v51 =	vor.u32 $0x700, v0;
	_ =	sdelay $0x2  }
0x4f1: {  	v1 =	vsel vm13, v1, v50  }
0x4f2: {  	v52 =	vld [tilespmem:s30+$0xBC00];
	[tilespmem:s30+$0xBA00] =	vst v1  }
0x4f3: {  	v1 =	vld.idx.msk [tilespmem:v51+s14+$0x0], $0xffff;
	_ =	sdelay $0x1  }
0x4f4: {  	v53 =	vor.u32 $0x740, v0;
	_ =	sdelay $0x2  }
0x4f5: {  	v1 =	vsel vm13, v1, v52  }
0x4f6: {  	v54 =	vld [tilespmem:s30+$0xBE00];
	[tilespmem:s30+$0xBC00] =	vst v1  }
0x4f7: {  	v1 =	vld.idx.msk [tilespmem:v53+s14+$0x0], $0xffff;
	_ =	sdelay $0x1  }
0x4f8: {  	v55 =	vor.u32 $0x780, v0;
	_ =	sdelay $0x2  }
0x4f9: {  	v1 =	vsel vm13, v1, v54  }
0x4fa: {  	v56 =	vld [tilespmem:s30+$0xC000];
	[tilespmem:s30+$0xBE00] =	vst v1  }
0x4fb: {  	v1 =	vld.idx.msk [tilespmem:v55+s14+$0x0], $0xffff  }
0x4fc: {  	v57 =	vld [tilespmem:s30+$0x200]  }
0x4fd: {  	v0 =	vor.u32 $0x7C0, v0;
	_ =	sdelay $0x2  }
0x4fe: {  	v1 =	vsel vm13, v1, v56  }
0x4ff: {  	v58 =	vadd.s32 $0xFFF0BE00, v57;
	v59 =	vld [tilespmem:s30+$0xC200];
	[tilespmem:s30+$0xC000] =	vst v1  }
0x500: {  	vm14 =	vgt.s32 v58, $0x0;
	v1 =	vld.idx.msk [tilespmem:v0+s14+$0x0], $0xffff  }
0x501: {  	v0 =	vnsel vm14, $0x0, v58  }
0x502: {  	v0 =	vmin.u32 v0, $0x3F;
	_ =	sdelay $0x2  }
0x503: {  	v1 =	vsel vm13, v1, v59  }
0x504: {  	v60 =	vld [tilespmem:s30+$0xC400];
	[tilespmem:s30+$0xC200] =	vst v1  }
0x505: {  	v1 =	vld.idx.msk [tilespmem:v0+s15+$0x0], $0xffff;
	_ =	sdelay $0x1  }
0x506: {  	v61 =	vor.u32 $0x40, v0;
	_ =	sdelay $0x1  }
0x507: {  	vm15 =	vgt.s32 v57, $0xF41FF  }
0x508: {  	v1 =	vsel vm15, v1, v60  }
0x509: {  	v62 =	vld [tilespmem:s30+$0xC600];
	[tilespmem:s30+$0xC400] =	vst v1  }
0x50a: {  	v1 =	vld.idx.msk [tilespmem:v61+s15+$0x0], $0xffff;
	_ =	sdelay $0x1  }
0x50b: {  	v63 =	vor.u32 $0x80, v0;
	_ =	sdelay $0x2  }
0x50c: {  	v1 =	vsel vm15, v1, v62  }
0x50d: {  	v6 =	vld [tilespmem:s30+$0xC800];
	[tilespmem:s30+$0xC600] =	vst v1  }
0x50e: {  	v1 =	vld.idx.msk [tilespmem:v63+s15+$0x0], $0xffff;
	_ =	sdelay $0x1  }
0x50f: {  	v7 =	vor.u32 $0xC0, v0;
	_ =	sdelay $0x2  }
0x510: {  	v1 =	vsel vm15, v1, v6  }
0x511: {  	v8 =	vld [tilespmem:s30+$0xCA00];
	[tilespmem:s30+$0xC800] =	vst v1  }
0x512: {  	v1 =	vld.idx.msk [tilespmem:v7+s15+$0x0], $0xffff;
	_ =	sdelay $0x1  }
0x513: {  	v9 =	vor.u32 $0x100, v0;
	_ =	sdelay $0x2  }
0x514: {  	v1 =	vsel vm15, v1, v8  }
0x515: {  	v10 =	vld [tilespmem:s30+$0xCC00];
	[tilespmem:s30+$0xCA00] =	vst v1  }
0x516: {  	v1 =	vld.idx.msk [tilespmem:v9+s15+$0x0], $0xffff;
	_ =	sdelay $0x1  }
0x517: {  	v11 =	vor.u32 $0x140, v0;
	_ =	sdelay $0x2  }
0x518: {  	v1 =	vsel vm15, v1, v10  }
0x519: {  	v12 =	vld [tilespmem:s30+$0xCE00];
	[tilespmem:s30+$0xCC00] =	vst v1  }
0x51a: {  	v1 =	vld.idx.msk [tilespmem:v11+s15+$0x0], $0xffff;
	_ =	sdelay $0x1  }
0x51b: {  	v13 =	vor.u32 $0x180, v0;
	_ =	sdelay $0x2  }
0x51c: {  	v1 =	vsel vm15, v1, v12  }
0x51d: {  	v14 =	vld [tilespmem:s30+$0xD000];
	[tilespmem:s30+$0xCE00] =	vst v1  }
0x51e: {  	v1 =	vld.idx.msk [tilespmem:v13+s15+$0x0], $0xffff;
	_ =	sdelay $0x1  }
0x51f: {  	v15 =	vor.u32 $0x1C0, v0;
	_ =	sdelay $0x2  }
0x520: {  	v1 =	vsel vm15, v1, v14  }
0x521: {  	v16 =	vld [tilespmem:s30+$0xD200];
	[tilespmem:s30+$0xD000] =	vst v1  }
0x522: {  	v1 =	vld.idx.msk [tilespmem:v15+s15+$0x0], $0xffff;
	_ =	sdelay $0x1  }
0x523: {  	v17 =	vor.u32 $0x200, v0;
	_ =	sdelay $0x2  }
0x524: {  	v1 =	vsel vm15, v1, v16  }
0x525: {  	v18 =	vld [tilespmem:s30+$0xD400];
	[tilespmem:s30+$0xD200] =	vst v1  }
0x526: {  	v1 =	vld.idx.msk [tilespmem:v17+s15+$0x0], $0xffff;
	_ =	sdelay $0x1  }
0x527: {  	v19 =	vor.u32 $0x240, v0;
	_ =	sdelay $0x2  }
0x528: {  	v1 =	vsel vm15, v1, v18  }
0x529: {  	v20 =	vld [tilespmem:s30+$0xD600];
	[tilespmem:s30+$0xD400] =	vst v1  }
0x52a: {  	v1 =	vld.idx.msk [tilespmem:v19+s15+$0x0], $0xffff;
	_ =	sdelay $0x1  }
0x52b: {  	v21 =	vor.u32 $0x280, v0;
	_ =	sdelay $0x2  }
0x52c: {  	v1 =	vsel vm15, v1, v20  }
0x52d: {  	v22 =	vld [tilespmem:s30+$0xD800];
	[tilespmem:s30+$0xD600] =	vst v1  }
0x52e: {  	v1 =	vld.idx.msk [tilespmem:v21+s15+$0x0], $0xffff;
	_ =	sdelay $0x1  }
0x52f: {  	v23 =	vor.u32 $0x2C0, v0;
	_ =	sdelay $0x2  }
0x530: {  	v1 =	vsel vm15, v1, v22  }
0x531: {  	v24 =	vld [tilespmem:s30+$0xDA00];
	[tilespmem:s30+$0xD800] =	vst v1  }
0x532: {  	v1 =	vld.idx.msk [tilespmem:v23+s15+$0x0], $0xffff;
	_ =	sdelay $0x1  }
0x533: {  	v25 =	vor.u32 $0x300, v0;
	_ =	sdelay $0x2  }
0x534: {  	v1 =	vsel vm15, v1, v24  }
0x535: {  	v26 =	vld [tilespmem:s30+$0xDC00];
	[tilespmem:s30+$0xDA00] =	vst v1  }
0x536: {  	v1 =	vld.idx.msk [tilespmem:v25+s15+$0x0], $0xffff;
	_ =	sdelay $0x1  }
0x537: {  	v27 =	vor.u32 $0x340, v0;
	_ =	sdelay $0x2  }
0x538: {  	v1 =	vsel vm15, v1, v26  }
0x539: {  	v28 =	vld [tilespmem:s30+$0xDE00];
	[tilespmem:s30+$0xDC00] =	vst v1  }
0x53a: {  	v1 =	vld.idx.msk [tilespmem:v27+s15+$0x0], $0xffff;
	_ =	sdelay $0x1  }
0x53b: {  	v29 =	vor.u32 $0x380, v0;
	_ =	sdelay $0x2  }
0x53c: {  	v1 =	vsel vm15, v1, v28  }
0x53d: {  	v30 =	vld [tilespmem:s30+$0xE000];
	[tilespmem:s30+$0xDE00] =	vst v1  }
0x53e: {  	v1 =	vld.idx.msk [tilespmem:v29+s15+$0x0], $0xffff;
	_ =	sdelay $0x1  }
0x53f: {  	v31 =	vor.u32 $0x3C0, v0;
	_ =	sdelay $0x2  }
0x540: {  	v1 =	vsel vm15, v1, v30  }
0x541: {  	v32 =	vld [tilespmem:s30+$0xE200];
	[tilespmem:s30+$0xE000] =	vst v1  }
0x542: {  	v1 =	vld.idx.msk [tilespmem:v31+s15+$0x0], $0xffff;
	_ =	sdelay $0x1  }
0x543: {  	v33 =	vor.u32 $0x400, v0;
	_ =	sdelay $0x2  }
0x544: {  	v1 =	vsel vm15, v1, v32  }
0x545: {  	v34 =	vld [tilespmem:s30+$0xE400];
	[tilespmem:s30+$0xE200] =	vst v1  }
0x546: {  	v1 =	vld.idx.msk [tilespmem:v33+s15+$0x0], $0xffff;
	_ =	sdelay $0x1  }
0x547: {  	v35 =	vor.u32 $0x440, v0;
	_ =	sdelay $0x2  }
0x548: {  	v1 =	vsel vm15, v1, v34  }
0x549: {  	v36 =	vld [tilespmem:s30+$0xE600];
	[tilespmem:s30+$0xE400] =	vst v1  }
0x54a: {  	v1 =	vld.idx.msk [tilespmem:v35+s15+$0x0], $0xffff;
	_ =	sdelay $0x1  }
0x54b: {  	v37 =	vor.u32 $0x480, v0;
	_ =	sdelay $0x2  }
0x54c: {  	v1 =	vsel vm15, v1, v36  }
0x54d: {  	v38 =	vld [tilespmem:s30+$0xE800];
	[tilespmem:s30+$0xE600] =	vst v1  }
0x54e: {  	v1 =	vld.idx.msk [tilespmem:v37+s15+$0x0], $0xffff;
	_ =	sdelay $0x1  }
0x54f: {  	v39 =	vor.u32 $0x4C0, v0;
	_ =	sdelay $0x2  }
0x550: {  	v1 =	vsel vm15, v1, v38  }
0x551: {  	v40 =	vld [tilespmem:s30+$0xEA00];
	[tilespmem:s30+$0xE800] =	vst v1  }
0x552: {  	v1 =	vld.idx.msk [tilespmem:v39+s15+$0x0], $0xffff;
	_ =	sdelay $0x1  }
0x553: {  	v41 =	vor.u32 $0x500, v0;
	_ =	sdelay $0x2  }
0x554: {  	v1 =	vsel vm15, v1, v40  }
0x555: {  	v42 =	vld [tilespmem:s30+$0xEC00];
	[tilespmem:s30+$0xEA00] =	vst v1  }
0x556: {  	v1 =	vld.idx.msk [tilespmem:v41+s15+$0x0], $0xffff;
	_ =	sdelay $0x1  }
0x557: {  	v43 =	vor.u32 $0x540, v0;
	_ =	sdelay $0x2  }
0x558: {  	v1 =	vsel vm15, v1, v42  }
0x559: {  	v44 =	vld [tilespmem:s30+$0xEE00];
	[tilespmem:s30+$0xEC00] =	vst v1  }
0x55a: {  	v1 =	vld.idx.msk [tilespmem:v43+s15+$0x0], $0xffff;
	_ =	sdelay $0x1  }
0x55b: {  	v45 =	vor.u32 $0x580, v0;
	_ =	sdelay $0x2  }
0x55c: {  	v1 =	vsel vm15, v1, v44  }
0x55d: {  	v46 =	vld [tilespmem:s30+$0xF000];
	[tilespmem:s30+$0xEE00] =	vst v1  }
0x55e: {  	v1 =	vld.idx.msk [tilespmem:v45+s15+$0x0], $0xffff;
	_ =	sdelay $0x1  }
0x55f: {  	v47 =	vor.u32 $0x5C0, v0;
	_ =	sdelay $0x2  }
0x560: {  	v1 =	vsel vm15, v1, v46  }
0x561: {  	v48 =	vld [tilespmem:s30+$0xF200];
	[tilespmem:s30+$0xF000] =	vst v1  }
0x562: {  	v1 =	vld.idx.msk [tilespmem:v47+s15+$0x0], $0xffff;
	_ =	sdelay $0x1  }
0x563: {  	v49 =	vor.u32 $0x600, v0;
	_ =	sdelay $0x2  }
0x564: {  	v1 =	vsel vm15, v1, v48  }
0x565: {  	v50 =	vld [tilespmem:s30+$0xF400];
	[tilespmem:s30+$0xF200] =	vst v1  }
0x566: {  	v1 =	vld.idx.msk [tilespmem:v49+s15+$0x0], $0xffff;
	_ =	sdelay $0x1  }
0x567: {  	v51 =	vor.u32 $0x640, v0;
	_ =	sdelay $0x2  }
0x568: {  	v1 =	vsel vm15, v1, v50  }
0x569: {  	v52 =	vld [tilespmem:s30+$0xF600];
	[tilespmem:s30+$0xF400] =	vst v1  }
0x56a: {  	v1 =	vld.idx.msk [tilespmem:v51+s15+$0x0], $0xffff;
	_ =	sdelay $0x1  }
0x56b: {  	v53 =	vor.u32 $0x680, v0;
	_ =	sdelay $0x2  }
0x56c: {  	v1 =	vsel vm15, v1, v52  }
0x56d: {  	v54 =	vld [tilespmem:s30+$0xF800];
	[tilespmem:s30+$0xF600] =	vst v1  }
0x56e: {  	v1 =	vld.idx.msk [tilespmem:v53+s15+$0x0], $0xffff;
	_ =	sdelay $0x1  }
0x56f: {  	v55 =	vor.u32 $0x6C0, v0;
	_ =	sdelay $0x2  }
0x570: {  	v1 =	vsel vm15, v1, v54  }
0x571: {  	v56 =	vld [tilespmem:s30+$0xFA00];
	[tilespmem:s30+$0xF800] =	vst v1  }
0x572: {  	v1 =	vld.idx.msk [tilespmem:v55+s15+$0x0], $0xffff;
	_ =	sdelay $0x1  }
0x573: {  	v57 =	vor.u32 $0x700, v0;
	_ =	sdelay $0x2  }
0x574: {  	v1 =	vsel vm15, v1, v56  }
0x575: {  	v58 =	vld [tilespmem:s30+$0xFC00];
	[tilespmem:s30+$0xFA00] =	vst v1  }
0x576: {  	v1 =	vld.idx.msk [tilespmem:v57+s15+$0x0], $0xffff;
	_ =	sdelay $0x1  }
0x577: {  	v59 =	vor.u32 $0x740, v0;
	_ =	sdelay $0x2  }
0x578: {  	v1 =	vsel vm15, v1, v58  }
0x579: {  	v60 =	vld [tilespmem:s30+$0xFE00];
	[tilespmem:s30+$0xFC00] =	vst v1  }
0x57a: {  	v1 =	vld.idx.msk [tilespmem:v59+s15+$0x0], $0xffff;
	_ =	sdelay $0x1  }
0x57b: {  	v61 =	vor.u32 $0x780, v0;
	_ =	sdelay $0x2  }
0x57c: {  	v1 =	vsel vm15, v1, v60  }
0x57d: {  	v62 =	vld [tilespmem:s30+$0x10000];
	[tilespmem:s30+$0xFE00] =	vst v1  }
0x57e: {  	v1 =	vld.idx.msk [tilespmem:v61+s15+$0x0], $0xffff;
	_ =	sdelay $0x1  }
0x57f: {  	v0 =	vor.u32 $0x7C0, v0;
	_ =	sdelay $0x2  }
0x580: {  	v1 =	vsel vm15, v1, v62  }
0x581: {  	v63 =	vld [tilespmem:s30+$0x10200];
	[tilespmem:s30+$0x10000] =	vst v1  }
0x582: {  	v0 =	vld.idx.msk [tilespmem:v0+s15+$0x0], $0xffff;
	_ =	sdelay $0x4  }
0x583: {  	v0 =	vsel vm15, v0, v63  }
0x584: {  	[tilespmem:s30+$0x10200] =	vst v0  }
0x585: {  	[hbm4b:s9+s13] =	stream.strided.scatter [tilespmem:s17], [sflag:$0x3], $0x4000, s0, s13, $0x38;
	[tilespmem:$0x11400] =	vst v63  }
0x586: {  	s26 =	sadd.s32 $0x1, s26;
	_ =	swait.ge [sflag:s12], $0x4000  }
0x587: {  	p0 =	sne.s32 s26, s11;
	[sflag:s12] =	ssyncset.done $0x0  }
.Ltmp2:
0x588: {  	[sflag:s12] =	ssyncadd.s32 $0xFFFFC000;
	(pc) =	sbr.rel @p0 .LBB2_1-.Ltmp2, $4  }
0x589: {  	[hbm4b:s10+s13] =	stream.strided.scatter [tilespmem:s19], [sflag:$0x3], $0x4000, s0, s13, $0x38;
	[tilespmem:$0x11400] =	vst v63  }
0x58a: {  	_ =	swait.ge [sflag:s12], $0x4000  }
0x58b: {  	[sflag:s12] =	ssyncset.done $0x0  }
0x58c: {  	[sflag:s12] =	ssyncadd.s32 $0xFFFFC000  }
0x58d: {  	_ =	sfence.sel $0x180000  }
0x58e: {  	[bflag:$0x0] =	sbarrier.arrive $0xFFFF  }
0x58f: {  	_ =	strace $0x90000047  }
0x590: {  	s0 =	stileid.u32;
	[bflag:$0x2] =	sbarrier.arrive $0xFFFF  }
0x591: {  	p0 =	sne.s32 s0, $0x0;
	s0 =	rddreg [dreg:$0x4]  }
0x592: {  	s0 =	sadd.s32 @!p0 $0x100000, s0  }
0x593: {  	[sflag:s0] =	ssyncadd.tile.s32 @!p0 $0x1;
	_ =	shalt  }
.Lfunc_end2:
_tile_overlayer_lowered:
.L_overlay_start_2:
0x594: {  	(tag) =	ssettag $0x2  }
0x595: {  	s0 =	rddreg [dreg:$0x0];
	s2 =	stileid.u32  }
0x596: {  	s1 =	rddreg [dreg:$0x1];
	p0 =	sne.s32 s2, $0x0  }
0x597: {  	s3 =	rddreg [dreg:$0x2];
	[bflag:$0x3] =	sbarrier.arrive $0xFFFF;
	s2 =	simm.s32 @!p0 $0x1C03  }
0x598: {  	[timem:s3], [sflag:s2] =	dma.local @!p0 [hbm:s0], s1  }
0x599: {  	s0 =	simm.s32 @!p0 $0x3  }
0x59a: {  	_ =	swait.ge @!p0 [sflag:s0], s1  }
0x59b: {  	s1 =	ssub.s32 @!p0 $0x0, s1;
	[sflag:s0] =	ssyncset.done @!p0 $0x0  }
0x59c: {  	[sflag:s0] =	ssyncadd.s32 @!p0 s1  }
0x59d: {  	[bflag:$0x3] =	sbarrier.arrive $0xFFFF  }
0x59e: {  	_ =	shalt  }

</sc_bundles>
